<compile_context>
chip_gen: v7x
topology: tpu7x:2x2x1
jax: 0.10.2.dev20260603
libtpu: 0.0.44.dev20260713+nightly
codegen_flags: <defaults>
</compile_context>

<pallas_src>
import functools
import math

import jax
import jax.numpy as jnp
from jax import lax
from jax.experimental import pallas as pl
from jax.experimental.pallas import tpu as pltpu
from jax.experimental.pallas import tpu_sc as plsc

N_NODES = 10000
N_EDGES = 320000
D_IN = 128
D_HID = 128
D_OUT = 16

NC = 2
NS = 16
NW = NC * NS
NP = 10240
CHUNK = 120
CPT = 168
EP = NS * CPT * CHUNK
TOTAL_CH = EP // CHUNK
EPW0 = EP // NW
ROWS_PER_TILE = NP // NS
PART_BUF = 32
NBUF = 2

A0_128, A1_128 = 128, 40
A0_16, A1_16 = 96, 72

_mesh = plsc.VectorSubcoreMesh(core_axis_name="c", subcore_axis_name="s")
_sc_params = pltpu.CompilerParams(needs_layout_passes=False)


def _parts(n):
    k = math.ceil(n / PART_BUF)
    base = (n // k) & ~7
    sizes = [base] * k
    leftover = n - base * k
    i = 0
    while leftover > 0:
        sizes[i % k] += 8
        leftover -= 8
        i += 1
    assert sum(sizes) == n and all(p % 8 == 0 and p <= PART_BUF for p in sizes)
    return sizes


@functools.partial(
    pl.kernel,
    out_type=jax.ShapeDtypeStruct((NW, NP), jnp.float32),
    mesh=_mesh,
    scratch_types=[
        pltpu.VMEM((EPW0,), jnp.int32),
        pltpu.VMEM((NP,), jnp.float32),
        pltpu.SemaphoreType.DMA,
    ],
    compiler_params=_sc_params,
)
def _deg_kernel(dst_hbm, out_hbm, dst_v, deg_v, sem):
    c = lax.axis_index("c")
    s = lax.axis_index("s")
    wid = s * NC + c

    cp = pltpu.async_copy(dst_hbm.at[wid], dst_v, sem)

    zeros16 = jnp.zeros((16,), jnp.float32)

    def zero_body(i, _):
        deg_v[pl.ds(i * 16, 16)] = zeros16
        return None

    lax.fori_loop(0, NP // 16, zero_body, None)
    cp.wait()

    ones16 = jnp.ones((16,), jnp.float32)

    def add_body(i, _):
        idx = dst_v[pl.ds(i * 16, 16)]
        plsc.addupdate_scatter(deg_v, [idx], ones16)
        return None

    lax.fori_loop(0, EPW0 // 16, add_body, None)

    pltpu.sync_copy(deg_v, out_hbm.at[wid])


def _make_agg_kernel(D, a0, a1):
    params = (
        _sc_params
        if D % 128 == 0
        else pltpu.CompilerParams(
            needs_layout_passes=False, use_tc_tiling_on_sc=False
        )
    )
    assert NS * (a0 + a1) == TOTAL_CH

    @functools.partial(
        pl.kernel,
        out_type=jax.ShapeDtypeStruct((NC, NP, D), jnp.float32),
        mesh=_mesh,
        scratch_types=[
            pltpu.VMEM((2, PART_BUF, CHUNK), jnp.int32),
            pltpu.VMEM((2, PART_BUF, CHUNK), jnp.int32),
            pltpu.VMEM((CHUNK, D), jnp.float32),
            pltpu.VMEM((CHUNK, D), jnp.float32),
            pltpu.VMEM_SHARED((NP, D), jnp.float32),
            pltpu.SemaphoreType.DMA,
            pltpu.SemaphoreType.DMA,
            pltpu.SemaphoreType.DMA,
            pltpu.SemaphoreType.DMA,
            pltpu.SemaphoreType.DMA,
            pltpu.SemaphoreType.DMA,
        ],
        compiler_params=params,
    )
    def agg(hp_hbm, src_hbm, dst_hbm, out_hbm, src_v, dst_v, buf0, buf1,
            acc_s, gsem0, gsem1, ssem0, ssem1, sem_i0, sem_i1):
        bufs = (buf0, buf1)
        gsems = (gsem0, gsem1)
        ssems = (ssem0, ssem1)
        c = lax.axis_index("c")
        s = lax.axis_index("s")
        isem = (sem_i0, sem_i1)

        def idx_copies(slot, psz, chunk_start):
            return (
                pltpu.make_async_copy(
                    src_hbm.at[pl.ds(chunk_start, psz)],
                    src_v.at[slot, pl.ds(0, psz)],
                    isem[slot],
                ),
                pltpu.make_async_copy(
                    dst_hbm.at[pl.ds(chunk_start, psz)],
                    dst_v.at[slot, pl.ds(0, psz)],
                    isem[slot],
                ),
            )

        def fire_idx(slot, psz, chunk_start):
            for cp in idx_copies(slot, psz, chunk_start):
                cp.start()

        def wait_idx(slot, psz, chunk_start):
            for cp in idx_copies(slot, psz, chunk_start):
                cp.wait()

        parts0 = _parts(a0)
        parts1 = _parts(a1)
        base0 = s * a0
        base1 = NS * a0 + s * a1

        @pl.when(c == 0)
        def _():
            fire_idx(0, parts0[0], base0)

        @pl.when(c == 1)
        def _():
            fire_idx(0, parts1[0], base1)

        zeros16 = jnp.zeros((16,), jnp.float32)
        ncol = D // 16

        def zero_body(i, _):
            r = i // ncol
            k = i % ncol
            bufs[0][r, pl.ds(k * 16, 16)] = zeros16
            return None

        lax.fori_loop(0, CHUNK * ncol, zero_body, None)

        zsizes = []
        left = ROWS_PER_TILE
        while left > 0:
            zsizes.append(min(CHUNK, left))
            left -= zsizes[-1]
        off = 0
        for zs in zsizes:
            pltpu.sync_copy(
                bufs[0].at[pl.ds(0, zs)],
                acc_s.at[pl.ds(s * ROWS_PER_TILE + off, zs)],
            )
            off += zs
        plsc.subcore_barrier()

        def gather_cp(slot, j, b):
            return pltpu.make_async_copy(
                hp_hbm.at[src_v.at[slot, j]], bufs[b], gsems[b]
            )

        def scatter_cp(slot, j, b):
            return pltpu.make_async_copy(
                bufs[b], acc_s.at[dst_v.at[slot, j]], ssems[b]
            )

        def main_loop(parts, base):
            off = 0
            for pi, psz in enumerate(parts):
                slot = pi % 2
                wait_idx(slot, psz, base + off)
                if pi + 1 < len(parts):
                    fire_idx(1 - slot, parts[pi + 1], base + off + psz)

                for b in range(NBUF):
                    gather_cp(slot, b, b).start()

                def ring_body(i, _):
                    for b in range(NBUF):
                        j = NBUF * i + b
                        gather_cp(slot, j, b).wait()
                        cp = scatter_cp(slot, j, b)
                        cp.start(add=True)
                        cp.wait()

                        @pl.when(j + NBUF < psz)
                        def _():
                            gather_cp(slot, j + NBUF, b).start()

                    return None

                lax.fori_loop(0, psz // NBUF, ring_body, None)
                off += psz

        @pl.when(c == 0)
        def _():
            main_loop(parts0, base0)

        @pl.when(c == 1)
        def _():
            main_loop(parts1, base1)

        plsc.subcore_barrier()

        off = 0
        for zs in zsizes:
            base = s * ROWS_PER_TILE + off
            pltpu.sync_copy(acc_s.at[pl.ds(base, zs)], bufs[0].at[pl.ds(0, zs)])
            pltpu.sync_copy(bufs[0].at[pl.ds(0, zs)], out_hbm.at[c, pl.ds(base, zs)])
            off += zs

    return agg


_agg128 = _make_agg_kernel(D_HID, A0_128, A1_128)
_agg16 = _make_agg_kernel(D_OUT, A0_16, A1_16)


_BR = 1024
_NGRID = NP // _BR


def _dinv_from_parts(degp):
    deg = jnp.sum(degp, axis=0) + 1.0
    return lax.rsqrt(jnp.maximum(deg, 1.0))


def _t1_body(x_ref, w_ref, degp_ref, out_ref):
    dinv = _dinv_from_parts(degp_ref[...])
    h = jnp.dot(x_ref[...], w_ref[...], preferred_element_type=jnp.float32)
    out_ref[...] = h * dinv[:, None]


def _t1(x, W1, degp):
    return pl.pallas_call(
        _t1_body,
        out_shape=jax.ShapeDtypeStruct((NP, D_HID), jnp.float32),
        grid=(_NGRID,),
        in_specs=[
            pl.BlockSpec((_BR, D_IN), lambda r: (r, 0)),
            pl.BlockSpec((D_IN, D_HID), lambda r: (0, 0)),
            pl.BlockSpec((NW, _BR), lambda r: (0, r)),
        ],
        out_specs=pl.BlockSpec((_BR, D_HID), lambda r: (r, 0)),
    )(x, W1, degp)


def _t2_body(aggp_ref, hp_ref, degp_ref, b1_ref, w2_ref, out_ref):
    dinv = _dinv_from_parts(degp_ref[...])
    tot = aggp_ref[0] + aggp_ref[1] + hp_ref[...]
    a = tot * dinv[:, None] + b1_ref[...][None, :]
    h1 = jnp.maximum(a, 0.0)
    h2 = jnp.dot(h1, w2_ref[...], preferred_element_type=jnp.float32)
    out_ref[...] = h2 * dinv[:, None]


def _t2(aggp, hp, degp, b1, W2):
    return pl.pallas_call(
        _t2_body,
        out_shape=jax.ShapeDtypeStruct((NP, D_OUT), jnp.float32),
        grid=(_NGRID,),
        in_specs=[
            pl.BlockSpec((NC, _BR, D_HID), lambda r: (0, r, 0)),
            pl.BlockSpec((_BR, D_HID), lambda r: (r, 0)),
            pl.BlockSpec((NW, _BR), lambda r: (0, r)),
            pl.BlockSpec((D_HID,), lambda r: (0,)),
            pl.BlockSpec((D_HID, D_OUT), lambda r: (0, 0)),
        ],
        out_specs=pl.BlockSpec((_BR, D_OUT), lambda r: (r, 0)),
    )(aggp, hp, degp, b1, W2)


def _t3_body(aggp_ref, hp_ref, degp_ref, b2_ref, out_ref):
    dinv = _dinv_from_parts(degp_ref[...])
    tot = aggp_ref[0] + aggp_ref[1] + hp_ref[...]
    o = tot * dinv[:, None] + b2_ref[...][None, :]
    m = jnp.max(o, axis=1, keepdims=True)
    lse = m + jnp.log(jnp.sum(jnp.exp(o - m), axis=1, keepdims=True))
    out_ref[...] = o - lse


def _t3(aggp, hp, degp, b2):
    return pl.pallas_call(
        _t3_body,
        out_shape=jax.ShapeDtypeStruct((N_NODES, D_OUT), jnp.float32),
        grid=(_NGRID,),
        in_specs=[
            pl.BlockSpec((NC, _BR, D_OUT), lambda r: (0, r, 0)),
            pl.BlockSpec((_BR, D_OUT), lambda r: (r, 0)),
            pl.BlockSpec((NW, _BR), lambda r: (0, r)),
            pl.BlockSpec((D_OUT,), lambda r: (0,)),
        ],
        out_specs=pl.BlockSpec((_BR, D_OUT), lambda r: (r, 0)),
    )(aggp, hp, degp, b2)


def kernel(x, edge_index, W1, b1, W2, b2):
    pad_e = EP - N_EDGES
    src_c = jnp.concatenate(
        [edge_index[0], jnp.full((pad_e,), N_NODES, jnp.int32)]
    ).reshape(TOTAL_CH, CHUNK)
    dst_flat = jnp.concatenate(
        [edge_index[1], jnp.full((pad_e,), N_NODES, jnp.int32)]
    )
    dst_c = dst_flat.reshape(TOTAL_CH, CHUNK)

    degp = _deg_kernel(dst_flat.reshape(NW, EPW0))
    h1p = _t1(x, W1, degp)
    agg1 = _agg128(h1p, src_c, dst_c)
    h2p = _t2(agg1, h1p, degp, b1, W2)
    agg2 = _agg16(h2p, src_c, dst_c)
    return _t3(agg2, h2p, degp, b2)

# --- scband reference (transcript-rebuilt; emitter-appended) ---
"""Pipeline reference for scband-gcn-60790967107992 (READ-ONLY COPY).

The authoritative reference and input builder live on the scoring server;
editing this copy changes nothing except your own understanding.
"""

import jax, jax.numpy as jnp
import numpy as np

N_NODES = 10000
N_EDGES = 320000
D_IN = 128
D_HID = 128
D_OUT = 16


def gcn_conv(x, edge_index, W, b):
    # Faithful GCNConv: add self-loops, symmetric deg^{-1/2} normalization,
    # linear transform, scatter-add aggregation, bias.
    N = x.shape[0]
    src = edge_index[0]
    dst = edge_index[1]
    loop = jnp.arange(N, dtype=src.dtype)
    src = jnp.concatenate([src, loop])
    dst = jnp.concatenate([dst, loop])
    deg = jnp.zeros((N,), dtype=x.dtype).at[dst].add(1.0)
    dinv = jax.lax.rsqrt(jnp.clip(deg, 1.0))
    norm = dinv[src] * dinv[dst]
    h = x @ W
    msg = h[src] * norm[:, None]
    out = jnp.zeros((N, W.shape[1]), dtype=x.dtype).at[dst].add(msg)
    return out + b


def setup_inputs(seed: int = 0) -> dict:
    key = jax.random.key(seed)
    k1, k2, k3, k4 = jax.random.split(key, 4)
    x = jax.random.normal(k1, (N_NODES, D_IN), dtype=jnp.float32)
    edge_index = jax.random.randint(k2, (2, N_EDGES), 0, N_NODES, dtype=jnp.int32)
    W1 = jax.random.normal(k3, (D_IN, D_HID), dtype=jnp.float32) * (1.0 / np.sqrt(D_IN))
    b1 = jnp.zeros((D_HID,), dtype=jnp.float32)
    W2 = jax.random.normal(k4, (D_HID, D_OUT), dtype=jnp.float32) * (1.0 / np.sqrt(D_HID))
    b2 = jnp.zeros((D_OUT,), dtype=jnp.float32)
    return {"x": x, "edge_index": edge_index, "W1": W1, "b1": b1, "W2": W2, "b2": b2}


def reference(x, edge_index, W1, b1, W2, b2):
    h = gcn_conv(x, edge_index, W1, b1)
    h = jax.nn.relu(h)
    # F.dropout with training=False (eval) is identity
    h = gcn_conv(h, edge_index, W2, b2)
    return jax.nn.log_softmax(h, axis=1)

if __name__ == "__main__":
    import jax
    _d = setup_inputs()
    print(jax.jit(kernel)(*tuple(_d.values())))

</pallas_src>

<mosaic_0001>
#map = affine_map<(d0, d1) -> (0, 0)>
#map1 = affine_map<(d0, d1) -> (0, 0, 0)>
module attributes {stable_mosaic.version = 14 : i64} {
  func.func @agg(%arg0: i32, %arg1: i32, %arg2: memref<10240x16xf32, #tpu.memory_space<hbm>>, %arg3: memref<2688x120xi32, #tpu.memory_space<hbm>>, %arg4: memref<2688x120xi32, #tpu.memory_space<hbm>>, %arg5: memref<2x10240x16xf32, #tpu.memory_space<hbm>>, %arg6: memref<2x32x120xi32, #tpu.memory_space<vmem>>, %arg7: memref<2x32x120xi32, #tpu.memory_space<vmem>>, %arg8: memref<120x16xf32, #tpu.memory_space<vmem>>, %arg9: memref<120x16xf32, #tpu.memory_space<vmem>>, %arg10: memref<10240x16xf32, #tpu.memory_space<vmem_shared>>, %arg11: memref<!tpu.dma_semaphore, #tpu.memory_space<semaphore_mem>>, %arg12: memref<!tpu.dma_semaphore, #tpu.memory_space<semaphore_mem>>, %arg13: memref<!tpu.dma_semaphore, #tpu.memory_space<semaphore_mem>>, %arg14: memref<!tpu.dma_semaphore, #tpu.memory_space<semaphore_mem>>, %arg15: memref<!tpu.dma_semaphore, #tpu.memory_space<semaphore_mem>>, %arg16: memref<!tpu.dma_semaphore, #tpu.memory_space<semaphore_mem>>) attributes {dimension_semantics = [#tpu.dimension_semantics<core_parallel>, #tpu.dimension_semantics<subcore_parallel>], iteration_bounds = array<i64: 2, 16>, scalar_prefetch = 0 : i64, scratch_operands = 11 : i64, tpu.core_type = #tpu.core_type<sc_vector_subcore>, window_params = [{transform_indices = #map}, {transform_indices = #map}, {transform_indices = #map}, {transform_indices = #map1}]} {
    %mul3A = arith.constant 96 : i32
    %mul3A_0 = arith.muli %arg1, %mul3A : i32
    %mul3A_1 = arith.constant 72 : i32
    %mul3A_2 = arith.muli %arg1, %mul3A_1 : i32
    %add3A = arith.constant 1536 : i32
    %add3A_3 = arith.addi %add3A, %mul3A_2 : i32
    %eq3A = arith.constant 0 : i32
    %eq3A_4 = arith.cmpi eq, %arg0, %eq3A : i32
    %convert_element_type3A = arith.extui %eq3A_4 : i1 to i32
    %cond3A = arith.constant 0 : i32
    %cond3A_5 = arith.cmpi ne, %convert_element_type3A, %cond3A : i32
    scf.if %cond3A_5 {
      %dma_start3A = arith.constant 0 : i32
      %dma_start3A_75 = arith.constant 0 : i32
      %dma_start3A_76 = arith.constant 0 : i32
      %dma_start3A_77 = tpu.memref_slice %arg6[%dma_start3A, %dma_start3A_75, %dma_start3A_76] : memref<2x32x120xi32, #tpu.memory_space<vmem>> -> memref<1x32x120xi32, #tpu.memory_space<vmem>>
      %dma_start3A_78 = tpu.memref_squeeze %dma_start3A_77 : memref<1x32x120xi32, #tpu.memory_space<vmem>> -> memref<32x120xi32, #tpu.memory_space<vmem>>
      %dma_start3A_79 = arith.constant 0 : i32
      %dma_start3A_80 = tpu.memref_slice %arg3[%mul3A_0, %dma_start3A_79] : memref<2688x120xi32, #tpu.memory_space<hbm>> -> memref<32x120xi32, #tpu.memory_space<hbm>>
      %dma_start3A_81 = arith.constant 0 : i32
      %dma_start3A_82 = arith.constant 0 : i32
      %dma_start3A_83 = tpu.memref_slice %arg6[%dma_start3A, %dma_start3A_81, %dma_start3A_82] : memref<2x32x120xi32, #tpu.memory_space<vmem>> -> memref<1x32x120xi32, #tpu.memory_space<vmem>>
      %dma_start3A_84 = tpu.memref_squeeze %dma_start3A_83 : memref<1x32x120xi32, #tpu.memory_space<vmem>> -> memref<32x120xi32, #tpu.memory_space<vmem>>
      %dma_start3A_85 = arith.constant 0 : i32
      %dma_start3A_86 = tpu.memref_slice %arg3[%mul3A_0, %dma_start3A_85] : memref<2688x120xi32, #tpu.memory_space<hbm>> -> memref<32x120xi32, #tpu.memory_space<hbm>>
      tpu.enqueue_dma source(%dma_start3A_86 : memref<32x120xi32, #tpu.memory_space<hbm>>) target(%dma_start3A_84 : memref<32x120xi32, #tpu.memory_space<vmem>>) target_semaphore(%arg15 : memref<!tpu.dma_semaphore, #tpu.memory_space<semaphore_mem>>)
      %dma_start3A_87 = arith.constant 0 : i32
      %dma_start3A_88 = arith.constant 0 : i32
      %dma_start3A_89 = arith.constant 0 : i32
      %dma_start3A_90 = tpu.memref_slice %arg7[%dma_start3A_87, %dma_start3A_88, %dma_start3A_89] : memref<2x32x120xi32, #tpu.memory_space<vmem>> -> memref<1x32x120xi32, #tpu.memory_space<vmem>>
      %dma_start3A_91 = tpu.memref_squeeze %dma_start3A_90 : memref<1x32x120xi32, #tpu.memory_space<vmem>> -> memref<32x120xi32, #tpu.memory_space<vmem>>
      %dma_start3A_92 = arith.constant 0 : i32
      %dma_start3A_93 = tpu.memref_slice %arg4[%mul3A_0, %dma_start3A_92] : memref<2688x120xi32, #tpu.memory_space<hbm>> -> memref<32x120xi32, #tpu.memory_space<hbm>>
      %dma_start3A_94 = arith.constant 0 : i32
      %dma_start3A_95 = arith.constant 0 : i32
      %dma_start3A_96 = tpu.memref_slice %arg7[%dma_start3A_87, %dma_start3A_94, %dma_start3A_95] : memref<2x32x120xi32, #tpu.memory_space<vmem>> -> memref<1x32x120xi32, #tpu.memory_space<vmem>>
      %dma_start3A_97 = tpu.memref_squeeze %dma_start3A_96 : memref<1x32x120xi32, #tpu.memory_space<vmem>> -> memref<32x120xi32, #tpu.memory_space<vmem>>
      %dma_start3A_98 = arith.constant 0 : i32
      %dma_start3A_99 = tpu.memref_slice %arg4[%mul3A_0, %dma_start3A_98] : memref<2688x120xi32, #tpu.memory_space<hbm>> -> memref<32x120xi32, #tpu.memory_space<hbm>>
      tpu.enqueue_dma source(%dma_start3A_99 : memref<32x120xi32, #tpu.memory_space<hbm>>) target(%dma_start3A_97 : memref<32x120xi32, #tpu.memory_space<vmem>>) target_semaphore(%arg15 : memref<!tpu.dma_semaphore, #tpu.memory_space<semaphore_mem>>)
    } else {
    }
    %eq3A_6 = arith.constant 1 : i32
    %eq3A_7 = arith.cmpi eq, %arg0, %eq3A_6 : i32
    %convert_element_type3A_8 = arith.extui %eq3A_7 : i1 to i32
    %cond3A_9 = arith.constant 0 : i32
    %cond3A_10 = arith.cmpi ne, %convert_element_type3A_8, %cond3A_9 : i32
    scf.if %cond3A_10 {
      %dma_start3A = arith.constant 0 : i32
      %dma_start3A_75 = arith.constant 0 : i32
      %dma_start3A_76 = arith.constant 0 : i32
      %dma_start3A_77 = tpu.memref_slice %arg6[%dma_start3A, %dma_start3A_75, %dma_start3A_76] : memref<2x32x120xi32, #tpu.memory_space<vmem>> -> memref<1x24x120xi32, #tpu.memory_space<vmem>>
      %dma_start3A_78 = tpu.memref_squeeze %dma_start3A_77 : memref<1x24x120xi32, #tpu.memory_space<vmem>> -> memref<24x120xi32, #tpu.memory_space<vmem>>
      %dma_start3A_79 = arith.constant 0 : i32
      %dma_start3A_80 = tpu.memref_slice %arg3[%add3A_3, %dma_start3A_79] : memref<2688x120xi32, #tpu.memory_space<hbm>> -> memref<24x120xi32, #tpu.memory_space<hbm>>
      %dma_start3A_81 = arith.constant 0 : i32
      %dma_start3A_82 = arith.constant 0 : i32
      %dma_start3A_83 = tpu.memref_slice %arg6[%dma_start3A, %dma_start3A_81, %dma_start3A_82] : memref<2x32x120xi32, #tpu.memory_space<vmem>> -> memref<1x24x120xi32, #tpu.memory_space<vmem>>
      %dma_start3A_84 = tpu.memref_squeeze %dma_start3A_83 : memref<1x24x120xi32, #tpu.memory_space<vmem>> -> memref<24x120xi32, #tpu.memory_space<vmem>>
      %dma_start3A_85 = arith.constant 0 : i32
      %dma_start3A_86 = tpu.memref_slice %arg3[%add3A_3, %dma_start3A_85] : memref<2688x120xi32, #tpu.memory_space<hbm>> -> memref<24x120xi32, #tpu.memory_space<hbm>>
      tpu.enqueue_dma source(%dma_start3A_86 : memref<24x120xi32, #tpu.memory_space<hbm>>) target(%dma_start3A_84 : memref<24x120xi32, #tpu.memory_space<vmem>>) target_semaphore(%arg15 : memref<!tpu.dma_semaphore, #tpu.memory_space<semaphore_mem>>)
      %dma_start3A_87 = arith.constant 0 : i32
      %dma_start3A_88 = arith.constant 0 : i32
      %dma_start3A_89 = arith.constant 0 : i32
      %dma_start3A_90 = tpu.memref_slice %arg7[%dma_start3A_87, %dma_start3A_88, %dma_start3A_89] : memref<2x32x120xi32, #tpu.memory_space<vmem>> -> memref<1x24x120xi32, #tpu.memory_space<vmem>>
      %dma_start3A_91 = tpu.memref_squeeze %dma_start3A_90 : memref<1x24x120xi32, #tpu.memory_space<vmem>> -> memref<24x120xi32, #tpu.memory_space<vmem>>
      %dma_start3A_92 = arith.constant 0 : i32
      %dma_start3A_93 = tpu.memref_slice %arg4[%add3A_3, %dma_start3A_92] : memref<2688x120xi32, #tpu.memory_space<hbm>> -> memref<24x120xi32, #tpu.memory_space<hbm>>
      %dma_start3A_94 = arith.constant 0 : i32
      %dma_start3A_95 = arith.constant 0 : i32
      %dma_start3A_96 = tpu.memref_slice %arg7[%dma_start3A_87, %dma_start3A_94, %dma_start3A_95] : memref<2x32x120xi32, #tpu.memory_space<vmem>> -> memref<1x24x120xi32, #tpu.memory_space<vmem>>
      %dma_start3A_97 = tpu.memref_squeeze %dma_start3A_96 : memref<1x24x120xi32, #tpu.memory_space<vmem>> -> memref<24x120xi32, #tpu.memory_space<vmem>>
      %dma_start3A_98 = arith.constant 0 : i32
      %dma_start3A_99 = tpu.memref_slice %arg4[%add3A_3, %dma_start3A_98] : memref<2688x120xi32, #tpu.memory_space<hbm>> -> memref<24x120xi32, #tpu.memory_space<hbm>>
      tpu.enqueue_dma source(%dma_start3A_99 : memref<24x120xi32, #tpu.memory_space<hbm>>) target(%dma_start3A_97 : memref<24x120xi32, #tpu.memory_space<vmem>>) target_semaphore(%arg15 : memref<!tpu.dma_semaphore, #tpu.memory_space<semaphore_mem>>)
    } else {
    }
    %broadcast_in_dim3A = arith.constant 0.000000e+00 : f32
    %broadcast_in_dim3A_11 = vector.broadcast %broadcast_in_dim3A : f32 to vector<16xf32>
    %scan3A = arith.constant 0 : i32
    %scan3A_12 = arith.constant 120 : i32
    %scan3A_13 = arith.addi %scan3A, %scan3A_12 : i32
    %scan3A_14 = arith.constant 1 : i32
    scf.for %scan3A_75 = %scan3A to %scan3A_13 step %scan3A_14  : i32 {
      %jit3A = arith.constant 1 : i32
      %div3A = arith.divsi %scan3A_75, %jit3A : i32
      %sign3A = arith.constant 0 : i32
      %sign3A_76 = arith.cmpi sgt, %scan3A_75, %sign3A : i32
      %sign3A_77 = arith.extui %sign3A_76 : i1 to i32
      %sign3A_78 = arith.constant 0 : i32
      %sign3A_79 = arith.cmpi slt, %scan3A_75, %sign3A_78 : i32
      %sign3A_80 = arith.extui %sign3A_79 : i1 to i32
      %sign3A_81 = arith.subi %sign3A_77, %sign3A_80 : i32
      %sign3A_82 = arith.constant 0 : i32
      %sign3A_83 = arith.cmpi sgt, %jit3A, %sign3A_82 : i32
      %sign3A_84 = arith.extui %sign3A_83 : i1 to i32
      %sign3A_85 = arith.constant 0 : i32
      %sign3A_86 = arith.cmpi slt, %jit3A, %sign3A_85 : i32
      %sign3A_87 = arith.extui %sign3A_86 : i1 to i32
      %sign3A_88 = arith.subi %sign3A_84, %sign3A_87 : i32
      %ne3A = arith.cmpi ne, %sign3A_81, %sign3A_88 : i32
      %rem3A = arith.remsi %scan3A_75, %jit3A : i32
      %ne3A_89 = arith.constant 0 : i32
      %ne3A_90 = arith.cmpi ne, %rem3A, %ne3A_89 : i32
      %and3A = arith.andi %ne3A, %ne3A_90 : i1
      %sub3A = arith.constant 1 : i32
      %sub3A_91 = arith.subi %div3A, %sub3A : i32
      %select_n3A = arith.select %and3A, %sub3A_91, %div3A : i32
      %jit3A_92 = arith.constant 1 : i32
      %eq3A_93 = arith.constant 0 : i32
      %eq3A_94 = arith.cmpi eq, %jit3A_92, %eq3A_93 : i32
      %jit3A_95 = arith.constant 1 : i32
      %select_n3A_96 = arith.select %eq3A_94, %jit3A_95, %jit3A_92 : i32
      %rem3A_97 = arith.remsi %scan3A_75, %select_n3A_96 : i32
      %ne3A_98 = arith.constant 0 : i32
      %ne3A_99 = arith.cmpi ne, %rem3A_97, %ne3A_98 : i32
      %lt3A = arith.constant 0 : i32
      %lt3A_100 = arith.cmpi slt, %rem3A_97, %lt3A : i32
      %lt3A_101 = arith.constant 0 : i32
      %lt3A_102 = arith.cmpi slt, %select_n3A_96, %lt3A_101 : i32
      %ne3A_103 = arith.xori %lt3A_100, %lt3A_102 : i1
      %and3A_104 = arith.andi %ne3A_103, %ne3A_99 : i1
      %add3A_105 = arith.addi %rem3A_97, %select_n3A_96 : i32
      %select_n3A_106 = arith.select %and3A_104, %add3A_105, %rem3A_97 : i32
      %mul3A_107 = arith.constant 16 : i32
      %mul3A_108 = arith.muli %select_n3A_106, %mul3A_107 : i32
      %swap3A = arith.index_cast %select_n3A : i32 to index
      %swap3A_109 = arith.index_cast %mul3A_108 : i32 to index
      %swap3A_110 = tpu.vector_load %arg8[%swap3A, %swap3A_109] {strides = array<i32>} : memref<120x16xf32, #tpu.memory_space<vmem>>, vector<16xf32>,
      tpu.vector_store %arg8[%swap3A, %swap3A_109], %broadcast_in_dim3A_11 {strides = array<i32>} : memref<120x16xf32, #tpu.memory_space<vmem>>, vector<16xf32>,
    }
    %scan3A_15 = arith.constant 120 : i32
    %mul3A_16 = arith.constant 640 : i32
    %mul3A_17 = arith.muli %arg1, %mul3A_16 : i32
    %add3A_18 = arith.constant 0 : i32
    %add3A_19 = arith.addi %mul3A_17, %add3A_18 : i32
    "tpu.region"() ({
      %run_scoped3A = tpu.sem_alloc : memref<!tpu.dma_semaphore, #tpu.memory_space<semaphore_mem>>
      %dma_start3A = arith.constant 0 : i32
      %dma_start3A_75 = arith.constant 0 : i32
      %dma_start3A_76 = tpu.memref_slice %arg8[%dma_start3A, %dma_start3A_75] : memref<120x16xf32, #tpu.memory_space<vmem>> -> memref<120x16xf32, #tpu.memory_space<vmem>>
      %dma_start3A_77 = arith.constant 0 : i32
      %dma_start3A_78 = tpu.memref_slice %arg10[%add3A_19, %dma_start3A_77] : memref<10240x16xf32, #tpu.memory_space<vmem_shared>> -> memref<120x16xf32, #tpu.memory_space<vmem_shared>>
      %dma_start3A_79 = arith.constant 0 : i32
      %dma_start3A_80 = tpu.memref_slice %arg10[%add3A_19, %dma_start3A_79] : memref<10240x16xf32, #tpu.memory_space<vmem_shared>> -> memref<120x16xf32, #tpu.memory_space<vmem_shared>>
      %dma_start3A_81 = arith.constant 0 : i32
      %dma_start3A_82 = arith.constant 0 : i32
      %dma_start3A_83 = tpu.memref_slice %arg8[%dma_start3A_81, %dma_start3A_82] : memref<120x16xf32, #tpu.memory_space<vmem>> -> memref<120x16xf32, #tpu.memory_space<vmem>>
      tpu.enqueue_dma source(%dma_start3A_83 : memref<120x16xf32, #tpu.memory_space<vmem>>) target(%dma_start3A_80 : memref<120x16xf32, #tpu.memory_space<vmem_shared>>) target_semaphore(%run_scoped3A : memref<!tpu.dma_semaphore, #tpu.memory_space<semaphore_mem>>)
      %dma_wait3A = arith.constant 0 : i32
      %dma_wait3A_84 = arith.constant 0 : i32
      %dma_wait3A_85 = tpu.memref_slice %arg8[%dma_wait3A, %dma_wait3A_84] : memref<120x16xf32, #tpu.memory_space<vmem>> -> memref<120x16xf32, #tpu.memory_space<vmem>>
      %dma_wait3A_86 = arith.constant 0 : i32
      %dma_wait3A_87 = tpu.memref_slice %arg10[%add3A_19, %dma_wait3A_86] : memref<10240x16xf32, #tpu.memory_space<vmem_shared>> -> memref<120x16xf32, #tpu.memory_space<vmem_shared>>
      %dma_wait3A_88 = arith.constant 0 : i32
      %dma_wait3A_89 = tpu.memref_slice %arg10[%add3A_19, %dma_wait3A_88] : memref<10240x16xf32, #tpu.memory_space<vmem_shared>> -> memref<120x16xf32, #tpu.memory_space<vmem_shared>>
      %dma_wait3A_90 = arith.constant 0 : i32
      %dma_wait3A_91 = arith.constant 0 : i32
      %dma_wait3A_92 = tpu.memref_slice %arg8[%dma_wait3A_90, %dma_wait3A_91] : memref<120x16xf32, #tpu.memory_space<vmem>> -> memref<120x16xf32, #tpu.memory_space<vmem>>
      tpu.wait_dma2 semaphore(%run_scoped3A : memref<!tpu.dma_semaphore, #tpu.memory_space<semaphore_mem>>) src(%dma_wait3A_92 : memref<120x16xf32, #tpu.memory_space<vmem>>) dst(%dma_wait3A_89 : memref<120x16xf32, #tpu.memory_space<vmem_shared>>)
      tpu.yield
    }) : () -> ()
    %mul3A_20 = arith.constant 640 : i32
    %mul3A_21 = arith.muli %arg1, %mul3A_20 : i32
    %add3A_22 = arith.constant 120 : i32
    %add3A_23 = arith.addi %mul3A_21, %add3A_22 : i32
    "tpu.region"() ({
      %run_scoped3A = tpu.sem_alloc : memref<!tpu.dma_semaphore, #tpu.memory_space<semaphore_mem>>
      %dma_start3A = arith.constant 0 : i32
      %dma_start3A_75 = arith.constant 0 : i32
      %dma_start3A_76 = tpu.memref_slice %arg8[%dma_start3A, %dma_start3A_75] : memref<120x16xf32, #tpu.memory_space<vmem>> -> memref<120x16xf32, #tpu.memory_space<vmem>>
      %dma_start3A_77 = arith.constant 0 : i32
      %dma_start3A_78 = tpu.memref_slice %arg10[%add3A_23, %dma_start3A_77] : memref<10240x16xf32, #tpu.memory_space<vmem_shared>> -> memref<120x16xf32, #tpu.memory_space<vmem_shared>>
      %dma_start3A_79 = arith.constant 0 : i32
      %dma_start3A_80 = tpu.memref_slice %arg10[%add3A_23, %dma_start3A_79] : memref<10240x16xf32, #tpu.memory_space<vmem_shared>> -> memref<120x16xf32, #tpu.memory_space<vmem_shared>>
      %dma_start3A_81 = arith.constant 0 : i32
      %dma_start3A_82 = arith.constant 0 : i32
      %dma_start3A_83 = tpu.memref_slice %arg8[%dma_start3A_81, %dma_start3A_82] : memref<120x16xf32, #tpu.memory_space<vmem>> -> memref<120x16xf32, #tpu.memory_space<vmem>>
      tpu.enqueue_dma source(%dma_start3A_83 : memref<120x16xf32, #tpu.memory_space<vmem>>) target(%dma_start3A_80 : memref<120x16xf32, #tpu.memory_space<vmem_shared>>) target_semaphore(%run_scoped3A : memref<!tpu.dma_semaphore, #tpu.memory_space<semaphore_mem>>)
      %dma_wait3A = arith.constant 0 : i32
      %dma_wait3A_84 = arith.constant 0 : i32
      %dma_wait3A_85 = tpu.memref_slice %arg8[%dma_wait3A, %dma_wait3A_84] : memref<120x16xf32, #tpu.memory_space<vmem>> -> memref<120x16xf32, #tpu.memory_space<vmem>>
      %dma_wait3A_86 = arith.constant 0 : i32
      %dma_wait3A_87 = tpu.memref_slice %arg10[%add3A_23, %dma_wait3A_86] : memref<10240x16xf32, #tpu.memory_space<vmem_shared>> -> memref<120x16xf32, #tpu.memory_space<vmem_shared>>
      %dma_wait3A_88 = arith.constant 0 : i32
      %dma_wait3A_89 = tpu.memref_slice %arg10[%add3A_23, %dma_wait3A_88] : memref<10240x16xf32, #tpu.memory_space<vmem_shared>> -> memref<120x16xf32, #tpu.memory_space<vmem_shared>>
      %dma_wait3A_90 = arith.constant 0 : i32
      %dma_wait3A_91 = arith.constant 0 : i32
      %dma_wait3A_92 = tpu.memref_slice %arg8[%dma_wait3A_90, %dma_wait3A_91] : memref<120x16xf32, #tpu.memory_space<vmem>> -> memref<120x16xf32, #tpu.memory_space<vmem>>
      tpu.wait_dma2 semaphore(%run_scoped3A : memref<!tpu.dma_semaphore, #tpu.memory_space<semaphore_mem>>) src(%dma_wait3A_92 : memref<120x16xf32, #tpu.memory_space<vmem>>) dst(%dma_wait3A_89 : memref<120x16xf32, #tpu.memory_space<vmem_shared>>)
      tpu.yield
    }) : () -> ()
    %mul3A_24 = arith.constant 640 : i32
    %mul3A_25 = arith.muli %arg1, %mul3A_24 : i32
    %add3A_26 = arith.constant 240 : i32
    %add3A_27 = arith.addi %mul3A_25, %add3A_26 : i32
    "tpu.region"() ({
      %run_scoped3A = tpu.sem_alloc : memref<!tpu.dma_semaphore, #tpu.memory_space<semaphore_mem>>
      %dma_start3A = arith.constant 0 : i32
      %dma_start3A_75 = arith.constant 0 : i32
      %dma_start3A_76 = tpu.memref_slice %arg8[%dma_start3A, %dma_start3A_75] : memref<120x16xf32, #tpu.memory_space<vmem>> -> memref<120x16xf32, #tpu.memory_space<vmem>>
      %dma_start3A_77 = arith.constant 0 : i32
      %dma_start3A_78 = tpu.memref_slice %arg10[%add3A_27, %dma_start3A_77] : memref<10240x16xf32, #tpu.memory_space<vmem_shared>> -> memref<120x16xf32, #tpu.memory_space<vmem_shared>>
      %dma_start3A_79 = arith.constant 0 : i32
      %dma_start3A_80 = tpu.memref_slice %arg10[%add3A_27, %dma_start3A_79] : memref<10240x16xf32, #tpu.memory_space<vmem_shared>> -> memref<120x16xf32, #tpu.memory_space<vmem_shared>>
      %dma_start3A_81 = arith.constant 0 : i32
      %dma_start3A_82 = arith.constant 0 : i32
      %dma_start3A_83 = tpu.memref_slice %arg8[%dma_start3A_81, %dma_start3A_82] : memref<120x16xf32, #tpu.memory_space<vmem>> -> memref<120x16xf32, #tpu.memory_space<vmem>>
      tpu.enqueue_dma source(%dma_start3A_83 : memref<120x16xf32, #tpu.memory_space<vmem>>) target(%dma_start3A_80 : memref<120x16xf32, #tpu.memory_space<vmem_shared>>) target_semaphore(%run_scoped3A : memref<!tpu.dma_semaphore, #tpu.memory_space<semaphore_mem>>)
      %dma_wait3A = arith.constant 0 : i32
      %dma_wait3A_84 = arith.constant 0 : i32
      %dma_wait3A_85 = tpu.memref_slice %arg8[%dma_wait3A, %dma_wait3A_84] : memref<120x16xf32, #tpu.memory_space<vmem>> -> memref<120x16xf32, #tpu.memory_space<vmem>>
      %dma_wait3A_86 = arith.constant 0 : i32
      %dma_wait3A_87 = tpu.memref_slice %arg10[%add3A_27, %dma_wait3A_86] : memref<10240x16xf32, #tpu.memory_space<vmem_shared>> -> memref<120x16xf32, #tpu.memory_space<vmem_shared>>
      %dma_wait3A_88 = arith.constant 0 : i32
      %dma_wait3A_89 = tpu.memref_slice %arg10[%add3A_27, %dma_wait3A_88] : memref<10240x16xf32, #tpu.memory_space<vmem_shared>> -> memref<120x16xf32, #tpu.memory_space<vmem_shared>>
      %dma_wait3A_90 = arith.constant 0 : i32
      %dma_wait3A_91 = arith.constant 0 : i32
      %dma_wait3A_92 = tpu.memref_slice %arg8[%dma_wait3A_90, %dma_wait3A_91] : memref<120x16xf32, #tpu.memory_space<vmem>> -> memref<120x16xf32, #tpu.memory_space<vmem>>
      tpu.wait_dma2 semaphore(%run_scoped3A : memref<!tpu.dma_semaphore, #tpu.memory_space<semaphore_mem>>) src(%dma_wait3A_92 : memref<120x16xf32, #tpu.memory_space<vmem>>) dst(%dma_wait3A_89 : memref<120x16xf32, #tpu.memory_space<vmem_shared>>)
      tpu.yield
    }) : () -> ()
    %mul3A_28 = arith.constant 640 : i32
    %mul3A_29 = arith.muli %arg1, %mul3A_28 : i32
    %add3A_30 = arith.constant 360 : i32
    %add3A_31 = arith.addi %mul3A_29, %add3A_30 : i32
    "tpu.region"() ({
      %run_scoped3A = tpu.sem_alloc : memref<!tpu.dma_semaphore, #tpu.memory_space<semaphore_mem>>
      %dma_start3A = arith.constant 0 : i32
      %dma_start3A_75 = arith.constant 0 : i32
      %dma_start3A_76 = tpu.memref_slice %arg8[%dma_start3A, %dma_start3A_75] : memref<120x16xf32, #tpu.memory_space<vmem>> -> memref<120x16xf32, #tpu.memory_space<vmem>>
      %dma_start3A_77 = arith.constant 0 : i32
      %dma_start3A_78 = tpu.memref_slice %arg10[%add3A_31, %dma_start3A_77] : memref<10240x16xf32, #tpu.memory_space<vmem_shared>> -> memref<120x16xf32, #tpu.memory_space<vmem_shared>>
      %dma_start3A_79 = arith.constant 0 : i32
      %dma_start3A_80 = tpu.memref_slice %arg10[%add3A_31, %dma_start3A_79] : memref<10240x16xf32, #tpu.memory_space<vmem_shared>> -> memref<120x16xf32, #tpu.memory_space<vmem_shared>>
      %dma_start3A_81 = arith.constant 0 : i32
      %dma_start3A_82 = arith.constant 0 : i32
      %dma_start3A_83 = tpu.memref_slice %arg8[%dma_start3A_81, %dma_start3A_82] : memref<120x16xf32, #tpu.memory_space<vmem>> -> memref<120x16xf32, #tpu.memory_space<vmem>>
      tpu.enqueue_dma source(%dma_start3A_83 : memref<120x16xf32, #tpu.memory_space<vmem>>) target(%dma_start3A_80 : memref<120x16xf32, #tpu.memory_space<vmem_shared>>) target_semaphore(%run_scoped3A : memref<!tpu.dma_semaphore, #tpu.memory_space<semaphore_mem>>)
      %dma_wait3A = arith.constant 0 : i32
      %dma_wait3A_84 = arith.constant 0 : i32
      %dma_wait3A_85 = tpu.memref_slice %arg8[%dma_wait3A, %dma_wait3A_84] : memref<120x16xf32, #tpu.memory_space<vmem>> -> memref<120x16xf32, #tpu.memory_space<vmem>>
      %dma_wait3A_86 = arith.constant 0 : i32
      %dma_wait3A_87 = tpu.memref_slice %arg10[%add3A_31, %dma_wait3A_86] : memref<10240x16xf32, #tpu.memory_space<vmem_shared>> -> memref<120x16xf32, #tpu.memory_space<vmem_shared>>
      %dma_wait3A_88 = arith.constant 0 : i32
      %dma_wait3A_89 = tpu.memref_slice %arg10[%add3A_31, %dma_wait3A_88] : memref<10240x16xf32, #tpu.memory_space<vmem_shared>> -> memref<120x16xf32, #tpu.memory_space<vmem_shared>>
      %dma_wait3A_90 = arith.constant 0 : i32
      %dma_wait3A_91 = arith.constant 0 : i32
      %dma_wait3A_92 = tpu.memref_slice %arg8[%dma_wait3A_90, %dma_wait3A_91] : memref<120x16xf32, #tpu.memory_space<vmem>> -> memref<120x16xf32, #tpu.memory_space<vmem>>
      tpu.wait_dma2 semaphore(%run_scoped3A : memref<!tpu.dma_semaphore, #tpu.memory_space<semaphore_mem>>) src(%dma_wait3A_92 : memref<120x16xf32, #tpu.memory_space<vmem>>) dst(%dma_wait3A_89 : memref<120x16xf32, #tpu.memory_space<vmem_shared>>)
      tpu.yield
    }) : () -> ()
    %mul3A_32 = arith.constant 640 : i32
    %mul3A_33 = arith.muli %arg1, %mul3A_32 : i32
    %add3A_34 = arith.constant 480 : i32
    %add3A_35 = arith.addi %mul3A_33, %add3A_34 : i32
    "tpu.region"() ({
      %run_scoped3A = tpu.sem_alloc : memref<!tpu.dma_semaphore, #tpu.memory_space<semaphore_mem>>
      %dma_start3A = arith.constant 0 : i32
      %dma_start3A_75 = arith.constant 0 : i32
      %dma_start3A_76 = tpu.memref_slice %arg8[%dma_start3A, %dma_start3A_75] : memref<120x16xf32, #tpu.memory_space<vmem>> -> memref<120x16xf32, #tpu.memory_space<vmem>>
      %dma_start3A_77 = arith.constant 0 : i32
      %dma_start3A_78 = tpu.memref_slice %arg10[%add3A_35, %dma_start3A_77] : memref<10240x16xf32, #tpu.memory_space<vmem_shared>> -> memref<120x16xf32, #tpu.memory_space<vmem_shared>>
      %dma_start3A_79 = arith.constant 0 : i32
      %dma_start3A_80 = tpu.memref_slice %arg10[%add3A_35, %dma_start3A_79] : memref<10240x16xf32, #tpu.memory_space<vmem_shared>> -> memref<120x16xf32, #tpu.memory_space<vmem_shared>>
      %dma_start3A_81 = arith.constant 0 : i32
      %dma_start3A_82 = arith.constant 0 : i32
      %dma_start3A_83 = tpu.memref_slice %arg8[%dma_start3A_81, %dma_start3A_82] : memref<120x16xf32, #tpu.memory_space<vmem>> -> memref<120x16xf32, #tpu.memory_space<vmem>>
      tpu.enqueue_dma source(%dma_start3A_83 : memref<120x16xf32, #tpu.memory_space<vmem>>) target(%dma_start3A_80 : memref<120x16xf32, #tpu.memory_space<vmem_shared>>) target_semaphore(%run_scoped3A : memref<!tpu.dma_semaphore, #tpu.memory_space<semaphore_mem>>)
      %dma_wait3A = arith.constant 0 : i32
      %dma_wait3A_84 = arith.constant 0 : i32
      %dma_wait3A_85 = tpu.memref_slice %arg8[%dma_wait3A, %dma_wait3A_84] : memref<120x16xf32, #tpu.memory_space<vmem>> -> memref<120x16xf32, #tpu.memory_space<vmem>>
      %dma_wait3A_86 = arith.constant 0 : i32
      %dma_wait3A_87 = tpu.memref_slice %arg10[%add3A_35, %dma_wait3A_86] : memref<10240x16xf32, #tpu.memory_space<vmem_shared>> -> memref<120x16xf32, #tpu.memory_space<vmem_shared>>
      %dma_wait3A_88 = arith.constant 0 : i32
      %dma_wait3A_89 = tpu.memref_slice %arg10[%add3A_35, %dma_wait3A_88] : memref<10240x16xf32, #tpu.memory_space<vmem_shared>> -> memref<120x16xf32, #tpu.memory_space<vmem_shared>>
      %dma_wait3A_90 = arith.constant 0 : i32
      %dma_wait3A_91 = arith.constant 0 : i32
      %dma_wait3A_92 = tpu.memref_slice %arg8[%dma_wait3A_90, %dma_wait3A_91] : memref<120x16xf32, #tpu.memory_space<vmem>> -> memref<120x16xf32, #tpu.memory_space<vmem>>
      tpu.wait_dma2 semaphore(%run_scoped3A : memref<!tpu.dma_semaphore, #tpu.memory_space<semaphore_mem>>) src(%dma_wait3A_92 : memref<120x16xf32, #tpu.memory_space<vmem>>) dst(%dma_wait3A_89 : memref<120x16xf32, #tpu.memory_space<vmem_shared>>)
      tpu.yield
    }) : () -> ()
    %mul3A_36 = arith.constant 640 : i32
    %mul3A_37 = arith.muli %arg1, %mul3A_36 : i32
    %add3A_38 = arith.constant 600 : i32
    %add3A_39 = arith.addi %mul3A_37, %add3A_38 : i32
    "tpu.region"() ({
      %run_scoped3A = tpu.sem_alloc : memref<!tpu.dma_semaphore, #tpu.memory_space<semaphore_mem>>
      %dma_start3A = arith.constant 0 : i32
      %dma_start3A_75 = arith.constant 0 : i32
      %dma_start3A_76 = tpu.memref_slice %arg8[%dma_start3A, %dma_start3A_75] : memref<120x16xf32, #tpu.memory_space<vmem>> -> memref<40x16xf32, #tpu.memory_space<vmem>>
      %dma_start3A_77 = arith.constant 0 : i32
      %dma_start3A_78 = tpu.memref_slice %arg10[%add3A_39, %dma_start3A_77] : memref<10240x16xf32, #tpu.memory_space<vmem_shared>> -> memref<40x16xf32, #tpu.memory_space<vmem_shared>>
      %dma_start3A_79 = arith.constant 0 : i32
      %dma_start3A_80 = tpu.memref_slice %arg10[%add3A_39, %dma_start3A_79] : memref<10240x16xf32, #tpu.memory_space<vmem_shared>> -> memref<40x16xf32, #tpu.memory_space<vmem_shared>>
      %dma_start3A_81 = arith.constant 0 : i32
      %dma_start3A_82 = arith.constant 0 : i32
      %dma_start3A_83 = tpu.memref_slice %arg8[%dma_start3A_81, %dma_start3A_82] : memref<120x16xf32, #tpu.memory_space<vmem>> -> memref<40x16xf32, #tpu.memory_space<vmem>>
      tpu.enqueue_dma source(%dma_start3A_83 : memref<40x16xf32, #tpu.memory_space<vmem>>) target(%dma_start3A_80 : memref<40x16xf32, #tpu.memory_space<vmem_shared>>) target_semaphore(%run_scoped3A : memref<!tpu.dma_semaphore, #tpu.memory_space<semaphore_mem>>)
      %dma_wait3A = arith.constant 0 : i32
      %dma_wait3A_84 = arith.constant 0 : i32
      %dma_wait3A_85 = tpu.memref_slice %arg8[%dma_wait3A, %dma_wait3A_84] : memref<120x16xf32, #tpu.memory_space<vmem>> -> memref<40x16xf32, #tpu.memory_space<vmem>>
      %dma_wait3A_86 = arith.constant 0 : i32
      %dma_wait3A_87 = tpu.memref_slice %arg10[%add3A_39, %dma_wait3A_86] : memref<10240x16xf32, #tpu.memory_space<vmem_shared>> -> memref<40x16xf32, #tpu.memory_space<vmem_shared>>
      %dma_wait3A_88 = arith.constant 0 : i32
      %dma_wait3A_89 = tpu.memref_slice %arg10[%add3A_39, %dma_wait3A_88] : memref<10240x16xf32, #tpu.memory_space<vmem_shared>> -> memref<40x16xf32, #tpu.memory_space<vmem_shared>>
      %dma_wait3A_90 = arith.constant 0 : i32
      %dma_wait3A_91 = arith.constant 0 : i32
      %dma_wait3A_92 = tpu.memref_slice %arg8[%dma_wait3A_90, %dma_wait3A_91] : memref<120x16xf32, #tpu.memory_space<vmem>> -> memref<40x16xf32, #tpu.memory_space<vmem>>
      tpu.wait_dma2 semaphore(%run_scoped3A : memref<!tpu.dma_semaphore, #tpu.memory_space<semaphore_mem>>) src(%dma_wait3A_92 : memref<40x16xf32, #tpu.memory_space<vmem>>) dst(%dma_wait3A_89 : memref<40x16xf32, #tpu.memory_space<vmem_shared>>)
      tpu.yield
    }) : () -> ()
    %barrier3A = arith.constant 0 : index
    tpu.barrier barrier_id(%barrier3A)
    %eq3A_40 = arith.constant 0 : i32
    %eq3A_41 = arith.cmpi eq, %arg0, %eq3A_40 : i32
    %convert_element_type3A_42 = arith.extui %eq3A_41 : i1 to i32
    %cond3A_43 = arith.constant 0 : i32
    %cond3A_44 = arith.cmpi ne, %convert_element_type3A_42, %cond3A_43 : i32
    scf.if %cond3A_44 {
      %add3A_75 = arith.constant 0 : i32
      %add3A_76 = arith.addi %mul3A_0, %add3A_75 : i32
      %dma_wait3A = arith.constant 0 : i32
      %dma_wait3A_77 = arith.constant 0 : i32
      %dma_wait3A_78 = arith.constant 0 : i32
      %dma_wait3A_79 = tpu.memref_slice %arg6[%dma_wait3A, %dma_wait3A_77, %dma_wait3A_78] : memref<2x32x120xi32, #tpu.memory_space<vmem>> -> memref<1x32x120xi32, #tpu.memory_space<vmem>>
      %dma_wait3A_80 = tpu.memref_squeeze %dma_wait3A_79 : memref<1x32x120xi32, #tpu.memory_space<vmem>> -> memref<32x120xi32, #tpu.memory_space<vmem>>
      %dma_wait3A_81 = arith.constant 0 : i32
      %dma_wait3A_82 = tpu.memref_slice %arg3[%add3A_76, %dma_wait3A_81] : memref<2688x120xi32, #tpu.memory_space<hbm>> -> memref<32x120xi32, #tpu.memory_space<hbm>>
      %dma_wait3A_83 = arith.constant 0 : i32
      %dma_wait3A_84 = arith.constant 0 : i32
      %dma_wait3A_85 = tpu.memref_slice %arg6[%dma_wait3A, %dma_wait3A_83, %dma_wait3A_84] : memref<2x32x120xi32, #tpu.memory_space<vmem>> -> memref<1x32x120xi32, #tpu.memory_space<vmem>>
      %dma_wait3A_86 = tpu.memref_squeeze %dma_wait3A_85 : memref<1x32x120xi32, #tpu.memory_space<vmem>> -> memref<32x120xi32, #tpu.memory_space<vmem>>
      %dma_wait3A_87 = arith.constant 0 : i32
      %dma_wait3A_88 = tpu.memref_slice %arg3[%add3A_76, %dma_wait3A_87] : memref<2688x120xi32, #tpu.memory_space<hbm>> -> memref<32x120xi32, #tpu.memory_space<hbm>>
      tpu.wait_dma2 semaphore(%arg15 : memref<!tpu.dma_semaphore, #tpu.memory_space<semaphore_mem>>) src(%dma_wait3A_88 : memref<32x120xi32, #tpu.memory_space<hbm>>) dst(%dma_wait3A_86 : memref<32x120xi32, #tpu.memory_space<vmem>>)
      %dma_wait3A_89 = arith.constant 0 : i32
      %dma_wait3A_90 = arith.constant 0 : i32
      %dma_wait3A_91 = arith.constant 0 : i32
      %dma_wait3A_92 = tpu.memref_slice %arg7[%dma_wait3A_89, %dma_wait3A_90, %dma_wait3A_91] : memref<2x32x120xi32, #tpu.memory_space<vmem>> -> memref<1x32x120xi32, #tpu.memory_space<vmem>>
      %dma_wait3A_93 = tpu.memref_squeeze %dma_wait3A_92 : memref<1x32x120xi32, #tpu.memory_space<vmem>> -> memref<32x120xi32, #tpu.memory_space<vmem>>
      %dma_wait3A_94 = arith.constant 0 : i32
      %dma_wait3A_95 = tpu.memref_slice %arg4[%add3A_76, %dma_wait3A_94] : memref<2688x120xi32, #tpu.memory_space<hbm>> -> memref<32x120xi32, #tpu.memory_space<hbm>>
      %dma_wait3A_96 = arith.constant 0 : i32
      %dma_wait3A_97 = arith.constant 0 : i32
      %dma_wait3A_98 = tpu.memref_slice %arg7[%dma_wait3A_89, %dma_wait3A_96, %dma_wait3A_97] : memref<2x32x120xi32, #tpu.memory_space<vmem>> -> memref<1x32x120xi32, #tpu.memory_space<vmem>>
      %dma_wait3A_99 = tpu.memref_squeeze %dma_wait3A_98 : memref<1x32x120xi32, #tpu.memory_space<vmem>> -> memref<32x120xi32, #tpu.memory_space<vmem>>
      %dma_wait3A_100 = arith.constant 0 : i32
      %dma_wait3A_101 = tpu.memref_slice %arg4[%add3A_76, %dma_wait3A_100] : memref<2688x120xi32, #tpu.memory_space<hbm>> -> memref<32x120xi32, #tpu.memory_space<hbm>>
      tpu.wait_dma2 semaphore(%arg15 : memref<!tpu.dma_semaphore, #tpu.memory_space<semaphore_mem>>) src(%dma_wait3A_101 : memref<32x120xi32, #tpu.memory_space<hbm>>) dst(%dma_wait3A_99 : memref<32x120xi32, #tpu.memory_space<vmem>>)
      %add3A_102 = arith.constant 0 : i32
      %add3A_103 = arith.addi %mul3A_0, %add3A_102 : i32
      %add3A_104 = arith.constant 32 : i32
      %add3A_105 = arith.addi %add3A_103, %add3A_104 : i32
      %dma_start3A = arith.constant 1 : i32
      %dma_start3A_106 = arith.constant 0 : i32
      %dma_start3A_107 = arith.constant 0 : i32
      %dma_start3A_108 = tpu.memref_slice %arg6[%dma_start3A, %dma_start3A_106, %dma_start3A_107] : memref<2x32x120xi32, #tpu.memory_space<vmem>> -> memref<1x32x120xi32, #tpu.memory_space<vmem>>
      %dma_start3A_109 = tpu.memref_squeeze %dma_start3A_108 : memref<1x32x120xi32, #tpu.memory_space<vmem>> -> memref<32x120xi32, #tpu.memory_space<vmem>>
      %dma_start3A_110 = arith.constant 0 : i32
      %dma_start3A_111 = tpu.memref_slice %arg3[%add3A_105, %dma_start3A_110] : memref<2688x120xi32, #tpu.memory_space<hbm>> -> memref<32x120xi32, #tpu.memory_space<hbm>>
      %dma_start3A_112 = arith.constant 0 : i32
      %dma_start3A_113 = arith.constant 0 : i32
      %dma_start3A_114 = tpu.memref_slice %arg6[%dma_start3A, %dma_start3A_112, %dma_start3A_113] : memref<2x32x120xi32, #tpu.memory_space<vmem>> -> memref<1x32x120xi32, #tpu.memory_space<vmem>>
      %dma_start3A_115 = tpu.memref_squeeze %dma_start3A_114 : memref<1x32x120xi32, #tpu.memory_space<vmem>> -> memref<32x120xi32, #tpu.memory_space<vmem>>
      %dma_start3A_116 = arith.constant 0 : i32
      %dma_start3A_117 = tpu.memref_slice %arg3[%add3A_105, %dma_start3A_116] : memref<2688x120xi32, #tpu.memory_space<hbm>> -> memref<32x120xi32, #tpu.memory_space<hbm>>
      tpu.enqueue_dma source(%dma_start3A_117 : memref<32x120xi32, #tpu.memory_space<hbm>>) target(%dma_start3A_115 : memref<32x120xi32, #tpu.memory_space<vmem>>) target_semaphore(%arg16 : memref<!tpu.dma_semaphore, #tpu.memory_space<semaphore_mem>>)
      %dma_start3A_118 = arith.constant 1 : i32
      %dma_start3A_119 = arith.constant 0 : i32
      %dma_start3A_120 = arith.constant 0 : i32
      %dma_start3A_121 = tpu.memref_slice %arg7[%dma_start3A_118, %dma_start3A_119, %dma_start3A_120] : memref<2x32x120xi32, #tpu.memory_space<vmem>> -> memref<1x32x120xi32, #tpu.memory_space<vmem>>
      %dma_start3A_122 = tpu.memref_squeeze %dma_start3A_121 : memref<1x32x120xi32, #tpu.memory_space<vmem>> -> memref<32x120xi32, #tpu.memory_space<vmem>>
      %dma_start3A_123 = arith.constant 0 : i32
      %dma_start3A_124 = tpu.memref_slice %arg4[%add3A_105, %dma_start3A_123] : memref<2688x120xi32, #tpu.memory_space<hbm>> -> memref<32x120xi32, #tpu.memory_space<hbm>>
      %dma_start3A_125 = arith.constant 0 : i32
      %dma_start3A_126 = arith.constant 0 : i32
      %dma_start3A_127 = tpu.memref_slice %arg7[%dma_start3A_118, %dma_start3A_125, %dma_start3A_126] : memref<2x32x120xi32, #tpu.memory_space<vmem>> -> memref<1x32x120xi32, #tpu.memory_space<vmem>>
      %dma_start3A_128 = tpu.memref_squeeze %dma_start3A_127 : memref<1x32x120xi32, #tpu.memory_space<vmem>> -> memref<32x120xi32, #tpu.memory_space<vmem>>
      %dma_start3A_129 = arith.constant 0 : i32
      %dma_start3A_130 = tpu.memref_slice %arg4[%add3A_105, %dma_start3A_129] : memref<2688x120xi32, #tpu.memory_space<hbm>> -> memref<32x120xi32, #tpu.memory_space<hbm>>
      tpu.enqueue_dma source(%dma_start3A_130 : memref<32x120xi32, #tpu.memory_space<hbm>>) target(%dma_start3A_128 : memref<32x120xi32, #tpu.memory_space<vmem>>) target_semaphore(%arg16 : memref<!tpu.dma_semaphore, #tpu.memory_space<semaphore_mem>>)
      %dma_start3A_131 = arith.constant 0 : i32
      %dma_start3A_132 = arith.constant 0 : i32
      %dma_start3A_133 = arith.constant 0 : i32
      %dma_start3A_134 = tpu.memref_slice %arg6[%dma_start3A_131, %dma_start3A_132, %dma_start3A_133] : memref<2x32x120xi32, #tpu.memory_space<vmem>> -> memref<1x1x120xi32, #tpu.memory_space<vmem>>
      %dma_start3A_135 = tpu.memref_squeeze %dma_start3A_134 : memref<1x1x120xi32, #tpu.memory_space<vmem>> -> memref<120xi32, #tpu.memory_space<vmem>>
      %dma_start3A_136 = arith.constant 0 : i32
      %dma_start3A_137 = arith.constant 0 : i32
      %dma_start3A_138 = tpu.memref_slice %arg2[%dma_start3A_136, %dma_start3A_137] : memref<10240x16xf32, #tpu.memory_space<hbm>> -> memref<10240x16xf32, #tpu.memory_space<hbm>>
      tpu.enqueue_indirect_dma source(%dma_start3A_138 : memref<10240x16xf32, #tpu.memory_space<hbm>>) target(%arg8 : memref<120x16xf32, #tpu.memory_space<vmem>>) offsets(%dma_start3A_135 : memref<120xi32, #tpu.memory_space<vmem>>) semaphore(%arg11 : memref<!tpu.dma_semaphore, #tpu.memory_space<semaphore_mem>>)
      %dma_start3A_139 = arith.constant 0 : i32
      %dma_start3A_140 = arith.constant 1 : i32
      %dma_start3A_141 = arith.constant 0 : i32
      %dma_start3A_142 = tpu.memref_slice %arg6[%dma_start3A_139, %dma_start3A_140, %dma_start3A_141] : memref<2x32x120xi32, #tpu.memory_space<vmem>> -> memref<1x1x120xi32, #tpu.memory_space<vmem>>
      %dma_start3A_143 = tpu.memref_squeeze %dma_start3A_142 : memref<1x1x120xi32, #tpu.memory_space<vmem>> -> memref<120xi32, #tpu.memory_space<vmem>>
      %dma_start3A_144 = arith.constant 0 : i32
      %dma_start3A_145 = arith.constant 0 : i32
      %dma_start3A_146 = tpu.memref_slice %arg2[%dma_start3A_144, %dma_start3A_145] : memref<10240x16xf32, #tpu.memory_space<hbm>> -> memref<10240x16xf32, #tpu.memory_space<hbm>>
      tpu.enqueue_indirect_dma source(%dma_start3A_146 : memref<10240x16xf32, #tpu.memory_space<hbm>>) target(%arg9 : memref<120x16xf32, #tpu.memory_space<vmem>>) offsets(%dma_start3A_143 : memref<120xi32, #tpu.memory_space<vmem>>) semaphore(%arg12 : memref<!tpu.dma_semaphore, #tpu.memory_space<semaphore_mem>>)
      %scan3A_147 = arith.constant 0 : i32
      %scan3A_148 = arith.constant 16 : i32
      %scan3A_149 = arith.addi %scan3A_147, %scan3A_148 : i32
      %scan3A_150 = arith.constant 1 : i32
      scf.for %scan3A_280 = %scan3A_147 to %scan3A_149 step %scan3A_150  : i32 {
        %mul3A_281 = arith.constant 2 : i32
        %mul3A_282 = arith.muli %mul3A_281, %scan3A_280 : i32
        %add3A_283 = arith.constant 0 : i32
        %add3A_284 = arith.addi %mul3A_282, %add3A_283 : i32
        %dma_wait3A_285 = arith.constant 0 : i32
        %dma_wait3A_286 = arith.constant 0 : i32
        %dma_wait3A_287 = tpu.memref_slice %arg6[%dma_wait3A_285, %add3A_284, %dma_wait3A_286] : memref<2x32x120xi32, #tpu.memory_space<vmem>> -> memref<1x1x120xi32, #tpu.memory_space<vmem>>
        %dma_wait3A_288 = tpu.memref_squeeze %dma_wait3A_287 : memref<1x1x120xi32, #tpu.memory_space<vmem>> -> memref<120xi32, #tpu.memory_space<vmem>>
        %dma_wait3A_289 = arith.constant 0 : i32
        %dma_wait3A_290 = arith.constant 0 : i32
        %dma_wait3A_291 = tpu.memref_slice %arg2[%dma_wait3A_289, %dma_wait3A_290] : memref<10240x16xf32, #tpu.memory_space<hbm>> -> memref<10240x16xf32, #tpu.memory_space<hbm>>
        tpu.wait_indirect_dma semaphore(%arg11 : memref<!tpu.dma_semaphore, #tpu.memory_space<semaphore_mem>>) src(%dma_wait3A_291 : memref<10240x16xf32, #tpu.memory_space<hbm>>) dst(%arg8 : memref<120x16xf32, #tpu.memory_space<vmem>>)
        %dma_start3A_292 = arith.constant 0 : i32
        %dma_start3A_293 = arith.constant 0 : i32
        %dma_start3A_294 = tpu.memref_slice %arg7[%dma_start3A_292, %add3A_284, %dma_start3A_293] : memref<2x32x120xi32, #tpu.memory_space<vmem>> -> memref<1x1x120xi32, #tpu.memory_space<vmem>>
        %dma_start3A_295 = tpu.memref_squeeze %dma_start3A_294 : memref<1x1x120xi32, #tpu.memory_space<vmem>> -> memref<120xi32, #tpu.memory_space<vmem>>
        %dma_start3A_296 = arith.constant 0 : i32
        %dma_start3A_297 = arith.constant 0 : i32
        %dma_start3A_298 = tpu.memref_slice %arg10[%dma_start3A_296, %dma_start3A_297] : memref<10240x16xf32, #tpu.memory_space<vmem_shared>> -> memref<10240x16xf32, #tpu.memory_space<vmem_shared>>
        tpu.enqueue_indirect_dma source(%arg8 : memref<120x16xf32, #tpu.memory_space<vmem>>) target(%dma_start3A_298 : memref<10240x16xf32, #tpu.memory_space<vmem_shared>>) offsets(%dma_start3A_295 : memref<120xi32, #tpu.memory_space<vmem>>) semaphore(%arg13 : memref<!tpu.dma_semaphore, #tpu.memory_space<semaphore_mem>>) {add = true}
        %dma_wait3A_299 = arith.constant 0 : i32
        %dma_wait3A_300 = arith.constant 0 : i32
        %dma_wait3A_301 = tpu.memref_slice %arg7[%dma_wait3A_299, %add3A_284, %dma_wait3A_300] : memref<2x32x120xi32, #tpu.memory_space<vmem>> -> memref<1x1x120xi32, #tpu.memory_space<vmem>>
        %dma_wait3A_302 = tpu.memref_squeeze %dma_wait3A_301 : memref<1x1x120xi32, #tpu.memory_space<vmem>> -> memref<120xi32, #tpu.memory_space<vmem>>
        %dma_wait3A_303 = arith.constant 0 : i32
        %dma_wait3A_304 = arith.constant 0 : i32
        %dma_wait3A_305 = tpu.memref_slice %arg10[%dma_wait3A_303, %dma_wait3A_304] : memref<10240x16xf32, #tpu.memory_space<vmem_shared>> -> memref<10240x16xf32, #tpu.memory_space<vmem_shared>>
        tpu.wait_indirect_dma semaphore(%arg13 : memref<!tpu.dma_semaphore, #tpu.memory_space<semaphore_mem>>) src(%arg8 : memref<120x16xf32, #tpu.memory_space<vmem>>) dst(%dma_wait3A_305 : memref<10240x16xf32, #tpu.memory_space<vmem_shared>>)
        %add3A_306 = arith.constant 2 : i32
        %add3A_307 = arith.addi %add3A_284, %add3A_306 : i32
        %lt3A = arith.constant 32 : i32
        %lt3A_308 = arith.cmpi slt, %add3A_307, %lt3A : i32
        %convert_element_type3A_309 = arith.extui %lt3A_308 : i1 to i32
        %cond3A_310 = arith.constant 0 : i32
        %cond3A_311 = arith.cmpi ne, %convert_element_type3A_309, %cond3A_310 : i32
        scf.if %cond3A_311 {
          %add3A_344 = arith.constant 2 : i32
          %add3A_345 = arith.addi %add3A_284, %add3A_344 : i32
          %dma_start3A_346 = arith.constant 0 : i32
          %dma_start3A_347 = arith.constant 0 : i32
          %dma_start3A_348 = tpu.memref_slice %arg6[%dma_start3A_346, %add3A_345, %dma_start3A_347] : memref<2x32x120xi32, #tpu.memory_space<vmem>> -> memref<1x1x120xi32, #tpu.memory_space<vmem>>
          %dma_start3A_349 = tpu.memref_squeeze %dma_start3A_348 : memref<1x1x120xi32, #tpu.memory_space<vmem>> -> memref<120xi32, #tpu.memory_space<vmem>>
          %dma_start3A_350 = arith.constant 0 : i32
          %dma_start3A_351 = arith.constant 0 : i32
          %dma_start3A_352 = tpu.memref_slice %arg2[%dma_start3A_350, %dma_start3A_351] : memref<10240x16xf32, #tpu.memory_space<hbm>> -> memref<10240x16xf32, #tpu.memory_space<hbm>>
          tpu.enqueue_indirect_dma source(%dma_start3A_352 : memref<10240x16xf32, #tpu.memory_space<hbm>>) target(%arg8 : memref<120x16xf32, #tpu.memory_space<vmem>>) offsets(%dma_start3A_349 : memref<120xi32, #tpu.memory_space<vmem>>) semaphore(%arg11 : memref<!tpu.dma_semaphore, #tpu.memory_space<semaphore_mem>>)
        } else {
        }
        %mul3A_312 = arith.constant 2 : i32
        %mul3A_313 = arith.muli %mul3A_312, %scan3A_280 : i32
        %add3A_314 = arith.constant 1 : i32
        %add3A_315 = arith.addi %mul3A_313, %add3A_314 : i32
        %dma_wait3A_316 = arith.constant 0 : i32
        %dma_wait3A_317 = arith.constant 0 : i32
        %dma_wait3A_318 = tpu.memref_slice %arg6[%dma_wait3A_316, %add3A_315, %dma_wait3A_317] : memref<2x32x120xi32, #tpu.memory_space<vmem>> -> memref<1x1x120xi32, #tpu.memory_space<vmem>>
        %dma_wait3A_319 = tpu.memref_squeeze %dma_wait3A_318 : memref<1x1x120xi32, #tpu.memory_space<vmem>> -> memref<120xi32, #tpu.memory_space<vmem>>
        %dma_wait3A_320 = arith.constant 0 : i32
        %dma_wait3A_321 = arith.constant 0 : i32
        %dma_wait3A_322 = tpu.memref_slice %arg2[%dma_wait3A_320, %dma_wait3A_321] : memref<10240x16xf32, #tpu.memory_space<hbm>> -> memref<10240x16xf32, #tpu.memory_space<hbm>>
        tpu.wait_indirect_dma semaphore(%arg12 : memref<!tpu.dma_semaphore, #tpu.memory_space<semaphore_mem>>) src(%dma_wait3A_322 : memref<10240x16xf32, #tpu.memory_space<hbm>>) dst(%arg9 : memref<120x16xf32, #tpu.memory_space<vmem>>)
        %dma_start3A_323 = arith.constant 0 : i32
        %dma_start3A_324 = arith.constant 0 : i32
        %dma_start3A_325 = tpu.memref_slice %arg7[%dma_start3A_323, %add3A_315, %dma_start3A_324] : memref<2x32x120xi32, #tpu.memory_space<vmem>> -> memref<1x1x120xi32, #tpu.memory_space<vmem>>
        %dma_start3A_326 = tpu.memref_squeeze %dma_start3A_325 : memref<1x1x120xi32, #tpu.memory_space<vmem>> -> memref<120xi32, #tpu.memory_space<vmem>>
        %dma_start3A_327 = arith.constant 0 : i32
        %dma_start3A_328 = arith.constant 0 : i32
        %dma_start3A_329 = tpu.memref_slice %arg10[%dma_start3A_327, %dma_start3A_328] : memref<10240x16xf32, #tpu.memory_space<vmem_shared>> -> memref<10240x16xf32, #tpu.memory_space<vmem_shared>>
        tpu.enqueue_indirect_dma source(%arg9 : memref<120x16xf32, #tpu.memory_space<vmem>>) target(%dma_start3A_329 : memref<10240x16xf32, #tpu.memory_space<vmem_shared>>) offsets(%dma_start3A_326 : memref<120xi32, #tpu.memory_space<vmem>>) semaphore(%arg14 : memref<!tpu.dma_semaphore, #tpu.memory_space<semaphore_mem>>) {add = true}
        %dma_wait3A_330 = arith.constant 0 : i32
        %dma_wait3A_331 = arith.constant 0 : i32
        %dma_wait3A_332 = tpu.memref_slice %arg7[%dma_wait3A_330, %add3A_315, %dma_wait3A_331] : memref<2x32x120xi32, #tpu.memory_space<vmem>> -> memref<1x1x120xi32, #tpu.memory_space<vmem>>
        %dma_wait3A_333 = tpu.memref_squeeze %dma_wait3A_332 : memref<1x1x120xi32, #tpu.memory_space<vmem>> -> memref<120xi32, #tpu.memory_space<vmem>>
        %dma_wait3A_334 = arith.constant 0 : i32
        %dma_wait3A_335 = arith.constant 0 : i32
        %dma_wait3A_336 = tpu.memref_slice %arg10[%dma_wait3A_334, %dma_wait3A_335] : memref<10240x16xf32, #tpu.memory_space<vmem_shared>> -> memref<10240x16xf32, #tpu.memory_space<vmem_shared>>
        tpu.wait_indirect_dma semaphore(%arg14 : memref<!tpu.dma_semaphore, #tpu.memory_space<semaphore_mem>>) src(%arg9 : memref<120x16xf32, #tpu.memory_space<vmem>>) dst(%dma_wait3A_336 : memref<10240x16xf32, #tpu.memory_space<vmem_shared>>)
        %add3A_337 = arith.constant 2 : i32
        %add3A_338 = arith.addi %add3A_315, %add3A_337 : i32
        %lt3A_339 = arith.constant 32 : i32
        %lt3A_340 = arith.cmpi slt, %add3A_338, %lt3A_339 : i32
        %convert_element_type3A_341 = arith.extui %lt3A_340 : i1 to i32
        %cond3A_342 = arith.constant 0 : i32
        %cond3A_343 = arith.cmpi ne, %convert_element_type3A_341, %cond3A_342 : i32
        scf.if %cond3A_343 {
          %add3A_344 = arith.constant 2 : i32
          %add3A_345 = arith.addi %add3A_315, %add3A_344 : i32
          %dma_start3A_346 = arith.constant 0 : i32
          %dma_start3A_347 = arith.constant 0 : i32
          %dma_start3A_348 = tpu.memref_slice %arg6[%dma_start3A_346, %add3A_345, %dma_start3A_347] : memref<2x32x120xi32, #tpu.memory_space<vmem>> -> memref<1x1x120xi32, #tpu.memory_space<vmem>>
          %dma_start3A_349 = tpu.memref_squeeze %dma_start3A_348 : memref<1x1x120xi32, #tpu.memory_space<vmem>> -> memref<120xi32, #tpu.memory_space<vmem>>
          %dma_start3A_350 = arith.constant 0 : i32
          %dma_start3A_351 = arith.constant 0 : i32
          %dma_start3A_352 = tpu.memref_slice %arg2[%dma_start3A_350, %dma_start3A_351] : memref<10240x16xf32, #tpu.memory_space<hbm>> -> memref<10240x16xf32, #tpu.memory_space<hbm>>
          tpu.enqueue_indirect_dma source(%dma_start3A_352 : memref<10240x16xf32, #tpu.memory_space<hbm>>) target(%arg9 : memref<120x16xf32, #tpu.memory_space<vmem>>) offsets(%dma_start3A_349 : memref<120xi32, #tpu.memory_space<vmem>>) semaphore(%arg12 : memref<!tpu.dma_semaphore, #tpu.memory_space<semaphore_mem>>)
        } else {
        }
      }
      %scan3A_151 = arith.constant 16 : i32
      %add3A_152 = arith.constant 32 : i32
      %add3A_153 = arith.addi %mul3A_0, %add3A_152 : i32
      %dma_wait3A_154 = arith.constant 1 : i32
      %dma_wait3A_155 = arith.constant 0 : i32
      %dma_wait3A_156 = arith.constant 0 : i32
      %dma_wait3A_157 = tpu.memref_slice %arg6[%dma_wait3A_154, %dma_wait3A_155, %dma_wait3A_156] : memref<2x32x120xi32, #tpu.memory_space<vmem>> -> memref<1x32x120xi32, #tpu.memory_space<vmem>>
      %dma_wait3A_158 = tpu.memref_squeeze %dma_wait3A_157 : memref<1x32x120xi32, #tpu.memory_space<vmem>> -> memref<32x120xi32, #tpu.memory_space<vmem>>
      %dma_wait3A_159 = arith.constant 0 : i32
      %dma_wait3A_160 = tpu.memref_slice %arg3[%add3A_153, %dma_wait3A_159] : memref<2688x120xi32, #tpu.memory_space<hbm>> -> memref<32x120xi32, #tpu.memory_space<hbm>>
      %dma_wait3A_161 = arith.constant 0 : i32
      %dma_wait3A_162 = arith.constant 0 : i32
      %dma_wait3A_163 = tpu.memref_slice %arg6[%dma_wait3A_154, %dma_wait3A_161, %dma_wait3A_162] : memref<2x32x120xi32, #tpu.memory_space<vmem>> -> memref<1x32x120xi32, #tpu.memory_space<vmem>>
      %dma_wait3A_164 = tpu.memref_squeeze %dma_wait3A_163 : memref<1x32x120xi32, #tpu.memory_space<vmem>> -> memref<32x120xi32, #tpu.memory_space<vmem>>
      %dma_wait3A_165 = arith.constant 0 : i32
      %dma_wait3A_166 = tpu.memref_slice %arg3[%add3A_153, %dma_wait3A_165] : memref<2688x120xi32, #tpu.memory_space<hbm>> -> memref<32x120xi32, #tpu.memory_space<hbm>>
      tpu.wait_dma2 semaphore(%arg16 : memref<!tpu.dma_semaphore, #tpu.memory_space<semaphore_mem>>) src(%dma_wait3A_166 : memref<32x120xi32, #tpu.memory_space<hbm>>) dst(%dma_wait3A_164 : memref<32x120xi32, #tpu.memory_space<vmem>>)
      %dma_wait3A_167 = arith.constant 1 : i32
      %dma_wait3A_168 = arith.constant 0 : i32
      %dma_wait3A_169 = arith.constant 0 : i32
      %dma_wait3A_170 = tpu.memref_slice %arg7[%dma_wait3A_167, %dma_wait3A_168, %dma_wait3A_169] : memref<2x32x120xi32, #tpu.memory_space<vmem>> -> memref<1x32x120xi32, #tpu.memory_space<vmem>>
      %dma_wait3A_171 = tpu.memref_squeeze %dma_wait3A_170 : memref<1x32x120xi32, #tpu.memory_space<vmem>> -> memref<32x120xi32, #tpu.memory_space<vmem>>
      %dma_wait3A_172 = arith.constant 0 : i32
      %dma_wait3A_173 = tpu.memref_slice %arg4[%add3A_153, %dma_wait3A_172] : memref<2688x120xi32, #tpu.memory_space<hbm>> -> memref<32x120xi32, #tpu.memory_space<hbm>>
      %dma_wait3A_174 = arith.constant 0 : i32
      %dma_wait3A_175 = arith.constant 0 : i32
      %dma_wait3A_176 = tpu.memref_slice %arg7[%dma_wait3A_167, %dma_wait3A_174, %dma_wait3A_175] : memref<2x32x120xi32, #tpu.memory_space<vmem>> -> memref<1x32x120xi32, #tpu.memory_space<vmem>>
      %dma_wait3A_177 = tpu.memref_squeeze %dma_wait3A_176 : memref<1x32x120xi32, #tpu.memory_space<vmem>> -> memref<32x120xi32, #tpu.memory_space<vmem>>
      %dma_wait3A_178 = arith.constant 0 : i32
      %dma_wait3A_179 = tpu.memref_slice %arg4[%add3A_153, %dma_wait3A_178] : memref<2688x120xi32, #tpu.memory_space<hbm>> -> memref<32x120xi32, #tpu.memory_space<hbm>>
      tpu.wait_dma2 semaphore(%arg16 : memref<!tpu.dma_semaphore, #tpu.memory_space<semaphore_mem>>) src(%dma_wait3A_179 : memref<32x120xi32, #tpu.memory_space<hbm>>) dst(%dma_wait3A_177 : memref<32x120xi32, #tpu.memory_space<vmem>>)
      %add3A_180 = arith.constant 32 : i32
      %add3A_181 = arith.addi %mul3A_0, %add3A_180 : i32
      %add3A_182 = arith.constant 32 : i32
      %add3A_183 = arith.addi %add3A_181, %add3A_182 : i32
      %dma_start3A_184 = arith.constant 0 : i32
      %dma_start3A_185 = arith.constant 0 : i32
      %dma_start3A_186 = arith.constant 0 : i32
      %dma_start3A_187 = tpu.memref_slice %arg6[%dma_start3A_184, %dma_start3A_185, %dma_start3A_186] : memref<2x32x120xi32, #tpu.memory_space<vmem>> -> memref<1x32x120xi32, #tpu.memory_space<vmem>>
      %dma_start3A_188 = tpu.memref_squeeze %dma_start3A_187 : memref<1x32x120xi32, #tpu.memory_space<vmem>> -> memref<32x120xi32, #tpu.memory_space<vmem>>
      %dma_start3A_189 = arith.constant 0 : i32
      %dma_start3A_190 = tpu.memref_slice %arg3[%add3A_183, %dma_start3A_189] : memref<2688x120xi32, #tpu.memory_space<hbm>> -> memref<32x120xi32, #tpu.memory_space<hbm>>
      %dma_start3A_191 = arith.constant 0 : i32
      %dma_start3A_192 = arith.constant 0 : i32
      %dma_start3A_193 = tpu.memref_slice %arg6[%dma_start3A_184, %dma_start3A_191, %dma_start3A_192] : memref<2x32x120xi32, #tpu.memory_space<vmem>> -> memref<1x32x120xi32, #tpu.memory_space<vmem>>
      %dma_start3A_194 = tpu.memref_squeeze %dma_start3A_193 : memref<1x32x120xi32, #tpu.memory_space<vmem>> -> memref<32x120xi32, #tpu.memory_space<vmem>>
      %dma_start3A_195 = arith.constant 0 : i32
      %dma_start3A_196 = tpu.memref_slice %arg3[%add3A_183, %dma_start3A_195] : memref<2688x120xi32, #tpu.memory_space<hbm>> -> memref<32x120xi32, #tpu.memory_space<hbm>>
      tpu.enqueue_dma source(%dma_start3A_196 : memref<32x120xi32, #tpu.memory_space<hbm>>) target(%dma_start3A_194 : memref<32x120xi32, #tpu.memory_space<vmem>>) target_semaphore(%arg15 : memref<!tpu.dma_semaphore, #tpu.memory_space<semaphore_mem>>)
      %dma_start3A_197 = arith.constant 0 : i32
      %dma_start3A_198 = arith.constant 0 : i32
      %dma_start3A_199 = arith.constant 0 : i32
      %dma_start3A_200 = tpu.memref_slice %arg7[%dma_start3A_197, %dma_start3A_198, %dma_start3A_199] : memref<2x32x120xi32, #tpu.memory_space<vmem>> -> memref<1x32x120xi32, #tpu.memory_space<vmem>>
      %dma_start3A_201 = tpu.memref_squeeze %dma_start3A_200 : memref<1x32x120xi32, #tpu.memory_space<vmem>> -> memref<32x120xi32, #tpu.memory_space<vmem>>
      %dma_start3A_202 = arith.constant 0 : i32
      %dma_start3A_203 = tpu.memref_slice %arg4[%add3A_183, %dma_start3A_202] : memref<2688x120xi32, #tpu.memory_space<hbm>> -> memref<32x120xi32, #tpu.memory_space<hbm>>
      %dma_start3A_204 = arith.constant 0 : i32
      %dma_start3A_205 = arith.constant 0 : i32
      %dma_start3A_206 = tpu.memref_slice %arg7[%dma_start3A_197, %dma_start3A_204, %dma_start3A_205] : memref<2x32x120xi32, #tpu.memory_space<vmem>> -> memref<1x32x120xi32, #tpu.memory_space<vmem>>
      %dma_start3A_207 = tpu.memref_squeeze %dma_start3A_206 : memref<1x32x120xi32, #tpu.memory_space<vmem>> -> memref<32x120xi32, #tpu.memory_space<vmem>>
      %dma_start3A_208 = arith.constant 0 : i32
      %dma_start3A_209 = tpu.memref_slice %arg4[%add3A_183, %dma_start3A_208] : memref<2688x120xi32, #tpu.memory_space<hbm>> -> memref<32x120xi32, #tpu.memory_space<hbm>>
      tpu.enqueue_dma source(%dma_start3A_209 : memref<32x120xi32, #tpu.memory_space<hbm>>) target(%dma_start3A_207 : memref<32x120xi32, #tpu.memory_space<vmem>>) target_semaphore(%arg15 : memref<!tpu.dma_semaphore, #tpu.memory_space<semaphore_mem>>)
      %dma_start3A_210 = arith.constant 1 : i32
      %dma_start3A_211 = arith.constant 0 : i32
      %dma_start3A_212 = arith.constant 0 : i32
      %dma_start3A_213 = tpu.memref_slice %arg6[%dma_start3A_210, %dma_start3A_211, %dma_start3A_212] : memref<2x32x120xi32, #tpu.memory_space<vmem>> -> memref<1x1x120xi32, #tpu.memory_space<vmem>>
      %dma_start3A_214 = tpu.memref_squeeze %dma_start3A_213 : memref<1x1x120xi32, #tpu.memory_space<vmem>> -> memref<120xi32, #tpu.memory_space<vmem>>
      %dma_start3A_215 = arith.constant 0 : i32
      %dma_start3A_216 = arith.constant 0 : i32
      %dma_start3A_217 = tpu.memref_slice %arg2[%dma_start3A_215, %dma_start3A_216] : memref<10240x16xf32, #tpu.memory_space<hbm>> -> memref<10240x16xf32, #tpu.memory_space<hbm>>
      tpu.enqueue_indirect_dma source(%dma_start3A_217 : memref<10240x16xf32, #tpu.memory_space<hbm>>) target(%arg8 : memref<120x16xf32, #tpu.memory_space<vmem>>) offsets(%dma_start3A_214 : memref<120xi32, #tpu.memory_space<vmem>>) semaphore(%arg11 : memref<!tpu.dma_semaphore, #tpu.memory_space<semaphore_mem>>)
      %dma_start3A_218 = arith.constant 1 : i32
      %dma_start3A_219 = arith.constant 1 : i32
      %dma_start3A_220 = arith.constant 0 : i32
      %dma_start3A_221 = tpu.memref_slice %arg6[%dma_start3A_218, %dma_start3A_219, %dma_start3A_220] : memref<2x32x120xi32, #tpu.memory_space<vmem>> -> memref<1x1x120xi32, #tpu.memory_space<vmem>>
      %dma_start3A_222 = tpu.memref_squeeze %dma_start3A_221 : memref<1x1x120xi32, #tpu.memory_space<vmem>> -> memref<120xi32, #tpu.memory_space<vmem>>
      %dma_start3A_223 = arith.constant 0 : i32
      %dma_start3A_224 = arith.constant 0 : i32
      %dma_start3A_225 = tpu.memref_slice %arg2[%dma_start3A_223, %dma_start3A_224] : memref<10240x16xf32, #tpu.memory_space<hbm>> -> memref<10240x16xf32, #tpu.memory_space<hbm>>
      tpu.enqueue_indirect_dma source(%dma_start3A_225 : memref<10240x16xf32, #tpu.memory_space<hbm>>) target(%arg9 : memref<120x16xf32, #tpu.memory_space<vmem>>) offsets(%dma_start3A_222 : memref<120xi32, #tpu.memory_space<vmem>>) semaphore(%arg12 : memref<!tpu.dma_semaphore, #tpu.memory_space<semaphore_mem>>)
      %scan3A_226 = arith.constant 0 : i32
      %scan3A_227 = arith.constant 16 : i32
      %scan3A_228 = arith.addi %scan3A_226, %scan3A_227 : i32
      %scan3A_229 = arith.constant 1 : i32
      scf.for %scan3A_280 = %scan3A_226 to %scan3A_228 step %scan3A_229  : i32 {
        %mul3A_281 = arith.constant 2 : i32
        %mul3A_282 = arith.muli %mul3A_281, %scan3A_280 : i32
        %add3A_283 = arith.constant 0 : i32
        %add3A_284 = arith.addi %mul3A_282, %add3A_283 : i32
        %dma_wait3A_285 = arith.constant 1 : i32
        %dma_wait3A_286 = arith.constant 0 : i32
        %dma_wait3A_287 = tpu.memref_slice %arg6[%dma_wait3A_285, %add3A_284, %dma_wait3A_286] : memref<2x32x120xi32, #tpu.memory_space<vmem>> -> memref<1x1x120xi32, #tpu.memory_space<vmem>>
        %dma_wait3A_288 = tpu.memref_squeeze %dma_wait3A_287 : memref<1x1x120xi32, #tpu.memory_space<vmem>> -> memref<120xi32, #tpu.memory_space<vmem>>
        %dma_wait3A_289 = arith.constant 0 : i32
        %dma_wait3A_290 = arith.constant 0 : i32
        %dma_wait3A_291 = tpu.memref_slice %arg2[%dma_wait3A_289, %dma_wait3A_290] : memref<10240x16xf32, #tpu.memory_space<hbm>> -> memref<10240x16xf32, #tpu.memory_space<hbm>>
        tpu.wait_indirect_dma semaphore(%arg11 : memref<!tpu.dma_semaphore, #tpu.memory_space<semaphore_mem>>) src(%dma_wait3A_291 : memref<10240x16xf32, #tpu.memory_space<hbm>>) dst(%arg8 : memref<120x16xf32, #tpu.memory_space<vmem>>)
        %dma_start3A_292 = arith.constant 1 : i32
        %dma_start3A_293 = arith.constant 0 : i32
        %dma_start3A_294 = tpu.memref_slice %arg7[%dma_start3A_292, %add3A_284, %dma_start3A_293] : memref<2x32x120xi32, #tpu.memory_space<vmem>> -> memref<1x1x120xi32, #tpu.memory_space<vmem>>
        %dma_start3A_295 = tpu.memref_squeeze %dma_start3A_294 : memref<1x1x120xi32, #tpu.memory_space<vmem>> -> memref<120xi32, #tpu.memory_space<vmem>>
        %dma_start3A_296 = arith.constant 0 : i32
        %dma_start3A_297 = arith.constant 0 : i32
        %dma_start3A_298 = tpu.memref_slice %arg10[%dma_start3A_296, %dma_start3A_297] : memref<10240x16xf32, #tpu.memory_space<vmem_shared>> -> memref<10240x16xf32, #tpu.memory_space<vmem_shared>>
        tpu.enqueue_indirect_dma source(%arg8 : memref<120x16xf32, #tpu.memory_space<vmem>>) target(%dma_start3A_298 : memref<10240x16xf32, #tpu.memory_space<vmem_shared>>) offsets(%dma_start3A_295 : memref<120xi32, #tpu.memory_space<vmem>>) semaphore(%arg13 : memref<!tpu.dma_semaphore, #tpu.memory_space<semaphore_mem>>) {add = true}
        %dma_wait3A_299 = arith.constant 1 : i32
        %dma_wait3A_300 = arith.constant 0 : i32
        %dma_wait3A_301 = tpu.memref_slice %arg7[%dma_wait3A_299, %add3A_284, %dma_wait3A_300] : memref<2x32x120xi32, #tpu.memory_space<vmem>> -> memref<1x1x120xi32, #tpu.memory_space<vmem>>
        %dma_wait3A_302 = tpu.memref_squeeze %dma_wait3A_301 : memref<1x1x120xi32, #tpu.memory_space<vmem>> -> memref<120xi32, #tpu.memory_space<vmem>>
        %dma_wait3A_303 = arith.constant 0 : i32
        %dma_wait3A_304 = arith.constant 0 : i32
        %dma_wait3A_305 = tpu.memref_slice %arg10[%dma_wait3A_303, %dma_wait3A_304] : memref<10240x16xf32, #tpu.memory_space<vmem_shared>> -> memref<10240x16xf32, #tpu.memory_space<vmem_shared>>
        tpu.wait_indirect_dma semaphore(%arg13 : memref<!tpu.dma_semaphore, #tpu.memory_space<semaphore_mem>>) src(%arg8 : memref<120x16xf32, #tpu.memory_space<vmem>>) dst(%dma_wait3A_305 : memref<10240x16xf32, #tpu.memory_space<vmem_shared>>)
        %add3A_306 = arith.constant 2 : i32
        %add3A_307 = arith.addi %add3A_284, %add3A_306 : i32
        %lt3A = arith.constant 32 : i32
        %lt3A_308 = arith.cmpi slt, %add3A_307, %lt3A : i32
        %convert_element_type3A_309 = arith.extui %lt3A_308 : i1 to i32
        %cond3A_310 = arith.constant 0 : i32
        %cond3A_311 = arith.cmpi ne, %convert_element_type3A_309, %cond3A_310 : i32
        scf.if %cond3A_311 {
          %add3A_344 = arith.constant 2 : i32
          %add3A_345 = arith.addi %add3A_284, %add3A_344 : i32
          %dma_start3A_346 = arith.constant 1 : i32
          %dma_start3A_347 = arith.constant 0 : i32
          %dma_start3A_348 = tpu.memref_slice %arg6[%dma_start3A_346, %add3A_345, %dma_start3A_347] : memref<2x32x120xi32, #tpu.memory_space<vmem>> -> memref<1x1x120xi32, #tpu.memory_space<vmem>>
          %dma_start3A_349 = tpu.memref_squeeze %dma_start3A_348 : memref<1x1x120xi32, #tpu.memory_space<vmem>> -> memref<120xi32, #tpu.memory_space<vmem>>
          %dma_start3A_350 = arith.constant 0 : i32
          %dma_start3A_351 = arith.constant 0 : i32
          %dma_start3A_352 = tpu.memref_slice %arg2[%dma_start3A_350, %dma_start3A_351] : memref<10240x16xf32, #tpu.memory_space<hbm>> -> memref<10240x16xf32, #tpu.memory_space<hbm>>
          tpu.enqueue_indirect_dma source(%dma_start3A_352 : memref<10240x16xf32, #tpu.memory_space<hbm>>) target(%arg8 : memref<120x16xf32, #tpu.memory_space<vmem>>) offsets(%dma_start3A_349 : memref<120xi32, #tpu.memory_space<vmem>>) semaphore(%arg11 : memref<!tpu.dma_semaphore, #tpu.memory_space<semaphore_mem>>)
        } else {
        }
        %mul3A_312 = arith.constant 2 : i32
        %mul3A_313 = arith.muli %mul3A_312, %scan3A_280 : i32
        %add3A_314 = arith.constant 1 : i32
        %add3A_315 = arith.addi %mul3A_313, %add3A_314 : i32
        %dma_wait3A_316 = arith.constant 1 : i32
        %dma_wait3A_317 = arith.constant 0 : i32
        %dma_wait3A_318 = tpu.memref_slice %arg6[%dma_wait3A_316, %add3A_315, %dma_wait3A_317] : memref<2x32x120xi32, #tpu.memory_space<vmem>> -> memref<1x1x120xi32, #tpu.memory_space<vmem>>
        %dma_wait3A_319 = tpu.memref_squeeze %dma_wait3A_318 : memref<1x1x120xi32, #tpu.memory_space<vmem>> -> memref<120xi32, #tpu.memory_space<vmem>>
        %dma_wait3A_320 = arith.constant 0 : i32
        %dma_wait3A_321 = arith.constant 0 : i32
        %dma_wait3A_322 = tpu.memref_slice %arg2[%dma_wait3A_320, %dma_wait3A_321] : memref<10240x16xf32, #tpu.memory_space<hbm>> -> memref<10240x16xf32, #tpu.memory_space<hbm>>
        tpu.wait_indirect_dma semaphore(%arg12 : memref<!tpu.dma_semaphore, #tpu.memory_space<semaphore_mem>>) src(%dma_wait3A_322 : memref<10240x16xf32, #tpu.memory_space<hbm>>) dst(%arg9 : memref<120x16xf32, #tpu.memory_space<vmem>>)
        %dma_start3A_323 = arith.constant 1 : i32
        %dma_start3A_324 = arith.constant 0 : i32
        %dma_start3A_325 = tpu.memref_slice %arg7[%dma_start3A_323, %add3A_315, %dma_start3A_324] : memref<2x32x120xi32, #tpu.memory_space<vmem>> -> memref<1x1x120xi32, #tpu.memory_space<vmem>>
        %dma_start3A_326 = tpu.memref_squeeze %dma_start3A_325 : memref<1x1x120xi32, #tpu.memory_space<vmem>> -> memref<120xi32, #tpu.memory_space<vmem>>
        %dma_start3A_327 = arith.constant 0 : i32
        %dma_start3A_328 = arith.constant 0 : i32
        %dma_start3A_329 = tpu.memref_slice %arg10[%dma_start3A_327, %dma_start3A_328] : memref<10240x16xf32, #tpu.memory_space<vmem_shared>> -> memref<10240x16xf32, #tpu.memory_space<vmem_shared>>
        tpu.enqueue_indirect_dma source(%arg9 : memref<120x16xf32, #tpu.memory_space<vmem>>) target(%dma_start3A_329 : memref<10240x16xf32, #tpu.memory_space<vmem_shared>>) offsets(%dma_start3A_326 : memref<120xi32, #tpu.memory_space<vmem>>) semaphore(%arg14 : memref<!tpu.dma_semaphore, #tpu.memory_space<semaphore_mem>>) {add = true}
        %dma_wait3A_330 = arith.constant 1 : i32
        %dma_wait3A_331 = arith.constant 0 : i32
        %dma_wait3A_332 = tpu.memref_slice %arg7[%dma_wait3A_330, %add3A_315, %dma_wait3A_331] : memref<2x32x120xi32, #tpu.memory_space<vmem>> -> memref<1x1x120xi32, #tpu.memory_space<vmem>>
        %dma_wait3A_333 = tpu.memref_squeeze %dma_wait3A_332 : memref<1x1x120xi32, #tpu.memory_space<vmem>> -> memref<120xi32, #tpu.memory_space<vmem>>
        %dma_wait3A_334 = arith.constant 0 : i32
        %dma_wait3A_335 = arith.constant 0 : i32
        %dma_wait3A_336 = tpu.memref_slice %arg10[%dma_wait3A_334, %dma_wait3A_335] : memref<10240x16xf32, #tpu.memory_space<vmem_shared>> -> memref<10240x16xf32, #tpu.memory_space<vmem_shared>>
        tpu.wait_indirect_dma semaphore(%arg14 : memref<!tpu.dma_semaphore, #tpu.memory_space<semaphore_mem>>) src(%arg9 : memref<120x16xf32, #tpu.memory_space<vmem>>) dst(%dma_wait3A_336 : memref<10240x16xf32, #tpu.memory_space<vmem_shared>>)
        %add3A_337 = arith.constant 2 : i32
        %add3A_338 = arith.addi %add3A_315, %add3A_337 : i32
        %lt3A_339 = arith.constant 32 : i32
        %lt3A_340 = arith.cmpi slt, %add3A_338, %lt3A_339 : i32
        %convert_element_type3A_341 = arith.extui %lt3A_340 : i1 to i32
        %cond3A_342 = arith.constant 0 : i32
        %cond3A_343 = arith.cmpi ne, %convert_element_type3A_341, %cond3A_342 : i32
        scf.if %cond3A_343 {
          %add3A_344 = arith.constant 2 : i32
          %add3A_345 = arith.addi %add3A_315, %add3A_344 : i32
          %dma_start3A_346 = arith.constant 1 : i32
          %dma_start3A_347 = arith.constant 0 : i32
          %dma_start3A_348 = tpu.memref_slice %arg6[%dma_start3A_346, %add3A_345, %dma_start3A_347] : memref<2x32x120xi32, #tpu.memory_space<vmem>> -> memref<1x1x120xi32, #tpu.memory_space<vmem>>
          %dma_start3A_349 = tpu.memref_squeeze %dma_start3A_348 : memref<1x1x120xi32, #tpu.memory_space<vmem>> -> memref<120xi32, #tpu.memory_space<vmem>>
          %dma_start3A_350 = arith.constant 0 : i32
          %dma_start3A_351 = arith.constant 0 : i32
          %dma_start3A_352 = tpu.memref_slice %arg2[%dma_start3A_350, %dma_start3A_351] : memref<10240x16xf32, #tpu.memory_space<hbm>> -> memref<10240x16xf32, #tpu.memory_space<hbm>>
          tpu.enqueue_indirect_dma source(%dma_start3A_352 : memref<10240x16xf32, #tpu.memory_space<hbm>>) target(%arg9 : memref<120x16xf32, #tpu.memory_space<vmem>>) offsets(%dma_start3A_349 : memref<120xi32, #tpu.memory_space<vmem>>) semaphore(%arg12 : memref<!tpu.dma_semaphore, #tpu.memory_space<semaphore_mem>>)
        } else {
        }
      }
      %scan3A_230 = arith.constant 16 : i32
      %add3A_231 = arith.constant 64 : i32
      %add3A_232 = arith.addi %mul3A_0, %add3A_231 : i32
      %dma_wait3A_233 = arith.constant 0 : i32
      %dma_wait3A_234 = arith.constant 0 : i32
      %dma_wait3A_235 = arith.constant 0 : i32
      %dma_wait3A_236 = tpu.memref_slice %arg6[%dma_wait3A_233, %dma_wait3A_234, %dma_wait3A_235] : memref<2x32x120xi32, #tpu.memory_space<vmem>> -> memref<1x32x120xi32, #tpu.memory_space<vmem>>
      %dma_wait3A_237 = tpu.memref_squeeze %dma_wait3A_236 : memref<1x32x120xi32, #tpu.memory_space<vmem>> -> memref<32x120xi32, #tpu.memory_space<vmem>>
      %dma_wait3A_238 = arith.constant 0 : i32
      %dma_wait3A_239 = tpu.memref_slice %arg3[%add3A_232, %dma_wait3A_238] : memref<2688x120xi32, #tpu.memory_space<hbm>> -> memref<32x120xi32, #tpu.memory_space<hbm>>
      %dma_wait3A_240 = arith.constant 0 : i32
      %dma_wait3A_241 = arith.constant 0 : i32
      %dma_wait3A_242 = tpu.memref_slice %arg6[%dma_wait3A_233, %dma_wait3A_240, %dma_wait3A_241] : memref<2x32x120xi32, #tpu.memory_space<vmem>> -> memref<1x32x120xi32, #tpu.memory_space<vmem>>
      %dma_wait3A_243 = tpu.memref_squeeze %dma_wait3A_242 : memref<1x32x120xi32, #tpu.memory_space<vmem>> -> memref<32x120xi32, #tpu.memory_space<vmem>>
      %dma_wait3A_244 = arith.constant 0 : i32
      %dma_wait3A_245 = tpu.memref_slice %arg3[%add3A_232, %dma_wait3A_244] : memref<2688x120xi32, #tpu.memory_space<hbm>> -> memref<32x120xi32, #tpu.memory_space<hbm>>
      tpu.wait_dma2 semaphore(%arg15 : memref<!tpu.dma_semaphore, #tpu.memory_space<semaphore_mem>>) src(%dma_wait3A_245 : memref<32x120xi32, #tpu.memory_space<hbm>>) dst(%dma_wait3A_243 : memref<32x120xi32, #tpu.memory_space<vmem>>)
      %dma_wait3A_246 = arith.constant 0 : i32
      %dma_wait3A_247 = arith.constant 0 : i32
      %dma_wait3A_248 = arith.constant 0 : i32
      %dma_wait3A_249 = tpu.memref_slice %arg7[%dma_wait3A_246, %dma_wait3A_247, %dma_wait3A_248] : memref<2x32x120xi32, #tpu.memory_space<vmem>> -> memref<1x32x120xi32, #tpu.memory_space<vmem>>
      %dma_wait3A_250 = tpu.memref_squeeze %dma_wait3A_249 : memref<1x32x120xi32, #tpu.memory_space<vmem>> -> memref<32x120xi32, #tpu.memory_space<vmem>>
      %dma_wait3A_251 = arith.constant 0 : i32
      %dma_wait3A_252 = tpu.memref_slice %arg4[%add3A_232, %dma_wait3A_251] : memref<2688x120xi32, #tpu.memory_space<hbm>> -> memref<32x120xi32, #tpu.memory_space<hbm>>
      %dma_wait3A_253 = arith.constant 0 : i32
      %dma_wait3A_254 = arith.constant 0 : i32
      %dma_wait3A_255 = tpu.memref_slice %arg7[%dma_wait3A_246, %dma_wait3A_253, %dma_wait3A_254] : memref<2x32x120xi32, #tpu.memory_space<vmem>> -> memref<1x32x120xi32, #tpu.memory_space<vmem>>
      %dma_wait3A_256 = tpu.memref_squeeze %dma_wait3A_255 : memref<1x32x120xi32, #tpu.memory_space<vmem>> -> memref<32x120xi32, #tpu.memory_space<vmem>>
      %dma_wait3A_257 = arith.constant 0 : i32
      %dma_wait3A_258 = tpu.memref_slice %arg4[%add3A_232, %dma_wait3A_257] : memref<2688x120xi32, #tpu.memory_space<hbm>> -> memref<32x120xi32, #tpu.memory_space<hbm>>
      tpu.wait_dma2 semaphore(%arg15 : memref<!tpu.dma_semaphore, #tpu.memory_space<semaphore_mem>>) src(%dma_wait3A_258 : memref<32x120xi32, #tpu.memory_space<hbm>>) dst(%dma_wait3A_256 : memref<32x120xi32, #tpu.memory_space<vmem>>)
      %dma_start3A_259 = arith.constant 0 : i32
      %dma_start3A_260 = arith.constant 0 : i32
      %dma_start3A_261 = arith.constant 0 : i32
      %dma_start3A_262 = tpu.memref_slice %arg6[%dma_start3A_259, %dma_start3A_260, %dma_start3A_261] : memref<2x32x120xi32, #tpu.memory_space<vmem>> -> memref<1x1x120xi32, #tpu.memory_space<vmem>>
      %dma_start3A_263 = tpu.memref_squeeze %dma_start3A_262 : memref<1x1x120xi32, #tpu.memory_space<vmem>> -> memref<120xi32, #tpu.memory_space<vmem>>
      %dma_start3A_264 = arith.constant 0 : i32
      %dma_start3A_265 = arith.constant 0 : i32
      %dma_start3A_266 = tpu.memref_slice %arg2[%dma_start3A_264, %dma_start3A_265] : memref<10240x16xf32, #tpu.memory_space<hbm>> -> memref<10240x16xf32, #tpu.memory_space<hbm>>
      tpu.enqueue_indirect_dma source(%dma_start3A_266 : memref<10240x16xf32, #tpu.memory_space<hbm>>) target(%arg8 : memref<120x16xf32, #tpu.memory_space<vmem>>) offsets(%dma_start3A_263 : memref<120xi32, #tpu.memory_space<vmem>>) semaphore(%arg11 : memref<!tpu.dma_semaphore, #tpu.memory_space<semaphore_mem>>)
      %dma_start3A_267 = arith.constant 0 : i32
      %dma_start3A_268 = arith.constant 1 : i32
      %dma_start3A_269 = arith.constant 0 : i32
      %dma_start3A_270 = tpu.memref_slice %arg6[%dma_start3A_267, %dma_start3A_268, %dma_start3A_269] : memref<2x32x120xi32, #tpu.memory_space<vmem>> -> memref<1x1x120xi32, #tpu.memory_space<vmem>>
      %dma_start3A_271 = tpu.memref_squeeze %dma_start3A_270 : memref<1x1x120xi32, #tpu.memory_space<vmem>> -> memref<120xi32, #tpu.memory_space<vmem>>
      %dma_start3A_272 = arith.constant 0 : i32
      %dma_start3A_273 = arith.constant 0 : i32
      %dma_start3A_274 = tpu.memref_slice %arg2[%dma_start3A_272, %dma_start3A_273] : memref<10240x16xf32, #tpu.memory_space<hbm>> -> memref<10240x16xf32, #tpu.memory_space<hbm>>
      tpu.enqueue_indirect_dma source(%dma_start3A_274 : memref<10240x16xf32, #tpu.memory_space<hbm>>) target(%arg9 : memref<120x16xf32, #tpu.memory_space<vmem>>) offsets(%dma_start3A_271 : memref<120xi32, #tpu.memory_space<vmem>>) semaphore(%arg12 : memref<!tpu.dma_semaphore, #tpu.memory_space<semaphore_mem>>)
      %scan3A_275 = arith.constant 0 : i32
      %scan3A_276 = arith.constant 16 : i32
      %scan3A_277 = arith.addi %scan3A_275, %scan3A_276 : i32
      %scan3A_278 = arith.constant 1 : i32
      scf.for %scan3A_280 = %scan3A_275 to %scan3A_277 step %scan3A_278  : i32 {
        %mul3A_281 = arith.constant 2 : i32
        %mul3A_282 = arith.muli %mul3A_281, %scan3A_280 : i32
        %add3A_283 = arith.constant 0 : i32
        %add3A_284 = arith.addi %mul3A_282, %add3A_283 : i32
        %dma_wait3A_285 = arith.constant 0 : i32
        %dma_wait3A_286 = arith.constant 0 : i32
        %dma_wait3A_287 = tpu.memref_slice %arg6[%dma_wait3A_285, %add3A_284, %dma_wait3A_286] : memref<2x32x120xi32, #tpu.memory_space<vmem>> -> memref<1x1x120xi32, #tpu.memory_space<vmem>>
        %dma_wait3A_288 = tpu.memref_squeeze %dma_wait3A_287 : memref<1x1x120xi32, #tpu.memory_space<vmem>> -> memref<120xi32, #tpu.memory_space<vmem>>
        %dma_wait3A_289 = arith.constant 0 : i32
        %dma_wait3A_290 = arith.constant 0 : i32
        %dma_wait3A_291 = tpu.memref_slice %arg2[%dma_wait3A_289, %dma_wait3A_290] : memref<10240x16xf32, #tpu.memory_space<hbm>> -> memref<10240x16xf32, #tpu.memory_space<hbm>>
        tpu.wait_indirect_dma semaphore(%arg11 : memref<!tpu.dma_semaphore, #tpu.memory_space<semaphore_mem>>) src(%dma_wait3A_291 : memref<10240x16xf32, #tpu.memory_space<hbm>>) dst(%arg8 : memref<120x16xf32, #tpu.memory_space<vmem>>)
        %dma_start3A_292 = arith.constant 0 : i32
        %dma_start3A_293 = arith.constant 0 : i32
        %dma_start3A_294 = tpu.memref_slice %arg7[%dma_start3A_292, %add3A_284, %dma_start3A_293] : memref<2x32x120xi32, #tpu.memory_space<vmem>> -> memref<1x1x120xi32, #tpu.memory_space<vmem>>
        %dma_start3A_295 = tpu.memref_squeeze %dma_start3A_294 : memref<1x1x120xi32, #tpu.memory_space<vmem>> -> memref<120xi32, #tpu.memory_space<vmem>>
        %dma_start3A_296 = arith.constant 0 : i32
        %dma_start3A_297 = arith.constant 0 : i32
        %dma_start3A_298 = tpu.memref_slice %arg10[%dma_start3A_296, %dma_start3A_297] : memref<10240x16xf32, #tpu.memory_space<vmem_shared>> -> memref<10240x16xf32, #tpu.memory_space<vmem_shared>>
        tpu.enqueue_indirect_dma source(%arg8 : memref<120x16xf32, #tpu.memory_space<vmem>>) target(%dma_start3A_298 : memref<10240x16xf32, #tpu.memory_space<vmem_shared>>) offsets(%dma_start3A_295 : memref<120xi32, #tpu.memory_space<vmem>>) semaphore(%arg13 : memref<!tpu.dma_semaphore, #tpu.memory_space<semaphore_mem>>) {add = true}
        %dma_wait3A_299 = arith.constant 0 : i32
        %dma_wait3A_300 = arith.constant 0 : i32
        %dma_wait3A_301 = tpu.memref_slice %arg7[%dma_wait3A_299, %add3A_284, %dma_wait3A_300] : memref<2x32x120xi32, #tpu.memory_space<vmem>> -> memref<1x1x120xi32, #tpu.memory_space<vmem>>
        %dma_wait3A_302 = tpu.memref_squeeze %dma_wait3A_301 : memref<1x1x120xi32, #tpu.memory_space<vmem>> -> memref<120xi32, #tpu.memory_space<vmem>>
        %dma_wait3A_303 = arith.constant 0 : i32
        %dma_wait3A_304 = arith.constant 0 : i32
        %dma_wait3A_305 = tpu.memref_slice %arg10[%dma_wait3A_303, %dma_wait3A_304] : memref<10240x16xf32, #tpu.memory_space<vmem_shared>> -> memref<10240x16xf32, #tpu.memory_space<vmem_shared>>
        tpu.wait_indirect_dma semaphore(%arg13 : memref<!tpu.dma_semaphore, #tpu.memory_space<semaphore_mem>>) src(%arg8 : memref<120x16xf32, #tpu.memory_space<vmem>>) dst(%dma_wait3A_305 : memref<10240x16xf32, #tpu.memory_space<vmem_shared>>)
        %add3A_306 = arith.constant 2 : i32
        %add3A_307 = arith.addi %add3A_284, %add3A_306 : i32
        %lt3A = arith.constant 32 : i32
        %lt3A_308 = arith.cmpi slt, %add3A_307, %lt3A : i32
        %convert_element_type3A_309 = arith.extui %lt3A_308 : i1 to i32
        %cond3A_310 = arith.constant 0 : i32
        %cond3A_311 = arith.cmpi ne, %convert_element_type3A_309, %cond3A_310 : i32
        scf.if %cond3A_311 {
          %add3A_344 = arith.constant 2 : i32
          %add3A_345 = arith.addi %add3A_284, %add3A_344 : i32
          %dma_start3A_346 = arith.constant 0 : i32
          %dma_start3A_347 = arith.constant 0 : i32
          %dma_start3A_348 = tpu.memref_slice %arg6[%dma_start3A_346, %add3A_345, %dma_start3A_347] : memref<2x32x120xi32, #tpu.memory_space<vmem>> -> memref<1x1x120xi32, #tpu.memory_space<vmem>>
          %dma_start3A_349 = tpu.memref_squeeze %dma_start3A_348 : memref<1x1x120xi32, #tpu.memory_space<vmem>> -> memref<120xi32, #tpu.memory_space<vmem>>
          %dma_start3A_350 = arith.constant 0 : i32
          %dma_start3A_351 = arith.constant 0 : i32
          %dma_start3A_352 = tpu.memref_slice %arg2[%dma_start3A_350, %dma_start3A_351] : memref<10240x16xf32, #tpu.memory_space<hbm>> -> memref<10240x16xf32, #tpu.memory_space<hbm>>
          tpu.enqueue_indirect_dma source(%dma_start3A_352 : memref<10240x16xf32, #tpu.memory_space<hbm>>) target(%arg8 : memref<120x16xf32, #tpu.memory_space<vmem>>) offsets(%dma_start3A_349 : memref<120xi32, #tpu.memory_space<vmem>>) semaphore(%arg11 : memref<!tpu.dma_semaphore, #tpu.memory_space<semaphore_mem>>)
        } else {
        }
        %mul3A_312 = arith.constant 2 : i32
        %mul3A_313 = arith.muli %mul3A_312, %scan3A_280 : i32
        %add3A_314 = arith.constant 1 : i32
        %add3A_315 = arith.addi %mul3A_313, %add3A_314 : i32
        %dma_wait3A_316 = arith.constant 0 : i32
        %dma_wait3A_317 = arith.constant 0 : i32
        %dma_wait3A_318 = tpu.memref_slice %arg6[%dma_wait3A_316, %add3A_315, %dma_wait3A_317] : memref<2x32x120xi32, #tpu.memory_space<vmem>> -> memref<1x1x120xi32, #tpu.memory_space<vmem>>
        %dma_wait3A_319 = tpu.memref_squeeze %dma_wait3A_318 : memref<1x1x120xi32, #tpu.memory_space<vmem>> -> memref<120xi32, #tpu.memory_space<vmem>>
        %dma_wait3A_320 = arith.constant 0 : i32
        %dma_wait3A_321 = arith.constant 0 : i32
        %dma_wait3A_322 = tpu.memref_slice %arg2[%dma_wait3A_320, %dma_wait3A_321] : memref<10240x16xf32, #tpu.memory_space<hbm>> -> memref<10240x16xf32, #tpu.memory_space<hbm>>
        tpu.wait_indirect_dma semaphore(%arg12 : memref<!tpu.dma_semaphore, #tpu.memory_space<semaphore_mem>>) src(%dma_wait3A_322 : memref<10240x16xf32, #tpu.memory_space<hbm>>) dst(%arg9 : memref<120x16xf32, #tpu.memory_space<vmem>>)
        %dma_start3A_323 = arith.constant 0 : i32
        %dma_start3A_324 = arith.constant 0 : i32
        %dma_start3A_325 = tpu.memref_slice %arg7[%dma_start3A_323, %add3A_315, %dma_start3A_324] : memref<2x32x120xi32, #tpu.memory_space<vmem>> -> memref<1x1x120xi32, #tpu.memory_space<vmem>>
        %dma_start3A_326 = tpu.memref_squeeze %dma_start3A_325 : memref<1x1x120xi32, #tpu.memory_space<vmem>> -> memref<120xi32, #tpu.memory_space<vmem>>
        %dma_start3A_327 = arith.constant 0 : i32
        %dma_start3A_328 = arith.constant 0 : i32
        %dma_start3A_329 = tpu.memref_slice %arg10[%dma_start3A_327, %dma_start3A_328] : memref<10240x16xf32, #tpu.memory_space<vmem_shared>> -> memref<10240x16xf32, #tpu.memory_space<vmem_shared>>
        tpu.enqueue_indirect_dma source(%arg9 : memref<120x16xf32, #tpu.memory_space<vmem>>) target(%dma_start3A_329 : memref<10240x16xf32, #tpu.memory_space<vmem_shared>>) offsets(%dma_start3A_326 : memref<120xi32, #tpu.memory_space<vmem>>) semaphore(%arg14 : memref<!tpu.dma_semaphore, #tpu.memory_space<semaphore_mem>>) {add = true}
        %dma_wait3A_330 = arith.constant 0 : i32
        %dma_wait3A_331 = arith.constant 0 : i32
        %dma_wait3A_332 = tpu.memref_slice %arg7[%dma_wait3A_330, %add3A_315, %dma_wait3A_331] : memref<2x32x120xi32, #tpu.memory_space<vmem>> -> memref<1x1x120xi32, #tpu.memory_space<vmem>>
        %dma_wait3A_333 = tpu.memref_squeeze %dma_wait3A_332 : memref<1x1x120xi32, #tpu.memory_space<vmem>> -> memref<120xi32, #tpu.memory_space<vmem>>
        %dma_wait3A_334 = arith.constant 0 : i32
        %dma_wait3A_335 = arith.constant 0 : i32
        %dma_wait3A_336 = tpu.memref_slice %arg10[%dma_wait3A_334, %dma_wait3A_335] : memref<10240x16xf32, #tpu.memory_space<vmem_shared>> -> memref<10240x16xf32, #tpu.memory_space<vmem_shared>>
        tpu.wait_indirect_dma semaphore(%arg14 : memref<!tpu.dma_semaphore, #tpu.memory_space<semaphore_mem>>) src(%arg9 : memref<120x16xf32, #tpu.memory_space<vmem>>) dst(%dma_wait3A_336 : memref<10240x16xf32, #tpu.memory_space<vmem_shared>>)
        %add3A_337 = arith.constant 2 : i32
        %add3A_338 = arith.addi %add3A_315, %add3A_337 : i32
        %lt3A_339 = arith.constant 32 : i32
        %lt3A_340 = arith.cmpi slt, %add3A_338, %lt3A_339 : i32
        %convert_element_type3A_341 = arith.extui %lt3A_340 : i1 to i32
        %cond3A_342 = arith.constant 0 : i32
        %cond3A_343 = arith.cmpi ne, %convert_element_type3A_341, %cond3A_342 : i32
        scf.if %cond3A_343 {
          %add3A_344 = arith.constant 2 : i32
          %add3A_345 = arith.addi %add3A_315, %add3A_344 : i32
          %dma_start3A_346 = arith.constant 0 : i32
          %dma_start3A_347 = arith.constant 0 : i32
          %dma_start3A_348 = tpu.memref_slice %arg6[%dma_start3A_346, %add3A_345, %dma_start3A_347] : memref<2x32x120xi32, #tpu.memory_space<vmem>> -> memref<1x1x120xi32, #tpu.memory_space<vmem>>
          %dma_start3A_349 = tpu.memref_squeeze %dma_start3A_348 : memref<1x1x120xi32, #tpu.memory_space<vmem>> -> memref<120xi32, #tpu.memory_space<vmem>>
          %dma_start3A_350 = arith.constant 0 : i32
          %dma_start3A_351 = arith.constant 0 : i32
          %dma_start3A_352 = tpu.memref_slice %arg2[%dma_start3A_350, %dma_start3A_351] : memref<10240x16xf32, #tpu.memory_space<hbm>> -> memref<10240x16xf32, #tpu.memory_space<hbm>>
          tpu.enqueue_indirect_dma source(%dma_start3A_352 : memref<10240x16xf32, #tpu.memory_space<hbm>>) target(%arg9 : memref<120x16xf32, #tpu.memory_space<vmem>>) offsets(%dma_start3A_349 : memref<120xi32, #tpu.memory_space<vmem>>) semaphore(%arg12 : memref<!tpu.dma_semaphore, #tpu.memory_space<semaphore_mem>>)
        } else {
        }
      }
      %scan3A_279 = arith.constant 16 : i32
    } else {
    }
    %eq3A_45 = arith.constant 1 : i32
    %eq3A_46 = arith.cmpi eq, %arg0, %eq3A_45 : i32
    %convert_element_type3A_47 = arith.extui %eq3A_46 : i1 to i32
    %cond3A_48 = arith.constant 0 : i32
    %cond3A_49 = arith.cmpi ne, %convert_element_type3A_47, %cond3A_48 : i32
    scf.if %cond3A_49 {
      %add3A_75 = arith.constant 0 : i32
      %add3A_76 = arith.addi %add3A_3, %add3A_75 : i32
      %dma_wait3A = arith.constant 0 : i32
      %dma_wait3A_77 = arith.constant 0 : i32
      %dma_wait3A_78 = arith.constant 0 : i32
      %dma_wait3A_79 = tpu.memref_slice %arg6[%dma_wait3A, %dma_wait3A_77, %dma_wait3A_78] : memref<2x32x120xi32, #tpu.memory_space<vmem>> -> memref<1x24x120xi32, #tpu.memory_space<vmem>>
      %dma_wait3A_80 = tpu.memref_squeeze %dma_wait3A_79 : memref<1x24x120xi32, #tpu.memory_space<vmem>> -> memref<24x120xi32, #tpu.memory_space<vmem>>
      %dma_wait3A_81 = arith.constant 0 : i32
      %dma_wait3A_82 = tpu.memref_slice %arg3[%add3A_76, %dma_wait3A_81] : memref<2688x120xi32, #tpu.memory_space<hbm>> -> memref<24x120xi32, #tpu.memory_space<hbm>>
      %dma_wait3A_83 = arith.constant 0 : i32
      %dma_wait3A_84 = arith.constant 0 : i32
      %dma_wait3A_85 = tpu.memref_slice %arg6[%dma_wait3A, %dma_wait3A_83, %dma_wait3A_84] : memref<2x32x120xi32, #tpu.memory_space<vmem>> -> memref<1x24x120xi32, #tpu.memory_space<vmem>>
      %dma_wait3A_86 = tpu.memref_squeeze %dma_wait3A_85 : memref<1x24x120xi32, #tpu.memory_space<vmem>> -> memref<24x120xi32, #tpu.memory_space<vmem>>
      %dma_wait3A_87 = arith.constant 0 : i32
      %dma_wait3A_88 = tpu.memref_slice %arg3[%add3A_76, %dma_wait3A_87] : memref<2688x120xi32, #tpu.memory_space<hbm>> -> memref<24x120xi32, #tpu.memory_space<hbm>>
      tpu.wait_dma2 semaphore(%arg15 : memref<!tpu.dma_semaphore, #tpu.memory_space<semaphore_mem>>) src(%dma_wait3A_88 : memref<24x120xi32, #tpu.memory_space<hbm>>) dst(%dma_wait3A_86 : memref<24x120xi32, #tpu.memory_space<vmem>>)
      %dma_wait3A_89 = arith.constant 0 : i32
      %dma_wait3A_90 = arith.constant 0 : i32
      %dma_wait3A_91 = arith.constant 0 : i32
      %dma_wait3A_92 = tpu.memref_slice %arg7[%dma_wait3A_89, %dma_wait3A_90, %dma_wait3A_91] : memref<2x32x120xi32, #tpu.memory_space<vmem>> -> memref<1x24x120xi32, #tpu.memory_space<vmem>>
      %dma_wait3A_93 = tpu.memref_squeeze %dma_wait3A_92 : memref<1x24x120xi32, #tpu.memory_space<vmem>> -> memref<24x120xi32, #tpu.memory_space<vmem>>
      %dma_wait3A_94 = arith.constant 0 : i32
      %dma_wait3A_95 = tpu.memref_slice %arg4[%add3A_76, %dma_wait3A_94] : memref<2688x120xi32, #tpu.memory_space<hbm>> -> memref<24x120xi32, #tpu.memory_space<hbm>>
      %dma_wait3A_96 = arith.constant 0 : i32
      %dma_wait3A_97 = arith.constant 0 : i32
      %dma_wait3A_98 = tpu.memref_slice %arg7[%dma_wait3A_89, %dma_wait3A_96, %dma_wait3A_97] : memref<2x32x120xi32, #tpu.memory_space<vmem>> -> memref<1x24x120xi32, #tpu.memory_space<vmem>>
      %dma_wait3A_99 = tpu.memref_squeeze %dma_wait3A_98 : memref<1x24x120xi32, #tpu.memory_space<vmem>> -> memref<24x120xi32, #tpu.memory_space<vmem>>
      %dma_wait3A_100 = arith.constant 0 : i32
      %dma_wait3A_101 = tpu.memref_slice %arg4[%add3A_76, %dma_wait3A_100] : memref<2688x120xi32, #tpu.memory_space<hbm>> -> memref<24x120xi32, #tpu.memory_space<hbm>>
      tpu.wait_dma2 semaphore(%arg15 : memref<!tpu.dma_semaphore, #tpu.memory_space<semaphore_mem>>) src(%dma_wait3A_101 : memref<24x120xi32, #tpu.memory_space<hbm>>) dst(%dma_wait3A_99 : memref<24x120xi32, #tpu.memory_space<vmem>>)
      %add3A_102 = arith.constant 0 : i32
      %add3A_103 = arith.addi %add3A_3, %add3A_102 : i32
      %add3A_104 = arith.constant 24 : i32
      %add3A_105 = arith.addi %add3A_103, %add3A_104 : i32
      %dma_start3A = arith.constant 1 : i32
      %dma_start3A_106 = arith.constant 0 : i32
      %dma_start3A_107 = arith.constant 0 : i32
      %dma_start3A_108 = tpu.memref_slice %arg6[%dma_start3A, %dma_start3A_106, %dma_start3A_107] : memref<2x32x120xi32, #tpu.memory_space<vmem>> -> memref<1x24x120xi32, #tpu.memory_space<vmem>>
      %dma_start3A_109 = tpu.memref_squeeze %dma_start3A_108 : memref<1x24x120xi32, #tpu.memory_space<vmem>> -> memref<24x120xi32, #tpu.memory_space<vmem>>
      %dma_start3A_110 = arith.constant 0 : i32
      %dma_start3A_111 = tpu.memref_slice %arg3[%add3A_105, %dma_start3A_110] : memref<2688x120xi32, #tpu.memory_space<hbm>> -> memref<24x120xi32, #tpu.memory_space<hbm>>
      %dma_start3A_112 = arith.constant 0 : i32
      %dma_start3A_113 = arith.constant 0 : i32
      %dma_start3A_114 = tpu.memref_slice %arg6[%dma_start3A, %dma_start3A_112, %dma_start3A_113] : memref<2x32x120xi32, #tpu.memory_space<vmem>> -> memref<1x24x120xi32, #tpu.memory_space<vmem>>
      %dma_start3A_115 = tpu.memref_squeeze %dma_start3A_114 : memref<1x24x120xi32, #tpu.memory_space<vmem>> -> memref<24x120xi32, #tpu.memory_space<vmem>>
      %dma_start3A_116 = arith.constant 0 : i32
      %dma_start3A_117 = tpu.memref_slice %arg3[%add3A_105, %dma_start3A_116] : memref<2688x120xi32, #tpu.memory_space<hbm>> -> memref<24x120xi32, #tpu.memory_space<hbm>>
      tpu.enqueue_dma source(%dma_start3A_117 : memref<24x120xi32, #tpu.memory_space<hbm>>) target(%dma_start3A_115 : memref<24x120xi32, #tpu.memory_space<vmem>>) target_semaphore(%arg16 : memref<!tpu.dma_semaphore, #tpu.memory_space<semaphore_mem>>)
      %dma_start3A_118 = arith.constant 1 : i32
      %dma_start3A_119 = arith.constant 0 : i32
      %dma_start3A_120 = arith.constant 0 : i32
      %dma_start3A_121 = tpu.memref_slice %arg7[%dma_start3A_118, %dma_start3A_119, %dma_start3A_120] : memref<2x32x120xi32, #tpu.memory_space<vmem>> -> memref<1x24x120xi32, #tpu.memory_space<vmem>>
      %dma_start3A_122 = tpu.memref_squeeze %dma_start3A_121 : memref<1x24x120xi32, #tpu.memory_space<vmem>> -> memref<24x120xi32, #tpu.memory_space<vmem>>
      %dma_start3A_123 = arith.constant 0 : i32
      %dma_start3A_124 = tpu.memref_slice %arg4[%add3A_105, %dma_start3A_123] : memref<2688x120xi32, #tpu.memory_space<hbm>> -> memref<24x120xi32, #tpu.memory_space<hbm>>
      %dma_start3A_125 = arith.constant 0 : i32
      %dma_start3A_126 = arith.constant 0 : i32
      %dma_start3A_127 = tpu.memref_slice %arg7[%dma_start3A_118, %dma_start3A_125, %dma_start3A_126] : memref<2x32x120xi32, #tpu.memory_space<vmem>> -> memref<1x24x120xi32, #tpu.memory_space<vmem>>
      %dma_start3A_128 = tpu.memref_squeeze %dma_start3A_127 : memref<1x24x120xi32, #tpu.memory_space<vmem>> -> memref<24x120xi32, #tpu.memory_space<vmem>>
      %dma_start3A_129 = arith.constant 0 : i32
      %dma_start3A_130 = tpu.memref_slice %arg4[%add3A_105, %dma_start3A_129] : memref<2688x120xi32, #tpu.memory_space<hbm>> -> memref<24x120xi32, #tpu.memory_space<hbm>>
      tpu.enqueue_dma source(%dma_start3A_130 : memref<24x120xi32, #tpu.memory_space<hbm>>) target(%dma_start3A_128 : memref<24x120xi32, #tpu.memory_space<vmem>>) target_semaphore(%arg16 : memref<!tpu.dma_semaphore, #tpu.memory_space<semaphore_mem>>)
      %dma_start3A_131 = arith.constant 0 : i32
      %dma_start3A_132 = arith.constant 0 : i32
      %dma_start3A_133 = arith.constant 0 : i32
      %dma_start3A_134 = tpu.memref_slice %arg6[%dma_start3A_131, %dma_start3A_132, %dma_start3A_133] : memref<2x32x120xi32, #tpu.memory_space<vmem>> -> memref<1x1x120xi32, #tpu.memory_space<vmem>>
      %dma_start3A_135 = tpu.memref_squeeze %dma_start3A_134 : memref<1x1x120xi32, #tpu.memory_space<vmem>> -> memref<120xi32, #tpu.memory_space<vmem>>
      %dma_start3A_136 = arith.constant 0 : i32
      %dma_start3A_137 = arith.constant 0 : i32
      %dma_start3A_138 = tpu.memref_slice %arg2[%dma_start3A_136, %dma_start3A_137] : memref<10240x16xf32, #tpu.memory_space<hbm>> -> memref<10240x16xf32, #tpu.memory_space<hbm>>
      tpu.enqueue_indirect_dma source(%dma_start3A_138 : memref<10240x16xf32, #tpu.memory_space<hbm>>) target(%arg8 : memref<120x16xf32, #tpu.memory_space<vmem>>) offsets(%dma_start3A_135 : memref<120xi32, #tpu.memory_space<vmem>>) semaphore(%arg11 : memref<!tpu.dma_semaphore, #tpu.memory_space<semaphore_mem>>)
      %dma_start3A_139 = arith.constant 0 : i32
      %dma_start3A_140 = arith.constant 1 : i32
      %dma_start3A_141 = arith.constant 0 : i32
      %dma_start3A_142 = tpu.memref_slice %arg6[%dma_start3A_139, %dma_start3A_140, %dma_start3A_141] : memref<2x32x120xi32, #tpu.memory_space<vmem>> -> memref<1x1x120xi32, #tpu.memory_space<vmem>>
      %dma_start3A_143 = tpu.memref_squeeze %dma_start3A_142 : memref<1x1x120xi32, #tpu.memory_space<vmem>> -> memref<120xi32, #tpu.memory_space<vmem>>
      %dma_start3A_144 = arith.constant 0 : i32
      %dma_start3A_145 = arith.constant 0 : i32
      %dma_start3A_146 = tpu.memref_slice %arg2[%dma_start3A_144, %dma_start3A_145] : memref<10240x16xf32, #tpu.memory_space<hbm>> -> memref<10240x16xf32, #tpu.memory_space<hbm>>
      tpu.enqueue_indirect_dma source(%dma_start3A_146 : memref<10240x16xf32, #tpu.memory_space<hbm>>) target(%arg9 : memref<120x16xf32, #tpu.memory_space<vmem>>) offsets(%dma_start3A_143 : memref<120xi32, #tpu.memory_space<vmem>>) semaphore(%arg12 : memref<!tpu.dma_semaphore, #tpu.memory_space<semaphore_mem>>)
      %scan3A_147 = arith.constant 0 : i32
      %scan3A_148 = arith.constant 12 : i32
      %scan3A_149 = arith.addi %scan3A_147, %scan3A_148 : i32
      %scan3A_150 = arith.constant 1 : i32
      scf.for %scan3A_280 = %scan3A_147 to %scan3A_149 step %scan3A_150  : i32 {
        %mul3A_281 = arith.constant 2 : i32
        %mul3A_282 = arith.muli %mul3A_281, %scan3A_280 : i32
        %add3A_283 = arith.constant 0 : i32
        %add3A_284 = arith.addi %mul3A_282, %add3A_283 : i32
        %dma_wait3A_285 = arith.constant 0 : i32
        %dma_wait3A_286 = arith.constant 0 : i32
        %dma_wait3A_287 = tpu.memref_slice %arg6[%dma_wait3A_285, %add3A_284, %dma_wait3A_286] : memref<2x32x120xi32, #tpu.memory_space<vmem>> -> memref<1x1x120xi32, #tpu.memory_space<vmem>>
        %dma_wait3A_288 = tpu.memref_squeeze %dma_wait3A_287 : memref<1x1x120xi32, #tpu.memory_space<vmem>> -> memref<120xi32, #tpu.memory_space<vmem>>
        %dma_wait3A_289 = arith.constant 0 : i32
        %dma_wait3A_290 = arith.constant 0 : i32
        %dma_wait3A_291 = tpu.memref_slice %arg2[%dma_wait3A_289, %dma_wait3A_290] : memref<10240x16xf32, #tpu.memory_space<hbm>> -> memref<10240x16xf32, #tpu.memory_space<hbm>>
        tpu.wait_indirect_dma semaphore(%arg11 : memref<!tpu.dma_semaphore, #tpu.memory_space<semaphore_mem>>) src(%dma_wait3A_291 : memref<10240x16xf32, #tpu.memory_space<hbm>>) dst(%arg8 : memref<120x16xf32, #tpu.memory_space<vmem>>)
        %dma_start3A_292 = arith.constant 0 : i32
        %dma_start3A_293 = arith.constant 0 : i32
        %dma_start3A_294 = tpu.memref_slice %arg7[%dma_start3A_292, %add3A_284, %dma_start3A_293] : memref<2x32x120xi32, #tpu.memory_space<vmem>> -> memref<1x1x120xi32, #tpu.memory_space<vmem>>
        %dma_start3A_295 = tpu.memref_squeeze %dma_start3A_294 : memref<1x1x120xi32, #tpu.memory_space<vmem>> -> memref<120xi32, #tpu.memory_space<vmem>>
        %dma_start3A_296 = arith.constant 0 : i32
        %dma_start3A_297 = arith.constant 0 : i32
        %dma_start3A_298 = tpu.memref_slice %arg10[%dma_start3A_296, %dma_start3A_297] : memref<10240x16xf32, #tpu.memory_space<vmem_shared>> -> memref<10240x16xf32, #tpu.memory_space<vmem_shared>>
        tpu.enqueue_indirect_dma source(%arg8 : memref<120x16xf32, #tpu.memory_space<vmem>>) target(%dma_start3A_298 : memref<10240x16xf32, #tpu.memory_space<vmem_shared>>) offsets(%dma_start3A_295 : memref<120xi32, #tpu.memory_space<vmem>>) semaphore(%arg13 : memref<!tpu.dma_semaphore, #tpu.memory_space<semaphore_mem>>) {add = true}
        %dma_wait3A_299 = arith.constant 0 : i32
        %dma_wait3A_300 = arith.constant 0 : i32
        %dma_wait3A_301 = tpu.memref_slice %arg7[%dma_wait3A_299, %add3A_284, %dma_wait3A_300] : memref<2x32x120xi32, #tpu.memory_space<vmem>> -> memref<1x1x120xi32, #tpu.memory_space<vmem>>
        %dma_wait3A_302 = tpu.memref_squeeze %dma_wait3A_301 : memref<1x1x120xi32, #tpu.memory_space<vmem>> -> memref<120xi32, #tpu.memory_space<vmem>>
        %dma_wait3A_303 = arith.constant 0 : i32
        %dma_wait3A_304 = arith.constant 0 : i32
        %dma_wait3A_305 = tpu.memref_slice %arg10[%dma_wait3A_303, %dma_wait3A_304] : memref<10240x16xf32, #tpu.memory_space<vmem_shared>> -> memref<10240x16xf32, #tpu.memory_space<vmem_shared>>
        tpu.wait_indirect_dma semaphore(%arg13 : memref<!tpu.dma_semaphore, #tpu.memory_space<semaphore_mem>>) src(%arg8 : memref<120x16xf32, #tpu.memory_space<vmem>>) dst(%dma_wait3A_305 : memref<10240x16xf32, #tpu.memory_space<vmem_shared>>)
        %add3A_306 = arith.constant 2 : i32
        %add3A_307 = arith.addi %add3A_284, %add3A_306 : i32
        %lt3A = arith.constant 24 : i32
        %lt3A_308 = arith.cmpi slt, %add3A_307, %lt3A : i32
        %convert_element_type3A_309 = arith.extui %lt3A_308 : i1 to i32
        %cond3A_310 = arith.constant 0 : i32
        %cond3A_311 = arith.cmpi ne, %convert_element_type3A_309, %cond3A_310 : i32
        scf.if %cond3A_311 {
          %add3A_344 = arith.constant 2 : i32
          %add3A_345 = arith.addi %add3A_284, %add3A_344 : i32
          %dma_start3A_346 = arith.constant 0 : i32
          %dma_start3A_347 = arith.constant 0 : i32
          %dma_start3A_348 = tpu.memref_slice %arg6[%dma_start3A_346, %add3A_345, %dma_start3A_347] : memref<2x32x120xi32, #tpu.memory_space<vmem>> -> memref<1x1x120xi32, #tpu.memory_space<vmem>>
          %dma_start3A_349 = tpu.memref_squeeze %dma_start3A_348 : memref<1x1x120xi32, #tpu.memory_space<vmem>> -> memref<120xi32, #tpu.memory_space<vmem>>
          %dma_start3A_350 = arith.constant 0 : i32
          %dma_start3A_351 = arith.constant 0 : i32
          %dma_start3A_352 = tpu.memref_slice %arg2[%dma_start3A_350, %dma_start3A_351] : memref<10240x16xf32, #tpu.memory_space<hbm>> -> memref<10240x16xf32, #tpu.memory_space<hbm>>
          tpu.enqueue_indirect_dma source(%dma_start3A_352 : memref<10240x16xf32, #tpu.memory_space<hbm>>) target(%arg8 : memref<120x16xf32, #tpu.memory_space<vmem>>) offsets(%dma_start3A_349 : memref<120xi32, #tpu.memory_space<vmem>>) semaphore(%arg11 : memref<!tpu.dma_semaphore, #tpu.memory_space<semaphore_mem>>)
        } else {
        }
        %mul3A_312 = arith.constant 2 : i32
        %mul3A_313 = arith.muli %mul3A_312, %scan3A_280 : i32
        %add3A_314 = arith.constant 1 : i32
        %add3A_315 = arith.addi %mul3A_313, %add3A_314 : i32
        %dma_wait3A_316 = arith.constant 0 : i32
        %dma_wait3A_317 = arith.constant 0 : i32
        %dma_wait3A_318 = tpu.memref_slice %arg6[%dma_wait3A_316, %add3A_315, %dma_wait3A_317] : memref<2x32x120xi32, #tpu.memory_space<vmem>> -> memref<1x1x120xi32, #tpu.memory_space<vmem>>
        %dma_wait3A_319 = tpu.memref_squeeze %dma_wait3A_318 : memref<1x1x120xi32, #tpu.memory_space<vmem>> -> memref<120xi32, #tpu.memory_space<vmem>>
        %dma_wait3A_320 = arith.constant 0 : i32
        %dma_wait3A_321 = arith.constant 0 : i32
        %dma_wait3A_322 = tpu.memref_slice %arg2[%dma_wait3A_320, %dma_wait3A_321] : memref<10240x16xf32, #tpu.memory_space<hbm>> -> memref<10240x16xf32, #tpu.memory_space<hbm>>
        tpu.wait_indirect_dma semaphore(%arg12 : memref<!tpu.dma_semaphore, #tpu.memory_space<semaphore_mem>>) src(%dma_wait3A_322 : memref<10240x16xf32, #tpu.memory_space<hbm>>) dst(%arg9 : memref<120x16xf32, #tpu.memory_space<vmem>>)
        %dma_start3A_323 = arith.constant 0 : i32
        %dma_start3A_324 = arith.constant 0 : i32
        %dma_start3A_325 = tpu.memref_slice %arg7[%dma_start3A_323, %add3A_315, %dma_start3A_324] : memref<2x32x120xi32, #tpu.memory_space<vmem>> -> memref<1x1x120xi32, #tpu.memory_space<vmem>>
        %dma_start3A_326 = tpu.memref_squeeze %dma_start3A_325 : memref<1x1x120xi32, #tpu.memory_space<vmem>> -> memref<120xi32, #tpu.memory_space<vmem>>
        %dma_start3A_327 = arith.constant 0 : i32
        %dma_start3A_328 = arith.constant 0 : i32
        %dma_start3A_329 = tpu.memref_slice %arg10[%dma_start3A_327, %dma_start3A_328] : memref<10240x16xf32, #tpu.memory_space<vmem_shared>> -> memref<10240x16xf32, #tpu.memory_space<vmem_shared>>
        tpu.enqueue_indirect_dma source(%arg9 : memref<120x16xf32, #tpu.memory_space<vmem>>) target(%dma_start3A_329 : memref<10240x16xf32, #tpu.memory_space<vmem_shared>>) offsets(%dma_start3A_326 : memref<120xi32, #tpu.memory_space<vmem>>) semaphore(%arg14 : memref<!tpu.dma_semaphore, #tpu.memory_space<semaphore_mem>>) {add = true}
        %dma_wait3A_330 = arith.constant 0 : i32
        %dma_wait3A_331 = arith.constant 0 : i32
        %dma_wait3A_332 = tpu.memref_slice %arg7[%dma_wait3A_330, %add3A_315, %dma_wait3A_331] : memref<2x32x120xi32, #tpu.memory_space<vmem>> -> memref<1x1x120xi32, #tpu.memory_space<vmem>>
        %dma_wait3A_333 = tpu.memref_squeeze %dma_wait3A_332 : memref<1x1x120xi32, #tpu.memory_space<vmem>> -> memref<120xi32, #tpu.memory_space<vmem>>
        %dma_wait3A_334 = arith.constant 0 : i32
        %dma_wait3A_335 = arith.constant 0 : i32
        %dma_wait3A_336 = tpu.memref_slice %arg10[%dma_wait3A_334, %dma_wait3A_335] : memref<10240x16xf32, #tpu.memory_space<vmem_shared>> -> memref<10240x16xf32, #tpu.memory_space<vmem_shared>>
        tpu.wait_indirect_dma semaphore(%arg14 : memref<!tpu.dma_semaphore, #tpu.memory_space<semaphore_mem>>) src(%arg9 : memref<120x16xf32, #tpu.memory_space<vmem>>) dst(%dma_wait3A_336 : memref<10240x16xf32, #tpu.memory_space<vmem_shared>>)
        %add3A_337 = arith.constant 2 : i32
        %add3A_338 = arith.addi %add3A_315, %add3A_337 : i32
        %lt3A_339 = arith.constant 24 : i32
        %lt3A_340 = arith.cmpi slt, %add3A_338, %lt3A_339 : i32
        %convert_element_type3A_341 = arith.extui %lt3A_340 : i1 to i32
        %cond3A_342 = arith.constant 0 : i32
        %cond3A_343 = arith.cmpi ne, %convert_element_type3A_341, %cond3A_342 : i32
        scf.if %cond3A_343 {
          %add3A_344 = arith.constant 2 : i32
          %add3A_345 = arith.addi %add3A_315, %add3A_344 : i32
          %dma_start3A_346 = arith.constant 0 : i32
          %dma_start3A_347 = arith.constant 0 : i32
          %dma_start3A_348 = tpu.memref_slice %arg6[%dma_start3A_346, %add3A_345, %dma_start3A_347] : memref<2x32x120xi32, #tpu.memory_space<vmem>> -> memref<1x1x120xi32, #tpu.memory_space<vmem>>
          %dma_start3A_349 = tpu.memref_squeeze %dma_start3A_348 : memref<1x1x120xi32, #tpu.memory_space<vmem>> -> memref<120xi32, #tpu.memory_space<vmem>>
          %dma_start3A_350 = arith.constant 0 : i32
          %dma_start3A_351 = arith.constant 0 : i32
          %dma_start3A_352 = tpu.memref_slice %arg2[%dma_start3A_350, %dma_start3A_351] : memref<10240x16xf32, #tpu.memory_space<hbm>> -> memref<10240x16xf32, #tpu.memory_space<hbm>>
          tpu.enqueue_indirect_dma source(%dma_start3A_352 : memref<10240x16xf32, #tpu.memory_space<hbm>>) target(%arg9 : memref<120x16xf32, #tpu.memory_space<vmem>>) offsets(%dma_start3A_349 : memref<120xi32, #tpu.memory_space<vmem>>) semaphore(%arg12 : memref<!tpu.dma_semaphore, #tpu.memory_space<semaphore_mem>>)
        } else {
        }
      }
      %scan3A_151 = arith.constant 12 : i32
      %add3A_152 = arith.constant 24 : i32
      %add3A_153 = arith.addi %add3A_3, %add3A_152 : i32
      %dma_wait3A_154 = arith.constant 1 : i32
      %dma_wait3A_155 = arith.constant 0 : i32
      %dma_wait3A_156 = arith.constant 0 : i32
      %dma_wait3A_157 = tpu.memref_slice %arg6[%dma_wait3A_154, %dma_wait3A_155, %dma_wait3A_156] : memref<2x32x120xi32, #tpu.memory_space<vmem>> -> memref<1x24x120xi32, #tpu.memory_space<vmem>>
      %dma_wait3A_158 = tpu.memref_squeeze %dma_wait3A_157 : memref<1x24x120xi32, #tpu.memory_space<vmem>> -> memref<24x120xi32, #tpu.memory_space<vmem>>
      %dma_wait3A_159 = arith.constant 0 : i32
      %dma_wait3A_160 = tpu.memref_slice %arg3[%add3A_153, %dma_wait3A_159] : memref<2688x120xi32, #tpu.memory_space<hbm>> -> memref<24x120xi32, #tpu.memory_space<hbm>>
      %dma_wait3A_161 = arith.constant 0 : i32
      %dma_wait3A_162 = arith.constant 0 : i32
      %dma_wait3A_163 = tpu.memref_slice %arg6[%dma_wait3A_154, %dma_wait3A_161, %dma_wait3A_162] : memref<2x32x120xi32, #tpu.memory_space<vmem>> -> memref<1x24x120xi32, #tpu.memory_space<vmem>>
      %dma_wait3A_164 = tpu.memref_squeeze %dma_wait3A_163 : memref<1x24x120xi32, #tpu.memory_space<vmem>> -> memref<24x120xi32, #tpu.memory_space<vmem>>
      %dma_wait3A_165 = arith.constant 0 : i32
      %dma_wait3A_166 = tpu.memref_slice %arg3[%add3A_153, %dma_wait3A_165] : memref<2688x120xi32, #tpu.memory_space<hbm>> -> memref<24x120xi32, #tpu.memory_space<hbm>>
      tpu.wait_dma2 semaphore(%arg16 : memref<!tpu.dma_semaphore, #tpu.memory_space<semaphore_mem>>) src(%dma_wait3A_166 : memref<24x120xi32, #tpu.memory_space<hbm>>) dst(%dma_wait3A_164 : memref<24x120xi32, #tpu.memory_space<vmem>>)
      %dma_wait3A_167 = arith.constant 1 : i32
      %dma_wait3A_168 = arith.constant 0 : i32
      %dma_wait3A_169 = arith.constant 0 : i32
      %dma_wait3A_170 = tpu.memref_slice %arg7[%dma_wait3A_167, %dma_wait3A_168, %dma_wait3A_169] : memref<2x32x120xi32, #tpu.memory_space<vmem>> -> memref<1x24x120xi32, #tpu.memory_space<vmem>>
      %dma_wait3A_171 = tpu.memref_squeeze %dma_wait3A_170 : memref<1x24x120xi32, #tpu.memory_space<vmem>> -> memref<24x120xi32, #tpu.memory_space<vmem>>
      %dma_wait3A_172 = arith.constant 0 : i32
      %dma_wait3A_173 = tpu.memref_slice %arg4[%add3A_153, %dma_wait3A_172] : memref<2688x120xi32, #tpu.memory_space<hbm>> -> memref<24x120xi32, #tpu.memory_space<hbm>>
      %dma_wait3A_174 = arith.constant 0 : i32
      %dma_wait3A_175 = arith.constant 0 : i32
      %dma_wait3A_176 = tpu.memref_slice %arg7[%dma_wait3A_167, %dma_wait3A_174, %dma_wait3A_175] : memref<2x32x120xi32, #tpu.memory_space<vmem>> -> memref<1x24x120xi32, #tpu.memory_space<vmem>>
      %dma_wait3A_177 = tpu.memref_squeeze %dma_wait3A_176 : memref<1x24x120xi32, #tpu.memory_space<vmem>> -> memref<24x120xi32, #tpu.memory_space<vmem>>
      %dma_wait3A_178 = arith.constant 0 : i32
      %dma_wait3A_179 = tpu.memref_slice %arg4[%add3A_153, %dma_wait3A_178] : memref<2688x120xi32, #tpu.memory_space<hbm>> -> memref<24x120xi32, #tpu.memory_space<hbm>>
      tpu.wait_dma2 semaphore(%arg16 : memref<!tpu.dma_semaphore, #tpu.memory_space<semaphore_mem>>) src(%dma_wait3A_179 : memref<24x120xi32, #tpu.memory_space<hbm>>) dst(%dma_wait3A_177 : memref<24x120xi32, #tpu.memory_space<vmem>>)
      %add3A_180 = arith.constant 24 : i32
      %add3A_181 = arith.addi %add3A_3, %add3A_180 : i32
      %add3A_182 = arith.constant 24 : i32
      %add3A_183 = arith.addi %add3A_181, %add3A_182 : i32
      %dma_start3A_184 = arith.constant 0 : i32
      %dma_start3A_185 = arith.constant 0 : i32
      %dma_start3A_186 = arith.constant 0 : i32
      %dma_start3A_187 = tpu.memref_slice %arg6[%dma_start3A_184, %dma_start3A_185, %dma_start3A_186] : memref<2x32x120xi32, #tpu.memory_space<vmem>> -> memref<1x24x120xi32, #tpu.memory_space<vmem>>
      %dma_start3A_188 = tpu.memref_squeeze %dma_start3A_187 : memref<1x24x120xi32, #tpu.memory_space<vmem>> -> memref<24x120xi32, #tpu.memory_space<vmem>>
      %dma_start3A_189 = arith.constant 0 : i32
      %dma_start3A_190 = tpu.memref_slice %arg3[%add3A_183, %dma_start3A_189] : memref<2688x120xi32, #tpu.memory_space<hbm>> -> memref<24x120xi32, #tpu.memory_space<hbm>>
      %dma_start3A_191 = arith.constant 0 : i32
      %dma_start3A_192 = arith.constant 0 : i32
      %dma_start3A_193 = tpu.memref_slice %arg6[%dma_start3A_184, %dma_start3A_191, %dma_start3A_192] : memref<2x32x120xi32, #tpu.memory_space<vmem>> -> memref<1x24x120xi32, #tpu.memory_space<vmem>>
      %dma_start3A_194 = tpu.memref_squeeze %dma_start3A_193 : memref<1x24x120xi32, #tpu.memory_space<vmem>> -> memref<24x120xi32, #tpu.memory_space<vmem>>
      %dma_start3A_195 = arith.constant 0 : i32
      %dma_start3A_196 = tpu.memref_slice %arg3[%add3A_183, %dma_start3A_195] : memref<2688x120xi32, #tpu.memory_space<hbm>> -> memref<24x120xi32, #tpu.memory_space<hbm>>
      tpu.enqueue_dma source(%dma_start3A_196 : memref<24x120xi32, #tpu.memory_space<hbm>>) target(%dma_start3A_194 : memref<24x120xi32, #tpu.memory_space<vmem>>) target_semaphore(%arg15 : memref<!tpu.dma_semaphore, #tpu.memory_space<semaphore_mem>>)
      %dma_start3A_197 = arith.constant 0 : i32
      %dma_start3A_198 = arith.constant 0 : i32
      %dma_start3A_199 = arith.constant 0 : i32
      %dma_start3A_200 = tpu.memref_slice %arg7[%dma_start3A_197, %dma_start3A_198, %dma_start3A_199] : memref<2x32x120xi32, #tpu.memory_space<vmem>> -> memref<1x24x120xi32, #tpu.memory_space<vmem>>
      %dma_start3A_201 = tpu.memref_squeeze %dma_start3A_200 : memref<1x24x120xi32, #tpu.memory_space<vmem>> -> memref<24x120xi32, #tpu.memory_space<vmem>>
      %dma_start3A_202 = arith.constant 0 : i32
      %dma_start3A_203 = tpu.memref_slice %arg4[%add3A_183, %dma_start3A_202] : memref<2688x120xi32, #tpu.memory_space<hbm>> -> memref<24x120xi32, #tpu.memory_space<hbm>>
      %dma_start3A_204 = arith.constant 0 : i32
      %dma_start3A_205 = arith.constant 0 : i32
      %dma_start3A_206 = tpu.memref_slice %arg7[%dma_start3A_197, %dma_start3A_204, %dma_start3A_205] : memref<2x32x120xi32, #tpu.memory_space<vmem>> -> memref<1x24x120xi32, #tpu.memory_space<vmem>>
      %dma_start3A_207 = tpu.memref_squeeze %dma_start3A_206 : memref<1x24x120xi32, #tpu.memory_space<vmem>> -> memref<24x120xi32, #tpu.memory_space<vmem>>
      %dma_start3A_208 = arith.constant 0 : i32
      %dma_start3A_209 = tpu.memref_slice %arg4[%add3A_183, %dma_start3A_208] : memref<2688x120xi32, #tpu.memory_space<hbm>> -> memref<24x120xi32, #tpu.memory_space<hbm>>
      tpu.enqueue_dma source(%dma_start3A_209 : memref<24x120xi32, #tpu.memory_space<hbm>>) target(%dma_start3A_207 : memref<24x120xi32, #tpu.memory_space<vmem>>) target_semaphore(%arg15 : memref<!tpu.dma_semaphore, #tpu.memory_space<semaphore_mem>>)
      %dma_start3A_210 = arith.constant 1 : i32
      %dma_start3A_211 = arith.constant 0 : i32
      %dma_start3A_212 = arith.constant 0 : i32
      %dma_start3A_213 = tpu.memref_slice %arg6[%dma_start3A_210, %dma_start3A_211, %dma_start3A_212] : memref<2x32x120xi32, #tpu.memory_space<vmem>> -> memref<1x1x120xi32, #tpu.memory_space<vmem>>
      %dma_start3A_214 = tpu.memref_squeeze %dma_start3A_213 : memref<1x1x120xi32, #tpu.memory_space<vmem>> -> memref<120xi32, #tpu.memory_space<vmem>>
      %dma_start3A_215 = arith.constant 0 : i32
      %dma_start3A_216 = arith.constant 0 : i32
      %dma_start3A_217 = tpu.memref_slice %arg2[%dma_start3A_215, %dma_start3A_216] : memref<10240x16xf32, #tpu.memory_space<hbm>> -> memref<10240x16xf32, #tpu.memory_space<hbm>>
      tpu.enqueue_indirect_dma source(%dma_start3A_217 : memref<10240x16xf32, #tpu.memory_space<hbm>>) target(%arg8 : memref<120x16xf32, #tpu.memory_space<vmem>>) offsets(%dma_start3A_214 : memref<120xi32, #tpu.memory_space<vmem>>) semaphore(%arg11 : memref<!tpu.dma_semaphore, #tpu.memory_space<semaphore_mem>>)
      %dma_start3A_218 = arith.constant 1 : i32
      %dma_start3A_219 = arith.constant 1 : i32
      %dma_start3A_220 = arith.constant 0 : i32
      %dma_start3A_221 = tpu.memref_slice %arg6[%dma_start3A_218, %dma_start3A_219, %dma_start3A_220] : memref<2x32x120xi32, #tpu.memory_space<vmem>> -> memref<1x1x120xi32, #tpu.memory_space<vmem>>
      %dma_start3A_222 = tpu.memref_squeeze %dma_start3A_221 : memref<1x1x120xi32, #tpu.memory_space<vmem>> -> memref<120xi32, #tpu.memory_space<vmem>>
      %dma_start3A_223 = arith.constant 0 : i32
      %dma_start3A_224 = arith.constant 0 : i32
      %dma_start3A_225 = tpu.memref_slice %arg2[%dma_start3A_223, %dma_start3A_224] : memref<10240x16xf32, #tpu.memory_space<hbm>> -> memref<10240x16xf32, #tpu.memory_space<hbm>>
      tpu.enqueue_indirect_dma source(%dma_start3A_225 : memref<10240x16xf32, #tpu.memory_space<hbm>>) target(%arg9 : memref<120x16xf32, #tpu.memory_space<vmem>>) offsets(%dma_start3A_222 : memref<120xi32, #tpu.memory_space<vmem>>) semaphore(%arg12 : memref<!tpu.dma_semaphore, #tpu.memory_space<semaphore_mem>>)
      %scan3A_226 = arith.constant 0 : i32
      %scan3A_227 = arith.constant 12 : i32
      %scan3A_228 = arith.addi %scan3A_226, %scan3A_227 : i32
      %scan3A_229 = arith.constant 1 : i32
      scf.for %scan3A_280 = %scan3A_226 to %scan3A_228 step %scan3A_229  : i32 {
        %mul3A_281 = arith.constant 2 : i32
        %mul3A_282 = arith.muli %mul3A_281, %scan3A_280 : i32
        %add3A_283 = arith.constant 0 : i32
        %add3A_284 = arith.addi %mul3A_282, %add3A_283 : i32
        %dma_wait3A_285 = arith.constant 1 : i32
        %dma_wait3A_286 = arith.constant 0 : i32
        %dma_wait3A_287 = tpu.memref_slice %arg6[%dma_wait3A_285, %add3A_284, %dma_wait3A_286] : memref<2x32x120xi32, #tpu.memory_space<vmem>> -> memref<1x1x120xi32, #tpu.memory_space<vmem>>
        %dma_wait3A_288 = tpu.memref_squeeze %dma_wait3A_287 : memref<1x1x120xi32, #tpu.memory_space<vmem>> -> memref<120xi32, #tpu.memory_space<vmem>>
        %dma_wait3A_289 = arith.constant 0 : i32
        %dma_wait3A_290 = arith.constant 0 : i32
        %dma_wait3A_291 = tpu.memref_slice %arg2[%dma_wait3A_289, %dma_wait3A_290] : memref<10240x16xf32, #tpu.memory_space<hbm>> -> memref<10240x16xf32, #tpu.memory_space<hbm>>
        tpu.wait_indirect_dma semaphore(%arg11 : memref<!tpu.dma_semaphore, #tpu.memory_space<semaphore_mem>>) src(%dma_wait3A_291 : memref<10240x16xf32, #tpu.memory_space<hbm>>) dst(%arg8 : memref<120x16xf32, #tpu.memory_space<vmem>>)
        %dma_start3A_292 = arith.constant 1 : i32
        %dma_start3A_293 = arith.constant 0 : i32
        %dma_start3A_294 = tpu.memref_slice %arg7[%dma_start3A_292, %add3A_284, %dma_start3A_293] : memref<2x32x120xi32, #tpu.memory_space<vmem>> -> memref<1x1x120xi32, #tpu.memory_space<vmem>>
        %dma_start3A_295 = tpu.memref_squeeze %dma_start3A_294 : memref<1x1x120xi32, #tpu.memory_space<vmem>> -> memref<120xi32, #tpu.memory_space<vmem>>
        %dma_start3A_296 = arith.constant 0 : i32
        %dma_start3A_297 = arith.constant 0 : i32
        %dma_start3A_298 = tpu.memref_slice %arg10[%dma_start3A_296, %dma_start3A_297] : memref<10240x16xf32, #tpu.memory_space<vmem_shared>> -> memref<10240x16xf32, #tpu.memory_space<vmem_shared>>
        tpu.enqueue_indirect_dma source(%arg8 : memref<120x16xf32, #tpu.memory_space<vmem>>) target(%dma_start3A_298 : memref<10240x16xf32, #tpu.memory_space<vmem_shared>>) offsets(%dma_start3A_295 : memref<120xi32, #tpu.memory_space<vmem>>) semaphore(%arg13 : memref<!tpu.dma_semaphore, #tpu.memory_space<semaphore_mem>>) {add = true}
        %dma_wait3A_299 = arith.constant 1 : i32
        %dma_wait3A_300 = arith.constant 0 : i32
        %dma_wait3A_301 = tpu.memref_slice %arg7[%dma_wait3A_299, %add3A_284, %dma_wait3A_300] : memref<2x32x120xi32, #tpu.memory_space<vmem>> -> memref<1x1x120xi32, #tpu.memory_space<vmem>>
        %dma_wait3A_302 = tpu.memref_squeeze %dma_wait3A_301 : memref<1x1x120xi32, #tpu.memory_space<vmem>> -> memref<120xi32, #tpu.memory_space<vmem>>
        %dma_wait3A_303 = arith.constant 0 : i32
        %dma_wait3A_304 = arith.constant 0 : i32
        %dma_wait3A_305 = tpu.memref_slice %arg10[%dma_wait3A_303, %dma_wait3A_304] : memref<10240x16xf32, #tpu.memory_space<vmem_shared>> -> memref<10240x16xf32, #tpu.memory_space<vmem_shared>>
        tpu.wait_indirect_dma semaphore(%arg13 : memref<!tpu.dma_semaphore, #tpu.memory_space<semaphore_mem>>) src(%arg8 : memref<120x16xf32, #tpu.memory_space<vmem>>) dst(%dma_wait3A_305 : memref<10240x16xf32, #tpu.memory_space<vmem_shared>>)
        %add3A_306 = arith.constant 2 : i32
        %add3A_307 = arith.addi %add3A_284, %add3A_306 : i32
        %lt3A = arith.constant 24 : i32
        %lt3A_308 = arith.cmpi slt, %add3A_307, %lt3A : i32
        %convert_element_type3A_309 = arith.extui %lt3A_308 : i1 to i32
        %cond3A_310 = arith.constant 0 : i32
        %cond3A_311 = arith.cmpi ne, %convert_element_type3A_309, %cond3A_310 : i32
        scf.if %cond3A_311 {
          %add3A_344 = arith.constant 2 : i32
          %add3A_345 = arith.addi %add3A_284, %add3A_344 : i32
          %dma_start3A_346 = arith.constant 1 : i32
          %dma_start3A_347 = arith.constant 0 : i32
          %dma_start3A_348 = tpu.memref_slice %arg6[%dma_start3A_346, %add3A_345, %dma_start3A_347] : memref<2x32x120xi32, #tpu.memory_space<vmem>> -> memref<1x1x120xi32, #tpu.memory_space<vmem>>
          %dma_start3A_349 = tpu.memref_squeeze %dma_start3A_348 : memref<1x1x120xi32, #tpu.memory_space<vmem>> -> memref<120xi32, #tpu.memory_space<vmem>>
          %dma_start3A_350 = arith.constant 0 : i32
          %dma_start3A_351 = arith.constant 0 : i32
          %dma_start3A_352 = tpu.memref_slice %arg2[%dma_start3A_350, %dma_start3A_351] : memref<10240x16xf32, #tpu.memory_space<hbm>> -> memref<10240x16xf32, #tpu.memory_space<hbm>>
          tpu.enqueue_indirect_dma source(%dma_start3A_352 : memref<10240x16xf32, #tpu.memory_space<hbm>>) target(%arg8 : memref<120x16xf32, #tpu.memory_space<vmem>>) offsets(%dma_start3A_349 : memref<120xi32, #tpu.memory_space<vmem>>) semaphore(%arg11 : memref<!tpu.dma_semaphore, #tpu.memory_space<semaphore_mem>>)
        } else {
        }
        %mul3A_312 = arith.constant 2 : i32
        %mul3A_313 = arith.muli %mul3A_312, %scan3A_280 : i32
        %add3A_314 = arith.constant 1 : i32
        %add3A_315 = arith.addi %mul3A_313, %add3A_314 : i32
        %dma_wait3A_316 = arith.constant 1 : i32
        %dma_wait3A_317 = arith.constant 0 : i32
        %dma_wait3A_318 = tpu.memref_slice %arg6[%dma_wait3A_316, %add3A_315, %dma_wait3A_317] : memref<2x32x120xi32, #tpu.memory_space<vmem>> -> memref<1x1x120xi32, #tpu.memory_space<vmem>>
        %dma_wait3A_319 = tpu.memref_squeeze %dma_wait3A_318 : memref<1x1x120xi32, #tpu.memory_space<vmem>> -> memref<120xi32, #tpu.memory_space<vmem>>
        %dma_wait3A_320 = arith.constant 0 : i32
        %dma_wait3A_321 = arith.constant 0 : i32
        %dma_wait3A_322 = tpu.memref_slice %arg2[%dma_wait3A_320, %dma_wait3A_321] : memref<10240x16xf32, #tpu.memory_space<hbm>> -> memref<10240x16xf32, #tpu.memory_space<hbm>>
        tpu.wait_indirect_dma semaphore(%arg12 : memref<!tpu.dma_semaphore, #tpu.memory_space<semaphore_mem>>) src(%dma_wait3A_322 : memref<10240x16xf32, #tpu.memory_space<hbm>>) dst(%arg9 : memref<120x16xf32, #tpu.memory_space<vmem>>)
        %dma_start3A_323 = arith.constant 1 : i32
        %dma_start3A_324 = arith.constant 0 : i32
        %dma_start3A_325 = tpu.memref_slice %arg7[%dma_start3A_323, %add3A_315, %dma_start3A_324] : memref<2x32x120xi32, #tpu.memory_space<vmem>> -> memref<1x1x120xi32, #tpu.memory_space<vmem>>
        %dma_start3A_326 = tpu.memref_squeeze %dma_start3A_325 : memref<1x1x120xi32, #tpu.memory_space<vmem>> -> memref<120xi32, #tpu.memory_space<vmem>>
        %dma_start3A_327 = arith.constant 0 : i32
        %dma_start3A_328 = arith.constant 0 : i32
        %dma_start3A_329 = tpu.memref_slice %arg10[%dma_start3A_327, %dma_start3A_328] : memref<10240x16xf32, #tpu.memory_space<vmem_shared>> -> memref<10240x16xf32, #tpu.memory_space<vmem_shared>>
        tpu.enqueue_indirect_dma source(%arg9 : memref<120x16xf32, #tpu.memory_space<vmem>>) target(%dma_start3A_329 : memref<10240x16xf32, #tpu.memory_space<vmem_shared>>) offsets(%dma_start3A_326 : memref<120xi32, #tpu.memory_space<vmem>>) semaphore(%arg14 : memref<!tpu.dma_semaphore, #tpu.memory_space<semaphore_mem>>) {add = true}
        %dma_wait3A_330 = arith.constant 1 : i32
        %dma_wait3A_331 = arith.constant 0 : i32
        %dma_wait3A_332 = tpu.memref_slice %arg7[%dma_wait3A_330, %add3A_315, %dma_wait3A_331] : memref<2x32x120xi32, #tpu.memory_space<vmem>> -> memref<1x1x120xi32, #tpu.memory_space<vmem>>
        %dma_wait3A_333 = tpu.memref_squeeze %dma_wait3A_332 : memref<1x1x120xi32, #tpu.memory_space<vmem>> -> memref<120xi32, #tpu.memory_space<vmem>>
        %dma_wait3A_334 = arith.constant 0 : i32
        %dma_wait3A_335 = arith.constant 0 : i32
        %dma_wait3A_336 = tpu.memref_slice %arg10[%dma_wait3A_334, %dma_wait3A_335] : memref<10240x16xf32, #tpu.memory_space<vmem_shared>> -> memref<10240x16xf32, #tpu.memory_space<vmem_shared>>
        tpu.wait_indirect_dma semaphore(%arg14 : memref<!tpu.dma_semaphore, #tpu.memory_space<semaphore_mem>>) src(%arg9 : memref<120x16xf32, #tpu.memory_space<vmem>>) dst(%dma_wait3A_336 : memref<10240x16xf32, #tpu.memory_space<vmem_shared>>)
        %add3A_337 = arith.constant 2 : i32
        %add3A_338 = arith.addi %add3A_315, %add3A_337 : i32
        %lt3A_339 = arith.constant 24 : i32
        %lt3A_340 = arith.cmpi slt, %add3A_338, %lt3A_339 : i32
        %convert_element_type3A_341 = arith.extui %lt3A_340 : i1 to i32
        %cond3A_342 = arith.constant 0 : i32
        %cond3A_343 = arith.cmpi ne, %convert_element_type3A_341, %cond3A_342 : i32
        scf.if %cond3A_343 {
          %add3A_344 = arith.constant 2 : i32
          %add3A_345 = arith.addi %add3A_315, %add3A_344 : i32
          %dma_start3A_346 = arith.constant 1 : i32
          %dma_start3A_347 = arith.constant 0 : i32
          %dma_start3A_348 = tpu.memref_slice %arg6[%dma_start3A_346, %add3A_345, %dma_start3A_347] : memref<2x32x120xi32, #tpu.memory_space<vmem>> -> memref<1x1x120xi32, #tpu.memory_space<vmem>>
          %dma_start3A_349 = tpu.memref_squeeze %dma_start3A_348 : memref<1x1x120xi32, #tpu.memory_space<vmem>> -> memref<120xi32, #tpu.memory_space<vmem>>
          %dma_start3A_350 = arith.constant 0 : i32
          %dma_start3A_351 = arith.constant 0 : i32
          %dma_start3A_352 = tpu.memref_slice %arg2[%dma_start3A_350, %dma_start3A_351] : memref<10240x16xf32, #tpu.memory_space<hbm>> -> memref<10240x16xf32, #tpu.memory_space<hbm>>
          tpu.enqueue_indirect_dma source(%dma_start3A_352 : memref<10240x16xf32, #tpu.memory_space<hbm>>) target(%arg9 : memref<120x16xf32, #tpu.memory_space<vmem>>) offsets(%dma_start3A_349 : memref<120xi32, #tpu.memory_space<vmem>>) semaphore(%arg12 : memref<!tpu.dma_semaphore, #tpu.memory_space<semaphore_mem>>)
        } else {
        }
      }
      %scan3A_230 = arith.constant 12 : i32
      %add3A_231 = arith.constant 48 : i32
      %add3A_232 = arith.addi %add3A_3, %add3A_231 : i32
      %dma_wait3A_233 = arith.constant 0 : i32
      %dma_wait3A_234 = arith.constant 0 : i32
      %dma_wait3A_235 = arith.constant 0 : i32
      %dma_wait3A_236 = tpu.memref_slice %arg6[%dma_wait3A_233, %dma_wait3A_234, %dma_wait3A_235] : memref<2x32x120xi32, #tpu.memory_space<vmem>> -> memref<1x24x120xi32, #tpu.memory_space<vmem>>
      %dma_wait3A_237 = tpu.memref_squeeze %dma_wait3A_236 : memref<1x24x120xi32, #tpu.memory_space<vmem>> -> memref<24x120xi32, #tpu.memory_space<vmem>>
      %dma_wait3A_238 = arith.constant 0 : i32
      %dma_wait3A_239 = tpu.memref_slice %arg3[%add3A_232, %dma_wait3A_238] : memref<2688x120xi32, #tpu.memory_space<hbm>> -> memref<24x120xi32, #tpu.memory_space<hbm>>
      %dma_wait3A_240 = arith.constant 0 : i32
      %dma_wait3A_241 = arith.constant 0 : i32
      %dma_wait3A_242 = tpu.memref_slice %arg6[%dma_wait3A_233, %dma_wait3A_240, %dma_wait3A_241] : memref<2x32x120xi32, #tpu.memory_space<vmem>> -> memref<1x24x120xi32, #tpu.memory_space<vmem>>
      %dma_wait3A_243 = tpu.memref_squeeze %dma_wait3A_242 : memref<1x24x120xi32, #tpu.memory_space<vmem>> -> memref<24x120xi32, #tpu.memory_space<vmem>>
      %dma_wait3A_244 = arith.constant 0 : i32
      %dma_wait3A_245 = tpu.memref_slice %arg3[%add3A_232, %dma_wait3A_244] : memref<2688x120xi32, #tpu.memory_space<hbm>> -> memref<24x120xi32, #tpu.memory_space<hbm>>
      tpu.wait_dma2 semaphore(%arg15 : memref<!tpu.dma_semaphore, #tpu.memory_space<semaphore_mem>>) src(%dma_wait3A_245 : memref<24x120xi32, #tpu.memory_space<hbm>>) dst(%dma_wait3A_243 : memref<24x120xi32, #tpu.memory_space<vmem>>)
      %dma_wait3A_246 = arith.constant 0 : i32
      %dma_wait3A_247 = arith.constant 0 : i32
      %dma_wait3A_248 = arith.constant 0 : i32
      %dma_wait3A_249 = tpu.memref_slice %arg7[%dma_wait3A_246, %dma_wait3A_247, %dma_wait3A_248] : memref<2x32x120xi32, #tpu.memory_space<vmem>> -> memref<1x24x120xi32, #tpu.memory_space<vmem>>
      %dma_wait3A_250 = tpu.memref_squeeze %dma_wait3A_249 : memref<1x24x120xi32, #tpu.memory_space<vmem>> -> memref<24x120xi32, #tpu.memory_space<vmem>>
      %dma_wait3A_251 = arith.constant 0 : i32
      %dma_wait3A_252 = tpu.memref_slice %arg4[%add3A_232, %dma_wait3A_251] : memref<2688x120xi32, #tpu.memory_space<hbm>> -> memref<24x120xi32, #tpu.memory_space<hbm>>
      %dma_wait3A_253 = arith.constant 0 : i32
      %dma_wait3A_254 = arith.constant 0 : i32
      %dma_wait3A_255 = tpu.memref_slice %arg7[%dma_wait3A_246, %dma_wait3A_253, %dma_wait3A_254] : memref<2x32x120xi32, #tpu.memory_space<vmem>> -> memref<1x24x120xi32, #tpu.memory_space<vmem>>
      %dma_wait3A_256 = tpu.memref_squeeze %dma_wait3A_255 : memref<1x24x120xi32, #tpu.memory_space<vmem>> -> memref<24x120xi32, #tpu.memory_space<vmem>>
      %dma_wait3A_257 = arith.constant 0 : i32
      %dma_wait3A_258 = tpu.memref_slice %arg4[%add3A_232, %dma_wait3A_257] : memref<2688x120xi32, #tpu.memory_space<hbm>> -> memref<24x120xi32, #tpu.memory_space<hbm>>
      tpu.wait_dma2 semaphore(%arg15 : memref<!tpu.dma_semaphore, #tpu.memory_space<semaphore_mem>>) src(%dma_wait3A_258 : memref<24x120xi32, #tpu.memory_space<hbm>>) dst(%dma_wait3A_256 : memref<24x120xi32, #tpu.memory_space<vmem>>)
      %dma_start3A_259 = arith.constant 0 : i32
      %dma_start3A_260 = arith.constant 0 : i32
      %dma_start3A_261 = arith.constant 0 : i32
      %dma_start3A_262 = tpu.memref_slice %arg6[%dma_start3A_259, %dma_start3A_260, %dma_start3A_261] : memref<2x32x120xi32, #tpu.memory_space<vmem>> -> memref<1x1x120xi32, #tpu.memory_space<vmem>>
      %dma_start3A_263 = tpu.memref_squeeze %dma_start3A_262 : memref<1x1x120xi32, #tpu.memory_space<vmem>> -> memref<120xi32, #tpu.memory_space<vmem>>
      %dma_start3A_264 = arith.constant 0 : i32
      %dma_start3A_265 = arith.constant 0 : i32
      %dma_start3A_266 = tpu.memref_slice %arg2[%dma_start3A_264, %dma_start3A_265] : memref<10240x16xf32, #tpu.memory_space<hbm>> -> memref<10240x16xf32, #tpu.memory_space<hbm>>
      tpu.enqueue_indirect_dma source(%dma_start3A_266 : memref<10240x16xf32, #tpu.memory_space<hbm>>) target(%arg8 : memref<120x16xf32, #tpu.memory_space<vmem>>) offsets(%dma_start3A_263 : memref<120xi32, #tpu.memory_space<vmem>>) semaphore(%arg11 : memref<!tpu.dma_semaphore, #tpu.memory_space<semaphore_mem>>)
      %dma_start3A_267 = arith.constant 0 : i32
      %dma_start3A_268 = arith.constant 1 : i32
      %dma_start3A_269 = arith.constant 0 : i32
      %dma_start3A_270 = tpu.memref_slice %arg6[%dma_start3A_267, %dma_start3A_268, %dma_start3A_269] : memref<2x32x120xi32, #tpu.memory_space<vmem>> -> memref<1x1x120xi32, #tpu.memory_space<vmem>>
      %dma_start3A_271 = tpu.memref_squeeze %dma_start3A_270 : memref<1x1x120xi32, #tpu.memory_space<vmem>> -> memref<120xi32, #tpu.memory_space<vmem>>
      %dma_start3A_272 = arith.constant 0 : i32
      %dma_start3A_273 = arith.constant 0 : i32
      %dma_start3A_274 = tpu.memref_slice %arg2[%dma_start3A_272, %dma_start3A_273] : memref<10240x16xf32, #tpu.memory_space<hbm>> -> memref<10240x16xf32, #tpu.memory_space<hbm>>
      tpu.enqueue_indirect_dma source(%dma_start3A_274 : memref<10240x16xf32, #tpu.memory_space<hbm>>) target(%arg9 : memref<120x16xf32, #tpu.memory_space<vmem>>) offsets(%dma_start3A_271 : memref<120xi32, #tpu.memory_space<vmem>>) semaphore(%arg12 : memref<!tpu.dma_semaphore, #tpu.memory_space<semaphore_mem>>)
      %scan3A_275 = arith.constant 0 : i32
      %scan3A_276 = arith.constant 12 : i32
      %scan3A_277 = arith.addi %scan3A_275, %scan3A_276 : i32
      %scan3A_278 = arith.constant 1 : i32
      scf.for %scan3A_280 = %scan3A_275 to %scan3A_277 step %scan3A_278  : i32 {
        %mul3A_281 = arith.constant 2 : i32
        %mul3A_282 = arith.muli %mul3A_281, %scan3A_280 : i32
        %add3A_283 = arith.constant 0 : i32
        %add3A_284 = arith.addi %mul3A_282, %add3A_283 : i32
        %dma_wait3A_285 = arith.constant 0 : i32
        %dma_wait3A_286 = arith.constant 0 : i32
        %dma_wait3A_287 = tpu.memref_slice %arg6[%dma_wait3A_285, %add3A_284, %dma_wait3A_286] : memref<2x32x120xi32, #tpu.memory_space<vmem>> -> memref<1x1x120xi32, #tpu.memory_space<vmem>>
        %dma_wait3A_288 = tpu.memref_squeeze %dma_wait3A_287 : memref<1x1x120xi32, #tpu.memory_space<vmem>> -> memref<120xi32, #tpu.memory_space<vmem>>
        %dma_wait3A_289 = arith.constant 0 : i32
        %dma_wait3A_290 = arith.constant 0 : i32
        %dma_wait3A_291 = tpu.memref_slice %arg2[%dma_wait3A_289, %dma_wait3A_290] : memref<10240x16xf32, #tpu.memory_space<hbm>> -> memref<10240x16xf32, #tpu.memory_space<hbm>>
        tpu.wait_indirect_dma semaphore(%arg11 : memref<!tpu.dma_semaphore, #tpu.memory_space<semaphore_mem>>) src(%dma_wait3A_291 : memref<10240x16xf32, #tpu.memory_space<hbm>>) dst(%arg8 : memref<120x16xf32, #tpu.memory_space<vmem>>)
        %dma_start3A_292 = arith.constant 0 : i32
        %dma_start3A_293 = arith.constant 0 : i32
        %dma_start3A_294 = tpu.memref_slice %arg7[%dma_start3A_292, %add3A_284, %dma_start3A_293] : memref<2x32x120xi32, #tpu.memory_space<vmem>> -> memref<1x1x120xi32, #tpu.memory_space<vmem>>
        %dma_start3A_295 = tpu.memref_squeeze %dma_start3A_294 : memref<1x1x120xi32, #tpu.memory_space<vmem>> -> memref<120xi32, #tpu.memory_space<vmem>>
        %dma_start3A_296 = arith.constant 0 : i32
        %dma_start3A_297 = arith.constant 0 : i32
        %dma_start3A_298 = tpu.memref_slice %arg10[%dma_start3A_296, %dma_start3A_297] : memref<10240x16xf32, #tpu.memory_space<vmem_shared>> -> memref<10240x16xf32, #tpu.memory_space<vmem_shared>>
        tpu.enqueue_indirect_dma source(%arg8 : memref<120x16xf32, #tpu.memory_space<vmem>>) target(%dma_start3A_298 : memref<10240x16xf32, #tpu.memory_space<vmem_shared>>) offsets(%dma_start3A_295 : memref<120xi32, #tpu.memory_space<vmem>>) semaphore(%arg13 : memref<!tpu.dma_semaphore, #tpu.memory_space<semaphore_mem>>) {add = true}
        %dma_wait3A_299 = arith.constant 0 : i32
        %dma_wait3A_300 = arith.constant 0 : i32
        %dma_wait3A_301 = tpu.memref_slice %arg7[%dma_wait3A_299, %add3A_284, %dma_wait3A_300] : memref<2x32x120xi32, #tpu.memory_space<vmem>> -> memref<1x1x120xi32, #tpu.memory_space<vmem>>
        %dma_wait3A_302 = tpu.memref_squeeze %dma_wait3A_301 : memref<1x1x120xi32, #tpu.memory_space<vmem>> -> memref<120xi32, #tpu.memory_space<vmem>>
        %dma_wait3A_303 = arith.constant 0 : i32
        %dma_wait3A_304 = arith.constant 0 : i32
        %dma_wait3A_305 = tpu.memref_slice %arg10[%dma_wait3A_303, %dma_wait3A_304] : memref<10240x16xf32, #tpu.memory_space<vmem_shared>> -> memref<10240x16xf32, #tpu.memory_space<vmem_shared>>
        tpu.wait_indirect_dma semaphore(%arg13 : memref<!tpu.dma_semaphore, #tpu.memory_space<semaphore_mem>>) src(%arg8 : memref<120x16xf32, #tpu.memory_space<vmem>>) dst(%dma_wait3A_305 : memref<10240x16xf32, #tpu.memory_space<vmem_shared>>)
        %add3A_306 = arith.constant 2 : i32
        %add3A_307 = arith.addi %add3A_284, %add3A_306 : i32
        %lt3A = arith.constant 24 : i32
        %lt3A_308 = arith.cmpi slt, %add3A_307, %lt3A : i32
        %convert_element_type3A_309 = arith.extui %lt3A_308 : i1 to i32
        %cond3A_310 = arith.constant 0 : i32
        %cond3A_311 = arith.cmpi ne, %convert_element_type3A_309, %cond3A_310 : i32
        scf.if %cond3A_311 {
          %add3A_344 = arith.constant 2 : i32
          %add3A_345 = arith.addi %add3A_284, %add3A_344 : i32
          %dma_start3A_346 = arith.constant 0 : i32
          %dma_start3A_347 = arith.constant 0 : i32
          %dma_start3A_348 = tpu.memref_slice %arg6[%dma_start3A_346, %add3A_345, %dma_start3A_347] : memref<2x32x120xi32, #tpu.memory_space<vmem>> -> memref<1x1x120xi32, #tpu.memory_space<vmem>>
          %dma_start3A_349 = tpu.memref_squeeze %dma_start3A_348 : memref<1x1x120xi32, #tpu.memory_space<vmem>> -> memref<120xi32, #tpu.memory_space<vmem>>
          %dma_start3A_350 = arith.constant 0 : i32
          %dma_start3A_351 = arith.constant 0 : i32
          %dma_start3A_352 = tpu.memref_slice %arg2[%dma_start3A_350, %dma_start3A_351] : memref<10240x16xf32, #tpu.memory_space<hbm>> -> memref<10240x16xf32, #tpu.memory_space<hbm>>
          tpu.enqueue_indirect_dma source(%dma_start3A_352 : memref<10240x16xf32, #tpu.memory_space<hbm>>) target(%arg8 : memref<120x16xf32, #tpu.memory_space<vmem>>) offsets(%dma_start3A_349 : memref<120xi32, #tpu.memory_space<vmem>>) semaphore(%arg11 : memref<!tpu.dma_semaphore, #tpu.memory_space<semaphore_mem>>)
        } else {
        }
        %mul3A_312 = arith.constant 2 : i32
        %mul3A_313 = arith.muli %mul3A_312, %scan3A_280 : i32
        %add3A_314 = arith.constant 1 : i32
        %add3A_315 = arith.addi %mul3A_313, %add3A_314 : i32
        %dma_wait3A_316 = arith.constant 0 : i32
        %dma_wait3A_317 = arith.constant 0 : i32
        %dma_wait3A_318 = tpu.memref_slice %arg6[%dma_wait3A_316, %add3A_315, %dma_wait3A_317] : memref<2x32x120xi32, #tpu.memory_space<vmem>> -> memref<1x1x120xi32, #tpu.memory_space<vmem>>
        %dma_wait3A_319 = tpu.memref_squeeze %dma_wait3A_318 : memref<1x1x120xi32, #tpu.memory_space<vmem>> -> memref<120xi32, #tpu.memory_space<vmem>>
        %dma_wait3A_320 = arith.constant 0 : i32
        %dma_wait3A_321 = arith.constant 0 : i32
        %dma_wait3A_322 = tpu.memref_slice %arg2[%dma_wait3A_320, %dma_wait3A_321] : memref<10240x16xf32, #tpu.memory_space<hbm>> -> memref<10240x16xf32, #tpu.memory_space<hbm>>
        tpu.wait_indirect_dma semaphore(%arg12 : memref<!tpu.dma_semaphore, #tpu.memory_space<semaphore_mem>>) src(%dma_wait3A_322 : memref<10240x16xf32, #tpu.memory_space<hbm>>) dst(%arg9 : memref<120x16xf32, #tpu.memory_space<vmem>>)
        %dma_start3A_323 = arith.constant 0 : i32
        %dma_start3A_324 = arith.constant 0 : i32
        %dma_start3A_325 = tpu.memref_slice %arg7[%dma_start3A_323, %add3A_315, %dma_start3A_324] : memref<2x32x120xi32, #tpu.memory_space<vmem>> -> memref<1x1x120xi32, #tpu.memory_space<vmem>>
        %dma_start3A_326 = tpu.memref_squeeze %dma_start3A_325 : memref<1x1x120xi32, #tpu.memory_space<vmem>> -> memref<120xi32, #tpu.memory_space<vmem>>
        %dma_start3A_327 = arith.constant 0 : i32
        %dma_start3A_328 = arith.constant 0 : i32
        %dma_start3A_329 = tpu.memref_slice %arg10[%dma_start3A_327, %dma_start3A_328] : memref<10240x16xf32, #tpu.memory_space<vmem_shared>> -> memref<10240x16xf32, #tpu.memory_space<vmem_shared>>
        tpu.enqueue_indirect_dma source(%arg9 : memref<120x16xf32, #tpu.memory_space<vmem>>) target(%dma_start3A_329 : memref<10240x16xf32, #tpu.memory_space<vmem_shared>>) offsets(%dma_start3A_326 : memref<120xi32, #tpu.memory_space<vmem>>) semaphore(%arg14 : memref<!tpu.dma_semaphore, #tpu.memory_space<semaphore_mem>>) {add = true}
        %dma_wait3A_330 = arith.constant 0 : i32
        %dma_wait3A_331 = arith.constant 0 : i32
        %dma_wait3A_332 = tpu.memref_slice %arg7[%dma_wait3A_330, %add3A_315, %dma_wait3A_331] : memref<2x32x120xi32, #tpu.memory_space<vmem>> -> memref<1x1x120xi32, #tpu.memory_space<vmem>>
        %dma_wait3A_333 = tpu.memref_squeeze %dma_wait3A_332 : memref<1x1x120xi32, #tpu.memory_space<vmem>> -> memref<120xi32, #tpu.memory_space<vmem>>
        %dma_wait3A_334 = arith.constant 0 : i32
        %dma_wait3A_335 = arith.constant 0 : i32
        %dma_wait3A_336 = tpu.memref_slice %arg10[%dma_wait3A_334, %dma_wait3A_335] : memref<10240x16xf32, #tpu.memory_space<vmem_shared>> -> memref<10240x16xf32, #tpu.memory_space<vmem_shared>>
        tpu.wait_indirect_dma semaphore(%arg14 : memref<!tpu.dma_semaphore, #tpu.memory_space<semaphore_mem>>) src(%arg9 : memref<120x16xf32, #tpu.memory_space<vmem>>) dst(%dma_wait3A_336 : memref<10240x16xf32, #tpu.memory_space<vmem_shared>>)
        %add3A_337 = arith.constant 2 : i32
        %add3A_338 = arith.addi %add3A_315, %add3A_337 : i32
        %lt3A_339 = arith.constant 24 : i32
        %lt3A_340 = arith.cmpi slt, %add3A_338, %lt3A_339 : i32
        %convert_element_type3A_341 = arith.extui %lt3A_340 : i1 to i32
        %cond3A_342 = arith.constant 0 : i32
        %cond3A_343 = arith.cmpi ne, %convert_element_type3A_341, %cond3A_342 : i32
        scf.if %cond3A_343 {
          %add3A_344 = arith.constant 2 : i32
          %add3A_345 = arith.addi %add3A_315, %add3A_344 : i32
          %dma_start3A_346 = arith.constant 0 : i32
          %dma_start3A_347 = arith.constant 0 : i32
          %dma_start3A_348 = tpu.memref_slice %arg6[%dma_start3A_346, %add3A_345, %dma_start3A_347] : memref<2x32x120xi32, #tpu.memory_space<vmem>> -> memref<1x1x120xi32, #tpu.memory_space<vmem>>
          %dma_start3A_349 = tpu.memref_squeeze %dma_start3A_348 : memref<1x1x120xi32, #tpu.memory_space<vmem>> -> memref<120xi32, #tpu.memory_space<vmem>>
          %dma_start3A_350 = arith.constant 0 : i32
          %dma_start3A_351 = arith.constant 0 : i32
          %dma_start3A_352 = tpu.memref_slice %arg2[%dma_start3A_350, %dma_start3A_351] : memref<10240x16xf32, #tpu.memory_space<hbm>> -> memref<10240x16xf32, #tpu.memory_space<hbm>>
          tpu.enqueue_indirect_dma source(%dma_start3A_352 : memref<10240x16xf32, #tpu.memory_space<hbm>>) target(%arg9 : memref<120x16xf32, #tpu.memory_space<vmem>>) offsets(%dma_start3A_349 : memref<120xi32, #tpu.memory_space<vmem>>) semaphore(%arg12 : memref<!tpu.dma_semaphore, #tpu.memory_space<semaphore_mem>>)
        } else {
        }
      }
      %scan3A_279 = arith.constant 12 : i32
    } else {
    }
    %barrier3A_50 = arith.constant 0 : index
    tpu.barrier barrier_id(%barrier3A_50)
    %mul3A_51 = arith.constant 640 : i32
    %mul3A_52 = arith.muli %arg1, %mul3A_51 : i32
    %add3A_53 = arith.constant 0 : i32
    %add3A_54 = arith.addi %mul3A_52, %add3A_53 : i32
    "tpu.region"() ({
      %run_scoped3A = tpu.sem_alloc : memref<!tpu.dma_semaphore, #tpu.memory_space<semaphore_mem>>
      %dma_start3A = arith.constant 0 : i32
      %dma_start3A_75 = arith.constant 0 : i32
      %dma_start3A_76 = tpu.memref_slice %arg8[%dma_start3A, %dma_start3A_75] : memref<120x16xf32, #tpu.memory_space<vmem>> -> memref<120x16xf32, #tpu.memory_space<vmem>>
      %dma_start3A_77 = arith.constant 0 : i32
      %dma_start3A_78 = tpu.memref_slice %arg10[%add3A_54, %dma_start3A_77] : memref<10240x16xf32, #tpu.memory_space<vmem_shared>> -> memref<120x16xf32, #tpu.memory_space<vmem_shared>>
      %dma_start3A_79 = arith.constant 0 : i32
      %dma_start3A_80 = arith.constant 0 : i32
      %dma_start3A_81 = tpu.memref_slice %arg8[%dma_start3A_79, %dma_start3A_80] : memref<120x16xf32, #tpu.memory_space<vmem>> -> memref<120x16xf32, #tpu.memory_space<vmem>>
      %dma_start3A_82 = arith.constant 0 : i32
      %dma_start3A_83 = tpu.memref_slice %arg10[%add3A_54, %dma_start3A_82] : memref<10240x16xf32, #tpu.memory_space<vmem_shared>> -> memref<120x16xf32, #tpu.memory_space<vmem_shared>>
      tpu.enqueue_dma source(%dma_start3A_83 : memref<120x16xf32, #tpu.memory_space<vmem_shared>>) target(%dma_start3A_81 : memref<120x16xf32, #tpu.memory_space<vmem>>) target_semaphore(%run_scoped3A : memref<!tpu.dma_semaphore, #tpu.memory_space<semaphore_mem>>)
      %dma_wait3A = arith.constant 0 : i32
      %dma_wait3A_84 = arith.constant 0 : i32
      %dma_wait3A_85 = tpu.memref_slice %arg8[%dma_wait3A, %dma_wait3A_84] : memref<120x16xf32, #tpu.memory_space<vmem>> -> memref<120x16xf32, #tpu.memory_space<vmem>>
      %dma_wait3A_86 = arith.constant 0 : i32
      %dma_wait3A_87 = tpu.memref_slice %arg10[%add3A_54, %dma_wait3A_86] : memref<10240x16xf32, #tpu.memory_space<vmem_shared>> -> memref<120x16xf32, #tpu.memory_space<vmem_shared>>
      %dma_wait3A_88 = arith.constant 0 : i32
      %dma_wait3A_89 = arith.constant 0 : i32
      %dma_wait3A_90 = tpu.memref_slice %arg8[%dma_wait3A_88, %dma_wait3A_89] : memref<120x16xf32, #tpu.memory_space<vmem>> -> memref<120x16xf32, #tpu.memory_space<vmem>>
      %dma_wait3A_91 = arith.constant 0 : i32
      %dma_wait3A_92 = tpu.memref_slice %arg10[%add3A_54, %dma_wait3A_91] : memref<10240x16xf32, #tpu.memory_space<vmem_shared>> -> memref<120x16xf32, #tpu.memory_space<vmem_shared>>
      tpu.wait_dma2 semaphore(%run_scoped3A : memref<!tpu.dma_semaphore, #tpu.memory_space<semaphore_mem>>) src(%dma_wait3A_92 : memref<120x16xf32, #tpu.memory_space<vmem_shared>>) dst(%dma_wait3A_90 : memref<120x16xf32, #tpu.memory_space<vmem>>)
      tpu.yield
    }) : () -> ()
    "tpu.region"() ({
      %run_scoped3A = tpu.sem_alloc : memref<!tpu.dma_semaphore, #tpu.memory_space<semaphore_mem>>
      %dma_start3A = arith.constant 0 : i32
      %dma_start3A_75 = arith.constant 0 : i32
      %dma_start3A_76 = tpu.memref_slice %arg8[%dma_start3A, %dma_start3A_75] : memref<120x16xf32, #tpu.memory_space<vmem>> -> memref<120x16xf32, #tpu.memory_space<vmem>>
      %dma_start3A_77 = arith.constant 0 : i32
      %dma_start3A_78 = tpu.memref_slice %arg5[%arg0, %add3A_54, %dma_start3A_77] : memref<2x10240x16xf32, #tpu.memory_space<hbm>> -> memref<1x120x16xf32, #tpu.memory_space<hbm>>
      %dma_start3A_79 = tpu.memref_squeeze %dma_start3A_78 : memref<1x120x16xf32, #tpu.memory_space<hbm>> -> memref<120x16xf32, #tpu.memory_space<hbm>>
      %dma_start3A_80 = arith.constant 0 : i32
      %dma_start3A_81 = tpu.memref_slice %arg5[%arg0, %add3A_54, %dma_start3A_80] : memref<2x10240x16xf32, #tpu.memory_space<hbm>> -> memref<1x120x16xf32, #tpu.memory_space<hbm>>
      %dma_start3A_82 = tpu.memref_squeeze %dma_start3A_81 : memref<1x120x16xf32, #tpu.memory_space<hbm>> -> memref<120x16xf32, #tpu.memory_space<hbm>>
      %dma_start3A_83 = arith.constant 0 : i32
      %dma_start3A_84 = arith.constant 0 : i32
      %dma_start3A_85 = tpu.memref_slice %arg8[%dma_start3A_83, %dma_start3A_84] : memref<120x16xf32, #tpu.memory_space<vmem>> -> memref<120x16xf32, #tpu.memory_space<vmem>>
      tpu.enqueue_dma source(%dma_start3A_85 : memref<120x16xf32, #tpu.memory_space<vmem>>) target(%dma_start3A_82 : memref<120x16xf32, #tpu.memory_space<hbm>>) target_semaphore(%run_scoped3A : memref<!tpu.dma_semaphore, #tpu.memory_space<semaphore_mem>>)
      %dma_wait3A = arith.constant 0 : i32
      %dma_wait3A_86 = arith.constant 0 : i32
      %dma_wait3A_87 = tpu.memref_slice %arg8[%dma_wait3A, %dma_wait3A_86] : memref<120x16xf32, #tpu.memory_space<vmem>> -> memref<120x16xf32, #tpu.memory_space<vmem>>
      %dma_wait3A_88 = arith.constant 0 : i32
      %dma_wait3A_89 = tpu.memref_slice %arg5[%arg0, %add3A_54, %dma_wait3A_88] : memref<2x10240x16xf32, #tpu.memory_space<hbm>> -> memref<1x120x16xf32, #tpu.memory_space<hbm>>
      %dma_wait3A_90 = tpu.memref_squeeze %dma_wait3A_89 : memref<1x120x16xf32, #tpu.memory_space<hbm>> -> memref<120x16xf32, #tpu.memory_space<hbm>>
      %dma_wait3A_91 = arith.constant 0 : i32
      %dma_wait3A_92 = tpu.memref_slice %arg5[%arg0, %add3A_54, %dma_wait3A_91] : memref<2x10240x16xf32, #tpu.memory_space<hbm>> -> memref<1x120x16xf32, #tpu.memory_space<hbm>>
      %dma_wait3A_93 = tpu.memref_squeeze %dma_wait3A_92 : memref<1x120x16xf32, #tpu.memory_space<hbm>> -> memref<120x16xf32, #tpu.memory_space<hbm>>
      %dma_wait3A_94 = arith.constant 0 : i32
      %dma_wait3A_95 = arith.constant 0 : i32
      %dma_wait3A_96 = tpu.memref_slice %arg8[%dma_wait3A_94, %dma_wait3A_95] : memref<120x16xf32, #tpu.memory_space<vmem>> -> memref<120x16xf32, #tpu.memory_space<vmem>>
      tpu.wait_dma2 semaphore(%run_scoped3A : memref<!tpu.dma_semaphore, #tpu.memory_space<semaphore_mem>>) src(%dma_wait3A_96 : memref<120x16xf32, #tpu.memory_space<vmem>>) dst(%dma_wait3A_93 : memref<120x16xf32, #tpu.memory_space<hbm>>)
      tpu.yield
    }) : () -> ()
    %mul3A_55 = arith.constant 640 : i32
    %mul3A_56 = arith.muli %arg1, %mul3A_55 : i32
    %add3A_57 = arith.constant 120 : i32
    %add3A_58 = arith.addi %mul3A_56, %add3A_57 : i32
    "tpu.region"() ({
      %run_scoped3A = tpu.sem_alloc : memref<!tpu.dma_semaphore, #tpu.memory_space<semaphore_mem>>
      %dma_start3A = arith.constant 0 : i32
      %dma_start3A_75 = arith.constant 0 : i32
      %dma_start3A_76 = tpu.memref_slice %arg8[%dma_start3A, %dma_start3A_75] : memref<120x16xf32, #tpu.memory_space<vmem>> -> memref<120x16xf32, #tpu.memory_space<vmem>>
      %dma_start3A_77 = arith.constant 0 : i32
      %dma_start3A_78 = tpu.memref_slice %arg10[%add3A_58, %dma_start3A_77] : memref<10240x16xf32, #tpu.memory_space<vmem_shared>> -> memref<120x16xf32, #tpu.memory_space<vmem_shared>>
      %dma_start3A_79 = arith.constant 0 : i32
      %dma_start3A_80 = arith.constant 0 : i32
      %dma_start3A_81 = tpu.memref_slice %arg8[%dma_start3A_79, %dma_start3A_80] : memref<120x16xf32, #tpu.memory_space<vmem>> -> memref<120x16xf32, #tpu.memory_space<vmem>>
      %dma_start3A_82 = arith.constant 0 : i32
      %dma_start3A_83 = tpu.memref_slice %arg10[%add3A_58, %dma_start3A_82] : memref<10240x16xf32, #tpu.memory_space<vmem_shared>> -> memref<120x16xf32, #tpu.memory_space<vmem_shared>>
      tpu.enqueue_dma source(%dma_start3A_83 : memref<120x16xf32, #tpu.memory_space<vmem_shared>>) target(%dma_start3A_81 : memref<120x16xf32, #tpu.memory_space<vmem>>) target_semaphore(%run_scoped3A : memref<!tpu.dma_semaphore, #tpu.memory_space<semaphore_mem>>)
      %dma_wait3A = arith.constant 0 : i32
      %dma_wait3A_84 = arith.constant 0 : i32
      %dma_wait3A_85 = tpu.memref_slice %arg8[%dma_wait3A, %dma_wait3A_84] : memref<120x16xf32, #tpu.memory_space<vmem>> -> memref<120x16xf32, #tpu.memory_space<vmem>>
      %dma_wait3A_86 = arith.constant 0 : i32
      %dma_wait3A_87 = tpu.memref_slice %arg10[%add3A_58, %dma_wait3A_86] : memref<10240x16xf32, #tpu.memory_space<vmem_shared>> -> memref<120x16xf32, #tpu.memory_space<vmem_shared>>
      %dma_wait3A_88 = arith.constant 0 : i32
      %dma_wait3A_89 = arith.constant 0 : i32
      %dma_wait3A_90 = tpu.memref_slice %arg8[%dma_wait3A_88, %dma_wait3A_89] : memref<120x16xf32, #tpu.memory_space<vmem>> -> memref<120x16xf32, #tpu.memory_space<vmem>>
      %dma_wait3A_91 = arith.constant 0 : i32
      %dma_wait3A_92 = tpu.memref_slice %arg10[%add3A_58, %dma_wait3A_91] : memref<10240x16xf32, #tpu.memory_space<vmem_shared>> -> memref<120x16xf32, #tpu.memory_space<vmem_shared>>
      tpu.wait_dma2 semaphore(%run_scoped3A : memref<!tpu.dma_semaphore, #tpu.memory_space<semaphore_mem>>) src(%dma_wait3A_92 : memref<120x16xf32, #tpu.memory_space<vmem_shared>>) dst(%dma_wait3A_90 : memref<120x16xf32, #tpu.memory_space<vmem>>)
      tpu.yield
    }) : () -> ()
    "tpu.region"() ({
      %run_scoped3A = tpu.sem_alloc : memref<!tpu.dma_semaphore, #tpu.memory_space<semaphore_mem>>
      %dma_start3A = arith.constant 0 : i32
      %dma_start3A_75 = arith.constant 0 : i32
      %dma_start3A_76 = tpu.memref_slice %arg8[%dma_start3A, %dma_start3A_75] : memref<120x16xf32, #tpu.memory_space<vmem>> -> memref<120x16xf32, #tpu.memory_space<vmem>>
      %dma_start3A_77 = arith.constant 0 : i32
      %dma_start3A_78 = tpu.memref_slice %arg5[%arg0, %add3A_58, %dma_start3A_77] : memref<2x10240x16xf32, #tpu.memory_space<hbm>> -> memref<1x120x16xf32, #tpu.memory_space<hbm>>
      %dma_start3A_79 = tpu.memref_squeeze %dma_start3A_78 : memref<1x120x16xf32, #tpu.memory_space<hbm>> -> memref<120x16xf32, #tpu.memory_space<hbm>>
      %dma_start3A_80 = arith.constant 0 : i32
      %dma_start3A_81 = tpu.memref_slice %arg5[%arg0, %add3A_58, %dma_start3A_80] : memref<2x10240x16xf32, #tpu.memory_space<hbm>> -> memref<1x120x16xf32, #tpu.memory_space<hbm>>
      %dma_start3A_82 = tpu.memref_squeeze %dma_start3A_81 : memref<1x120x16xf32, #tpu.memory_space<hbm>> -> memref<120x16xf32, #tpu.memory_space<hbm>>
      %dma_start3A_83 = arith.constant 0 : i32
      %dma_start3A_84 = arith.constant 0 : i32
      %dma_start3A_85 = tpu.memref_slice %arg8[%dma_start3A_83, %dma_start3A_84] : memref<120x16xf32, #tpu.memory_space<vmem>> -> memref<120x16xf32, #tpu.memory_space<vmem>>
      tpu.enqueue_dma source(%dma_start3A_85 : memref<120x16xf32, #tpu.memory_space<vmem>>) target(%dma_start3A_82 : memref<120x16xf32, #tpu.memory_space<hbm>>) target_semaphore(%run_scoped3A : memref<!tpu.dma_semaphore, #tpu.memory_space<semaphore_mem>>)
      %dma_wait3A = arith.constant 0 : i32
      %dma_wait3A_86 = arith.constant 0 : i32
      %dma_wait3A_87 = tpu.memref_slice %arg8[%dma_wait3A, %dma_wait3A_86] : memref<120x16xf32, #tpu.memory_space<vmem>> -> memref<120x16xf32, #tpu.memory_space<vmem>>
      %dma_wait3A_88 = arith.constant 0 : i32
      %dma_wait3A_89 = tpu.memref_slice %arg5[%arg0, %add3A_58, %dma_wait3A_88] : memref<2x10240x16xf32, #tpu.memory_space<hbm>> -> memref<1x120x16xf32, #tpu.memory_space<hbm>>
      %dma_wait3A_90 = tpu.memref_squeeze %dma_wait3A_89 : memref<1x120x16xf32, #tpu.memory_space<hbm>> -> memref<120x16xf32, #tpu.memory_space<hbm>>
      %dma_wait3A_91 = arith.constant 0 : i32
      %dma_wait3A_92 = tpu.memref_slice %arg5[%arg0, %add3A_58, %dma_wait3A_91] : memref<2x10240x16xf32, #tpu.memory_space<hbm>> -> memref<1x120x16xf32, #tpu.memory_space<hbm>>
      %dma_wait3A_93 = tpu.memref_squeeze %dma_wait3A_92 : memref<1x120x16xf32, #tpu.memory_space<hbm>> -> memref<120x16xf32, #tpu.memory_space<hbm>>
      %dma_wait3A_94 = arith.constant 0 : i32
      %dma_wait3A_95 = arith.constant 0 : i32
      %dma_wait3A_96 = tpu.memref_slice %arg8[%dma_wait3A_94, %dma_wait3A_95] : memref<120x16xf32, #tpu.memory_space<vmem>> -> memref<120x16xf32, #tpu.memory_space<vmem>>
      tpu.wait_dma2 semaphore(%run_scoped3A : memref<!tpu.dma_semaphore, #tpu.memory_space<semaphore_mem>>) src(%dma_wait3A_96 : memref<120x16xf32, #tpu.memory_space<vmem>>) dst(%dma_wait3A_93 : memref<120x16xf32, #tpu.memory_space<hbm>>)
      tpu.yield
    }) : () -> ()
    %mul3A_59 = arith.constant 640 : i32
    %mul3A_60 = arith.muli %arg1, %mul3A_59 : i32
    %add3A_61 = arith.constant 240 : i32
    %add3A_62 = arith.addi %mul3A_60, %add3A_61 : i32
    "tpu.region"() ({
      %run_scoped3A = tpu.sem_alloc : memref<!tpu.dma_semaphore, #tpu.memory_space<semaphore_mem>>
      %dma_start3A = arith.constant 0 : i32
      %dma_start3A_75 = arith.constant 0 : i32
      %dma_start3A_76 = tpu.memref_slice %arg8[%dma_start3A, %dma_start3A_75] : memref<120x16xf32, #tpu.memory_space<vmem>> -> memref<120x16xf32, #tpu.memory_space<vmem>>
      %dma_start3A_77 = arith.constant 0 : i32
      %dma_start3A_78 = tpu.memref_slice %arg10[%add3A_62, %dma_start3A_77] : memref<10240x16xf32, #tpu.memory_space<vmem_shared>> -> memref<120x16xf32, #tpu.memory_space<vmem_shared>>
      %dma_start3A_79 = arith.constant 0 : i32
      %dma_start3A_80 = arith.constant 0 : i32
      %dma_start3A_81 = tpu.memref_slice %arg8[%dma_start3A_79, %dma_start3A_80] : memref<120x16xf32, #tpu.memory_space<vmem>> -> memref<120x16xf32, #tpu.memory_space<vmem>>
      %dma_start3A_82 = arith.constant 0 : i32
      %dma_start3A_83 = tpu.memref_slice %arg10[%add3A_62, %dma_start3A_82] : memref<10240x16xf32, #tpu.memory_space<vmem_shared>> -> memref<120x16xf32, #tpu.memory_space<vmem_shared>>
      tpu.enqueue_dma source(%dma_start3A_83 : memref<120x16xf32, #tpu.memory_space<vmem_shared>>) target(%dma_start3A_81 : memref<120x16xf32, #tpu.memory_space<vmem>>) target_semaphore(%run_scoped3A : memref<!tpu.dma_semaphore, #tpu.memory_space<semaphore_mem>>)
      %dma_wait3A = arith.constant 0 : i32
      %dma_wait3A_84 = arith.constant 0 : i32
      %dma_wait3A_85 = tpu.memref_slice %arg8[%dma_wait3A, %dma_wait3A_84] : memref<120x16xf32, #tpu.memory_space<vmem>> -> memref<120x16xf32, #tpu.memory_space<vmem>>
      %dma_wait3A_86 = arith.constant 0 : i32
      %dma_wait3A_87 = tpu.memref_slice %arg10[%add3A_62, %dma_wait3A_86] : memref<10240x16xf32, #tpu.memory_space<vmem_shared>> -> memref<120x16xf32, #tpu.memory_space<vmem_shared>>
      %dma_wait3A_88 = arith.constant 0 : i32
      %dma_wait3A_89 = arith.constant 0 : i32
      %dma_wait3A_90 = tpu.memref_slice %arg8[%dma_wait3A_88, %dma_wait3A_89] : memref<120x16xf32, #tpu.memory_space<vmem>> -> memref<120x16xf32, #tpu.memory_space<vmem>>
      %dma_wait3A_91 = arith.constant 0 : i32
      %dma_wait3A_92 = tpu.memref_slice %arg10[%add3A_62, %dma_wait3A_91] : memref<10240x16xf32, #tpu.memory_space<vmem_shared>> -> memref<120x16xf32, #tpu.memory_space<vmem_shared>>
      tpu.wait_dma2 semaphore(%run_scoped3A : memref<!tpu.dma_semaphore, #tpu.memory_space<semaphore_mem>>) src(%dma_wait3A_92 : memref<120x16xf32, #tpu.memory_space<vmem_shared>>) dst(%dma_wait3A_90 : memref<120x16xf32, #tpu.memory_space<vmem>>)
      tpu.yield
    }) : () -> ()
    "tpu.region"() ({
      %run_scoped3A = tpu.sem_alloc : memref<!tpu.dma_semaphore, #tpu.memory_space<semaphore_mem>>
      %dma_start3A = arith.constant 0 : i32
      %dma_start3A_75 = arith.constant 0 : i32
      %dma_start3A_76 = tpu.memref_slice %arg8[%dma_start3A, %dma_start3A_75] : memref<120x16xf32, #tpu.memory_space<vmem>> -> memref<120x16xf32, #tpu.memory_space<vmem>>
      %dma_start3A_77 = arith.constant 0 : i32
      %dma_start3A_78 = tpu.memref_slice %arg5[%arg0, %add3A_62, %dma_start3A_77] : memref<2x10240x16xf32, #tpu.memory_space<hbm>> -> memref<1x120x16xf32, #tpu.memory_space<hbm>>
      %dma_start3A_79 = tpu.memref_squeeze %dma_start3A_78 : memref<1x120x16xf32, #tpu.memory_space<hbm>> -> memref<120x16xf32, #tpu.memory_space<hbm>>
      %dma_start3A_80 = arith.constant 0 : i32
      %dma_start3A_81 = tpu.memref_slice %arg5[%arg0, %add3A_62, %dma_start3A_80] : memref<2x10240x16xf32, #tpu.memory_space<hbm>> -> memref<1x120x16xf32, #tpu.memory_space<hbm>>
      %dma_start3A_82 = tpu.memref_squeeze %dma_start3A_81 : memref<1x120x16xf32, #tpu.memory_space<hbm>> -> memref<120x16xf32, #tpu.memory_space<hbm>>
      %dma_start3A_83 = arith.constant 0 : i32
      %dma_start3A_84 = arith.constant 0 : i32
      %dma_start3A_85 = tpu.memref_slice %arg8[%dma_start3A_83, %dma_start3A_84] : memref<120x16xf32, #tpu.memory_space<vmem>> -> memref<120x16xf32, #tpu.memory_space<vmem>>
      tpu.enqueue_dma source(%dma_start3A_85 : memref<120x16xf32, #tpu.memory_space<vmem>>) target(%dma_start3A_82 : memref<120x16xf32, #tpu.memory_space<hbm>>) target_semaphore(%run_scoped3A : memref<!tpu.dma_semaphore, #tpu.memory_space<semaphore_mem>>)
      %dma_wait3A = arith.constant 0 : i32
      %dma_wait3A_86 = arith.constant 0 : i32
      %dma_wait3A_87 = tpu.memref_slice %arg8[%dma_wait3A, %dma_wait3A_86] : memref<120x16xf32, #tpu.memory_space<vmem>> -> memref<120x16xf32, #tpu.memory_space<vmem>>
      %dma_wait3A_88 = arith.constant 0 : i32
      %dma_wait3A_89 = tpu.memref_slice %arg5[%arg0, %add3A_62, %dma_wait3A_88] : memref<2x10240x16xf32, #tpu.memory_space<hbm>> -> memref<1x120x16xf32, #tpu.memory_space<hbm>>
      %dma_wait3A_90 = tpu.memref_squeeze %dma_wait3A_89 : memref<1x120x16xf32, #tpu.memory_space<hbm>> -> memref<120x16xf32, #tpu.memory_space<hbm>>
      %dma_wait3A_91 = arith.constant 0 : i32
      %dma_wait3A_92 = tpu.memref_slice %arg5[%arg0, %add3A_62, %dma_wait3A_91] : memref<2x10240x16xf32, #tpu.memory_space<hbm>> -> memref<1x120x16xf32, #tpu.memory_space<hbm>>
      %dma_wait3A_93 = tpu.memref_squeeze %dma_wait3A_92 : memref<1x120x16xf32, #tpu.memory_space<hbm>> -> memref<120x16xf32, #tpu.memory_space<hbm>>
      %dma_wait3A_94 = arith.constant 0 : i32
      %dma_wait3A_95 = arith.constant 0 : i32
      %dma_wait3A_96 = tpu.memref_slice %arg8[%dma_wait3A_94, %dma_wait3A_95] : memref<120x16xf32, #tpu.memory_space<vmem>> -> memref<120x16xf32, #tpu.memory_space<vmem>>
      tpu.wait_dma2 semaphore(%run_scoped3A : memref<!tpu.dma_semaphore, #tpu.memory_space<semaphore_mem>>) src(%dma_wait3A_96 : memref<120x16xf32, #tpu.memory_space<vmem>>) dst(%dma_wait3A_93 : memref<120x16xf32, #tpu.memory_space<hbm>>)
      tpu.yield
    }) : () -> ()
    %mul3A_63 = arith.constant 640 : i32
    %mul3A_64 = arith.muli %arg1, %mul3A_63 : i32
    %add3A_65 = arith.constant 360 : i32
    %add3A_66 = arith.addi %mul3A_64, %add3A_65 : i32
    "tpu.region"() ({
      %run_scoped3A = tpu.sem_alloc : memref<!tpu.dma_semaphore, #tpu.memory_space<semaphore_mem>>
      %dma_start3A = arith.constant 0 : i32
      %dma_start3A_75 = arith.constant 0 : i32
      %dma_start3A_76 = tpu.memref_slice %arg8[%dma_start3A, %dma_start3A_75] : memref<120x16xf32, #tpu.memory_space<vmem>> -> memref<120x16xf32, #tpu.memory_space<vmem>>
      %dma_start3A_77 = arith.constant 0 : i32
      %dma_start3A_78 = tpu.memref_slice %arg10[%add3A_66, %dma_start3A_77] : memref<10240x16xf32, #tpu.memory_space<vmem_shared>> -> memref<120x16xf32, #tpu.memory_space<vmem_shared>>
      %dma_start3A_79 = arith.constant 0 : i32
      %dma_start3A_80 = arith.constant 0 : i32
      %dma_start3A_81 = tpu.memref_slice %arg8[%dma_start3A_79, %dma_start3A_80] : memref<120x16xf32, #tpu.memory_space<vmem>> -> memref<120x16xf32, #tpu.memory_space<vmem>>
      %dma_start3A_82 = arith.constant 0 : i32
      %dma_start3A_83 = tpu.memref_slice %arg10[%add3A_66, %dma_start3A_82] : memref<10240x16xf32, #tpu.memory_space<vmem_shared>> -> memref<120x16xf32, #tpu.memory_space<vmem_shared>>
      tpu.enqueue_dma source(%dma_start3A_83 : memref<120x16xf32, #tpu.memory_space<vmem_shared>>) target(%dma_start3A_81 : memref<120x16xf32, #tpu.memory_space<vmem>>) target_semaphore(%run_scoped3A : memref<!tpu.dma_semaphore, #tpu.memory_space<semaphore_mem>>)
      %dma_wait3A = arith.constant 0 : i32
      %dma_wait3A_84 = arith.constant 0 : i32
      %dma_wait3A_85 = tpu.memref_slice %arg8[%dma_wait3A, %dma_wait3A_84] : memref<120x16xf32, #tpu.memory_space<vmem>> -> memref<120x16xf32, #tpu.memory_space<vmem>>
      %dma_wait3A_86 = arith.constant 0 : i32
      %dma_wait3A_87 = tpu.memref_slice %arg10[%add3A_66, %dma_wait3A_86] : memref<10240x16xf32, #tpu.memory_space<vmem_shared>> -> memref<120x16xf32, #tpu.memory_space<vmem_shared>>
      %dma_wait3A_88 = arith.constant 0 : i32
      %dma_wait3A_89 = arith.constant 0 : i32
      %dma_wait3A_90 = tpu.memref_slice %arg8[%dma_wait3A_88, %dma_wait3A_89] : memref<120x16xf32, #tpu.memory_space<vmem>> -> memref<120x16xf32, #tpu.memory_space<vmem>>
      %dma_wait3A_91 = arith.constant 0 : i32
      %dma_wait3A_92 = tpu.memref_slice %arg10[%add3A_66, %dma_wait3A_91] : memref<10240x16xf32, #tpu.memory_space<vmem_shared>> -> memref<120x16xf32, #tpu.memory_space<vmem_shared>>
      tpu.wait_dma2 semaphore(%run_scoped3A : memref<!tpu.dma_semaphore, #tpu.memory_space<semaphore_mem>>) src(%dma_wait3A_92 : memref<120x16xf32, #tpu.memory_space<vmem_shared>>) dst(%dma_wait3A_90 : memref<120x16xf32, #tpu.memory_space<vmem>>)
      tpu.yield
    }) : () -> ()
    "tpu.region"() ({
      %run_scoped3A = tpu.sem_alloc : memref<!tpu.dma_semaphore, #tpu.memory_space<semaphore_mem>>
      %dma_start3A = arith.constant 0 : i32
      %dma_start3A_75 = arith.constant 0 : i32
      %dma_start3A_76 = tpu.memref_slice %arg8[%dma_start3A, %dma_start3A_75] : memref<120x16xf32, #tpu.memory_space<vmem>> -> memref<120x16xf32, #tpu.memory_space<vmem>>
      %dma_start3A_77 = arith.constant 0 : i32
      %dma_start3A_78 = tpu.memref_slice %arg5[%arg0, %add3A_66, %dma_start3A_77] : memref<2x10240x16xf32, #tpu.memory_space<hbm>> -> memref<1x120x16xf32, #tpu.memory_space<hbm>>
      %dma_start3A_79 = tpu.memref_squeeze %dma_start3A_78 : memref<1x120x16xf32, #tpu.memory_space<hbm>> -> memref<120x16xf32, #tpu.memory_space<hbm>>
      %dma_start3A_80 = arith.constant 0 : i32
      %dma_start3A_81 = tpu.memref_slice %arg5[%arg0, %add3A_66, %dma_start3A_80] : memref<2x10240x16xf32, #tpu.memory_space<hbm>> -> memref<1x120x16xf32, #tpu.memory_space<hbm>>
      %dma_start3A_82 = tpu.memref_squeeze %dma_start3A_81 : memref<1x120x16xf32, #tpu.memory_space<hbm>> -> memref<120x16xf32, #tpu.memory_space<hbm>>
      %dma_start3A_83 = arith.constant 0 : i32
      %dma_start3A_84 = arith.constant 0 : i32
      %dma_start3A_85 = tpu.memref_slice %arg8[%dma_start3A_83, %dma_start3A_84] : memref<120x16xf32, #tpu.memory_space<vmem>> -> memref<120x16xf32, #tpu.memory_space<vmem>>
      tpu.enqueue_dma source(%dma_start3A_85 : memref<120x16xf32, #tpu.memory_space<vmem>>) target(%dma_start3A_82 : memref<120x16xf32, #tpu.memory_space<hbm>>) target_semaphore(%run_scoped3A : memref<!tpu.dma_semaphore, #tpu.memory_space<semaphore_mem>>)
      %dma_wait3A = arith.constant 0 : i32
      %dma_wait3A_86 = arith.constant 0 : i32
      %dma_wait3A_87 = tpu.memref_slice %arg8[%dma_wait3A, %dma_wait3A_86] : memref<120x16xf32, #tpu.memory_space<vmem>> -> memref<120x16xf32, #tpu.memory_space<vmem>>
      %dma_wait3A_88 = arith.constant 0 : i32
      %dma_wait3A_89 = tpu.memref_slice %arg5[%arg0, %add3A_66, %dma_wait3A_88] : memref<2x10240x16xf32, #tpu.memory_space<hbm>> -> memref<1x120x16xf32, #tpu.memory_space<hbm>>
      %dma_wait3A_90 = tpu.memref_squeeze %dma_wait3A_89 : memref<1x120x16xf32, #tpu.memory_space<hbm>> -> memref<120x16xf32, #tpu.memory_space<hbm>>
      %dma_wait3A_91 = arith.constant 0 : i32
      %dma_wait3A_92 = tpu.memref_slice %arg5[%arg0, %add3A_66, %dma_wait3A_91] : memref<2x10240x16xf32, #tpu.memory_space<hbm>> -> memref<1x120x16xf32, #tpu.memory_space<hbm>>
      %dma_wait3A_93 = tpu.memref_squeeze %dma_wait3A_92 : memref<1x120x16xf32, #tpu.memory_space<hbm>> -> memref<120x16xf32, #tpu.memory_space<hbm>>
      %dma_wait3A_94 = arith.constant 0 : i32
      %dma_wait3A_95 = arith.constant 0 : i32
      %dma_wait3A_96 = tpu.memref_slice %arg8[%dma_wait3A_94, %dma_wait3A_95] : memref<120x16xf32, #tpu.memory_space<vmem>> -> memref<120x16xf32, #tpu.memory_space<vmem>>
      tpu.wait_dma2 semaphore(%run_scoped3A : memref<!tpu.dma_semaphore, #tpu.memory_space<semaphore_mem>>) src(%dma_wait3A_96 : memref<120x16xf32, #tpu.memory_space<vmem>>) dst(%dma_wait3A_93 : memref<120x16xf32, #tpu.memory_space<hbm>>)
      tpu.yield
    }) : () -> ()
    %mul3A_67 = arith.constant 640 : i32
    %mul3A_68 = arith.muli %arg1, %mul3A_67 : i32
    %add3A_69 = arith.constant 480 : i32
    %add3A_70 = arith.addi %mul3A_68, %add3A_69 : i32
    "tpu.region"() ({
      %run_scoped3A = tpu.sem_alloc : memref<!tpu.dma_semaphore, #tpu.memory_space<semaphore_mem>>
      %dma_start3A = arith.constant 0 : i32
      %dma_start3A_75 = arith.constant 0 : i32
      %dma_start3A_76 = tpu.memref_slice %arg8[%dma_start3A, %dma_start3A_75] : memref<120x16xf32, #tpu.memory_space<vmem>> -> memref<120x16xf32, #tpu.memory_space<vmem>>
      %dma_start3A_77 = arith.constant 0 : i32
      %dma_start3A_78 = tpu.memref_slice %arg10[%add3A_70, %dma_start3A_77] : memref<10240x16xf32, #tpu.memory_space<vmem_shared>> -> memref<120x16xf32, #tpu.memory_space<vmem_shared>>
      %dma_start3A_79 = arith.constant 0 : i32
      %dma_start3A_80 = arith.constant 0 : i32
      %dma_start3A_81 = tpu.memref_slice %arg8[%dma_start3A_79, %dma_start3A_80] : memref<120x16xf32, #tpu.memory_space<vmem>> -> memref<120x16xf32, #tpu.memory_space<vmem>>
      %dma_start3A_82 = arith.constant 0 : i32
      %dma_start3A_83 = tpu.memref_slice %arg10[%add3A_70, %dma_start3A_82] : memref<10240x16xf32, #tpu.memory_space<vmem_shared>> -> memref<120x16xf32, #tpu.memory_space<vmem_shared>>
      tpu.enqueue_dma source(%dma_start3A_83 : memref<120x16xf32, #tpu.memory_space<vmem_shared>>) target(%dma_start3A_81 : memref<120x16xf32, #tpu.memory_space<vmem>>) target_semaphore(%run_scoped3A : memref<!tpu.dma_semaphore, #tpu.memory_space<semaphore_mem>>)
      %dma_wait3A = arith.constant 0 : i32
      %dma_wait3A_84 = arith.constant 0 : i32
      %dma_wait3A_85 = tpu.memref_slice %arg8[%dma_wait3A, %dma_wait3A_84] : memref<120x16xf32, #tpu.memory_space<vmem>> -> memref<120x16xf32, #tpu.memory_space<vmem>>
      %dma_wait3A_86 = arith.constant 0 : i32
      %dma_wait3A_87 = tpu.memref_slice %arg10[%add3A_70, %dma_wait3A_86] : memref<10240x16xf32, #tpu.memory_space<vmem_shared>> -> memref<120x16xf32, #tpu.memory_space<vmem_shared>>
      %dma_wait3A_88 = arith.constant 0 : i32
      %dma_wait3A_89 = arith.constant 0 : i32
      %dma_wait3A_90 = tpu.memref_slice %arg8[%dma_wait3A_88, %dma_wait3A_89] : memref<120x16xf32, #tpu.memory_space<vmem>> -> memref<120x16xf32, #tpu.memory_space<vmem>>
      %dma_wait3A_91 = arith.constant 0 : i32
      %dma_wait3A_92 = tpu.memref_slice %arg10[%add3A_70, %dma_wait3A_91] : memref<10240x16xf32, #tpu.memory_space<vmem_shared>> -> memref<120x16xf32, #tpu.memory_space<vmem_shared>>
      tpu.wait_dma2 semaphore(%run_scoped3A : memref<!tpu.dma_semaphore, #tpu.memory_space<semaphore_mem>>) src(%dma_wait3A_92 : memref<120x16xf32, #tpu.memory_space<vmem_shared>>) dst(%dma_wait3A_90 : memref<120x16xf32, #tpu.memory_space<vmem>>)
      tpu.yield
    }) : () -> ()
    "tpu.region"() ({
      %run_scoped3A = tpu.sem_alloc : memref<!tpu.dma_semaphore, #tpu.memory_space<semaphore_mem>>
      %dma_start3A = arith.constant 0 : i32
      %dma_start3A_75 = arith.constant 0 : i32
      %dma_start3A_76 = tpu.memref_slice %arg8[%dma_start3A, %dma_start3A_75] : memref<120x16xf32, #tpu.memory_space<vmem>> -> memref<120x16xf32, #tpu.memory_space<vmem>>
      %dma_start3A_77 = arith.constant 0 : i32
      %dma_start3A_78 = tpu.memref_slice %arg5[%arg0, %add3A_70, %dma_start3A_77] : memref<2x10240x16xf32, #tpu.memory_space<hbm>> -> memref<1x120x16xf32, #tpu.memory_space<hbm>>
      %dma_start3A_79 = tpu.memref_squeeze %dma_start3A_78 : memref<1x120x16xf32, #tpu.memory_space<hbm>> -> memref<120x16xf32, #tpu.memory_space<hbm>>
      %dma_start3A_80 = arith.constant 0 : i32
      %dma_start3A_81 = tpu.memref_slice %arg5[%arg0, %add3A_70, %dma_start3A_80] : memref<2x10240x16xf32, #tpu.memory_space<hbm>> -> memref<1x120x16xf32, #tpu.memory_space<hbm>>
      %dma_start3A_82 = tpu.memref_squeeze %dma_start3A_81 : memref<1x120x16xf32, #tpu.memory_space<hbm>> -> memref<120x16xf32, #tpu.memory_space<hbm>>
      %dma_start3A_83 = arith.constant 0 : i32
      %dma_start3A_84 = arith.constant 0 : i32
      %dma_start3A_85 = tpu.memref_slice %arg8[%dma_start3A_83, %dma_start3A_84] : memref<120x16xf32, #tpu.memory_space<vmem>> -> memref<120x16xf32, #tpu.memory_space<vmem>>
      tpu.enqueue_dma source(%dma_start3A_85 : memref<120x16xf32, #tpu.memory_space<vmem>>) target(%dma_start3A_82 : memref<120x16xf32, #tpu.memory_space<hbm>>) target_semaphore(%run_scoped3A : memref<!tpu.dma_semaphore, #tpu.memory_space<semaphore_mem>>)
      %dma_wait3A = arith.constant 0 : i32
      %dma_wait3A_86 = arith.constant 0 : i32
      %dma_wait3A_87 = tpu.memref_slice %arg8[%dma_wait3A, %dma_wait3A_86] : memref<120x16xf32, #tpu.memory_space<vmem>> -> memref<120x16xf32, #tpu.memory_space<vmem>>
      %dma_wait3A_88 = arith.constant 0 : i32
      %dma_wait3A_89 = tpu.memref_slice %arg5[%arg0, %add3A_70, %dma_wait3A_88] : memref<2x10240x16xf32, #tpu.memory_space<hbm>> -> memref<1x120x16xf32, #tpu.memory_space<hbm>>
      %dma_wait3A_90 = tpu.memref_squeeze %dma_wait3A_89 : memref<1x120x16xf32, #tpu.memory_space<hbm>> -> memref<120x16xf32, #tpu.memory_space<hbm>>
      %dma_wait3A_91 = arith.constant 0 : i32
      %dma_wait3A_92 = tpu.memref_slice %arg5[%arg0, %add3A_70, %dma_wait3A_91] : memref<2x10240x16xf32, #tpu.memory_space<hbm>> -> memref<1x120x16xf32, #tpu.memory_space<hbm>>
      %dma_wait3A_93 = tpu.memref_squeeze %dma_wait3A_92 : memref<1x120x16xf32, #tpu.memory_space<hbm>> -> memref<120x16xf32, #tpu.memory_space<hbm>>
      %dma_wait3A_94 = arith.constant 0 : i32
      %dma_wait3A_95 = arith.constant 0 : i32
      %dma_wait3A_96 = tpu.memref_slice %arg8[%dma_wait3A_94, %dma_wait3A_95] : memref<120x16xf32, #tpu.memory_space<vmem>> -> memref<120x16xf32, #tpu.memory_space<vmem>>
      tpu.wait_dma2 semaphore(%run_scoped3A : memref<!tpu.dma_semaphore, #tpu.memory_space<semaphore_mem>>) src(%dma_wait3A_96 : memref<120x16xf32, #tpu.memory_space<vmem>>) dst(%dma_wait3A_93 : memref<120x16xf32, #tpu.memory_space<hbm>>)
      tpu.yield
    }) : () -> ()
    %mul3A_71 = arith.constant 640 : i32
    %mul3A_72 = arith.muli %arg1, %mul3A_71 : i32
    %add3A_73 = arith.constant 600 : i32
    %add3A_74 = arith.addi %mul3A_72, %add3A_73 : i32
    "tpu.region"() ({
      %run_scoped3A = tpu.sem_alloc : memref<!tpu.dma_semaphore, #tpu.memory_space<semaphore_mem>>
      %dma_start3A = arith.constant 0 : i32
      %dma_start3A_75 = arith.constant 0 : i32
      %dma_start3A_76 = tpu.memref_slice %arg8[%dma_start3A, %dma_start3A_75] : memref<120x16xf32, #tpu.memory_space<vmem>> -> memref<40x16xf32, #tpu.memory_space<vmem>>
      %dma_start3A_77 = arith.constant 0 : i32
      %dma_start3A_78 = tpu.memref_slice %arg10[%add3A_74, %dma_start3A_77] : memref<10240x16xf32, #tpu.memory_space<vmem_shared>> -> memref<40x16xf32, #tpu.memory_space<vmem_shared>>
      %dma_start3A_79 = arith.constant 0 : i32
      %dma_start3A_80 = arith.constant 0 : i32
      %dma_start3A_81 = tpu.memref_slice %arg8[%dma_start3A_79, %dma_start3A_80] : memref<120x16xf32, #tpu.memory_space<vmem>> -> memref<40x16xf32, #tpu.memory_space<vmem>>
      %dma_start3A_82 = arith.constant 0 : i32
      %dma_start3A_83 = tpu.memref_slice %arg10[%add3A_74, %dma_start3A_82] : memref<10240x16xf32, #tpu.memory_space<vmem_shared>> -> memref<40x16xf32, #tpu.memory_space<vmem_shared>>
      tpu.enqueue_dma source(%dma_start3A_83 : memref<40x16xf32, #tpu.memory_space<vmem_shared>>) target(%dma_start3A_81 : memref<40x16xf32, #tpu.memory_space<vmem>>) target_semaphore(%run_scoped3A : memref<!tpu.dma_semaphore, #tpu.memory_space<semaphore_mem>>)
      %dma_wait3A = arith.constant 0 : i32
      %dma_wait3A_84 = arith.constant 0 : i32
      %dma_wait3A_85 = tpu.memref_slice %arg8[%dma_wait3A, %dma_wait3A_84] : memref<120x16xf32, #tpu.memory_space<vmem>> -> memref<40x16xf32, #tpu.memory_space<vmem>>
      %dma_wait3A_86 = arith.constant 0 : i32
      %dma_wait3A_87 = tpu.memref_slice %arg10[%add3A_74, %dma_wait3A_86] : memref<10240x16xf32, #tpu.memory_space<vmem_shared>> -> memref<40x16xf32, #tpu.memory_space<vmem_shared>>
      %dma_wait3A_88 = arith.constant 0 : i32
      %dma_wait3A_89 = arith.constant 0 : i32
      %dma_wait3A_90 = tpu.memref_slice %arg8[%dma_wait3A_88, %dma_wait3A_89] : memref<120x16xf32, #tpu.memory_space<vmem>> -> memref<40x16xf32, #tpu.memory_space<vmem>>
      %dma_wait3A_91 = arith.constant 0 : i32
      %dma_wait3A_92 = tpu.memref_slice %arg10[%add3A_74, %dma_wait3A_91] : memref<10240x16xf32, #tpu.memory_space<vmem_shared>> -> memref<40x16xf32, #tpu.memory_space<vmem_shared>>
      tpu.wait_dma2 semaphore(%run_scoped3A : memref<!tpu.dma_semaphore, #tpu.memory_space<semaphore_mem>>) src(%dma_wait3A_92 : memref<40x16xf32, #tpu.memory_space<vmem_shared>>) dst(%dma_wait3A_90 : memref<40x16xf32, #tpu.memory_space<vmem>>)
      tpu.yield
    }) : () -> ()
    "tpu.region"() ({
      %run_scoped3A = tpu.sem_alloc : memref<!tpu.dma_semaphore, #tpu.memory_space<semaphore_mem>>
      %dma_start3A = arith.constant 0 : i32
      %dma_start3A_75 = arith.constant 0 : i32
      %dma_start3A_76 = tpu.memref_slice %arg8[%dma_start3A, %dma_start3A_75] : memref<120x16xf32, #tpu.memory_space<vmem>> -> memref<40x16xf32, #tpu.memory_space<vmem>>
      %dma_start3A_77 = arith.constant 0 : i32
      %dma_start3A_78 = tpu.memref_slice %arg5[%arg0, %add3A_74, %dma_start3A_77] : memref<2x10240x16xf32, #tpu.memory_space<hbm>> -> memref<1x40x16xf32, #tpu.memory_space<hbm>>
      %dma_start3A_79 = tpu.memref_squeeze %dma_start3A_78 : memref<1x40x16xf32, #tpu.memory_space<hbm>> -> memref<40x16xf32, #tpu.memory_space<hbm>>
      %dma_start3A_80 = arith.constant 0 : i32
      %dma_start3A_81 = tpu.memref_slice %arg5[%arg0, %add3A_74, %dma_start3A_80] : memref<2x10240x16xf32, #tpu.memory_space<hbm>> -> memref<1x40x16xf32, #tpu.memory_space<hbm>>
      %dma_start3A_82 = tpu.memref_squeeze %dma_start3A_81 : memref<1x40x16xf32, #tpu.memory_space<hbm>> -> memref<40x16xf32, #tpu.memory_space<hbm>>
      %dma_start3A_83 = arith.constant 0 : i32
      %dma_start3A_84 = arith.constant 0 : i32
      %dma_start3A_85 = tpu.memref_slice %arg8[%dma_start3A_83, %dma_start3A_84] : memref<120x16xf32, #tpu.memory_space<vmem>> -> memref<40x16xf32, #tpu.memory_space<vmem>>
      tpu.enqueue_dma source(%dma_start3A_85 : memref<40x16xf32, #tpu.memory_space<vmem>>) target(%dma_start3A_82 : memref<40x16xf32, #tpu.memory_space<hbm>>) target_semaphore(%run_scoped3A : memref<!tpu.dma_semaphore, #tpu.memory_space<semaphore_mem>>)
      %dma_wait3A = arith.constant 0 : i32
      %dma_wait3A_86 = arith.constant 0 : i32
      %dma_wait3A_87 = tpu.memref_slice %arg8[%dma_wait3A, %dma_wait3A_86] : memref<120x16xf32, #tpu.memory_space<vmem>> -> memref<40x16xf32, #tpu.memory_space<vmem>>
      %dma_wait3A_88 = arith.constant 0 : i32
      %dma_wait3A_89 = tpu.memref_slice %arg5[%arg0, %add3A_74, %dma_wait3A_88] : memref<2x10240x16xf32, #tpu.memory_space<hbm>> -> memref<1x40x16xf32, #tpu.memory_space<hbm>>
      %dma_wait3A_90 = tpu.memref_squeeze %dma_wait3A_89 : memref<1x40x16xf32, #tpu.memory_space<hbm>> -> memref<40x16xf32, #tpu.memory_space<hbm>>
      %dma_wait3A_91 = arith.constant 0 : i32
      %dma_wait3A_92 = tpu.memref_slice %arg5[%arg0, %add3A_74, %dma_wait3A_91] : memref<2x10240x16xf32, #tpu.memory_space<hbm>> -> memref<1x40x16xf32, #tpu.memory_space<hbm>>
      %dma_wait3A_93 = tpu.memref_squeeze %dma_wait3A_92 : memref<1x40x16xf32, #tpu.memory_space<hbm>> -> memref<40x16xf32, #tpu.memory_space<hbm>>
      %dma_wait3A_94 = arith.constant 0 : i32
      %dma_wait3A_95 = arith.constant 0 : i32
      %dma_wait3A_96 = tpu.memref_slice %arg8[%dma_wait3A_94, %dma_wait3A_95] : memref<120x16xf32, #tpu.memory_space<vmem>> -> memref<40x16xf32, #tpu.memory_space<vmem>>
      tpu.wait_dma2 semaphore(%run_scoped3A : memref<!tpu.dma_semaphore, #tpu.memory_space<semaphore_mem>>) src(%dma_wait3A_96 : memref<40x16xf32, #tpu.memory_space<vmem>>) dst(%dma_wait3A_93 : memref<40x16xf32, #tpu.memory_space<hbm>>)
      tpu.yield
    }) : () -> ()
    return
  }
}

#map = affine_map<(d0, d1) -> (0, 0)>
#map1 = affine_map<(d0, d1) -> (0, 0, 0)>
module attributes {stable_mosaic.version = 14 : i64} {
  func.func @agg(%arg0: i32, %arg1: i32, %arg2: memref<10240x128xf32, #tpu.memory_space<hbm>>, %arg3: memref<2688x120xi32, #tpu.memory_space<hbm>>, %arg4: memref<2688x120xi32, #tpu.memory_space<hbm>>, %arg5: memref<2x10240x128xf32, #tpu.memory_space<hbm>>, %arg6: memref<2x32x120xi32, #tpu.memory_space<vmem>>, %arg7: memref<2x32x120xi32, #tpu.memory_space<vmem>>, %arg8: memref<120x128xf32, #tpu.memory_space<vmem>>, %arg9: memref<120x128xf32, #tpu.memory_space<vmem>>, %arg10: memref<10240x128xf32, #tpu.memory_space<vmem_shared>>, %arg11: memref<!tpu.dma_semaphore, #tpu.memory_space<semaphore_mem>>, %arg12: memref<!tpu.dma_semaphore, #tpu.memory_space<semaphore_mem>>, %arg13: memref<!tpu.dma_semaphore, #tpu.memory_space<semaphore_mem>>, %arg14: memref<!tpu.dma_semaphore, #tpu.memory_space<semaphore_mem>>, %arg15: memref<!tpu.dma_semaphore, #tpu.memory_space<semaphore_mem>>, %arg16: memref<!tpu.dma_semaphore, #tpu.memory_space<semaphore_mem>>) attributes {dimension_semantics = [#tpu.dimension_semantics<core_parallel>, #tpu.dimension_semantics<subcore_parallel>], iteration_bounds = array<i64: 2, 16>, scalar_prefetch = 0 : i64, scratch_operands = 11 : i64, tpu.core_type = #tpu.core_type<sc_vector_subcore>, window_params = [{transform_indices = #map}, {transform_indices = #map}, {transform_indices = #map}, {transform_indices = #map1}]} {
    %mul3A = arith.constant 128 : i32
    %mul3A_0 = arith.muli %arg1, %mul3A : i32
    %mul3A_1 = arith.constant 40 : i32
    %mul3A_2 = arith.muli %arg1, %mul3A_1 : i32
    %add3A = arith.constant 2048 : i32
    %add3A_3 = arith.addi %add3A, %mul3A_2 : i32
    %eq3A = arith.constant 0 : i32
    %eq3A_4 = arith.cmpi eq, %arg0, %eq3A : i32
    %convert_element_type3A = arith.extui %eq3A_4 : i1 to i32
    %cond3A = arith.constant 0 : i32
    %cond3A_5 = arith.cmpi ne, %convert_element_type3A, %cond3A : i32
    scf.if %cond3A_5 {
      %dma_start3A = arith.constant 0 : i32
      %dma_start3A_75 = arith.constant 0 : i32
      %dma_start3A_76 = arith.constant 0 : i32
      %dma_start3A_77 = tpu.memref_slice %arg6[%dma_start3A, %dma_start3A_75, %dma_start3A_76] : memref<2x32x120xi32, #tpu.memory_space<vmem>> -> memref<1x32x120xi32, #tpu.memory_space<vmem>>
      %dma_start3A_78 = tpu.memref_squeeze %dma_start3A_77 : memref<1x32x120xi32, #tpu.memory_space<vmem>> -> memref<32x120xi32, #tpu.memory_space<vmem>>
      %dma_start3A_79 = arith.constant 0 : i32
      %dma_start3A_80 = tpu.memref_slice %arg3[%mul3A_0, %dma_start3A_79] : memref<2688x120xi32, #tpu.memory_space<hbm>> -> memref<32x120xi32, #tpu.memory_space<hbm>>
      %dma_start3A_81 = arith.constant 0 : i32
      %dma_start3A_82 = arith.constant 0 : i32
      %dma_start3A_83 = tpu.memref_slice %arg6[%dma_start3A, %dma_start3A_81, %dma_start3A_82] : memref<2x32x120xi32, #tpu.memory_space<vmem>> -> memref<1x32x120xi32, #tpu.memory_space<vmem>>
      %dma_start3A_84 = tpu.memref_squeeze %dma_start3A_83 : memref<1x32x120xi32, #tpu.memory_space<vmem>> -> memref<32x120xi32, #tpu.memory_space<vmem>>
      %dma_start3A_85 = arith.constant 0 : i32
      %dma_start3A_86 = tpu.memref_slice %arg3[%mul3A_0, %dma_start3A_85] : memref<2688x120xi32, #tpu.memory_space<hbm>> -> memref<32x120xi32, #tpu.memory_space<hbm>>
      tpu.enqueue_dma source(%dma_start3A_86 : memref<32x120xi32, #tpu.memory_space<hbm>>) target(%dma_start3A_84 : memref<32x120xi32, #tpu.memory_space<vmem>>) target_semaphore(%arg15 : memref<!tpu.dma_semaphore, #tpu.memory_space<semaphore_mem>>)
      %dma_start3A_87 = arith.constant 0 : i32
      %dma_start3A_88 = arith.constant 0 : i32
      %dma_start3A_89 = arith.constant 0 : i32
      %dma_start3A_90 = tpu.memref_slice %arg7[%dma_start3A_87, %dma_start3A_88, %dma_start3A_89] : memref<2x32x120xi32, #tpu.memory_space<vmem>> -> memref<1x32x120xi32, #tpu.memory_space<vmem>>
      %dma_start3A_91 = tpu.memref_squeeze %dma_start3A_90 : memref<1x32x120xi32, #tpu.memory_space<vmem>> -> memref<32x120xi32, #tpu.memory_space<vmem>>
      %dma_start3A_92 = arith.constant 0 : i32
      %dma_start3A_93 = tpu.memref_slice %arg4[%mul3A_0, %dma_start3A_92] : memref<2688x120xi32, #tpu.memory_space<hbm>> -> memref<32x120xi32, #tpu.memory_space<hbm>>
      %dma_start3A_94 = arith.constant 0 : i32
      %dma_start3A_95 = arith.constant 0 : i32
      %dma_start3A_96 = tpu.memref_slice %arg7[%dma_start3A_87, %dma_start3A_94, %dma_start3A_95] : memref<2x32x120xi32, #tpu.memory_space<vmem>> -> memref<1x32x120xi32, #tpu.memory_space<vmem>>
      %dma_start3A_97 = tpu.memref_squeeze %dma_start3A_96 : memref<1x32x120xi32, #tpu.memory_space<vmem>> -> memref<32x120xi32, #tpu.memory_space<vmem>>
      %dma_start3A_98 = arith.constant 0 : i32
      %dma_start3A_99 = tpu.memref_slice %arg4[%mul3A_0, %dma_start3A_98] : memref<2688x120xi32, #tpu.memory_space<hbm>> -> memref<32x120xi32, #tpu.memory_space<hbm>>
      tpu.enqueue_dma source(%dma_start3A_99 : memref<32x120xi32, #tpu.memory_space<hbm>>) target(%dma_start3A_97 : memref<32x120xi32, #tpu.memory_space<vmem>>) target_semaphore(%arg15 : memref<!tpu.dma_semaphore, #tpu.memory_space<semaphore_mem>>)
    } else {
    }
    %eq3A_6 = arith.constant 1 : i32
    %eq3A_7 = arith.cmpi eq, %arg0, %eq3A_6 : i32
    %convert_element_type3A_8 = arith.extui %eq3A_7 : i1 to i32
    %cond3A_9 = arith.constant 0 : i32
    %cond3A_10 = arith.cmpi ne, %convert_element_type3A_8, %cond3A_9 : i32
    scf.if %cond3A_10 {
      %dma_start3A = arith.constant 0 : i32
      %dma_start3A_75 = arith.constant 0 : i32
      %dma_start3A_76 = arith.constant 0 : i32
      %dma_start3A_77 = tpu.memref_slice %arg6[%dma_start3A, %dma_start3A_75, %dma_start3A_76] : memref<2x32x120xi32, #tpu.memory_space<vmem>> -> memref<1x24x120xi32, #tpu.memory_space<vmem>>
      %dma_start3A_78 = tpu.memref_squeeze %dma_start3A_77 : memref<1x24x120xi32, #tpu.memory_space<vmem>> -> memref<24x120xi32, #tpu.memory_space<vmem>>
      %dma_start3A_79 = arith.constant 0 : i32
      %dma_start3A_80 = tpu.memref_slice %arg3[%add3A_3, %dma_start3A_79] : memref<2688x120xi32, #tpu.memory_space<hbm>> -> memref<24x120xi32, #tpu.memory_space<hbm>>
      %dma_start3A_81 = arith.constant 0 : i32
      %dma_start3A_82 = arith.constant 0 : i32
      %dma_start3A_83 = tpu.memref_slice %arg6[%dma_start3A, %dma_start3A_81, %dma_start3A_82] : memref<2x32x120xi32, #tpu.memory_space<vmem>> -> memref<1x24x120xi32, #tpu.memory_space<vmem>>
      %dma_start3A_84 = tpu.memref_squeeze %dma_start3A_83 : memref<1x24x120xi32, #tpu.memory_space<vmem>> -> memref<24x120xi32, #tpu.memory_space<vmem>>
      %dma_start3A_85 = arith.constant 0 : i32
      %dma_start3A_86 = tpu.memref_slice %arg3[%add3A_3, %dma_start3A_85] : memref<2688x120xi32, #tpu.memory_space<hbm>> -> memref<24x120xi32, #tpu.memory_space<hbm>>
      tpu.enqueue_dma source(%dma_start3A_86 : memref<24x120xi32, #tpu.memory_space<hbm>>) target(%dma_start3A_84 : memref<24x120xi32, #tpu.memory_space<vmem>>) target_semaphore(%arg15 : memref<!tpu.dma_semaphore, #tpu.memory_space<semaphore_mem>>)
      %dma_start3A_87 = arith.constant 0 : i32
      %dma_start3A_88 = arith.constant 0 : i32
      %dma_start3A_89 = arith.constant 0 : i32
      %dma_start3A_90 = tpu.memref_slice %arg7[%dma_start3A_87, %dma_start3A_88, %dma_start3A_89] : memref<2x32x120xi32, #tpu.memory_space<vmem>> -> memref<1x24x120xi32, #tpu.memory_space<vmem>>
      %dma_start3A_91 = tpu.memref_squeeze %dma_start3A_90 : memref<1x24x120xi32, #tpu.memory_space<vmem>> -> memref<24x120xi32, #tpu.memory_space<vmem>>
      %dma_start3A_92 = arith.constant 0 : i32
      %dma_start3A_93 = tpu.memref_slice %arg4[%add3A_3, %dma_start3A_92] : memref<2688x120xi32, #tpu.memory_space<hbm>> -> memref<24x120xi32, #tpu.memory_space<hbm>>
      %dma_start3A_94 = arith.constant 0 : i32
      %dma_start3A_95 = arith.constant 0 : i32
      %dma_start3A_96 = tpu.memref_slice %arg7[%dma_start3A_87, %dma_start3A_94, %dma_start3A_95] : memref<2x32x120xi32, #tpu.memory_space<vmem>> -> memref<1x24x120xi32, #tpu.memory_space<vmem>>
      %dma_start3A_97 = tpu.memref_squeeze %dma_start3A_96 : memref<1x24x120xi32, #tpu.memory_space<vmem>> -> memref<24x120xi32, #tpu.memory_space<vmem>>
      %dma_start3A_98 = arith.constant 0 : i32
      %dma_start3A_99 = tpu.memref_slice %arg4[%add3A_3, %dma_start3A_98] : memref<2688x120xi32, #tpu.memory_space<hbm>> -> memref<24x120xi32, #tpu.memory_space<hbm>>
      tpu.enqueue_dma source(%dma_start3A_99 : memref<24x120xi32, #tpu.memory_space<hbm>>) target(%dma_start3A_97 : memref<24x120xi32, #tpu.memory_space<vmem>>) target_semaphore(%arg15 : memref<!tpu.dma_semaphore, #tpu.memory_space<semaphore_mem>>)
    } else {
    }
    %broadcast_in_dim3A = arith.constant 0.000000e+00 : f32
    %broadcast_in_dim3A_11 = vector.broadcast %broadcast_in_dim3A : f32 to vector<16xf32>
    %scan3A = arith.constant 0 : i32
    %scan3A_12 = arith.constant 960 : i32
    %scan3A_13 = arith.addi %scan3A, %scan3A_12 : i32
    %scan3A_14 = arith.constant 1 : i32
    scf.for %scan3A_75 = %scan3A to %scan3A_13 step %scan3A_14  : i32 {
      %jit3A = arith.constant 8 : i32
      %div3A = arith.divsi %scan3A_75, %jit3A : i32
      %sign3A = arith.constant 0 : i32
      %sign3A_76 = arith.cmpi sgt, %scan3A_75, %sign3A : i32
      %sign3A_77 = arith.extui %sign3A_76 : i1 to i32
      %sign3A_78 = arith.constant 0 : i32
      %sign3A_79 = arith.cmpi slt, %scan3A_75, %sign3A_78 : i32
      %sign3A_80 = arith.extui %sign3A_79 : i1 to i32
      %sign3A_81 = arith.subi %sign3A_77, %sign3A_80 : i32
      %sign3A_82 = arith.constant 0 : i32
      %sign3A_83 = arith.cmpi sgt, %jit3A, %sign3A_82 : i32
      %sign3A_84 = arith.extui %sign3A_83 : i1 to i32
      %sign3A_85 = arith.constant 0 : i32
      %sign3A_86 = arith.cmpi slt, %jit3A, %sign3A_85 : i32
      %sign3A_87 = arith.extui %sign3A_86 : i1 to i32
      %sign3A_88 = arith.subi %sign3A_84, %sign3A_87 : i32
      %ne3A = arith.cmpi ne, %sign3A_81, %sign3A_88 : i32
      %rem3A = arith.remsi %scan3A_75, %jit3A : i32
      %ne3A_89 = arith.constant 0 : i32
      %ne3A_90 = arith.cmpi ne, %rem3A, %ne3A_89 : i32
      %and3A = arith.andi %ne3A, %ne3A_90 : i1
      %sub3A = arith.constant 1 : i32
      %sub3A_91 = arith.subi %div3A, %sub3A : i32
      %select_n3A = arith.select %and3A, %sub3A_91, %div3A : i32
      %jit3A_92 = arith.constant 8 : i32
      %eq3A_93 = arith.constant 0 : i32
      %eq3A_94 = arith.cmpi eq, %jit3A_92, %eq3A_93 : i32
      %jit3A_95 = arith.constant 1 : i32
      %select_n3A_96 = arith.select %eq3A_94, %jit3A_95, %jit3A_92 : i32
      %rem3A_97 = arith.remsi %scan3A_75, %select_n3A_96 : i32
      %ne3A_98 = arith.constant 0 : i32
      %ne3A_99 = arith.cmpi ne, %rem3A_97, %ne3A_98 : i32
      %lt3A = arith.constant 0 : i32
      %lt3A_100 = arith.cmpi slt, %rem3A_97, %lt3A : i32
      %lt3A_101 = arith.constant 0 : i32
      %lt3A_102 = arith.cmpi slt, %select_n3A_96, %lt3A_101 : i32
      %ne3A_103 = arith.xori %lt3A_100, %lt3A_102 : i1
      %and3A_104 = arith.andi %ne3A_103, %ne3A_99 : i1
      %add3A_105 = arith.addi %rem3A_97, %select_n3A_96 : i32
      %select_n3A_106 = arith.select %and3A_104, %add3A_105, %rem3A_97 : i32
      %mul3A_107 = arith.constant 16 : i32
      %mul3A_108 = arith.muli %select_n3A_106, %mul3A_107 : i32
      %swap3A = arith.index_cast %select_n3A : i32 to index
      %swap3A_109 = arith.index_cast %mul3A_108 : i32 to index
      %swap3A_110 = tpu.vector_load %arg8[%swap3A, %swap3A_109] {strides = array<i32>} : memref<120x128xf32, #tpu.memory_space<vmem>>, vector<16xf32>,
      tpu.vector_store %arg8[%swap3A, %swap3A_109], %broadcast_in_dim3A_11 {strides = array<i32>} : memref<120x128xf32, #tpu.memory_space<vmem>>, vector<16xf32>,
    }
    %scan3A_15 = arith.constant 960 : i32
    %mul3A_16 = arith.constant 640 : i32
    %mul3A_17 = arith.muli %arg1, %mul3A_16 : i32
    %add3A_18 = arith.constant 0 : i32
    %add3A_19 = arith.addi %mul3A_17, %add3A_18 : i32
    "tpu.region"() ({
      %run_scoped3A = tpu.sem_alloc : memref<!tpu.dma_semaphore, #tpu.memory_space<semaphore_mem>>
      %dma_start3A = arith.constant 0 : i32
      %dma_start3A_75 = arith.constant 0 : i32
      %dma_start3A_76 = tpu.memref_slice %arg8[%dma_start3A, %dma_start3A_75] : memref<120x128xf32, #tpu.memory_space<vmem>> -> memref<120x128xf32, #tpu.memory_space<vmem>>
      %dma_start3A_77 = arith.constant 0 : i32
      %dma_start3A_78 = tpu.memref_slice %arg10[%add3A_19, %dma_start3A_77] : memref<10240x128xf32, #tpu.memory_space<vmem_shared>> -> memref<120x128xf32, #tpu.memory_space<vmem_shared>>
      %dma_start3A_79 = arith.constant 0 : i32
      %dma_start3A_80 = tpu.memref_slice %arg10[%add3A_19, %dma_start3A_79] : memref<10240x128xf32, #tpu.memory_space<vmem_shared>> -> memref<120x128xf32, #tpu.memory_space<vmem_shared>>
      %dma_start3A_81 = arith.constant 0 : i32
      %dma_start3A_82 = arith.constant 0 : i32
      %dma_start3A_83 = tpu.memref_slice %arg8[%dma_start3A_81, %dma_start3A_82] : memref<120x128xf32, #tpu.memory_space<vmem>> -> memref<120x128xf32, #tpu.memory_space<vmem>>
      tpu.enqueue_dma source(%dma_start3A_83 : memref<120x128xf32, #tpu.memory_space<vmem>>) target(%dma_start3A_80 : memref<120x128xf32, #tpu.memory_space<vmem_shared>>) target_semaphore(%run_scoped3A : memref<!tpu.dma_semaphore, #tpu.memory_space<semaphore_mem>>)
      %dma_wait3A = arith.constant 0 : i32
      %dma_wait3A_84 = arith.constant 0 : i32
      %dma_wait3A_85 = tpu.memref_slice %arg8[%dma_wait3A, %dma_wait3A_84] : memref<120x128xf32, #tpu.memory_space<vmem>> -> memref<120x128xf32, #tpu.memory_space<vmem>>
      %dma_wait3A_86 = arith.constant 0 : i32
      %dma_wait3A_87 = tpu.memref_slice %arg10[%add3A_19, %dma_wait3A_86] : memref<10240x128xf32, #tpu.memory_space<vmem_shared>> -> memref<120x128xf32, #tpu.memory_space<vmem_shared>>
      %dma_wait3A_88 = arith.constant 0 : i32
      %dma_wait3A_89 = tpu.memref_slice %arg10[%add3A_19, %dma_wait3A_88] : memref<10240x128xf32, #tpu.memory_space<vmem_shared>> -> memref<120x128xf32, #tpu.memory_space<vmem_shared>>
      %dma_wait3A_90 = arith.constant 0 : i32
      %dma_wait3A_91 = arith.constant 0 : i32
      %dma_wait3A_92 = tpu.memref_slice %arg8[%dma_wait3A_90, %dma_wait3A_91] : memref<120x128xf32, #tpu.memory_space<vmem>> -> memref<120x128xf32, #tpu.memory_space<vmem>>
      tpu.wait_dma2 semaphore(%run_scoped3A : memref<!tpu.dma_semaphore, #tpu.memory_space<semaphore_mem>>) src(%dma_wait3A_92 : memref<120x128xf32, #tpu.memory_space<vmem>>) dst(%dma_wait3A_89 : memref<120x128xf32, #tpu.memory_space<vmem_shared>>)
      tpu.yield
    }) : () -> ()
    %mul3A_20 = arith.constant 640 : i32
    %mul3A_21 = arith.muli %arg1, %mul3A_20 : i32
    %add3A_22 = arith.constant 120 : i32
    %add3A_23 = arith.addi %mul3A_21, %add3A_22 : i32
    "tpu.region"() ({
      %run_scoped3A = tpu.sem_alloc : memref<!tpu.dma_semaphore, #tpu.memory_space<semaphore_mem>>
      %dma_start3A = arith.constant 0 : i32
      %dma_start3A_75 = arith.constant 0 : i32
      %dma_start3A_76 = tpu.memref_slice %arg8[%dma_start3A, %dma_start3A_75] : memref<120x128xf32, #tpu.memory_space<vmem>> -> memref<120x128xf32, #tpu.memory_space<vmem>>
      %dma_start3A_77 = arith.constant 0 : i32
      %dma_start3A_78 = tpu.memref_slice %arg10[%add3A_23, %dma_start3A_77] : memref<10240x128xf32, #tpu.memory_space<vmem_shared>> -> memref<120x128xf32, #tpu.memory_space<vmem_shared>>
      %dma_start3A_79 = arith.constant 0 : i32
      %dma_start3A_80 = tpu.memref_slice %arg10[%add3A_23, %dma_start3A_79] : memref<10240x128xf32, #tpu.memory_space<vmem_shared>> -> memref<120x128xf32, #tpu.memory_space<vmem_shared>>
      %dma_start3A_81 = arith.constant 0 : i32
      %dma_start3A_82 = arith.constant 0 : i32
      %dma_start3A_83 = tpu.memref_slice %arg8[%dma_start3A_81, %dma_start3A_82] : memref<120x128xf32, #tpu.memory_space<vmem>> -> memref<120x128xf32, #tpu.memory_space<vmem>>
      tpu.enqueue_dma source(%dma_start3A_83 : memref<120x128xf32, #tpu.memory_space<vmem>>) target(%dma_start3A_80 : memref<120x128xf32, #tpu.memory_space<vmem_shared>>) target_semaphore(%run_scoped3A : memref<!tpu.dma_semaphore, #tpu.memory_space<semaphore_mem>>)
      %dma_wait3A = arith.constant 0 : i32
      %dma_wait3A_84 = arith.constant 0 : i32
      %dma_wait3A_85 = tpu.memref_slice %arg8[%dma_wait3A, %dma_wait3A_84] : memref<120x128xf32, #tpu.memory_space<vmem>> -> memref<120x128xf32, #tpu.memory_space<vmem>>
      %dma_wait3A_86 = arith.constant 0 : i32
      %dma_wait3A_87 = tpu.memref_slice %arg10[%add3A_23, %dma_wait3A_86] : memref<10240x128xf32, #tpu.memory_space<vmem_shared>> -> memref<120x128xf32, #tpu.memory_space<vmem_shared>>
      %dma_wait3A_88 = arith.constant 0 : i32
      %dma_wait3A_89 = tpu.memref_slice %arg10[%add3A_23, %dma_wait3A_88] : memref<10240x128xf32, #tpu.memory_space<vmem_shared>> -> memref<120x128xf32, #tpu.memory_space<vmem_shared>>
      %dma_wait3A_90 = arith.constant 0 : i32
      %dma_wait3A_91 = arith.constant 0 : i32
      %dma_wait3A_92 = tpu.memref_slice %arg8[%dma_wait3A_90, %dma_wait3A_91] : memref<120x128xf32, #tpu.memory_space<vmem>> -> memref<120x128xf32, #tpu.memory_space<vmem>>
      tpu.wait_dma2 semaphore(%run_scoped3A : memref<!tpu.dma_semaphore, #tpu.memory_space<semaphore_mem>>) src(%dma_wait3A_92 : memref<120x128xf32, #tpu.memory_space<vmem>>) dst(%dma_wait3A_89 : memref<120x128xf32, #tpu.memory_space<vmem_shared>>)
      tpu.yield
    }) : () -> ()
    %mul3A_24 = arith.constant 640 : i32
    %mul3A_25 = arith.muli %arg1, %mul3A_24 : i32
    %add3A_26 = arith.constant 240 : i32
    %add3A_27 = arith.addi %mul3A_25, %add3A_26 : i32
    "tpu.region"() ({
      %run_scoped3A = tpu.sem_alloc : memref<!tpu.dma_semaphore, #tpu.memory_space<semaphore_mem>>
      %dma_start3A = arith.constant 0 : i32
      %dma_start3A_75 = arith.constant 0 : i32
      %dma_start3A_76 = tpu.memref_slice %arg8[%dma_start3A, %dma_start3A_75] : memref<120x128xf32, #tpu.memory_space<vmem>> -> memref<120x128xf32, #tpu.memory_space<vmem>>
      %dma_start3A_77 = arith.constant 0 : i32
      %dma_start3A_78 = tpu.memref_slice %arg10[%add3A_27, %dma_start3A_77] : memref<10240x128xf32, #tpu.memory_space<vmem_shared>> -> memref<120x128xf32, #tpu.memory_space<vmem_shared>>
      %dma_start3A_79 = arith.constant 0 : i32
      %dma_start3A_80 = tpu.memref_slice %arg10[%add3A_27, %dma_start3A_79] : memref<10240x128xf32, #tpu.memory_space<vmem_shared>> -> memref<120x128xf32, #tpu.memory_space<vmem_shared>>
      %dma_start3A_81 = arith.constant 0 : i32
      %dma_start3A_82 = arith.constant 0 : i32
      %dma_start3A_83 = tpu.memref_slice %arg8[%dma_start3A_81, %dma_start3A_82] : memref<120x128xf32, #tpu.memory_space<vmem>> -> memref<120x128xf32, #tpu.memory_space<vmem>>
      tpu.enqueue_dma source(%dma_start3A_83 : memref<120x128xf32, #tpu.memory_space<vmem>>) target(%dma_start3A_80 : memref<120x128xf32, #tpu.memory_space<vmem_shared>>) target_semaphore(%run_scoped3A : memref<!tpu.dma_semaphore, #tpu.memory_space<semaphore_mem>>)
      %dma_wait3A = arith.constant 0 : i32
      %dma_wait3A_84 = arith.constant 0 : i32
      %dma_wait3A_85 = tpu.memref_slice %arg8[%dma_wait3A, %dma_wait3A_84] : memref<120x128xf32, #tpu.memory_space<vmem>> -> memref<120x128xf32, #tpu.memory_space<vmem>>
      %dma_wait3A_86 = arith.constant 0 : i32
      %dma_wait3A_87 = tpu.memref_slice %arg10[%add3A_27, %dma_wait3A_86] : memref<10240x128xf32, #tpu.memory_space<vmem_shared>> -> memref<120x128xf32, #tpu.memory_space<vmem_shared>>
      %dma_wait3A_88 = arith.constant 0 : i32
      %dma_wait3A_89 = tpu.memref_slice %arg10[%add3A_27, %dma_wait3A_88] : memref<10240x128xf32, #tpu.memory_space<vmem_shared>> -> memref<120x128xf32, #tpu.memory_space<vmem_shared>>
      %dma_wait3A_90 = arith.constant 0 : i32
      %dma_wait3A_91 = arith.constant 0 : i32
      %dma_wait3A_92 = tpu.memref_slice %arg8[%dma_wait3A_90, %dma_wait3A_91] : memref<120x128xf32, #tpu.memory_space<vmem>> -> memref<120x128xf32, #tpu.memory_space<vmem>>
      tpu.wait_dma2 semaphore(%run_scoped3A : memref<!tpu.dma_semaphore, #tpu.memory_space<semaphore_mem>>) src(%dma_wait3A_92 : memref<120x128xf32, #tpu.memory_space<vmem>>) dst(%dma_wait3A_89 : memref<120x128xf32, #tpu.memory_space<vmem_shared>>)
      tpu.yield
    }) : () -> ()
    %mul3A_28 = arith.constant 640 : i32
    %mul3A_29 = arith.muli %arg1, %mul3A_28 : i32
    %add3A_30 = arith.constant 360 : i32
    %add3A_31 = arith.addi %mul3A_29, %add3A_30 : i32
    "tpu.region"() ({
      %run_scoped3A = tpu.sem_alloc : memref<!tpu.dma_semaphore, #tpu.memory_space<semaphore_mem>>
      %dma_start3A = arith.constant 0 : i32
      %dma_start3A_75 = arith.constant 0 : i32
      %dma_start3A_76 = tpu.memref_slice %arg8[%dma_start3A, %dma_start3A_75] : memref<120x128xf32, #tpu.memory_space<vmem>> -> memref<120x128xf32, #tpu.memory_space<vmem>>
      %dma_start3A_77 = arith.constant 0 : i32
      %dma_start3A_78 = tpu.memref_slice %arg10[%add3A_31, %dma_start3A_77] : memref<10240x128xf32, #tpu.memory_space<vmem_shared>> -> memref<120x128xf32, #tpu.memory_space<vmem_shared>>
      %dma_start3A_79 = arith.constant 0 : i32
      %dma_start3A_80 = tpu.memref_slice %arg10[%add3A_31, %dma_start3A_79] : memref<10240x128xf32, #tpu.memory_space<vmem_shared>> -> memref<120x128xf32, #tpu.memory_space<vmem_shared>>
      %dma_start3A_81 = arith.constant 0 : i32
      %dma_start3A_82 = arith.constant 0 : i32
      %dma_start3A_83 = tpu.memref_slice %arg8[%dma_start3A_81, %dma_start3A_82] : memref<120x128xf32, #tpu.memory_space<vmem>> -> memref<120x128xf32, #tpu.memory_space<vmem>>
      tpu.enqueue_dma source(%dma_start3A_83 : memref<120x128xf32, #tpu.memory_space<vmem>>) target(%dma_start3A_80 : memref<120x128xf32, #tpu.memory_space<vmem_shared>>) target_semaphore(%run_scoped3A : memref<!tpu.dma_semaphore, #tpu.memory_space<semaphore_mem>>)
      %dma_wait3A = arith.constant 0 : i32
      %dma_wait3A_84 = arith.constant 0 : i32
      %dma_wait3A_85 = tpu.memref_slice %arg8[%dma_wait3A, %dma_wait3A_84] : memref<120x128xf32, #tpu.memory_space<vmem>> -> memref<120x128xf32, #tpu.memory_space<vmem>>
      %dma_wait3A_86 = arith.constant 0 : i32
      %dma_wait3A_87 = tpu.memref_slice %arg10[%add3A_31, %dma_wait3A_86] : memref<10240x128xf32, #tpu.memory_space<vmem_shared>> -> memref<120x128xf32, #tpu.memory_space<vmem_shared>>
      %dma_wait3A_88 = arith.constant 0 : i32
      %dma_wait3A_89 = tpu.memref_slice %arg10[%add3A_31, %dma_wait3A_88] : memref<10240x128xf32, #tpu.memory_space<vmem_shared>> -> memref<120x128xf32, #tpu.memory_space<vmem_shared>>
      %dma_wait3A_90 = arith.constant 0 : i32
      %dma_wait3A_91 = arith.constant 0 : i32
      %dma_wait3A_92 = tpu.memref_slice %arg8[%dma_wait3A_90, %dma_wait3A_91] : memref<120x128xf32, #tpu.memory_space<vmem>> -> memref<120x128xf32, #tpu.memory_space<vmem>>
      tpu.wait_dma2 semaphore(%run_scoped3A : memref<!tpu.dma_semaphore, #tpu.memory_space<semaphore_mem>>) src(%dma_wait3A_92 : memref<120x128xf32, #tpu.memory_space<vmem>>) dst(%dma_wait3A_89 : memref<120x128xf32, #tpu.memory_space<vmem_shared>>)
      tpu.yield
    }) : () -> ()
    %mul3A_32 = arith.constant 640 : i32
    %mul3A_33 = arith.muli %arg1, %mul3A_32 : i32
    %add3A_34 = arith.constant 480 : i32
    %add3A_35 = arith.addi %mul3A_33, %add3A_34 : i32
    "tpu.region"() ({
      %run_scoped3A = tpu.sem_alloc : memref<!tpu.dma_semaphore, #tpu.memory_space<semaphore_mem>>
      %dma_start3A = arith.constant 0 : i32
      %dma_start3A_75 = arith.constant 0 : i32
      %dma_start3A_76 = tpu.memref_slice %arg8[%dma_start3A, %dma_start3A_75] : memref<120x128xf32, #tpu.memory_space<vmem>> -> memref<120x128xf32, #tpu.memory_space<vmem>>
      %dma_start3A_77 = arith.constant 0 : i32
      %dma_start3A_78 = tpu.memref_slice %arg10[%add3A_35, %dma_start3A_77] : memref<10240x128xf32, #tpu.memory_space<vmem_shared>> -> memref<120x128xf32, #tpu.memory_space<vmem_shared>>
      %dma_start3A_79 = arith.constant 0 : i32
      %dma_start3A_80 = tpu.memref_slice %arg10[%add3A_35, %dma_start3A_79] : memref<10240x128xf32, #tpu.memory_space<vmem_shared>> -> memref<120x128xf32, #tpu.memory_space<vmem_shared>>
      %dma_start3A_81 = arith.constant 0 : i32
      %dma_start3A_82 = arith.constant 0 : i32
      %dma_start3A_83 = tpu.memref_slice %arg8[%dma_start3A_81, %dma_start3A_82] : memref<120x128xf32, #tpu.memory_space<vmem>> -> memref<120x128xf32, #tpu.memory_space<vmem>>
      tpu.enqueue_dma source(%dma_start3A_83 : memref<120x128xf32, #tpu.memory_space<vmem>>) target(%dma_start3A_80 : memref<120x128xf32, #tpu.memory_space<vmem_shared>>) target_semaphore(%run_scoped3A : memref<!tpu.dma_semaphore, #tpu.memory_space<semaphore_mem>>)
      %dma_wait3A = arith.constant 0 : i32
      %dma_wait3A_84 = arith.constant 0 : i32
      %dma_wait3A_85 = tpu.memref_slice %arg8[%dma_wait3A, %dma_wait3A_84] : memref<120x128xf32, #tpu.memory_space<vmem>> -> memref<120x128xf32, #tpu.memory_space<vmem>>
      %dma_wait3A_86 = arith.constant 0 : i32
      %dma_wait3A_87 = tpu.memref_slice %arg10[%add3A_35, %dma_wait3A_86] : memref<10240x128xf32, #tpu.memory_space<vmem_shared>> -> memref<120x128xf32, #tpu.memory_space<vmem_shared>>
      %dma_wait3A_88 = arith.constant 0 : i32
      %dma_wait3A_89 = tpu.memref_slice %arg10[%add3A_35, %dma_wait3A_88] : memref<10240x128xf32, #tpu.memory_space<vmem_shared>> -> memref<120x128xf32, #tpu.memory_space<vmem_shared>>
      %dma_wait3A_90 = arith.constant 0 : i32
      %dma_wait3A_91 = arith.constant 0 : i32
      %dma_wait3A_92 = tpu.memref_slice %arg8[%dma_wait3A_90, %dma_wait3A_91] : memref<120x128xf32, #tpu.memory_space<vmem>> -> memref<120x128xf32, #tpu.memory_space<vmem>>
      tpu.wait_dma2 semaphore(%run_scoped3A : memref<!tpu.dma_semaphore, #tpu.memory_space<semaphore_mem>>) src(%dma_wait3A_92 : memref<120x128xf32, #tpu.memory_space<vmem>>) dst(%dma_wait3A_89 : memref<120x128xf32, #tpu.memory_space<vmem_shared>>)
      tpu.yield
    }) : () -> ()
    %mul3A_36 = arith.constant 640 : i32
    %mul3A_37 = arith.muli %arg1, %mul3A_36 : i32
    %add3A_38 = arith.constant 600 : i32
    %add3A_39 = arith.addi %mul3A_37, %add3A_38 : i32
    "tpu.region"() ({
      %run_scoped3A = tpu.sem_alloc : memref<!tpu.dma_semaphore, #tpu.memory_space<semaphore_mem>>
      %dma_start3A = arith.constant 0 : i32
      %dma_start3A_75 = arith.constant 0 : i32
      %dma_start3A_76 = tpu.memref_slice %arg8[%dma_start3A, %dma_start3A_75] : memref<120x128xf32, #tpu.memory_space<vmem>> -> memref<40x128xf32, #tpu.memory_space<vmem>>
      %dma_start3A_77 = arith.constant 0 : i32
      %dma_start3A_78 = tpu.memref_slice %arg10[%add3A_39, %dma_start3A_77] : memref<10240x128xf32, #tpu.memory_space<vmem_shared>> -> memref<40x128xf32, #tpu.memory_space<vmem_shared>>
      %dma_start3A_79 = arith.constant 0 : i32
      %dma_start3A_80 = tpu.memref_slice %arg10[%add3A_39, %dma_start3A_79] : memref<10240x128xf32, #tpu.memory_space<vmem_shared>> -> memref<40x128xf32, #tpu.memory_space<vmem_shared>>
      %dma_start3A_81 = arith.constant 0 : i32
      %dma_start3A_82 = arith.constant 0 : i32
      %dma_start3A_83 = tpu.memref_slice %arg8[%dma_start3A_81, %dma_start3A_82] : memref<120x128xf32, #tpu.memory_space<vmem>> -> memref<40x128xf32, #tpu.memory_space<vmem>>
      tpu.enqueue_dma source(%dma_start3A_83 : memref<40x128xf32, #tpu.memory_space<vmem>>) target(%dma_start3A_80 : memref<40x128xf32, #tpu.memory_space<vmem_shared>>) target_semaphore(%run_scoped3A : memref<!tpu.dma_semaphore, #tpu.memory_space<semaphore_mem>>)
      %dma_wait3A = arith.constant 0 : i32
      %dma_wait3A_84 = arith.constant 0 : i32
      %dma_wait3A_85 = tpu.memref_slice %arg8[%dma_wait3A, %dma_wait3A_84] : memref<120x128xf32, #tpu.memory_space<vmem>> -> memref<40x128xf32, #tpu.memory_space<vmem>>
      %dma_wait3A_86 = arith.constant 0 : i32
      %dma_wait3A_87 = tpu.memref_slice %arg10[%add3A_39, %dma_wait3A_86] : memref<10240x128xf32, #tpu.memory_space<vmem_shared>> -> memref<40x128xf32, #tpu.memory_space<vmem_shared>>
      %dma_wait3A_88 = arith.constant 0 : i32
      %dma_wait3A_89 = tpu.memref_slice %arg10[%add3A_39, %dma_wait3A_88] : memref<10240x128xf32, #tpu.memory_space<vmem_shared>> -> memref<40x128xf32, #tpu.memory_space<vmem_shared>>
      %dma_wait3A_90 = arith.constant 0 : i32
      %dma_wait3A_91 = arith.constant 0 : i32
      %dma_wait3A_92 = tpu.memref_slice %arg8[%dma_wait3A_90, %dma_wait3A_91] : memref<120x128xf32, #tpu.memory_space<vmem>> -> memref<40x128xf32, #tpu.memory_space<vmem>>
      tpu.wait_dma2 semaphore(%run_scoped3A : memref<!tpu.dma_semaphore, #tpu.memory_space<semaphore_mem>>) src(%dma_wait3A_92 : memref<40x128xf32, #tpu.memory_space<vmem>>) dst(%dma_wait3A_89 : memref<40x128xf32, #tpu.memory_space<vmem_shared>>)
      tpu.yield
    }) : () -> ()
    %barrier3A = arith.constant 0 : index
    tpu.barrier barrier_id(%barrier3A)
    %eq3A_40 = arith.constant 0 : i32
    %eq3A_41 = arith.cmpi eq, %arg0, %eq3A_40 : i32
    %convert_element_type3A_42 = arith.extui %eq3A_41 : i1 to i32
    %cond3A_43 = arith.constant 0 : i32
    %cond3A_44 = arith.cmpi ne, %convert_element_type3A_42, %cond3A_43 : i32
    scf.if %cond3A_44 {
      %add3A_75 = arith.constant 0 : i32
      %add3A_76 = arith.addi %mul3A_0, %add3A_75 : i32
      %dma_wait3A = arith.constant 0 : i32
      %dma_wait3A_77 = arith.constant 0 : i32
      %dma_wait3A_78 = arith.constant 0 : i32
      %dma_wait3A_79 = tpu.memref_slice %arg6[%dma_wait3A, %dma_wait3A_77, %dma_wait3A_78] : memref<2x32x120xi32, #tpu.memory_space<vmem>> -> memref<1x32x120xi32, #tpu.memory_space<vmem>>
      %dma_wait3A_80 = tpu.memref_squeeze %dma_wait3A_79 : memref<1x32x120xi32, #tpu.memory_space<vmem>> -> memref<32x120xi32, #tpu.memory_space<vmem>>
      %dma_wait3A_81 = arith.constant 0 : i32
      %dma_wait3A_82 = tpu.memref_slice %arg3[%add3A_76, %dma_wait3A_81] : memref<2688x120xi32, #tpu.memory_space<hbm>> -> memref<32x120xi32, #tpu.memory_space<hbm>>
      %dma_wait3A_83 = arith.constant 0 : i32
      %dma_wait3A_84 = arith.constant 0 : i32
      %dma_wait3A_85 = tpu.memref_slice %arg6[%dma_wait3A, %dma_wait3A_83, %dma_wait3A_84] : memref<2x32x120xi32, #tpu.memory_space<vmem>> -> memref<1x32x120xi32, #tpu.memory_space<vmem>>
      %dma_wait3A_86 = tpu.memref_squeeze %dma_wait3A_85 : memref<1x32x120xi32, #tpu.memory_space<vmem>> -> memref<32x120xi32, #tpu.memory_space<vmem>>
      %dma_wait3A_87 = arith.constant 0 : i32
      %dma_wait3A_88 = tpu.memref_slice %arg3[%add3A_76, %dma_wait3A_87] : memref<2688x120xi32, #tpu.memory_space<hbm>> -> memref<32x120xi32, #tpu.memory_space<hbm>>
      tpu.wait_dma2 semaphore(%arg15 : memref<!tpu.dma_semaphore, #tpu.memory_space<semaphore_mem>>) src(%dma_wait3A_88 : memref<32x120xi32, #tpu.memory_space<hbm>>) dst(%dma_wait3A_86 : memref<32x120xi32, #tpu.memory_space<vmem>>)
      %dma_wait3A_89 = arith.constant 0 : i32
      %dma_wait3A_90 = arith.constant 0 : i32
      %dma_wait3A_91 = arith.constant 0 : i32
      %dma_wait3A_92 = tpu.memref_slice %arg7[%dma_wait3A_89, %dma_wait3A_90, %dma_wait3A_91] : memref<2x32x120xi32, #tpu.memory_space<vmem>> -> memref<1x32x120xi32, #tpu.memory_space<vmem>>
      %dma_wait3A_93 = tpu.memref_squeeze %dma_wait3A_92 : memref<1x32x120xi32, #tpu.memory_space<vmem>> -> memref<32x120xi32, #tpu.memory_space<vmem>>
      %dma_wait3A_94 = arith.constant 0 : i32
      %dma_wait3A_95 = tpu.memref_slice %arg4[%add3A_76, %dma_wait3A_94] : memref<2688x120xi32, #tpu.memory_space<hbm>> -> memref<32x120xi32, #tpu.memory_space<hbm>>
      %dma_wait3A_96 = arith.constant 0 : i32
      %dma_wait3A_97 = arith.constant 0 : i32
      %dma_wait3A_98 = tpu.memref_slice %arg7[%dma_wait3A_89, %dma_wait3A_96, %dma_wait3A_97] : memref<2x32x120xi32, #tpu.memory_space<vmem>> -> memref<1x32x120xi32, #tpu.memory_space<vmem>>
      %dma_wait3A_99 = tpu.memref_squeeze %dma_wait3A_98 : memref<1x32x120xi32, #tpu.memory_space<vmem>> -> memref<32x120xi32, #tpu.memory_space<vmem>>
      %dma_wait3A_100 = arith.constant 0 : i32
      %dma_wait3A_101 = tpu.memref_slice %arg4[%add3A_76, %dma_wait3A_100] : memref<2688x120xi32, #tpu.memory_space<hbm>> -> memref<32x120xi32, #tpu.memory_space<hbm>>
      tpu.wait_dma2 semaphore(%arg15 : memref<!tpu.dma_semaphore, #tpu.memory_space<semaphore_mem>>) src(%dma_wait3A_101 : memref<32x120xi32, #tpu.memory_space<hbm>>) dst(%dma_wait3A_99 : memref<32x120xi32, #tpu.memory_space<vmem>>)
      %add3A_102 = arith.constant 0 : i32
      %add3A_103 = arith.addi %mul3A_0, %add3A_102 : i32
      %add3A_104 = arith.constant 32 : i32
      %add3A_105 = arith.addi %add3A_103, %add3A_104 : i32
      %dma_start3A = arith.constant 1 : i32
      %dma_start3A_106 = arith.constant 0 : i32
      %dma_start3A_107 = arith.constant 0 : i32
      %dma_start3A_108 = tpu.memref_slice %arg6[%dma_start3A, %dma_start3A_106, %dma_start3A_107] : memref<2x32x120xi32, #tpu.memory_space<vmem>> -> memref<1x32x120xi32, #tpu.memory_space<vmem>>
      %dma_start3A_109 = tpu.memref_squeeze %dma_start3A_108 : memref<1x32x120xi32, #tpu.memory_space<vmem>> -> memref<32x120xi32, #tpu.memory_space<vmem>>
      %dma_start3A_110 = arith.constant 0 : i32
      %dma_start3A_111 = tpu.memref_slice %arg3[%add3A_105, %dma_start3A_110] : memref<2688x120xi32, #tpu.memory_space<hbm>> -> memref<32x120xi32, #tpu.memory_space<hbm>>
      %dma_start3A_112 = arith.constant 0 : i32
      %dma_start3A_113 = arith.constant 0 : i32
      %dma_start3A_114 = tpu.memref_slice %arg6[%dma_start3A, %dma_start3A_112, %dma_start3A_113] : memref<2x32x120xi32, #tpu.memory_space<vmem>> -> memref<1x32x120xi32, #tpu.memory_space<vmem>>
      %dma_start3A_115 = tpu.memref_squeeze %dma_start3A_114 : memref<1x32x120xi32, #tpu.memory_space<vmem>> -> memref<32x120xi32, #tpu.memory_space<vmem>>
      %dma_start3A_116 = arith.constant 0 : i32
      %dma_start3A_117 = tpu.memref_slice %arg3[%add3A_105, %dma_start3A_116] : memref<2688x120xi32, #tpu.memory_space<hbm>> -> memref<32x120xi32, #tpu.memory_space<hbm>>
      tpu.enqueue_dma source(%dma_start3A_117 : memref<32x120xi32, #tpu.memory_space<hbm>>) target(%dma_start3A_115 : memref<32x120xi32, #tpu.memory_space<vmem>>) target_semaphore(%arg16 : memref<!tpu.dma_semaphore, #tpu.memory_space<semaphore_mem>>)
      %dma_start3A_118 = arith.constant 1 : i32
      %dma_start3A_119 = arith.constant 0 : i32
      %dma_start3A_120 = arith.constant 0 : i32
      %dma_start3A_121 = tpu.memref_slice %arg7[%dma_start3A_118, %dma_start3A_119, %dma_start3A_120] : memref<2x32x120xi32, #tpu.memory_space<vmem>> -> memref<1x32x120xi32, #tpu.memory_space<vmem>>
      %dma_start3A_122 = tpu.memref_squeeze %dma_start3A_121 : memref<1x32x120xi32, #tpu.memory_space<vmem>> -> memref<32x120xi32, #tpu.memory_space<vmem>>
      %dma_start3A_123 = arith.constant 0 : i32
      %dma_start3A_124 = tpu.memref_slice %arg4[%add3A_105, %dma_start3A_123] : memref<2688x120xi32, #tpu.memory_space<hbm>> -> memref<32x120xi32, #tpu.memory_space<hbm>>
      %dma_start3A_125 = arith.constant 0 : i32
      %dma_start3A_126 = arith.constant 0 : i32
      %dma_start3A_127 = tpu.memref_slice %arg7[%dma_start3A_118, %dma_start3A_125, %dma_start3A_126] : memref<2x32x120xi32, #tpu.memory_space<vmem>> -> memref<1x32x120xi32, #tpu.memory_space<vmem>>
      %dma_start3A_128 = tpu.memref_squeeze %dma_start3A_127 : memref<1x32x120xi32, #tpu.memory_space<vmem>> -> memref<32x120xi32, #tpu.memory_space<vmem>>
      %dma_start3A_129 = arith.constant 0 : i32
      %dma_start3A_130 = tpu.memref_slice %arg4[%add3A_105, %dma_start3A_129] : memref<2688x120xi32, #tpu.memory_space<hbm>> -> memref<32x120xi32, #tpu.memory_space<hbm>>
      tpu.enqueue_dma source(%dma_start3A_130 : memref<32x120xi32, #tpu.memory_space<hbm>>) target(%dma_start3A_128 : memref<32x120xi32, #tpu.memory_space<vmem>>) target_semaphore(%arg16 : memref<!tpu.dma_semaphore, #tpu.memory_space<semaphore_mem>>)
      %dma_start3A_131 = arith.constant 0 : i32
      %dma_start3A_132 = arith.constant 0 : i32
      %dma_start3A_133 = arith.constant 0 : i32
      %dma_start3A_134 = tpu.memref_slice %arg6[%dma_start3A_131, %dma_start3A_132, %dma_start3A_133] : memref<2x32x120xi32, #tpu.memory_space<vmem>> -> memref<1x1x120xi32, #tpu.memory_space<vmem>>
      %dma_start3A_135 = tpu.memref_squeeze %dma_start3A_134 : memref<1x1x120xi32, #tpu.memory_space<vmem>> -> memref<120xi32, #tpu.memory_space<vmem>>
      %dma_start3A_136 = arith.constant 0 : i32
      %dma_start3A_137 = arith.constant 0 : i32
      %dma_start3A_138 = tpu.memref_slice %arg2[%dma_start3A_136, %dma_start3A_137] : memref<10240x128xf32, #tpu.memory_space<hbm>> -> memref<10240x128xf32, #tpu.memory_space<hbm>>
      tpu.enqueue_indirect_dma source(%dma_start3A_138 : memref<10240x128xf32, #tpu.memory_space<hbm>>) target(%arg8 : memref<120x128xf32, #tpu.memory_space<vmem>>) offsets(%dma_start3A_135 : memref<120xi32, #tpu.memory_space<vmem>>) semaphore(%arg11 : memref<!tpu.dma_semaphore, #tpu.memory_space<semaphore_mem>>)
      %dma_start3A_139 = arith.constant 0 : i32
      %dma_start3A_140 = arith.constant 1 : i32
      %dma_start3A_141 = arith.constant 0 : i32
      %dma_start3A_142 = tpu.memref_slice %arg6[%dma_start3A_139, %dma_start3A_140, %dma_start3A_141] : memref<2x32x120xi32, #tpu.memory_space<vmem>> -> memref<1x1x120xi32, #tpu.memory_space<vmem>>
      %dma_start3A_143 = tpu.memref_squeeze %dma_start3A_142 : memref<1x1x120xi32, #tpu.memory_space<vmem>> -> memref<120xi32, #tpu.memory_space<vmem>>
      %dma_start3A_144 = arith.constant 0 : i32
      %dma_start3A_145 = arith.constant 0 : i32
      %dma_start3A_146 = tpu.memref_slice %arg2[%dma_start3A_144, %dma_start3A_145] : memref<10240x128xf32, #tpu.memory_space<hbm>> -> memref<10240x128xf32, #tpu.memory_space<hbm>>
      tpu.enqueue_indirect_dma source(%dma_start3A_146 : memref<10240x128xf32, #tpu.memory_space<hbm>>) target(%arg9 : memref<120x128xf32, #tpu.memory_space<vmem>>) offsets(%dma_start3A_143 : memref<120xi32, #tpu.memory_space<vmem>>) semaphore(%arg12 : memref<!tpu.dma_semaphore, #tpu.memory_space<semaphore_mem>>)
      %scan3A_147 = arith.constant 0 : i32
      %scan3A_148 = arith.constant 16 : i32
      %scan3A_149 = arith.addi %scan3A_147, %scan3A_148 : i32
      %scan3A_150 = arith.constant 1 : i32
      scf.for %scan3A_359 = %scan3A_147 to %scan3A_149 step %scan3A_150  : i32 {
        %mul3A_360 = arith.constant 2 : i32
        %mul3A_361 = arith.muli %mul3A_360, %scan3A_359 : i32
        %add3A_362 = arith.constant 0 : i32
        %add3A_363 = arith.addi %mul3A_361, %add3A_362 : i32
        %dma_wait3A_364 = arith.constant 0 : i32
        %dma_wait3A_365 = arith.constant 0 : i32
        %dma_wait3A_366 = tpu.memref_slice %arg6[%dma_wait3A_364, %add3A_363, %dma_wait3A_365] : memref<2x32x120xi32, #tpu.memory_space<vmem>> -> memref<1x1x120xi32, #tpu.memory_space<vmem>>
        %dma_wait3A_367 = tpu.memref_squeeze %dma_wait3A_366 : memref<1x1x120xi32, #tpu.memory_space<vmem>> -> memref<120xi32, #tpu.memory_space<vmem>>
        %dma_wait3A_368 = arith.constant 0 : i32
        %dma_wait3A_369 = arith.constant 0 : i32
        %dma_wait3A_370 = tpu.memref_slice %arg2[%dma_wait3A_368, %dma_wait3A_369] : memref<10240x128xf32, #tpu.memory_space<hbm>> -> memref<10240x128xf32, #tpu.memory_space<hbm>>
        tpu.wait_indirect_dma semaphore(%arg11 : memref<!tpu.dma_semaphore, #tpu.memory_space<semaphore_mem>>) src(%dma_wait3A_370 : memref<10240x128xf32, #tpu.memory_space<hbm>>) dst(%arg8 : memref<120x128xf32, #tpu.memory_space<vmem>>)
        %dma_start3A_371 = arith.constant 0 : i32
        %dma_start3A_372 = arith.constant 0 : i32
        %dma_start3A_373 = tpu.memref_slice %arg7[%dma_start3A_371, %add3A_363, %dma_start3A_372] : memref<2x32x120xi32, #tpu.memory_space<vmem>> -> memref<1x1x120xi32, #tpu.memory_space<vmem>>
        %dma_start3A_374 = tpu.memref_squeeze %dma_start3A_373 : memref<1x1x120xi32, #tpu.memory_space<vmem>> -> memref<120xi32, #tpu.memory_space<vmem>>
        %dma_start3A_375 = arith.constant 0 : i32
        %dma_start3A_376 = arith.constant 0 : i32
        %dma_start3A_377 = tpu.memref_slice %arg10[%dma_start3A_375, %dma_start3A_376] : memref<10240x128xf32, #tpu.memory_space<vmem_shared>> -> memref<10240x128xf32, #tpu.memory_space<vmem_shared>>
        tpu.enqueue_indirect_dma source(%arg8 : memref<120x128xf32, #tpu.memory_space<vmem>>) target(%dma_start3A_377 : memref<10240x128xf32, #tpu.memory_space<vmem_shared>>) offsets(%dma_start3A_374 : memref<120xi32, #tpu.memory_space<vmem>>) semaphore(%arg13 : memref<!tpu.dma_semaphore, #tpu.memory_space<semaphore_mem>>) {add = true}
        %dma_wait3A_378 = arith.constant 0 : i32
        %dma_wait3A_379 = arith.constant 0 : i32
        %dma_wait3A_380 = tpu.memref_slice %arg7[%dma_wait3A_378, %add3A_363, %dma_wait3A_379] : memref<2x32x120xi32, #tpu.memory_space<vmem>> -> memref<1x1x120xi32, #tpu.memory_space<vmem>>
        %dma_wait3A_381 = tpu.memref_squeeze %dma_wait3A_380 : memref<1x1x120xi32, #tpu.memory_space<vmem>> -> memref<120xi32, #tpu.memory_space<vmem>>
        %dma_wait3A_382 = arith.constant 0 : i32
        %dma_wait3A_383 = arith.constant 0 : i32
        %dma_wait3A_384 = tpu.memref_slice %arg10[%dma_wait3A_382, %dma_wait3A_383] : memref<10240x128xf32, #tpu.memory_space<vmem_shared>> -> memref<10240x128xf32, #tpu.memory_space<vmem_shared>>
        tpu.wait_indirect_dma semaphore(%arg13 : memref<!tpu.dma_semaphore, #tpu.memory_space<semaphore_mem>>) src(%arg8 : memref<120x128xf32, #tpu.memory_space<vmem>>) dst(%dma_wait3A_384 : memref<10240x128xf32, #tpu.memory_space<vmem_shared>>)
        %add3A_385 = arith.constant 2 : i32
        %add3A_386 = arith.addi %add3A_363, %add3A_385 : i32
        %lt3A = arith.constant 32 : i32
        %lt3A_387 = arith.cmpi slt, %add3A_386, %lt3A : i32
        %convert_element_type3A_388 = arith.extui %lt3A_387 : i1 to i32
        %cond3A_389 = arith.constant 0 : i32
        %cond3A_390 = arith.cmpi ne, %convert_element_type3A_388, %cond3A_389 : i32
        scf.if %cond3A_390 {
          %add3A_423 = arith.constant 2 : i32
          %add3A_424 = arith.addi %add3A_363, %add3A_423 : i32
          %dma_start3A_425 = arith.constant 0 : i32
          %dma_start3A_426 = arith.constant 0 : i32
          %dma_start3A_427 = tpu.memref_slice %arg6[%dma_start3A_425, %add3A_424, %dma_start3A_426] : memref<2x32x120xi32, #tpu.memory_space<vmem>> -> memref<1x1x120xi32, #tpu.memory_space<vmem>>
          %dma_start3A_428 = tpu.memref_squeeze %dma_start3A_427 : memref<1x1x120xi32, #tpu.memory_space<vmem>> -> memref<120xi32, #tpu.memory_space<vmem>>
          %dma_start3A_429 = arith.constant 0 : i32
          %dma_start3A_430 = arith.constant 0 : i32
          %dma_start3A_431 = tpu.memref_slice %arg2[%dma_start3A_429, %dma_start3A_430] : memref<10240x128xf32, #tpu.memory_space<hbm>> -> memref<10240x128xf32, #tpu.memory_space<hbm>>
          tpu.enqueue_indirect_dma source(%dma_start3A_431 : memref<10240x128xf32, #tpu.memory_space<hbm>>) target(%arg8 : memref<120x128xf32, #tpu.memory_space<vmem>>) offsets(%dma_start3A_428 : memref<120xi32, #tpu.memory_space<vmem>>) semaphore(%arg11 : memref<!tpu.dma_semaphore, #tpu.memory_space<semaphore_mem>>)
        } else {
        }
        %mul3A_391 = arith.constant 2 : i32
        %mul3A_392 = arith.muli %mul3A_391, %scan3A_359 : i32
        %add3A_393 = arith.constant 1 : i32
        %add3A_394 = arith.addi %mul3A_392, %add3A_393 : i32
        %dma_wait3A_395 = arith.constant 0 : i32
        %dma_wait3A_396 = arith.constant 0 : i32
        %dma_wait3A_397 = tpu.memref_slice %arg6[%dma_wait3A_395, %add3A_394, %dma_wait3A_396] : memref<2x32x120xi32, #tpu.memory_space<vmem>> -> memref<1x1x120xi32, #tpu.memory_space<vmem>>
        %dma_wait3A_398 = tpu.memref_squeeze %dma_wait3A_397 : memref<1x1x120xi32, #tpu.memory_space<vmem>> -> memref<120xi32, #tpu.memory_space<vmem>>
        %dma_wait3A_399 = arith.constant 0 : i32
        %dma_wait3A_400 = arith.constant 0 : i32
        %dma_wait3A_401 = tpu.memref_slice %arg2[%dma_wait3A_399, %dma_wait3A_400] : memref<10240x128xf32, #tpu.memory_space<hbm>> -> memref<10240x128xf32, #tpu.memory_space<hbm>>
        tpu.wait_indirect_dma semaphore(%arg12 : memref<!tpu.dma_semaphore, #tpu.memory_space<semaphore_mem>>) src(%dma_wait3A_401 : memref<10240x128xf32, #tpu.memory_space<hbm>>) dst(%arg9 : memref<120x128xf32, #tpu.memory_space<vmem>>)
        %dma_start3A_402 = arith.constant 0 : i32
        %dma_start3A_403 = arith.constant 0 : i32
        %dma_start3A_404 = tpu.memref_slice %arg7[%dma_start3A_402, %add3A_394, %dma_start3A_403] : memref<2x32x120xi32, #tpu.memory_space<vmem>> -> memref<1x1x120xi32, #tpu.memory_space<vmem>>
        %dma_start3A_405 = tpu.memref_squeeze %dma_start3A_404 : memref<1x1x120xi32, #tpu.memory_space<vmem>> -> memref<120xi32, #tpu.memory_space<vmem>>
        %dma_start3A_406 = arith.constant 0 : i32
        %dma_start3A_407 = arith.constant 0 : i32
        %dma_start3A_408 = tpu.memref_slice %arg10[%dma_start3A_406, %dma_start3A_407] : memref<10240x128xf32, #tpu.memory_space<vmem_shared>> -> memref<10240x128xf32, #tpu.memory_space<vmem_shared>>
        tpu.enqueue_indirect_dma source(%arg9 : memref<120x128xf32, #tpu.memory_space<vmem>>) target(%dma_start3A_408 : memref<10240x128xf32, #tpu.memory_space<vmem_shared>>) offsets(%dma_start3A_405 : memref<120xi32, #tpu.memory_space<vmem>>) semaphore(%arg14 : memref<!tpu.dma_semaphore, #tpu.memory_space<semaphore_mem>>) {add = true}
        %dma_wait3A_409 = arith.constant 0 : i32
        %dma_wait3A_410 = arith.constant 0 : i32
        %dma_wait3A_411 = tpu.memref_slice %arg7[%dma_wait3A_409, %add3A_394, %dma_wait3A_410] : memref<2x32x120xi32, #tpu.memory_space<vmem>> -> memref<1x1x120xi32, #tpu.memory_space<vmem>>
        %dma_wait3A_412 = tpu.memref_squeeze %dma_wait3A_411 : memref<1x1x120xi32, #tpu.memory_space<vmem>> -> memref<120xi32, #tpu.memory_space<vmem>>
        %dma_wait3A_413 = arith.constant 0 : i32
        %dma_wait3A_414 = arith.constant 0 : i32
        %dma_wait3A_415 = tpu.memref_slice %arg10[%dma_wait3A_413, %dma_wait3A_414] : memref<10240x128xf32, #tpu.memory_space<vmem_shared>> -> memref<10240x128xf32, #tpu.memory_space<vmem_shared>>
        tpu.wait_indirect_dma semaphore(%arg14 : memref<!tpu.dma_semaphore, #tpu.memory_space<semaphore_mem>>) src(%arg9 : memref<120x128xf32, #tpu.memory_space<vmem>>) dst(%dma_wait3A_415 : memref<10240x128xf32, #tpu.memory_space<vmem_shared>>)
        %add3A_416 = arith.constant 2 : i32
        %add3A_417 = arith.addi %add3A_394, %add3A_416 : i32
        %lt3A_418 = arith.constant 32 : i32
        %lt3A_419 = arith.cmpi slt, %add3A_417, %lt3A_418 : i32
        %convert_element_type3A_420 = arith.extui %lt3A_419 : i1 to i32
        %cond3A_421 = arith.constant 0 : i32
        %cond3A_422 = arith.cmpi ne, %convert_element_type3A_420, %cond3A_421 : i32
        scf.if %cond3A_422 {
          %add3A_423 = arith.constant 2 : i32
          %add3A_424 = arith.addi %add3A_394, %add3A_423 : i32
          %dma_start3A_425 = arith.constant 0 : i32
          %dma_start3A_426 = arith.constant 0 : i32
          %dma_start3A_427 = tpu.memref_slice %arg6[%dma_start3A_425, %add3A_424, %dma_start3A_426] : memref<2x32x120xi32, #tpu.memory_space<vmem>> -> memref<1x1x120xi32, #tpu.memory_space<vmem>>
          %dma_start3A_428 = tpu.memref_squeeze %dma_start3A_427 : memref<1x1x120xi32, #tpu.memory_space<vmem>> -> memref<120xi32, #tpu.memory_space<vmem>>
          %dma_start3A_429 = arith.constant 0 : i32
          %dma_start3A_430 = arith.constant 0 : i32
          %dma_start3A_431 = tpu.memref_slice %arg2[%dma_start3A_429, %dma_start3A_430] : memref<10240x128xf32, #tpu.memory_space<hbm>> -> memref<10240x128xf32, #tpu.memory_space<hbm>>
          tpu.enqueue_indirect_dma source(%dma_start3A_431 : memref<10240x128xf32, #tpu.memory_space<hbm>>) target(%arg9 : memref<120x128xf32, #tpu.memory_space<vmem>>) offsets(%dma_start3A_428 : memref<120xi32, #tpu.memory_space<vmem>>) semaphore(%arg12 : memref<!tpu.dma_semaphore, #tpu.memory_space<semaphore_mem>>)
        } else {
        }
      }
      %scan3A_151 = arith.constant 16 : i32
      %add3A_152 = arith.constant 32 : i32
      %add3A_153 = arith.addi %mul3A_0, %add3A_152 : i32
      %dma_wait3A_154 = arith.constant 1 : i32
      %dma_wait3A_155 = arith.constant 0 : i32
      %dma_wait3A_156 = arith.constant 0 : i32
      %dma_wait3A_157 = tpu.memref_slice %arg6[%dma_wait3A_154, %dma_wait3A_155, %dma_wait3A_156] : memref<2x32x120xi32, #tpu.memory_space<vmem>> -> memref<1x32x120xi32, #tpu.memory_space<vmem>>
      %dma_wait3A_158 = tpu.memref_squeeze %dma_wait3A_157 : memref<1x32x120xi32, #tpu.memory_space<vmem>> -> memref<32x120xi32, #tpu.memory_space<vmem>>
      %dma_wait3A_159 = arith.constant 0 : i32
      %dma_wait3A_160 = tpu.memref_slice %arg3[%add3A_153, %dma_wait3A_159] : memref<2688x120xi32, #tpu.memory_space<hbm>> -> memref<32x120xi32, #tpu.memory_space<hbm>>
      %dma_wait3A_161 = arith.constant 0 : i32
      %dma_wait3A_162 = arith.constant 0 : i32
      %dma_wait3A_163 = tpu.memref_slice %arg6[%dma_wait3A_154, %dma_wait3A_161, %dma_wait3A_162] : memref<2x32x120xi32, #tpu.memory_space<vmem>> -> memref<1x32x120xi32, #tpu.memory_space<vmem>>
      %dma_wait3A_164 = tpu.memref_squeeze %dma_wait3A_163 : memref<1x32x120xi32, #tpu.memory_space<vmem>> -> memref<32x120xi32, #tpu.memory_space<vmem>>
      %dma_wait3A_165 = arith.constant 0 : i32
      %dma_wait3A_166 = tpu.memref_slice %arg3[%add3A_153, %dma_wait3A_165] : memref<2688x120xi32, #tpu.memory_space<hbm>> -> memref<32x120xi32, #tpu.memory_space<hbm>>
      tpu.wait_dma2 semaphore(%arg16 : memref<!tpu.dma_semaphore, #tpu.memory_space<semaphore_mem>>) src(%dma_wait3A_166 : memref<32x120xi32, #tpu.memory_space<hbm>>) dst(%dma_wait3A_164 : memref<32x120xi32, #tpu.memory_space<vmem>>)
      %dma_wait3A_167 = arith.constant 1 : i32
      %dma_wait3A_168 = arith.constant 0 : i32
      %dma_wait3A_169 = arith.constant 0 : i32
      %dma_wait3A_170 = tpu.memref_slice %arg7[%dma_wait3A_167, %dma_wait3A_168, %dma_wait3A_169] : memref<2x32x120xi32, #tpu.memory_space<vmem>> -> memref<1x32x120xi32, #tpu.memory_space<vmem>>
      %dma_wait3A_171 = tpu.memref_squeeze %dma_wait3A_170 : memref<1x32x120xi32, #tpu.memory_space<vmem>> -> memref<32x120xi32, #tpu.memory_space<vmem>>
      %dma_wait3A_172 = arith.constant 0 : i32
      %dma_wait3A_173 = tpu.memref_slice %arg4[%add3A_153, %dma_wait3A_172] : memref<2688x120xi32, #tpu.memory_space<hbm>> -> memref<32x120xi32, #tpu.memory_space<hbm>>
      %dma_wait3A_174 = arith.constant 0 : i32
      %dma_wait3A_175 = arith.constant 0 : i32
      %dma_wait3A_176 = tpu.memref_slice %arg7[%dma_wait3A_167, %dma_wait3A_174, %dma_wait3A_175] : memref<2x32x120xi32, #tpu.memory_space<vmem>> -> memref<1x32x120xi32, #tpu.memory_space<vmem>>
      %dma_wait3A_177 = tpu.memref_squeeze %dma_wait3A_176 : memref<1x32x120xi32, #tpu.memory_space<vmem>> -> memref<32x120xi32, #tpu.memory_space<vmem>>
      %dma_wait3A_178 = arith.constant 0 : i32
      %dma_wait3A_179 = tpu.memref_slice %arg4[%add3A_153, %dma_wait3A_178] : memref<2688x120xi32, #tpu.memory_space<hbm>> -> memref<32x120xi32, #tpu.memory_space<hbm>>
      tpu.wait_dma2 semaphore(%arg16 : memref<!tpu.dma_semaphore, #tpu.memory_space<semaphore_mem>>) src(%dma_wait3A_179 : memref<32x120xi32, #tpu.memory_space<hbm>>) dst(%dma_wait3A_177 : memref<32x120xi32, #tpu.memory_space<vmem>>)
      %add3A_180 = arith.constant 32 : i32
      %add3A_181 = arith.addi %mul3A_0, %add3A_180 : i32
      %add3A_182 = arith.constant 32 : i32
      %add3A_183 = arith.addi %add3A_181, %add3A_182 : i32
      %dma_start3A_184 = arith.constant 0 : i32
      %dma_start3A_185 = arith.constant 0 : i32
      %dma_start3A_186 = arith.constant 0 : i32
      %dma_start3A_187 = tpu.memref_slice %arg6[%dma_start3A_184, %dma_start3A_185, %dma_start3A_186] : memref<2x32x120xi32, #tpu.memory_space<vmem>> -> memref<1x32x120xi32, #tpu.memory_space<vmem>>
      %dma_start3A_188 = tpu.memref_squeeze %dma_start3A_187 : memref<1x32x120xi32, #tpu.memory_space<vmem>> -> memref<32x120xi32, #tpu.memory_space<vmem>>
      %dma_start3A_189 = arith.constant 0 : i32
      %dma_start3A_190 = tpu.memref_slice %arg3[%add3A_183, %dma_start3A_189] : memref<2688x120xi32, #tpu.memory_space<hbm>> -> memref<32x120xi32, #tpu.memory_space<hbm>>
      %dma_start3A_191 = arith.constant 0 : i32
      %dma_start3A_192 = arith.constant 0 : i32
      %dma_start3A_193 = tpu.memref_slice %arg6[%dma_start3A_184, %dma_start3A_191, %dma_start3A_192] : memref<2x32x120xi32, #tpu.memory_space<vmem>> -> memref<1x32x120xi32, #tpu.memory_space<vmem>>
      %dma_start3A_194 = tpu.memref_squeeze %dma_start3A_193 : memref<1x32x120xi32, #tpu.memory_space<vmem>> -> memref<32x120xi32, #tpu.memory_space<vmem>>
      %dma_start3A_195 = arith.constant 0 : i32
      %dma_start3A_196 = tpu.memref_slice %arg3[%add3A_183, %dma_start3A_195] : memref<2688x120xi32, #tpu.memory_space<hbm>> -> memref<32x120xi32, #tpu.memory_space<hbm>>
      tpu.enqueue_dma source(%dma_start3A_196 : memref<32x120xi32, #tpu.memory_space<hbm>>) target(%dma_start3A_194 : memref<32x120xi32, #tpu.memory_space<vmem>>) target_semaphore(%arg15 : memref<!tpu.dma_semaphore, #tpu.memory_space<semaphore_mem>>)
      %dma_start3A_197 = arith.constant 0 : i32
      %dma_start3A_198 = arith.constant 0 : i32
      %dma_start3A_199 = arith.constant 0 : i32
      %dma_start3A_200 = tpu.memref_slice %arg7[%dma_start3A_197, %dma_start3A_198, %dma_start3A_199] : memref<2x32x120xi32, #tpu.memory_space<vmem>> -> memref<1x32x120xi32, #tpu.memory_space<vmem>>
      %dma_start3A_201 = tpu.memref_squeeze %dma_start3A_200 : memref<1x32x120xi32, #tpu.memory_space<vmem>> -> memref<32x120xi32, #tpu.memory_space<vmem>>
      %dma_start3A_202 = arith.constant 0 : i32
      %dma_start3A_203 = tpu.memref_slice %arg4[%add3A_183, %dma_start3A_202] : memref<2688x120xi32, #tpu.memory_space<hbm>> -> memref<32x120xi32, #tpu.memory_space<hbm>>
      %dma_start3A_204 = arith.constant 0 : i32
      %dma_start3A_205 = arith.constant 0 : i32
      %dma_start3A_206 = tpu.memref_slice %arg7[%dma_start3A_197, %dma_start3A_204, %dma_start3A_205] : memref<2x32x120xi32, #tpu.memory_space<vmem>> -> memref<1x32x120xi32, #tpu.memory_space<vmem>>
      %dma_start3A_207 = tpu.memref_squeeze %dma_start3A_206 : memref<1x32x120xi32, #tpu.memory_space<vmem>> -> memref<32x120xi32, #tpu.memory_space<vmem>>
      %dma_start3A_208 = arith.constant 0 : i32
      %dma_start3A_209 = tpu.memref_slice %arg4[%add3A_183, %dma_start3A_208] : memref<2688x120xi32, #tpu.memory_space<hbm>> -> memref<32x120xi32, #tpu.memory_space<hbm>>
      tpu.enqueue_dma source(%dma_start3A_209 : memref<32x120xi32, #tpu.memory_space<hbm>>) target(%dma_start3A_207 : memref<32x120xi32, #tpu.memory_space<vmem>>) target_semaphore(%arg15 : memref<!tpu.dma_semaphore, #tpu.memory_space<semaphore_mem>>)
      %dma_start3A_210 = arith.constant 1 : i32
      %dma_start3A_211 = arith.constant 0 : i32
      %dma_start3A_212 = arith.constant 0 : i32
      %dma_start3A_213 = tpu.memref_slice %arg6[%dma_start3A_210, %dma_start3A_211, %dma_start3A_212] : memref<2x32x120xi32, #tpu.memory_space<vmem>> -> memref<1x1x120xi32, #tpu.memory_space<vmem>>
      %dma_start3A_214 = tpu.memref_squeeze %dma_start3A_213 : memref<1x1x120xi32, #tpu.memory_space<vmem>> -> memref<120xi32, #tpu.memory_space<vmem>>
      %dma_start3A_215 = arith.constant 0 : i32
      %dma_start3A_216 = arith.constant 0 : i32
      %dma_start3A_217 = tpu.memref_slice %arg2[%dma_start3A_215, %dma_start3A_216] : memref<10240x128xf32, #tpu.memory_space<hbm>> -> memref<10240x128xf32, #tpu.memory_space<hbm>>
      tpu.enqueue_indirect_dma source(%dma_start3A_217 : memref<10240x128xf32, #tpu.memory_space<hbm>>) target(%arg8 : memref<120x128xf32, #tpu.memory_space<vmem>>) offsets(%dma_start3A_214 : memref<120xi32, #tpu.memory_space<vmem>>) semaphore(%arg11 : memref<!tpu.dma_semaphore, #tpu.memory_space<semaphore_mem>>)
      %dma_start3A_218 = arith.constant 1 : i32
      %dma_start3A_219 = arith.constant 1 : i32
      %dma_start3A_220 = arith.constant 0 : i32
      %dma_start3A_221 = tpu.memref_slice %arg6[%dma_start3A_218, %dma_start3A_219, %dma_start3A_220] : memref<2x32x120xi32, #tpu.memory_space<vmem>> -> memref<1x1x120xi32, #tpu.memory_space<vmem>>
      %dma_start3A_222 = tpu.memref_squeeze %dma_start3A_221 : memref<1x1x120xi32, #tpu.memory_space<vmem>> -> memref<120xi32, #tpu.memory_space<vmem>>
      %dma_start3A_223 = arith.constant 0 : i32
      %dma_start3A_224 = arith.constant 0 : i32
      %dma_start3A_225 = tpu.memref_slice %arg2[%dma_start3A_223, %dma_start3A_224] : memref<10240x128xf32, #tpu.memory_space<hbm>> -> memref<10240x128xf32, #tpu.memory_space<hbm>>
      tpu.enqueue_indirect_dma source(%dma_start3A_225 : memref<10240x128xf32, #tpu.memory_space<hbm>>) target(%arg9 : memref<120x128xf32, #tpu.memory_space<vmem>>) offsets(%dma_start3A_222 : memref<120xi32, #tpu.memory_space<vmem>>) semaphore(%arg12 : memref<!tpu.dma_semaphore, #tpu.memory_space<semaphore_mem>>)
      %scan3A_226 = arith.constant 0 : i32
      %scan3A_227 = arith.constant 16 : i32
      %scan3A_228 = arith.addi %scan3A_226, %scan3A_227 : i32
      %scan3A_229 = arith.constant 1 : i32
      scf.for %scan3A_359 = %scan3A_226 to %scan3A_228 step %scan3A_229  : i32 {
        %mul3A_360 = arith.constant 2 : i32
        %mul3A_361 = arith.muli %mul3A_360, %scan3A_359 : i32
        %add3A_362 = arith.constant 0 : i32
        %add3A_363 = arith.addi %mul3A_361, %add3A_362 : i32
        %dma_wait3A_364 = arith.constant 1 : i32
        %dma_wait3A_365 = arith.constant 0 : i32
        %dma_wait3A_366 = tpu.memref_slice %arg6[%dma_wait3A_364, %add3A_363, %dma_wait3A_365] : memref<2x32x120xi32, #tpu.memory_space<vmem>> -> memref<1x1x120xi32, #tpu.memory_space<vmem>>
        %dma_wait3A_367 = tpu.memref_squeeze %dma_wait3A_366 : memref<1x1x120xi32, #tpu.memory_space<vmem>> -> memref<120xi32, #tpu.memory_space<vmem>>
        %dma_wait3A_368 = arith.constant 0 : i32
        %dma_wait3A_369 = arith.constant 0 : i32
        %dma_wait3A_370 = tpu.memref_slice %arg2[%dma_wait3A_368, %dma_wait3A_369] : memref<10240x128xf32, #tpu.memory_space<hbm>> -> memref<10240x128xf32, #tpu.memory_space<hbm>>
        tpu.wait_indirect_dma semaphore(%arg11 : memref<!tpu.dma_semaphore, #tpu.memory_space<semaphore_mem>>) src(%dma_wait3A_370 : memref<10240x128xf32, #tpu.memory_space<hbm>>) dst(%arg8 : memref<120x128xf32, #tpu.memory_space<vmem>>)
        %dma_start3A_371 = arith.constant 1 : i32
        %dma_start3A_372 = arith.constant 0 : i32
        %dma_start3A_373 = tpu.memref_slice %arg7[%dma_start3A_371, %add3A_363, %dma_start3A_372] : memref<2x32x120xi32, #tpu.memory_space<vmem>> -> memref<1x1x120xi32, #tpu.memory_space<vmem>>
        %dma_start3A_374 = tpu.memref_squeeze %dma_start3A_373 : memref<1x1x120xi32, #tpu.memory_space<vmem>> -> memref<120xi32, #tpu.memory_space<vmem>>
        %dma_start3A_375 = arith.constant 0 : i32
        %dma_start3A_376 = arith.constant 0 : i32
        %dma_start3A_377 = tpu.memref_slice %arg10[%dma_start3A_375, %dma_start3A_376] : memref<10240x128xf32, #tpu.memory_space<vmem_shared>> -> memref<10240x128xf32, #tpu.memory_space<vmem_shared>>
        tpu.enqueue_indirect_dma source(%arg8 : memref<120x128xf32, #tpu.memory_space<vmem>>) target(%dma_start3A_377 : memref<10240x128xf32, #tpu.memory_space<vmem_shared>>) offsets(%dma_start3A_374 : memref<120xi32, #tpu.memory_space<vmem>>) semaphore(%arg13 : memref<!tpu.dma_semaphore, #tpu.memory_space<semaphore_mem>>) {add = true}
        %dma_wait3A_378 = arith.constant 1 : i32
        %dma_wait3A_379 = arith.constant 0 : i32
        %dma_wait3A_380 = tpu.memref_slice %arg7[%dma_wait3A_378, %add3A_363, %dma_wait3A_379] : memref<2x32x120xi32, #tpu.memory_space<vmem>> -> memref<1x1x120xi32, #tpu.memory_space<vmem>>
        %dma_wait3A_381 = tpu.memref_squeeze %dma_wait3A_380 : memref<1x1x120xi32, #tpu.memory_space<vmem>> -> memref<120xi32, #tpu.memory_space<vmem>>
        %dma_wait3A_382 = arith.constant 0 : i32
        %dma_wait3A_383 = arith.constant 0 : i32
        %dma_wait3A_384 = tpu.memref_slice %arg10[%dma_wait3A_382, %dma_wait3A_383] : memref<10240x128xf32, #tpu.memory_space<vmem_shared>> -> memref<10240x128xf32, #tpu.memory_space<vmem_shared>>
        tpu.wait_indirect_dma semaphore(%arg13 : memref<!tpu.dma_semaphore, #tpu.memory_space<semaphore_mem>>) src(%arg8 : memref<120x128xf32, #tpu.memory_space<vmem>>) dst(%dma_wait3A_384 : memref<10240x128xf32, #tpu.memory_space<vmem_shared>>)
        %add3A_385 = arith.constant 2 : i32
        %add3A_386 = arith.addi %add3A_363, %add3A_385 : i32
        %lt3A = arith.constant 32 : i32
        %lt3A_387 = arith.cmpi slt, %add3A_386, %lt3A : i32
        %convert_element_type3A_388 = arith.extui %lt3A_387 : i1 to i32
        %cond3A_389 = arith.constant 0 : i32
        %cond3A_390 = arith.cmpi ne, %convert_element_type3A_388, %cond3A_389 : i32
        scf.if %cond3A_390 {
          %add3A_423 = arith.constant 2 : i32
          %add3A_424 = arith.addi %add3A_363, %add3A_423 : i32
          %dma_start3A_425 = arith.constant 1 : i32
          %dma_start3A_426 = arith.constant 0 : i32
          %dma_start3A_427 = tpu.memref_slice %arg6[%dma_start3A_425, %add3A_424, %dma_start3A_426] : memref<2x32x120xi32, #tpu.memory_space<vmem>> -> memref<1x1x120xi32, #tpu.memory_space<vmem>>
          %dma_start3A_428 = tpu.memref_squeeze %dma_start3A_427 : memref<1x1x120xi32, #tpu.memory_space<vmem>> -> memref<120xi32, #tpu.memory_space<vmem>>
          %dma_start3A_429 = arith.constant 0 : i32
          %dma_start3A_430 = arith.constant 0 : i32
          %dma_start3A_431 = tpu.memref_slice %arg2[%dma_start3A_429, %dma_start3A_430] : memref<10240x128xf32, #tpu.memory_space<hbm>> -> memref<10240x128xf32, #tpu.memory_space<hbm>>
          tpu.enqueue_indirect_dma source(%dma_start3A_431 : memref<10240x128xf32, #tpu.memory_space<hbm>>) target(%arg8 : memref<120x128xf32, #tpu.memory_space<vmem>>) offsets(%dma_start3A_428 : memref<120xi32, #tpu.memory_space<vmem>>) semaphore(%arg11 : memref<!tpu.dma_semaphore, #tpu.memory_space<semaphore_mem>>)
        } else {
        }
        %mul3A_391 = arith.constant 2 : i32
        %mul3A_392 = arith.muli %mul3A_391, %scan3A_359 : i32
        %add3A_393 = arith.constant 1 : i32
        %add3A_394 = arith.addi %mul3A_392, %add3A_393 : i32
        %dma_wait3A_395 = arith.constant 1 : i32
        %dma_wait3A_396 = arith.constant 0 : i32
        %dma_wait3A_397 = tpu.memref_slice %arg6[%dma_wait3A_395, %add3A_394, %dma_wait3A_396] : memref<2x32x120xi32, #tpu.memory_space<vmem>> -> memref<1x1x120xi32, #tpu.memory_space<vmem>>
        %dma_wait3A_398 = tpu.memref_squeeze %dma_wait3A_397 : memref<1x1x120xi32, #tpu.memory_space<vmem>> -> memref<120xi32, #tpu.memory_space<vmem>>
        %dma_wait3A_399 = arith.constant 0 : i32
        %dma_wait3A_400 = arith.constant 0 : i32
        %dma_wait3A_401 = tpu.memref_slice %arg2[%dma_wait3A_399, %dma_wait3A_400] : memref<10240x128xf32, #tpu.memory_space<hbm>> -> memref<10240x128xf32, #tpu.memory_space<hbm>>
        tpu.wait_indirect_dma semaphore(%arg12 : memref<!tpu.dma_semaphore, #tpu.memory_space<semaphore_mem>>) src(%dma_wait3A_401 : memref<10240x128xf32, #tpu.memory_space<hbm>>) dst(%arg9 : memref<120x128xf32, #tpu.memory_space<vmem>>)
        %dma_start3A_402 = arith.constant 1 : i32
        %dma_start3A_403 = arith.constant 0 : i32
        %dma_start3A_404 = tpu.memref_slice %arg7[%dma_start3A_402, %add3A_394, %dma_start3A_403] : memref<2x32x120xi32, #tpu.memory_space<vmem>> -> memref<1x1x120xi32, #tpu.memory_space<vmem>>
        %dma_start3A_405 = tpu.memref_squeeze %dma_start3A_404 : memref<1x1x120xi32, #tpu.memory_space<vmem>> -> memref<120xi32, #tpu.memory_space<vmem>>
        %dma_start3A_406 = arith.constant 0 : i32
        %dma_start3A_407 = arith.constant 0 : i32
        %dma_start3A_408 = tpu.memref_slice %arg10[%dma_start3A_406, %dma_start3A_407] : memref<10240x128xf32, #tpu.memory_space<vmem_shared>> -> memref<10240x128xf32, #tpu.memory_space<vmem_shared>>
        tpu.enqueue_indirect_dma source(%arg9 : memref<120x128xf32, #tpu.memory_space<vmem>>) target(%dma_start3A_408 : memref<10240x128xf32, #tpu.memory_space<vmem_shared>>) offsets(%dma_start3A_405 : memref<120xi32, #tpu.memory_space<vmem>>) semaphore(%arg14 : memref<!tpu.dma_semaphore, #tpu.memory_space<semaphore_mem>>) {add = true}
        %dma_wait3A_409 = arith.constant 1 : i32
        %dma_wait3A_410 = arith.constant 0 : i32
        %dma_wait3A_411 = tpu.memref_slice %arg7[%dma_wait3A_409, %add3A_394, %dma_wait3A_410] : memref<2x32x120xi32, #tpu.memory_space<vmem>> -> memref<1x1x120xi32, #tpu.memory_space<vmem>>
        %dma_wait3A_412 = tpu.memref_squeeze %dma_wait3A_411 : memref<1x1x120xi32, #tpu.memory_space<vmem>> -> memref<120xi32, #tpu.memory_space<vmem>>
        %dma_wait3A_413 = arith.constant 0 : i32
        %dma_wait3A_414 = arith.constant 0 : i32
        %dma_wait3A_415 = tpu.memref_slice %arg10[%dma_wait3A_413, %dma_wait3A_414] : memref<10240x128xf32, #tpu.memory_space<vmem_shared>> -> memref<10240x128xf32, #tpu.memory_space<vmem_shared>>
        tpu.wait_indirect_dma semaphore(%arg14 : memref<!tpu.dma_semaphore, #tpu.memory_space<semaphore_mem>>) src(%arg9 : memref<120x128xf32, #tpu.memory_space<vmem>>) dst(%dma_wait3A_415 : memref<10240x128xf32, #tpu.memory_space<vmem_shared>>)
        %add3A_416 = arith.constant 2 : i32
        %add3A_417 = arith.addi %add3A_394, %add3A_416 : i32
        %lt3A_418 = arith.constant 32 : i32
        %lt3A_419 = arith.cmpi slt, %add3A_417, %lt3A_418 : i32
        %convert_element_type3A_420 = arith.extui %lt3A_419 : i1 to i32
        %cond3A_421 = arith.constant 0 : i32
        %cond3A_422 = arith.cmpi ne, %convert_element_type3A_420, %cond3A_421 : i32
        scf.if %cond3A_422 {
          %add3A_423 = arith.constant 2 : i32
          %add3A_424 = arith.addi %add3A_394, %add3A_423 : i32
          %dma_start3A_425 = arith.constant 1 : i32
          %dma_start3A_426 = arith.constant 0 : i32
          %dma_start3A_427 = tpu.memref_slice %arg6[%dma_start3A_425, %add3A_424, %dma_start3A_426] : memref<2x32x120xi32, #tpu.memory_space<vmem>> -> memref<1x1x120xi32, #tpu.memory_space<vmem>>
          %dma_start3A_428 = tpu.memref_squeeze %dma_start3A_427 : memref<1x1x120xi32, #tpu.memory_space<vmem>> -> memref<120xi32, #tpu.memory_space<vmem>>
          %dma_start3A_429 = arith.constant 0 : i32
          %dma_start3A_430 = arith.constant 0 : i32
          %dma_start3A_431 = tpu.memref_slice %arg2[%dma_start3A_429, %dma_start3A_430] : memref<10240x128xf32, #tpu.memory_space<hbm>> -> memref<10240x128xf32, #tpu.memory_space<hbm>>
          tpu.enqueue_indirect_dma source(%dma_start3A_431 : memref<10240x128xf32, #tpu.memory_space<hbm>>) target(%arg9 : memref<120x128xf32, #tpu.memory_space<vmem>>) offsets(%dma_start3A_428 : memref<120xi32, #tpu.memory_space<vmem>>) semaphore(%arg12 : memref<!tpu.dma_semaphore, #tpu.memory_space<semaphore_mem>>)
        } else {
        }
      }
      %scan3A_230 = arith.constant 16 : i32
      %add3A_231 = arith.constant 64 : i32
      %add3A_232 = arith.addi %mul3A_0, %add3A_231 : i32
      %dma_wait3A_233 = arith.constant 0 : i32
      %dma_wait3A_234 = arith.constant 0 : i32
      %dma_wait3A_235 = arith.constant 0 : i32
      %dma_wait3A_236 = tpu.memref_slice %arg6[%dma_wait3A_233, %dma_wait3A_234, %dma_wait3A_235] : memref<2x32x120xi32, #tpu.memory_space<vmem>> -> memref<1x32x120xi32, #tpu.memory_space<vmem>>
      %dma_wait3A_237 = tpu.memref_squeeze %dma_wait3A_236 : memref<1x32x120xi32, #tpu.memory_space<vmem>> -> memref<32x120xi32, #tpu.memory_space<vmem>>
      %dma_wait3A_238 = arith.constant 0 : i32
      %dma_wait3A_239 = tpu.memref_slice %arg3[%add3A_232, %dma_wait3A_238] : memref<2688x120xi32, #tpu.memory_space<hbm>> -> memref<32x120xi32, #tpu.memory_space<hbm>>
      %dma_wait3A_240 = arith.constant 0 : i32
      %dma_wait3A_241 = arith.constant 0 : i32
      %dma_wait3A_242 = tpu.memref_slice %arg6[%dma_wait3A_233, %dma_wait3A_240, %dma_wait3A_241] : memref<2x32x120xi32, #tpu.memory_space<vmem>> -> memref<1x32x120xi32, #tpu.memory_space<vmem>>
      %dma_wait3A_243 = tpu.memref_squeeze %dma_wait3A_242 : memref<1x32x120xi32, #tpu.memory_space<vmem>> -> memref<32x120xi32, #tpu.memory_space<vmem>>
      %dma_wait3A_244 = arith.constant 0 : i32
      %dma_wait3A_245 = tpu.memref_slice %arg3[%add3A_232, %dma_wait3A_244] : memref<2688x120xi32, #tpu.memory_space<hbm>> -> memref<32x120xi32, #tpu.memory_space<hbm>>
      tpu.wait_dma2 semaphore(%arg15 : memref<!tpu.dma_semaphore, #tpu.memory_space<semaphore_mem>>) src(%dma_wait3A_245 : memref<32x120xi32, #tpu.memory_space<hbm>>) dst(%dma_wait3A_243 : memref<32x120xi32, #tpu.memory_space<vmem>>)
      %dma_wait3A_246 = arith.constant 0 : i32
      %dma_wait3A_247 = arith.constant 0 : i32
      %dma_wait3A_248 = arith.constant 0 : i32
      %dma_wait3A_249 = tpu.memref_slice %arg7[%dma_wait3A_246, %dma_wait3A_247, %dma_wait3A_248] : memref<2x32x120xi32, #tpu.memory_space<vmem>> -> memref<1x32x120xi32, #tpu.memory_space<vmem>>
      %dma_wait3A_250 = tpu.memref_squeeze %dma_wait3A_249 : memref<1x32x120xi32, #tpu.memory_space<vmem>> -> memref<32x120xi32, #tpu.memory_space<vmem>>
      %dma_wait3A_251 = arith.constant 0 : i32
      %dma_wait3A_252 = tpu.memref_slice %arg4[%add3A_232, %dma_wait3A_251] : memref<2688x120xi32, #tpu.memory_space<hbm>> -> memref<32x120xi32, #tpu.memory_space<hbm>>
      %dma_wait3A_253 = arith.constant 0 : i32
      %dma_wait3A_254 = arith.constant 0 : i32
      %dma_wait3A_255 = tpu.memref_slice %arg7[%dma_wait3A_246, %dma_wait3A_253, %dma_wait3A_254] : memref<2x32x120xi32, #tpu.memory_space<vmem>> -> memref<1x32x120xi32, #tpu.memory_space<vmem>>
      %dma_wait3A_256 = tpu.memref_squeeze %dma_wait3A_255 : memref<1x32x120xi32, #tpu.memory_space<vmem>> -> memref<32x120xi32, #tpu.memory_space<vmem>>
      %dma_wait3A_257 = arith.constant 0 : i32
      %dma_wait3A_258 = tpu.memref_slice %arg4[%add3A_232, %dma_wait3A_257] : memref<2688x120xi32, #tpu.memory_space<hbm>> -> memref<32x120xi32, #tpu.memory_space<hbm>>
      tpu.wait_dma2 semaphore(%arg15 : memref<!tpu.dma_semaphore, #tpu.memory_space<semaphore_mem>>) src(%dma_wait3A_258 : memref<32x120xi32, #tpu.memory_space<hbm>>) dst(%dma_wait3A_256 : memref<32x120xi32, #tpu.memory_space<vmem>>)
      %add3A_259 = arith.constant 64 : i32
      %add3A_260 = arith.addi %mul3A_0, %add3A_259 : i32
      %add3A_261 = arith.constant 32 : i32
      %add3A_262 = arith.addi %add3A_260, %add3A_261 : i32
      %dma_start3A_263 = arith.constant 1 : i32
      %dma_start3A_264 = arith.constant 0 : i32
      %dma_start3A_265 = arith.constant 0 : i32
      %dma_start3A_266 = tpu.memref_slice %arg6[%dma_start3A_263, %dma_start3A_264, %dma_start3A_265] : memref<2x32x120xi32, #tpu.memory_space<vmem>> -> memref<1x32x120xi32, #tpu.memory_space<vmem>>
      %dma_start3A_267 = tpu.memref_squeeze %dma_start3A_266 : memref<1x32x120xi32, #tpu.memory_space<vmem>> -> memref<32x120xi32, #tpu.memory_space<vmem>>
      %dma_start3A_268 = arith.constant 0 : i32
      %dma_start3A_269 = tpu.memref_slice %arg3[%add3A_262, %dma_start3A_268] : memref<2688x120xi32, #tpu.memory_space<hbm>> -> memref<32x120xi32, #tpu.memory_space<hbm>>
      %dma_start3A_270 = arith.constant 0 : i32
      %dma_start3A_271 = arith.constant 0 : i32
      %dma_start3A_272 = tpu.memref_slice %arg6[%dma_start3A_263, %dma_start3A_270, %dma_start3A_271] : memref<2x32x120xi32, #tpu.memory_space<vmem>> -> memref<1x32x120xi32, #tpu.memory_space<vmem>>
      %dma_start3A_273 = tpu.memref_squeeze %dma_start3A_272 : memref<1x32x120xi32, #tpu.memory_space<vmem>> -> memref<32x120xi32, #tpu.memory_space<vmem>>
      %dma_start3A_274 = arith.constant 0 : i32
      %dma_start3A_275 = tpu.memref_slice %arg3[%add3A_262, %dma_start3A_274] : memref<2688x120xi32, #tpu.memory_space<hbm>> -> memref<32x120xi32, #tpu.memory_space<hbm>>
      tpu.enqueue_dma source(%dma_start3A_275 : memref<32x120xi32, #tpu.memory_space<hbm>>) target(%dma_start3A_273 : memref<32x120xi32, #tpu.memory_space<vmem>>) target_semaphore(%arg16 : memref<!tpu.dma_semaphore, #tpu.memory_space<semaphore_mem>>)
      %dma_start3A_276 = arith.constant 1 : i32
      %dma_start3A_277 = arith.constant 0 : i32
      %dma_start3A_278 = arith.constant 0 : i32
      %dma_start3A_279 = tpu.memref_slice %arg7[%dma_start3A_276, %dma_start3A_277, %dma_start3A_278] : memref<2x32x120xi32, #tpu.memory_space<vmem>> -> memref<1x32x120xi32, #tpu.memory_space<vmem>>
      %dma_start3A_280 = tpu.memref_squeeze %dma_start3A_279 : memref<1x32x120xi32, #tpu.memory_space<vmem>> -> memref<32x120xi32, #tpu.memory_space<vmem>>
      %dma_start3A_281 = arith.constant 0 : i32
      %dma_start3A_282 = tpu.memref_slice %arg4[%add3A_262, %dma_start3A_281] : memref<2688x120xi32, #tpu.memory_space<hbm>> -> memref<32x120xi32, #tpu.memory_space<hbm>>
      %dma_start3A_283 = arith.constant 0 : i32
      %dma_start3A_284 = arith.constant 0 : i32
      %dma_start3A_285 = tpu.memref_slice %arg7[%dma_start3A_276, %dma_start3A_283, %dma_start3A_284] : memref<2x32x120xi32, #tpu.memory_space<vmem>> -> memref<1x32x120xi32, #tpu.memory_space<vmem>>
      %dma_start3A_286 = tpu.memref_squeeze %dma_start3A_285 : memref<1x32x120xi32, #tpu.memory_space<vmem>> -> memref<32x120xi32, #tpu.memory_space<vmem>>
      %dma_start3A_287 = arith.constant 0 : i32
      %dma_start3A_288 = tpu.memref_slice %arg4[%add3A_262, %dma_start3A_287] : memref<2688x120xi32, #tpu.memory_space<hbm>> -> memref<32x120xi32, #tpu.memory_space<hbm>>
      tpu.enqueue_dma source(%dma_start3A_288 : memref<32x120xi32, #tpu.memory_space<hbm>>) target(%dma_start3A_286 : memref<32x120xi32, #tpu.memory_space<vmem>>) target_semaphore(%arg16 : memref<!tpu.dma_semaphore, #tpu.memory_space<semaphore_mem>>)
      %dma_start3A_289 = arith.constant 0 : i32
      %dma_start3A_290 = arith.constant 0 : i32
      %dma_start3A_291 = arith.constant 0 : i32
      %dma_start3A_292 = tpu.memref_slice %arg6[%dma_start3A_289, %dma_start3A_290, %dma_start3A_291] : memref<2x32x120xi32, #tpu.memory_space<vmem>> -> memref<1x1x120xi32, #tpu.memory_space<vmem>>
      %dma_start3A_293 = tpu.memref_squeeze %dma_start3A_292 : memref<1x1x120xi32, #tpu.memory_space<vmem>> -> memref<120xi32, #tpu.memory_space<vmem>>
      %dma_start3A_294 = arith.constant 0 : i32
      %dma_start3A_295 = arith.constant 0 : i32
      %dma_start3A_296 = tpu.memref_slice %arg2[%dma_start3A_294, %dma_start3A_295] : memref<10240x128xf32, #tpu.memory_space<hbm>> -> memref<10240x128xf32, #tpu.memory_space<hbm>>
      tpu.enqueue_indirect_dma source(%dma_start3A_296 : memref<10240x128xf32, #tpu.memory_space<hbm>>) target(%arg8 : memref<120x128xf32, #tpu.memory_space<vmem>>) offsets(%dma_start3A_293 : memref<120xi32, #tpu.memory_space<vmem>>) semaphore(%arg11 : memref<!tpu.dma_semaphore, #tpu.memory_space<semaphore_mem>>)
      %dma_start3A_297 = arith.constant 0 : i32
      %dma_start3A_298 = arith.constant 1 : i32
      %dma_start3A_299 = arith.constant 0 : i32
      %dma_start3A_300 = tpu.memref_slice %arg6[%dma_start3A_297, %dma_start3A_298, %dma_start3A_299] : memref<2x32x120xi32, #tpu.memory_space<vmem>> -> memref<1x1x120xi32, #tpu.memory_space<vmem>>
      %dma_start3A_301 = tpu.memref_squeeze %dma_start3A_300 : memref<1x1x120xi32, #tpu.memory_space<vmem>> -> memref<120xi32, #tpu.memory_space<vmem>>
      %dma_start3A_302 = arith.constant 0 : i32
      %dma_start3A_303 = arith.constant 0 : i32
      %dma_start3A_304 = tpu.memref_slice %arg2[%dma_start3A_302, %dma_start3A_303] : memref<10240x128xf32, #tpu.memory_space<hbm>> -> memref<10240x128xf32, #tpu.memory_space<hbm>>
      tpu.enqueue_indirect_dma source(%dma_start3A_304 : memref<10240x128xf32, #tpu.memory_space<hbm>>) target(%arg9 : memref<120x128xf32, #tpu.memory_space<vmem>>) offsets(%dma_start3A_301 : memref<120xi32, #tpu.memory_space<vmem>>) semaphore(%arg12 : memref<!tpu.dma_semaphore, #tpu.memory_space<semaphore_mem>>)
      %scan3A_305 = arith.constant 0 : i32
      %scan3A_306 = arith.constant 16 : i32
      %scan3A_307 = arith.addi %scan3A_305, %scan3A_306 : i32
      %scan3A_308 = arith.constant 1 : i32
      scf.for %scan3A_359 = %scan3A_305 to %scan3A_307 step %scan3A_308  : i32 {
        %mul3A_360 = arith.constant 2 : i32
        %mul3A_361 = arith.muli %mul3A_360, %scan3A_359 : i32
        %add3A_362 = arith.constant 0 : i32
        %add3A_363 = arith.addi %mul3A_361, %add3A_362 : i32
        %dma_wait3A_364 = arith.constant 0 : i32
        %dma_wait3A_365 = arith.constant 0 : i32
        %dma_wait3A_366 = tpu.memref_slice %arg6[%dma_wait3A_364, %add3A_363, %dma_wait3A_365] : memref<2x32x120xi32, #tpu.memory_space<vmem>> -> memref<1x1x120xi32, #tpu.memory_space<vmem>>
        %dma_wait3A_367 = tpu.memref_squeeze %dma_wait3A_366 : memref<1x1x120xi32, #tpu.memory_space<vmem>> -> memref<120xi32, #tpu.memory_space<vmem>>
        %dma_wait3A_368 = arith.constant 0 : i32
        %dma_wait3A_369 = arith.constant 0 : i32
        %dma_wait3A_370 = tpu.memref_slice %arg2[%dma_wait3A_368, %dma_wait3A_369] : memref<10240x128xf32, #tpu.memory_space<hbm>> -> memref<10240x128xf32, #tpu.memory_space<hbm>>
        tpu.wait_indirect_dma semaphore(%arg11 : memref<!tpu.dma_semaphore, #tpu.memory_space<semaphore_mem>>) src(%dma_wait3A_370 : memref<10240x128xf32, #tpu.memory_space<hbm>>) dst(%arg8 : memref<120x128xf32, #tpu.memory_space<vmem>>)
        %dma_start3A_371 = arith.constant 0 : i32
        %dma_start3A_372 = arith.constant 0 : i32
        %dma_start3A_373 = tpu.memref_slice %arg7[%dma_start3A_371, %add3A_363, %dma_start3A_372] : memref<2x32x120xi32, #tpu.memory_space<vmem>> -> memref<1x1x120xi32, #tpu.memory_space<vmem>>
        %dma_start3A_374 = tpu.memref_squeeze %dma_start3A_373 : memref<1x1x120xi32, #tpu.memory_space<vmem>> -> memref<120xi32, #tpu.memory_space<vmem>>
        %dma_start3A_375 = arith.constant 0 : i32
        %dma_start3A_376 = arith.constant 0 : i32
        %dma_start3A_377 = tpu.memref_slice %arg10[%dma_start3A_375, %dma_start3A_376] : memref<10240x128xf32, #tpu.memory_space<vmem_shared>> -> memref<10240x128xf32, #tpu.memory_space<vmem_shared>>
        tpu.enqueue_indirect_dma source(%arg8 : memref<120x128xf32, #tpu.memory_space<vmem>>) target(%dma_start3A_377 : memref<10240x128xf32, #tpu.memory_space<vmem_shared>>) offsets(%dma_start3A_374 : memref<120xi32, #tpu.memory_space<vmem>>) semaphore(%arg13 : memref<!tpu.dma_semaphore, #tpu.memory_space<semaphore_mem>>) {add = true}
        %dma_wait3A_378 = arith.constant 0 : i32
        %dma_wait3A_379 = arith.constant 0 : i32
        %dma_wait3A_380 = tpu.memref_slice %arg7[%dma_wait3A_378, %add3A_363, %dma_wait3A_379] : memref<2x32x120xi32, #tpu.memory_space<vmem>> -> memref<1x1x120xi32, #tpu.memory_space<vmem>>
        %dma_wait3A_381 = tpu.memref_squeeze %dma_wait3A_380 : memref<1x1x120xi32, #tpu.memory_space<vmem>> -> memref<120xi32, #tpu.memory_space<vmem>>
        %dma_wait3A_382 = arith.constant 0 : i32
        %dma_wait3A_383 = arith.constant 0 : i32
        %dma_wait3A_384 = tpu.memref_slice %arg10[%dma_wait3A_382, %dma_wait3A_383] : memref<10240x128xf32, #tpu.memory_space<vmem_shared>> -> memref<10240x128xf32, #tpu.memory_space<vmem_shared>>
        tpu.wait_indirect_dma semaphore(%arg13 : memref<!tpu.dma_semaphore, #tpu.memory_space<semaphore_mem>>) src(%arg8 : memref<120x128xf32, #tpu.memory_space<vmem>>) dst(%dma_wait3A_384 : memref<10240x128xf32, #tpu.memory_space<vmem_shared>>)
        %add3A_385 = arith.constant 2 : i32
        %add3A_386 = arith.addi %add3A_363, %add3A_385 : i32
        %lt3A = arith.constant 32 : i32
        %lt3A_387 = arith.cmpi slt, %add3A_386, %lt3A : i32
        %convert_element_type3A_388 = arith.extui %lt3A_387 : i1 to i32
        %cond3A_389 = arith.constant 0 : i32
        %cond3A_390 = arith.cmpi ne, %convert_element_type3A_388, %cond3A_389 : i32
        scf.if %cond3A_390 {
          %add3A_423 = arith.constant 2 : i32
          %add3A_424 = arith.addi %add3A_363, %add3A_423 : i32
          %dma_start3A_425 = arith.constant 0 : i32
          %dma_start3A_426 = arith.constant 0 : i32
          %dma_start3A_427 = tpu.memref_slice %arg6[%dma_start3A_425, %add3A_424, %dma_start3A_426] : memref<2x32x120xi32, #tpu.memory_space<vmem>> -> memref<1x1x120xi32, #tpu.memory_space<vmem>>
          %dma_start3A_428 = tpu.memref_squeeze %dma_start3A_427 : memref<1x1x120xi32, #tpu.memory_space<vmem>> -> memref<120xi32, #tpu.memory_space<vmem>>
          %dma_start3A_429 = arith.constant 0 : i32
          %dma_start3A_430 = arith.constant 0 : i32
          %dma_start3A_431 = tpu.memref_slice %arg2[%dma_start3A_429, %dma_start3A_430] : memref<10240x128xf32, #tpu.memory_space<hbm>> -> memref<10240x128xf32, #tpu.memory_space<hbm>>
          tpu.enqueue_indirect_dma source(%dma_start3A_431 : memref<10240x128xf32, #tpu.memory_space<hbm>>) target(%arg8 : memref<120x128xf32, #tpu.memory_space<vmem>>) offsets(%dma_start3A_428 : memref<120xi32, #tpu.memory_space<vmem>>) semaphore(%arg11 : memref<!tpu.dma_semaphore, #tpu.memory_space<semaphore_mem>>)
        } else {
        }
        %mul3A_391 = arith.constant 2 : i32
        %mul3A_392 = arith.muli %mul3A_391, %scan3A_359 : i32
        %add3A_393 = arith.constant 1 : i32
        %add3A_394 = arith.addi %mul3A_392, %add3A_393 : i32
        %dma_wait3A_395 = arith.constant 0 : i32
        %dma_wait3A_396 = arith.constant 0 : i32
        %dma_wait3A_397 = tpu.memref_slice %arg6[%dma_wait3A_395, %add3A_394, %dma_wait3A_396] : memref<2x32x120xi32, #tpu.memory_space<vmem>> -> memref<1x1x120xi32, #tpu.memory_space<vmem>>
        %dma_wait3A_398 = tpu.memref_squeeze %dma_wait3A_397 : memref<1x1x120xi32, #tpu.memory_space<vmem>> -> memref<120xi32, #tpu.memory_space<vmem>>
        %dma_wait3A_399 = arith.constant 0 : i32
        %dma_wait3A_400 = arith.constant 0 : i32
        %dma_wait3A_401 = tpu.memref_slice %arg2[%dma_wait3A_399, %dma_wait3A_400] : memref<10240x128xf32, #tpu.memory_space<hbm>> -> memref<10240x128xf32, #tpu.memory_space<hbm>>
        tpu.wait_indirect_dma semaphore(%arg12 : memref<!tpu.dma_semaphore, #tpu.memory_space<semaphore_mem>>) src(%dma_wait3A_401 : memref<10240x128xf32, #tpu.memory_space<hbm>>) dst(%arg9 : memref<120x128xf32, #tpu.memory_space<vmem>>)
        %dma_start3A_402 = arith.constant 0 : i32
        %dma_start3A_403 = arith.constant 0 : i32
        %dma_start3A_404 = tpu.memref_slice %arg7[%dma_start3A_402, %add3A_394, %dma_start3A_403] : memref<2x32x120xi32, #tpu.memory_space<vmem>> -> memref<1x1x120xi32, #tpu.memory_space<vmem>>
        %dma_start3A_405 = tpu.memref_squeeze %dma_start3A_404 : memref<1x1x120xi32, #tpu.memory_space<vmem>> -> memref<120xi32, #tpu.memory_space<vmem>>
        %dma_start3A_406 = arith.constant 0 : i32
        %dma_start3A_407 = arith.constant 0 : i32
        %dma_start3A_408 = tpu.memref_slice %arg10[%dma_start3A_406, %dma_start3A_407] : memref<10240x128xf32, #tpu.memory_space<vmem_shared>> -> memref<10240x128xf32, #tpu.memory_space<vmem_shared>>
        tpu.enqueue_indirect_dma source(%arg9 : memref<120x128xf32, #tpu.memory_space<vmem>>) target(%dma_start3A_408 : memref<10240x128xf32, #tpu.memory_space<vmem_shared>>) offsets(%dma_start3A_405 : memref<120xi32, #tpu.memory_space<vmem>>) semaphore(%arg14 : memref<!tpu.dma_semaphore, #tpu.memory_space<semaphore_mem>>) {add = true}
        %dma_wait3A_409 = arith.constant 0 : i32
        %dma_wait3A_410 = arith.constant 0 : i32
        %dma_wait3A_411 = tpu.memref_slice %arg7[%dma_wait3A_409, %add3A_394, %dma_wait3A_410] : memref<2x32x120xi32, #tpu.memory_space<vmem>> -> memref<1x1x120xi32, #tpu.memory_space<vmem>>
        %dma_wait3A_412 = tpu.memref_squeeze %dma_wait3A_411 : memref<1x1x120xi32, #tpu.memory_space<vmem>> -> memref<120xi32, #tpu.memory_space<vmem>>
        %dma_wait3A_413 = arith.constant 0 : i32
        %dma_wait3A_414 = arith.constant 0 : i32
        %dma_wait3A_415 = tpu.memref_slice %arg10[%dma_wait3A_413, %dma_wait3A_414] : memref<10240x128xf32, #tpu.memory_space<vmem_shared>> -> memref<10240x128xf32, #tpu.memory_space<vmem_shared>>
        tpu.wait_indirect_dma semaphore(%arg14 : memref<!tpu.dma_semaphore, #tpu.memory_space<semaphore_mem>>) src(%arg9 : memref<120x128xf32, #tpu.memory_space<vmem>>) dst(%dma_wait3A_415 : memref<10240x128xf32, #tpu.memory_space<vmem_shared>>)
        %add3A_416 = arith.constant 2 : i32
        %add3A_417 = arith.addi %add3A_394, %add3A_416 : i32
        %lt3A_418 = arith.constant 32 : i32
        %lt3A_419 = arith.cmpi slt, %add3A_417, %lt3A_418 : i32
        %convert_element_type3A_420 = arith.extui %lt3A_419 : i1 to i32
        %cond3A_421 = arith.constant 0 : i32
        %cond3A_422 = arith.cmpi ne, %convert_element_type3A_420, %cond3A_421 : i32
        scf.if %cond3A_422 {
          %add3A_423 = arith.constant 2 : i32
          %add3A_424 = arith.addi %add3A_394, %add3A_423 : i32
          %dma_start3A_425 = arith.constant 0 : i32
          %dma_start3A_426 = arith.constant 0 : i32
          %dma_start3A_427 = tpu.memref_slice %arg6[%dma_start3A_425, %add3A_424, %dma_start3A_426] : memref<2x32x120xi32, #tpu.memory_space<vmem>> -> memref<1x1x120xi32, #tpu.memory_space<vmem>>
          %dma_start3A_428 = tpu.memref_squeeze %dma_start3A_427 : memref<1x1x120xi32, #tpu.memory_space<vmem>> -> memref<120xi32, #tpu.memory_space<vmem>>
          %dma_start3A_429 = arith.constant 0 : i32
          %dma_start3A_430 = arith.constant 0 : i32
          %dma_start3A_431 = tpu.memref_slice %arg2[%dma_start3A_429, %dma_start3A_430] : memref<10240x128xf32, #tpu.memory_space<hbm>> -> memref<10240x128xf32, #tpu.memory_space<hbm>>
          tpu.enqueue_indirect_dma source(%dma_start3A_431 : memref<10240x128xf32, #tpu.memory_space<hbm>>) target(%arg9 : memref<120x128xf32, #tpu.memory_space<vmem>>) offsets(%dma_start3A_428 : memref<120xi32, #tpu.memory_space<vmem>>) semaphore(%arg12 : memref<!tpu.dma_semaphore, #tpu.memory_space<semaphore_mem>>)
        } else {
        }
      }
      %scan3A_309 = arith.constant 16 : i32
      %add3A_310 = arith.constant 96 : i32
      %add3A_311 = arith.addi %mul3A_0, %add3A_310 : i32
      %dma_wait3A_312 = arith.constant 1 : i32
      %dma_wait3A_313 = arith.constant 0 : i32
      %dma_wait3A_314 = arith.constant 0 : i32
      %dma_wait3A_315 = tpu.memref_slice %arg6[%dma_wait3A_312, %dma_wait3A_313, %dma_wait3A_314] : memref<2x32x120xi32, #tpu.memory_space<vmem>> -> memref<1x32x120xi32, #tpu.memory_space<vmem>>
      %dma_wait3A_316 = tpu.memref_squeeze %dma_wait3A_315 : memref<1x32x120xi32, #tpu.memory_space<vmem>> -> memref<32x120xi32, #tpu.memory_space<vmem>>
      %dma_wait3A_317 = arith.constant 0 : i32
      %dma_wait3A_318 = tpu.memref_slice %arg3[%add3A_311, %dma_wait3A_317] : memref<2688x120xi32, #tpu.memory_space<hbm>> -> memref<32x120xi32, #tpu.memory_space<hbm>>
      %dma_wait3A_319 = arith.constant 0 : i32
      %dma_wait3A_320 = arith.constant 0 : i32
      %dma_wait3A_321 = tpu.memref_slice %arg6[%dma_wait3A_312, %dma_wait3A_319, %dma_wait3A_320] : memref<2x32x120xi32, #tpu.memory_space<vmem>> -> memref<1x32x120xi32, #tpu.memory_space<vmem>>
      %dma_wait3A_322 = tpu.memref_squeeze %dma_wait3A_321 : memref<1x32x120xi32, #tpu.memory_space<vmem>> -> memref<32x120xi32, #tpu.memory_space<vmem>>
      %dma_wait3A_323 = arith.constant 0 : i32
      %dma_wait3A_324 = tpu.memref_slice %arg3[%add3A_311, %dma_wait3A_323] : memref<2688x120xi32, #tpu.memory_space<hbm>> -> memref<32x120xi32, #tpu.memory_space<hbm>>
      tpu.wait_dma2 semaphore(%arg16 : memref<!tpu.dma_semaphore, #tpu.memory_space<semaphore_mem>>) src(%dma_wait3A_324 : memref<32x120xi32, #tpu.memory_space<hbm>>) dst(%dma_wait3A_322 : memref<32x120xi32, #tpu.memory_space<vmem>>)
      %dma_wait3A_325 = arith.constant 1 : i32
      %dma_wait3A_326 = arith.constant 0 : i32
      %dma_wait3A_327 = arith.constant 0 : i32
      %dma_wait3A_328 = tpu.memref_slice %arg7[%dma_wait3A_325, %dma_wait3A_326, %dma_wait3A_327] : memref<2x32x120xi32, #tpu.memory_space<vmem>> -> memref<1x32x120xi32, #tpu.memory_space<vmem>>
      %dma_wait3A_329 = tpu.memref_squeeze %dma_wait3A_328 : memref<1x32x120xi32, #tpu.memory_space<vmem>> -> memref<32x120xi32, #tpu.memory_space<vmem>>
      %dma_wait3A_330 = arith.constant 0 : i32
      %dma_wait3A_331 = tpu.memref_slice %arg4[%add3A_311, %dma_wait3A_330] : memref<2688x120xi32, #tpu.memory_space<hbm>> -> memref<32x120xi32, #tpu.memory_space<hbm>>
      %dma_wait3A_332 = arith.constant 0 : i32
      %dma_wait3A_333 = arith.constant 0 : i32
      %dma_wait3A_334 = tpu.memref_slice %arg7[%dma_wait3A_325, %dma_wait3A_332, %dma_wait3A_333] : memref<2x32x120xi32, #tpu.memory_space<vmem>> -> memref<1x32x120xi32, #tpu.memory_space<vmem>>
      %dma_wait3A_335 = tpu.memref_squeeze %dma_wait3A_334 : memref<1x32x120xi32, #tpu.memory_space<vmem>> -> memref<32x120xi32, #tpu.memory_space<vmem>>
      %dma_wait3A_336 = arith.constant 0 : i32
      %dma_wait3A_337 = tpu.memref_slice %arg4[%add3A_311, %dma_wait3A_336] : memref<2688x120xi32, #tpu.memory_space<hbm>> -> memref<32x120xi32, #tpu.memory_space<hbm>>
      tpu.wait_dma2 semaphore(%arg16 : memref<!tpu.dma_semaphore, #tpu.memory_space<semaphore_mem>>) src(%dma_wait3A_337 : memref<32x120xi32, #tpu.memory_space<hbm>>) dst(%dma_wait3A_335 : memref<32x120xi32, #tpu.memory_space<vmem>>)
      %dma_start3A_338 = arith.constant 1 : i32
      %dma_start3A_339 = arith.constant 0 : i32
      %dma_start3A_340 = arith.constant 0 : i32
      %dma_start3A_341 = tpu.memref_slice %arg6[%dma_start3A_338, %dma_start3A_339, %dma_start3A_340] : memref<2x32x120xi32, #tpu.memory_space<vmem>> -> memref<1x1x120xi32, #tpu.memory_space<vmem>>
      %dma_start3A_342 = tpu.memref_squeeze %dma_start3A_341 : memref<1x1x120xi32, #tpu.memory_space<vmem>> -> memref<120xi32, #tpu.memory_space<vmem>>
      %dma_start3A_343 = arith.constant 0 : i32
      %dma_start3A_344 = arith.constant 0 : i32
      %dma_start3A_345 = tpu.memref_slice %arg2[%dma_start3A_343, %dma_start3A_344] : memref<10240x128xf32, #tpu.memory_space<hbm>> -> memref<10240x128xf32, #tpu.memory_space<hbm>>
      tpu.enqueue_indirect_dma source(%dma_start3A_345 : memref<10240x128xf32, #tpu.memory_space<hbm>>) target(%arg8 : memref<120x128xf32, #tpu.memory_space<vmem>>) offsets(%dma_start3A_342 : memref<120xi32, #tpu.memory_space<vmem>>) semaphore(%arg11 : memref<!tpu.dma_semaphore, #tpu.memory_space<semaphore_mem>>)
      %dma_start3A_346 = arith.constant 1 : i32
      %dma_start3A_347 = arith.constant 1 : i32
      %dma_start3A_348 = arith.constant 0 : i32
      %dma_start3A_349 = tpu.memref_slice %arg6[%dma_start3A_346, %dma_start3A_347, %dma_start3A_348] : memref<2x32x120xi32, #tpu.memory_space<vmem>> -> memref<1x1x120xi32, #tpu.memory_space<vmem>>
      %dma_start3A_350 = tpu.memref_squeeze %dma_start3A_349 : memref<1x1x120xi32, #tpu.memory_space<vmem>> -> memref<120xi32, #tpu.memory_space<vmem>>
      %dma_start3A_351 = arith.constant 0 : i32
      %dma_start3A_352 = arith.constant 0 : i32
      %dma_start3A_353 = tpu.memref_slice %arg2[%dma_start3A_351, %dma_start3A_352] : memref<10240x128xf32, #tpu.memory_space<hbm>> -> memref<10240x128xf32, #tpu.memory_space<hbm>>
      tpu.enqueue_indirect_dma source(%dma_start3A_353 : memref<10240x128xf32, #tpu.memory_space<hbm>>) target(%arg9 : memref<120x128xf32, #tpu.memory_space<vmem>>) offsets(%dma_start3A_350 : memref<120xi32, #tpu.memory_space<vmem>>) semaphore(%arg12 : memref<!tpu.dma_semaphore, #tpu.memory_space<semaphore_mem>>)
      %scan3A_354 = arith.constant 0 : i32
      %scan3A_355 = arith.constant 16 : i32
      %scan3A_356 = arith.addi %scan3A_354, %scan3A_355 : i32
      %scan3A_357 = arith.constant 1 : i32
      scf.for %scan3A_359 = %scan3A_354 to %scan3A_356 step %scan3A_357  : i32 {
        %mul3A_360 = arith.constant 2 : i32
        %mul3A_361 = arith.muli %mul3A_360, %scan3A_359 : i32
        %add3A_362 = arith.constant 0 : i32
        %add3A_363 = arith.addi %mul3A_361, %add3A_362 : i32
        %dma_wait3A_364 = arith.constant 1 : i32
        %dma_wait3A_365 = arith.constant 0 : i32
        %dma_wait3A_366 = tpu.memref_slice %arg6[%dma_wait3A_364, %add3A_363, %dma_wait3A_365] : memref<2x32x120xi32, #tpu.memory_space<vmem>> -> memref<1x1x120xi32, #tpu.memory_space<vmem>>
        %dma_wait3A_367 = tpu.memref_squeeze %dma_wait3A_366 : memref<1x1x120xi32, #tpu.memory_space<vmem>> -> memref<120xi32, #tpu.memory_space<vmem>>
        %dma_wait3A_368 = arith.constant 0 : i32
        %dma_wait3A_369 = arith.constant 0 : i32
        %dma_wait3A_370 = tpu.memref_slice %arg2[%dma_wait3A_368, %dma_wait3A_369] : memref<10240x128xf32, #tpu.memory_space<hbm>> -> memref<10240x128xf32, #tpu.memory_space<hbm>>
        tpu.wait_indirect_dma semaphore(%arg11 : memref<!tpu.dma_semaphore, #tpu.memory_space<semaphore_mem>>) src(%dma_wait3A_370 : memref<10240x128xf32, #tpu.memory_space<hbm>>) dst(%arg8 : memref<120x128xf32, #tpu.memory_space<vmem>>)
        %dma_start3A_371 = arith.constant 1 : i32
        %dma_start3A_372 = arith.constant 0 : i32
        %dma_start3A_373 = tpu.memref_slice %arg7[%dma_start3A_371, %add3A_363, %dma_start3A_372] : memref<2x32x120xi32, #tpu.memory_space<vmem>> -> memref<1x1x120xi32, #tpu.memory_space<vmem>>
        %dma_start3A_374 = tpu.memref_squeeze %dma_start3A_373 : memref<1x1x120xi32, #tpu.memory_space<vmem>> -> memref<120xi32, #tpu.memory_space<vmem>>
        %dma_start3A_375 = arith.constant 0 : i32
        %dma_start3A_376 = arith.constant 0 : i32
        %dma_start3A_377 = tpu.memref_slice %arg10[%dma_start3A_375, %dma_start3A_376] : memref<10240x128xf32, #tpu.memory_space<vmem_shared>> -> memref<10240x128xf32, #tpu.memory_space<vmem_shared>>
        tpu.enqueue_indirect_dma source(%arg8 : memref<120x128xf32, #tpu.memory_space<vmem>>) target(%dma_start3A_377 : memref<10240x128xf32, #tpu.memory_space<vmem_shared>>) offsets(%dma_start3A_374 : memref<120xi32, #tpu.memory_space<vmem>>) semaphore(%arg13 : memref<!tpu.dma_semaphore, #tpu.memory_space<semaphore_mem>>) {add = true}
        %dma_wait3A_378 = arith.constant 1 : i32
        %dma_wait3A_379 = arith.constant 0 : i32
        %dma_wait3A_380 = tpu.memref_slice %arg7[%dma_wait3A_378, %add3A_363, %dma_wait3A_379] : memref<2x32x120xi32, #tpu.memory_space<vmem>> -> memref<1x1x120xi32, #tpu.memory_space<vmem>>
        %dma_wait3A_381 = tpu.memref_squeeze %dma_wait3A_380 : memref<1x1x120xi32, #tpu.memory_space<vmem>> -> memref<120xi32, #tpu.memory_space<vmem>>
        %dma_wait3A_382 = arith.constant 0 : i32
        %dma_wait3A_383 = arith.constant 0 : i32
        %dma_wait3A_384 = tpu.memref_slice %arg10[%dma_wait3A_382, %dma_wait3A_383] : memref<10240x128xf32, #tpu.memory_space<vmem_shared>> -> memref<10240x128xf32, #tpu.memory_space<vmem_shared>>
        tpu.wait_indirect_dma semaphore(%arg13 : memref<!tpu.dma_semaphore, #tpu.memory_space<semaphore_mem>>) src(%arg8 : memref<120x128xf32, #tpu.memory_space<vmem>>) dst(%dma_wait3A_384 : memref<10240x128xf32, #tpu.memory_space<vmem_shared>>)
        %add3A_385 = arith.constant 2 : i32
        %add3A_386 = arith.addi %add3A_363, %add3A_385 : i32
        %lt3A = arith.constant 32 : i32
        %lt3A_387 = arith.cmpi slt, %add3A_386, %lt3A : i32
        %convert_element_type3A_388 = arith.extui %lt3A_387 : i1 to i32
        %cond3A_389 = arith.constant 0 : i32
        %cond3A_390 = arith.cmpi ne, %convert_element_type3A_388, %cond3A_389 : i32
        scf.if %cond3A_390 {
          %add3A_423 = arith.constant 2 : i32
          %add3A_424 = arith.addi %add3A_363, %add3A_423 : i32
          %dma_start3A_425 = arith.constant 1 : i32
          %dma_start3A_426 = arith.constant 0 : i32
          %dma_start3A_427 = tpu.memref_slice %arg6[%dma_start3A_425, %add3A_424, %dma_start3A_426] : memref<2x32x120xi32, #tpu.memory_space<vmem>> -> memref<1x1x120xi32, #tpu.memory_space<vmem>>
          %dma_start3A_428 = tpu.memref_squeeze %dma_start3A_427 : memref<1x1x120xi32, #tpu.memory_space<vmem>> -> memref<120xi32, #tpu.memory_space<vmem>>
          %dma_start3A_429 = arith.constant 0 : i32
          %dma_start3A_430 = arith.constant 0 : i32
          %dma_start3A_431 = tpu.memref_slice %arg2[%dma_start3A_429, %dma_start3A_430] : memref<10240x128xf32, #tpu.memory_space<hbm>> -> memref<10240x128xf32, #tpu.memory_space<hbm>>
          tpu.enqueue_indirect_dma source(%dma_start3A_431 : memref<10240x128xf32, #tpu.memory_space<hbm>>) target(%arg8 : memref<120x128xf32, #tpu.memory_space<vmem>>) offsets(%dma_start3A_428 : memref<120xi32, #tpu.memory_space<vmem>>) semaphore(%arg11 : memref<!tpu.dma_semaphore, #tpu.memory_space<semaphore_mem>>)
        } else {
        }
        %mul3A_391 = arith.constant 2 : i32
        %mul3A_392 = arith.muli %mul3A_391, %scan3A_359 : i32
        %add3A_393 = arith.constant 1 : i32
        %add3A_394 = arith.addi %mul3A_392, %add3A_393 : i32
        %dma_wait3A_395 = arith.constant 1 : i32
        %dma_wait3A_396 = arith.constant 0 : i32
        %dma_wait3A_397 = tpu.memref_slice %arg6[%dma_wait3A_395, %add3A_394, %dma_wait3A_396] : memref<2x32x120xi32, #tpu.memory_space<vmem>> -> memref<1x1x120xi32, #tpu.memory_space<vmem>>
        %dma_wait3A_398 = tpu.memref_squeeze %dma_wait3A_397 : memref<1x1x120xi32, #tpu.memory_space<vmem>> -> memref<120xi32, #tpu.memory_space<vmem>>
        %dma_wait3A_399 = arith.constant 0 : i32
        %dma_wait3A_400 = arith.constant 0 : i32
        %dma_wait3A_401 = tpu.memref_slice %arg2[%dma_wait3A_399, %dma_wait3A_400] : memref<10240x128xf32, #tpu.memory_space<hbm>> -> memref<10240x128xf32, #tpu.memory_space<hbm>>
        tpu.wait_indirect_dma semaphore(%arg12 : memref<!tpu.dma_semaphore, #tpu.memory_space<semaphore_mem>>) src(%dma_wait3A_401 : memref<10240x128xf32, #tpu.memory_space<hbm>>) dst(%arg9 : memref<120x128xf32, #tpu.memory_space<vmem>>)
        %dma_start3A_402 = arith.constant 1 : i32
        %dma_start3A_403 = arith.constant 0 : i32
        %dma_start3A_404 = tpu.memref_slice %arg7[%dma_start3A_402, %add3A_394, %dma_start3A_403] : memref<2x32x120xi32, #tpu.memory_space<vmem>> -> memref<1x1x120xi32, #tpu.memory_space<vmem>>
        %dma_start3A_405 = tpu.memref_squeeze %dma_start3A_404 : memref<1x1x120xi32, #tpu.memory_space<vmem>> -> memref<120xi32, #tpu.memory_space<vmem>>
        %dma_start3A_406 = arith.constant 0 : i32
        %dma_start3A_407 = arith.constant 0 : i32
        %dma_start3A_408 = tpu.memref_slice %arg10[%dma_start3A_406, %dma_start3A_407] : memref<10240x128xf32, #tpu.memory_space<vmem_shared>> -> memref<10240x128xf32, #tpu.memory_space<vmem_shared>>
        tpu.enqueue_indirect_dma source(%arg9 : memref<120x128xf32, #tpu.memory_space<vmem>>) target(%dma_start3A_408 : memref<10240x128xf32, #tpu.memory_space<vmem_shared>>) offsets(%dma_start3A_405 : memref<120xi32, #tpu.memory_space<vmem>>) semaphore(%arg14 : memref<!tpu.dma_semaphore, #tpu.memory_space<semaphore_mem>>) {add = true}
        %dma_wait3A_409 = arith.constant 1 : i32
        %dma_wait3A_410 = arith.constant 0 : i32
        %dma_wait3A_411 = tpu.memref_slice %arg7[%dma_wait3A_409, %add3A_394, %dma_wait3A_410] : memref<2x32x120xi32, #tpu.memory_space<vmem>> -> memref<1x1x120xi32, #tpu.memory_space<vmem>>
        %dma_wait3A_412 = tpu.memref_squeeze %dma_wait3A_411 : memref<1x1x120xi32, #tpu.memory_space<vmem>> -> memref<120xi32, #tpu.memory_space<vmem>>
        %dma_wait3A_413 = arith.constant 0 : i32
        %dma_wait3A_414 = arith.constant 0 : i32
        %dma_wait3A_415 = tpu.memref_slice %arg10[%dma_wait3A_413, %dma_wait3A_414] : memref<10240x128xf32, #tpu.memory_space<vmem_shared>> -> memref<10240x128xf32, #tpu.memory_space<vmem_shared>>
        tpu.wait_indirect_dma semaphore(%arg14 : memref<!tpu.dma_semaphore, #tpu.memory_space<semaphore_mem>>) src(%arg9 : memref<120x128xf32, #tpu.memory_space<vmem>>) dst(%dma_wait3A_415 : memref<10240x128xf32, #tpu.memory_space<vmem_shared>>)
        %add3A_416 = arith.constant 2 : i32
        %add3A_417 = arith.addi %add3A_394, %add3A_416 : i32
        %lt3A_418 = arith.constant 32 : i32
        %lt3A_419 = arith.cmpi slt, %add3A_417, %lt3A_418 : i32
        %convert_element_type3A_420 = arith.extui %lt3A_419 : i1 to i32
        %cond3A_421 = arith.constant 0 : i32
        %cond3A_422 = arith.cmpi ne, %convert_element_type3A_420, %cond3A_421 : i32
        scf.if %cond3A_422 {
          %add3A_423 = arith.constant 2 : i32
          %add3A_424 = arith.addi %add3A_394, %add3A_423 : i32
          %dma_start3A_425 = arith.constant 1 : i32
          %dma_start3A_426 = arith.constant 0 : i32
          %dma_start3A_427 = tpu.memref_slice %arg6[%dma_start3A_425, %add3A_424, %dma_start3A_426] : memref<2x32x120xi32, #tpu.memory_space<vmem>> -> memref<1x1x120xi32, #tpu.memory_space<vmem>>
          %dma_start3A_428 = tpu.memref_squeeze %dma_start3A_427 : memref<1x1x120xi32, #tpu.memory_space<vmem>> -> memref<120xi32, #tpu.memory_space<vmem>>
          %dma_start3A_429 = arith.constant 0 : i32
          %dma_start3A_430 = arith.constant 0 : i32
          %dma_start3A_431 = tpu.memref_slice %arg2[%dma_start3A_429, %dma_start3A_430] : memref<10240x128xf32, #tpu.memory_space<hbm>> -> memref<10240x128xf32, #tpu.memory_space<hbm>>
          tpu.enqueue_indirect_dma source(%dma_start3A_431 : memref<10240x128xf32, #tpu.memory_space<hbm>>) target(%arg9 : memref<120x128xf32, #tpu.memory_space<vmem>>) offsets(%dma_start3A_428 : memref<120xi32, #tpu.memory_space<vmem>>) semaphore(%arg12 : memref<!tpu.dma_semaphore, #tpu.memory_space<semaphore_mem>>)
        } else {
        }
      }
      %scan3A_358 = arith.constant 16 : i32
    } else {
    }
    %eq3A_45 = arith.constant 1 : i32
    %eq3A_46 = arith.cmpi eq, %arg0, %eq3A_45 : i32
    %convert_element_type3A_47 = arith.extui %eq3A_46 : i1 to i32
    %cond3A_48 = arith.constant 0 : i32
    %cond3A_49 = arith.cmpi ne, %convert_element_type3A_47, %cond3A_48 : i32
    scf.if %cond3A_49 {
      %add3A_75 = arith.constant 0 : i32
      %add3A_76 = arith.addi %add3A_3, %add3A_75 : i32
      %dma_wait3A = arith.constant 0 : i32
      %dma_wait3A_77 = arith.constant 0 : i32
      %dma_wait3A_78 = arith.constant 0 : i32
      %dma_wait3A_79 = tpu.memref_slice %arg6[%dma_wait3A, %dma_wait3A_77, %dma_wait3A_78] : memref<2x32x120xi32, #tpu.memory_space<vmem>> -> memref<1x24x120xi32, #tpu.memory_space<vmem>>
      %dma_wait3A_80 = tpu.memref_squeeze %dma_wait3A_79 : memref<1x24x120xi32, #tpu.memory_space<vmem>> -> memref<24x120xi32, #tpu.memory_space<vmem>>
      %dma_wait3A_81 = arith.constant 0 : i32
      %dma_wait3A_82 = tpu.memref_slice %arg3[%add3A_76, %dma_wait3A_81] : memref<2688x120xi32, #tpu.memory_space<hbm>> -> memref<24x120xi32, #tpu.memory_space<hbm>>
      %dma_wait3A_83 = arith.constant 0 : i32
      %dma_wait3A_84 = arith.constant 0 : i32
      %dma_wait3A_85 = tpu.memref_slice %arg6[%dma_wait3A, %dma_wait3A_83, %dma_wait3A_84] : memref<2x32x120xi32, #tpu.memory_space<vmem>> -> memref<1x24x120xi32, #tpu.memory_space<vmem>>
      %dma_wait3A_86 = tpu.memref_squeeze %dma_wait3A_85 : memref<1x24x120xi32, #tpu.memory_space<vmem>> -> memref<24x120xi32, #tpu.memory_space<vmem>>
      %dma_wait3A_87 = arith.constant 0 : i32
      %dma_wait3A_88 = tpu.memref_slice %arg3[%add3A_76, %dma_wait3A_87] : memref<2688x120xi32, #tpu.memory_space<hbm>> -> memref<24x120xi32, #tpu.memory_space<hbm>>
      tpu.wait_dma2 semaphore(%arg15 : memref<!tpu.dma_semaphore, #tpu.memory_space<semaphore_mem>>) src(%dma_wait3A_88 : memref<24x120xi32, #tpu.memory_space<hbm>>) dst(%dma_wait3A_86 : memref<24x120xi32, #tpu.memory_space<vmem>>)
      %dma_wait3A_89 = arith.constant 0 : i32
      %dma_wait3A_90 = arith.constant 0 : i32
      %dma_wait3A_91 = arith.constant 0 : i32
      %dma_wait3A_92 = tpu.memref_slice %arg7[%dma_wait3A_89, %dma_wait3A_90, %dma_wait3A_91] : memref<2x32x120xi32, #tpu.memory_space<vmem>> -> memref<1x24x120xi32, #tpu.memory_space<vmem>>
      %dma_wait3A_93 = tpu.memref_squeeze %dma_wait3A_92 : memref<1x24x120xi32, #tpu.memory_space<vmem>> -> memref<24x120xi32, #tpu.memory_space<vmem>>
      %dma_wait3A_94 = arith.constant 0 : i32
      %dma_wait3A_95 = tpu.memref_slice %arg4[%add3A_76, %dma_wait3A_94] : memref<2688x120xi32, #tpu.memory_space<hbm>> -> memref<24x120xi32, #tpu.memory_space<hbm>>
      %dma_wait3A_96 = arith.constant 0 : i32
      %dma_wait3A_97 = arith.constant 0 : i32
      %dma_wait3A_98 = tpu.memref_slice %arg7[%dma_wait3A_89, %dma_wait3A_96, %dma_wait3A_97] : memref<2x32x120xi32, #tpu.memory_space<vmem>> -> memref<1x24x120xi32, #tpu.memory_space<vmem>>
      %dma_wait3A_99 = tpu.memref_squeeze %dma_wait3A_98 : memref<1x24x120xi32, #tpu.memory_space<vmem>> -> memref<24x120xi32, #tpu.memory_space<vmem>>
      %dma_wait3A_100 = arith.constant 0 : i32
      %dma_wait3A_101 = tpu.memref_slice %arg4[%add3A_76, %dma_wait3A_100] : memref<2688x120xi32, #tpu.memory_space<hbm>> -> memref<24x120xi32, #tpu.memory_space<hbm>>
      tpu.wait_dma2 semaphore(%arg15 : memref<!tpu.dma_semaphore, #tpu.memory_space<semaphore_mem>>) src(%dma_wait3A_101 : memref<24x120xi32, #tpu.memory_space<hbm>>) dst(%dma_wait3A_99 : memref<24x120xi32, #tpu.memory_space<vmem>>)
      %add3A_102 = arith.constant 0 : i32
      %add3A_103 = arith.addi %add3A_3, %add3A_102 : i32
      %add3A_104 = arith.constant 24 : i32
      %add3A_105 = arith.addi %add3A_103, %add3A_104 : i32
      %dma_start3A = arith.constant 1 : i32
      %dma_start3A_106 = arith.constant 0 : i32
      %dma_start3A_107 = arith.constant 0 : i32
      %dma_start3A_108 = tpu.memref_slice %arg6[%dma_start3A, %dma_start3A_106, %dma_start3A_107] : memref<2x32x120xi32, #tpu.memory_space<vmem>> -> memref<1x16x120xi32, #tpu.memory_space<vmem>>
      %dma_start3A_109 = tpu.memref_squeeze %dma_start3A_108 : memref<1x16x120xi32, #tpu.memory_space<vmem>> -> memref<16x120xi32, #tpu.memory_space<vmem>>
      %dma_start3A_110 = arith.constant 0 : i32
      %dma_start3A_111 = tpu.memref_slice %arg3[%add3A_105, %dma_start3A_110] : memref<2688x120xi32, #tpu.memory_space<hbm>> -> memref<16x120xi32, #tpu.memory_space<hbm>>
      %dma_start3A_112 = arith.constant 0 : i32
      %dma_start3A_113 = arith.constant 0 : i32
      %dma_start3A_114 = tpu.memref_slice %arg6[%dma_start3A, %dma_start3A_112, %dma_start3A_113] : memref<2x32x120xi32, #tpu.memory_space<vmem>> -> memref<1x16x120xi32, #tpu.memory_space<vmem>>
      %dma_start3A_115 = tpu.memref_squeeze %dma_start3A_114 : memref<1x16x120xi32, #tpu.memory_space<vmem>> -> memref<16x120xi32, #tpu.memory_space<vmem>>
      %dma_start3A_116 = arith.constant 0 : i32
      %dma_start3A_117 = tpu.memref_slice %arg3[%add3A_105, %dma_start3A_116] : memref<2688x120xi32, #tpu.memory_space<hbm>> -> memref<16x120xi32, #tpu.memory_space<hbm>>
      tpu.enqueue_dma source(%dma_start3A_117 : memref<16x120xi32, #tpu.memory_space<hbm>>) target(%dma_start3A_115 : memref<16x120xi32, #tpu.memory_space<vmem>>) target_semaphore(%arg16 : memref<!tpu.dma_semaphore, #tpu.memory_space<semaphore_mem>>)
      %dma_start3A_118 = arith.constant 1 : i32
      %dma_start3A_119 = arith.constant 0 : i32
      %dma_start3A_120 = arith.constant 0 : i32
      %dma_start3A_121 = tpu.memref_slice %arg7[%dma_start3A_118, %dma_start3A_119, %dma_start3A_120] : memref<2x32x120xi32, #tpu.memory_space<vmem>> -> memref<1x16x120xi32, #tpu.memory_space<vmem>>
      %dma_start3A_122 = tpu.memref_squeeze %dma_start3A_121 : memref<1x16x120xi32, #tpu.memory_space<vmem>> -> memref<16x120xi32, #tpu.memory_space<vmem>>
      %dma_start3A_123 = arith.constant 0 : i32
      %dma_start3A_124 = tpu.memref_slice %arg4[%add3A_105, %dma_start3A_123] : memref<2688x120xi32, #tpu.memory_space<hbm>> -> memref<16x120xi32, #tpu.memory_space<hbm>>
      %dma_start3A_125 = arith.constant 0 : i32
      %dma_start3A_126 = arith.constant 0 : i32
      %dma_start3A_127 = tpu.memref_slice %arg7[%dma_start3A_118, %dma_start3A_125, %dma_start3A_126] : memref<2x32x120xi32, #tpu.memory_space<vmem>> -> memref<1x16x120xi32, #tpu.memory_space<vmem>>
      %dma_start3A_128 = tpu.memref_squeeze %dma_start3A_127 : memref<1x16x120xi32, #tpu.memory_space<vmem>> -> memref<16x120xi32, #tpu.memory_space<vmem>>
      %dma_start3A_129 = arith.constant 0 : i32
      %dma_start3A_130 = tpu.memref_slice %arg4[%add3A_105, %dma_start3A_129] : memref<2688x120xi32, #tpu.memory_space<hbm>> -> memref<16x120xi32, #tpu.memory_space<hbm>>
      tpu.enqueue_dma source(%dma_start3A_130 : memref<16x120xi32, #tpu.memory_space<hbm>>) target(%dma_start3A_128 : memref<16x120xi32, #tpu.memory_space<vmem>>) target_semaphore(%arg16 : memref<!tpu.dma_semaphore, #tpu.memory_space<semaphore_mem>>)
      %dma_start3A_131 = arith.constant 0 : i32
      %dma_start3A_132 = arith.constant 0 : i32
      %dma_start3A_133 = arith.constant 0 : i32
      %dma_start3A_134 = tpu.memref_slice %arg6[%dma_start3A_131, %dma_start3A_132, %dma_start3A_133] : memref<2x32x120xi32, #tpu.memory_space<vmem>> -> memref<1x1x120xi32, #tpu.memory_space<vmem>>
      %dma_start3A_135 = tpu.memref_squeeze %dma_start3A_134 : memref<1x1x120xi32, #tpu.memory_space<vmem>> -> memref<120xi32, #tpu.memory_space<vmem>>
      %dma_start3A_136 = arith.constant 0 : i32
      %dma_start3A_137 = arith.constant 0 : i32
      %dma_start3A_138 = tpu.memref_slice %arg2[%dma_start3A_136, %dma_start3A_137] : memref<10240x128xf32, #tpu.memory_space<hbm>> -> memref<10240x128xf32, #tpu.memory_space<hbm>>
      tpu.enqueue_indirect_dma source(%dma_start3A_138 : memref<10240x128xf32, #tpu.memory_space<hbm>>) target(%arg8 : memref<120x128xf32, #tpu.memory_space<vmem>>) offsets(%dma_start3A_135 : memref<120xi32, #tpu.memory_space<vmem>>) semaphore(%arg11 : memref<!tpu.dma_semaphore, #tpu.memory_space<semaphore_mem>>)
      %dma_start3A_139 = arith.constant 0 : i32
      %dma_start3A_140 = arith.constant 1 : i32
      %dma_start3A_141 = arith.constant 0 : i32
      %dma_start3A_142 = tpu.memref_slice %arg6[%dma_start3A_139, %dma_start3A_140, %dma_start3A_141] : memref<2x32x120xi32, #tpu.memory_space<vmem>> -> memref<1x1x120xi32, #tpu.memory_space<vmem>>
      %dma_start3A_143 = tpu.memref_squeeze %dma_start3A_142 : memref<1x1x120xi32, #tpu.memory_space<vmem>> -> memref<120xi32, #tpu.memory_space<vmem>>
      %dma_start3A_144 = arith.constant 0 : i32
      %dma_start3A_145 = arith.constant 0 : i32
      %dma_start3A_146 = tpu.memref_slice %arg2[%dma_start3A_144, %dma_start3A_145] : memref<10240x128xf32, #tpu.memory_space<hbm>> -> memref<10240x128xf32, #tpu.memory_space<hbm>>
      tpu.enqueue_indirect_dma source(%dma_start3A_146 : memref<10240x128xf32, #tpu.memory_space<hbm>>) target(%arg9 : memref<120x128xf32, #tpu.memory_space<vmem>>) offsets(%dma_start3A_143 : memref<120xi32, #tpu.memory_space<vmem>>) semaphore(%arg12 : memref<!tpu.dma_semaphore, #tpu.memory_space<semaphore_mem>>)
      %scan3A_147 = arith.constant 0 : i32
      %scan3A_148 = arith.constant 12 : i32
      %scan3A_149 = arith.addi %scan3A_147, %scan3A_148 : i32
      %scan3A_150 = arith.constant 1 : i32
      scf.for %scan3A_201 = %scan3A_147 to %scan3A_149 step %scan3A_150  : i32 {
        %mul3A_202 = arith.constant 2 : i32
        %mul3A_203 = arith.muli %mul3A_202, %scan3A_201 : i32
        %add3A_204 = arith.constant 0 : i32
        %add3A_205 = arith.addi %mul3A_203, %add3A_204 : i32
        %dma_wait3A_206 = arith.constant 0 : i32
        %dma_wait3A_207 = arith.constant 0 : i32
        %dma_wait3A_208 = tpu.memref_slice %arg6[%dma_wait3A_206, %add3A_205, %dma_wait3A_207] : memref<2x32x120xi32, #tpu.memory_space<vmem>> -> memref<1x1x120xi32, #tpu.memory_space<vmem>>
        %dma_wait3A_209 = tpu.memref_squeeze %dma_wait3A_208 : memref<1x1x120xi32, #tpu.memory_space<vmem>> -> memref<120xi32, #tpu.memory_space<vmem>>
        %dma_wait3A_210 = arith.constant 0 : i32
        %dma_wait3A_211 = arith.constant 0 : i32
        %dma_wait3A_212 = tpu.memref_slice %arg2[%dma_wait3A_210, %dma_wait3A_211] : memref<10240x128xf32, #tpu.memory_space<hbm>> -> memref<10240x128xf32, #tpu.memory_space<hbm>>
        tpu.wait_indirect_dma semaphore(%arg11 : memref<!tpu.dma_semaphore, #tpu.memory_space<semaphore_mem>>) src(%dma_wait3A_212 : memref<10240x128xf32, #tpu.memory_space<hbm>>) dst(%arg8 : memref<120x128xf32, #tpu.memory_space<vmem>>)
        %dma_start3A_213 = arith.constant 0 : i32
        %dma_start3A_214 = arith.constant 0 : i32
        %dma_start3A_215 = tpu.memref_slice %arg7[%dma_start3A_213, %add3A_205, %dma_start3A_214] : memref<2x32x120xi32, #tpu.memory_space<vmem>> -> memref<1x1x120xi32, #tpu.memory_space<vmem>>
        %dma_start3A_216 = tpu.memref_squeeze %dma_start3A_215 : memref<1x1x120xi32, #tpu.memory_space<vmem>> -> memref<120xi32, #tpu.memory_space<vmem>>
        %dma_start3A_217 = arith.constant 0 : i32
        %dma_start3A_218 = arith.constant 0 : i32
        %dma_start3A_219 = tpu.memref_slice %arg10[%dma_start3A_217, %dma_start3A_218] : memref<10240x128xf32, #tpu.memory_space<vmem_shared>> -> memref<10240x128xf32, #tpu.memory_space<vmem_shared>>
        tpu.enqueue_indirect_dma source(%arg8 : memref<120x128xf32, #tpu.memory_space<vmem>>) target(%dma_start3A_219 : memref<10240x128xf32, #tpu.memory_space<vmem_shared>>) offsets(%dma_start3A_216 : memref<120xi32, #tpu.memory_space<vmem>>) semaphore(%arg13 : memref<!tpu.dma_semaphore, #tpu.memory_space<semaphore_mem>>) {add = true}
        %dma_wait3A_220 = arith.constant 0 : i32
        %dma_wait3A_221 = arith.constant 0 : i32
        %dma_wait3A_222 = tpu.memref_slice %arg7[%dma_wait3A_220, %add3A_205, %dma_wait3A_221] : memref<2x32x120xi32, #tpu.memory_space<vmem>> -> memref<1x1x120xi32, #tpu.memory_space<vmem>>
        %dma_wait3A_223 = tpu.memref_squeeze %dma_wait3A_222 : memref<1x1x120xi32, #tpu.memory_space<vmem>> -> memref<120xi32, #tpu.memory_space<vmem>>
        %dma_wait3A_224 = arith.constant 0 : i32
        %dma_wait3A_225 = arith.constant 0 : i32
        %dma_wait3A_226 = tpu.memref_slice %arg10[%dma_wait3A_224, %dma_wait3A_225] : memref<10240x128xf32, #tpu.memory_space<vmem_shared>> -> memref<10240x128xf32, #tpu.memory_space<vmem_shared>>
        tpu.wait_indirect_dma semaphore(%arg13 : memref<!tpu.dma_semaphore, #tpu.memory_space<semaphore_mem>>) src(%arg8 : memref<120x128xf32, #tpu.memory_space<vmem>>) dst(%dma_wait3A_226 : memref<10240x128xf32, #tpu.memory_space<vmem_shared>>)
        %add3A_227 = arith.constant 2 : i32
        %add3A_228 = arith.addi %add3A_205, %add3A_227 : i32
        %lt3A = arith.constant 24 : i32
        %lt3A_229 = arith.cmpi slt, %add3A_228, %lt3A : i32
        %convert_element_type3A_230 = arith.extui %lt3A_229 : i1 to i32
        %cond3A_231 = arith.constant 0 : i32
        %cond3A_232 = arith.cmpi ne, %convert_element_type3A_230, %cond3A_231 : i32
        scf.if %cond3A_232 {
          %add3A_265 = arith.constant 2 : i32
          %add3A_266 = arith.addi %add3A_205, %add3A_265 : i32
          %dma_start3A_267 = arith.constant 0 : i32
          %dma_start3A_268 = arith.constant 0 : i32
          %dma_start3A_269 = tpu.memref_slice %arg6[%dma_start3A_267, %add3A_266, %dma_start3A_268] : memref<2x32x120xi32, #tpu.memory_space<vmem>> -> memref<1x1x120xi32, #tpu.memory_space<vmem>>
          %dma_start3A_270 = tpu.memref_squeeze %dma_start3A_269 : memref<1x1x120xi32, #tpu.memory_space<vmem>> -> memref<120xi32, #tpu.memory_space<vmem>>
          %dma_start3A_271 = arith.constant 0 : i32
          %dma_start3A_272 = arith.constant 0 : i32
          %dma_start3A_273 = tpu.memref_slice %arg2[%dma_start3A_271, %dma_start3A_272] : memref<10240x128xf32, #tpu.memory_space<hbm>> -> memref<10240x128xf32, #tpu.memory_space<hbm>>
          tpu.enqueue_indirect_dma source(%dma_start3A_273 : memref<10240x128xf32, #tpu.memory_space<hbm>>) target(%arg8 : memref<120x128xf32, #tpu.memory_space<vmem>>) offsets(%dma_start3A_270 : memref<120xi32, #tpu.memory_space<vmem>>) semaphore(%arg11 : memref<!tpu.dma_semaphore, #tpu.memory_space<semaphore_mem>>)
        } else {
        }
        %mul3A_233 = arith.constant 2 : i32
        %mul3A_234 = arith.muli %mul3A_233, %scan3A_201 : i32
        %add3A_235 = arith.constant 1 : i32
        %add3A_236 = arith.addi %mul3A_234, %add3A_235 : i32
        %dma_wait3A_237 = arith.constant 0 : i32
        %dma_wait3A_238 = arith.constant 0 : i32
        %dma_wait3A_239 = tpu.memref_slice %arg6[%dma_wait3A_237, %add3A_236, %dma_wait3A_238] : memref<2x32x120xi32, #tpu.memory_space<vmem>> -> memref<1x1x120xi32, #tpu.memory_space<vmem>>
        %dma_wait3A_240 = tpu.memref_squeeze %dma_wait3A_239 : memref<1x1x120xi32, #tpu.memory_space<vmem>> -> memref<120xi32, #tpu.memory_space<vmem>>
        %dma_wait3A_241 = arith.constant 0 : i32
        %dma_wait3A_242 = arith.constant 0 : i32
        %dma_wait3A_243 = tpu.memref_slice %arg2[%dma_wait3A_241, %dma_wait3A_242] : memref<10240x128xf32, #tpu.memory_space<hbm>> -> memref<10240x128xf32, #tpu.memory_space<hbm>>
        tpu.wait_indirect_dma semaphore(%arg12 : memref<!tpu.dma_semaphore, #tpu.memory_space<semaphore_mem>>) src(%dma_wait3A_243 : memref<10240x128xf32, #tpu.memory_space<hbm>>) dst(%arg9 : memref<120x128xf32, #tpu.memory_space<vmem>>)
        %dma_start3A_244 = arith.constant 0 : i32
        %dma_start3A_245 = arith.constant 0 : i32
        %dma_start3A_246 = tpu.memref_slice %arg7[%dma_start3A_244, %add3A_236, %dma_start3A_245] : memref<2x32x120xi32, #tpu.memory_space<vmem>> -> memref<1x1x120xi32, #tpu.memory_space<vmem>>
        %dma_start3A_247 = tpu.memref_squeeze %dma_start3A_246 : memref<1x1x120xi32, #tpu.memory_space<vmem>> -> memref<120xi32, #tpu.memory_space<vmem>>
        %dma_start3A_248 = arith.constant 0 : i32
        %dma_start3A_249 = arith.constant 0 : i32
        %dma_start3A_250 = tpu.memref_slice %arg10[%dma_start3A_248, %dma_start3A_249] : memref<10240x128xf32, #tpu.memory_space<vmem_shared>> -> memref<10240x128xf32, #tpu.memory_space<vmem_shared>>
        tpu.enqueue_indirect_dma source(%arg9 : memref<120x128xf32, #tpu.memory_space<vmem>>) target(%dma_start3A_250 : memref<10240x128xf32, #tpu.memory_space<vmem_shared>>) offsets(%dma_start3A_247 : memref<120xi32, #tpu.memory_space<vmem>>) semaphore(%arg14 : memref<!tpu.dma_semaphore, #tpu.memory_space<semaphore_mem>>) {add = true}
        %dma_wait3A_251 = arith.constant 0 : i32
        %dma_wait3A_252 = arith.constant 0 : i32
        %dma_wait3A_253 = tpu.memref_slice %arg7[%dma_wait3A_251, %add3A_236, %dma_wait3A_252] : memref<2x32x120xi32, #tpu.memory_space<vmem>> -> memref<1x1x120xi32, #tpu.memory_space<vmem>>
        %dma_wait3A_254 = tpu.memref_squeeze %dma_wait3A_253 : memref<1x1x120xi32, #tpu.memory_space<vmem>> -> memref<120xi32, #tpu.memory_space<vmem>>
        %dma_wait3A_255 = arith.constant 0 : i32
        %dma_wait3A_256 = arith.constant 0 : i32
        %dma_wait3A_257 = tpu.memref_slice %arg10[%dma_wait3A_255, %dma_wait3A_256] : memref<10240x128xf32, #tpu.memory_space<vmem_shared>> -> memref<10240x128xf32, #tpu.memory_space<vmem_shared>>
        tpu.wait_indirect_dma semaphore(%arg14 : memref<!tpu.dma_semaphore, #tpu.memory_space<semaphore_mem>>) src(%arg9 : memref<120x128xf32, #tpu.memory_space<vmem>>) dst(%dma_wait3A_257 : memref<10240x128xf32, #tpu.memory_space<vmem_shared>>)
        %add3A_258 = arith.constant 2 : i32
        %add3A_259 = arith.addi %add3A_236, %add3A_258 : i32
        %lt3A_260 = arith.constant 24 : i32
        %lt3A_261 = arith.cmpi slt, %add3A_259, %lt3A_260 : i32
        %convert_element_type3A_262 = arith.extui %lt3A_261 : i1 to i32
        %cond3A_263 = arith.constant 0 : i32
        %cond3A_264 = arith.cmpi ne, %convert_element_type3A_262, %cond3A_263 : i32
        scf.if %cond3A_264 {
          %add3A_265 = arith.constant 2 : i32
          %add3A_266 = arith.addi %add3A_236, %add3A_265 : i32
          %dma_start3A_267 = arith.constant 0 : i32
          %dma_start3A_268 = arith.constant 0 : i32
          %dma_start3A_269 = tpu.memref_slice %arg6[%dma_start3A_267, %add3A_266, %dma_start3A_268] : memref<2x32x120xi32, #tpu.memory_space<vmem>> -> memref<1x1x120xi32, #tpu.memory_space<vmem>>
          %dma_start3A_270 = tpu.memref_squeeze %dma_start3A_269 : memref<1x1x120xi32, #tpu.memory_space<vmem>> -> memref<120xi32, #tpu.memory_space<vmem>>
          %dma_start3A_271 = arith.constant 0 : i32
          %dma_start3A_272 = arith.constant 0 : i32
          %dma_start3A_273 = tpu.memref_slice %arg2[%dma_start3A_271, %dma_start3A_272] : memref<10240x128xf32, #tpu.memory_space<hbm>> -> memref<10240x128xf32, #tpu.memory_space<hbm>>
          tpu.enqueue_indirect_dma source(%dma_start3A_273 : memref<10240x128xf32, #tpu.memory_space<hbm>>) target(%arg9 : memref<120x128xf32, #tpu.memory_space<vmem>>) offsets(%dma_start3A_270 : memref<120xi32, #tpu.memory_space<vmem>>) semaphore(%arg12 : memref<!tpu.dma_semaphore, #tpu.memory_space<semaphore_mem>>)
        } else {
        }
      }
      %scan3A_151 = arith.constant 12 : i32
      %add3A_152 = arith.constant 24 : i32
      %add3A_153 = arith.addi %add3A_3, %add3A_152 : i32
      %dma_wait3A_154 = arith.constant 1 : i32
      %dma_wait3A_155 = arith.constant 0 : i32
      %dma_wait3A_156 = arith.constant 0 : i32
      %dma_wait3A_157 = tpu.memref_slice %arg6[%dma_wait3A_154, %dma_wait3A_155, %dma_wait3A_156] : memref<2x32x120xi32, #tpu.memory_space<vmem>> -> memref<1x16x120xi32, #tpu.memory_space<vmem>>
      %dma_wait3A_158 = tpu.memref_squeeze %dma_wait3A_157 : memref<1x16x120xi32, #tpu.memory_space<vmem>> -> memref<16x120xi32, #tpu.memory_space<vmem>>
      %dma_wait3A_159 = arith.constant 0 : i32
      %dma_wait3A_160 = tpu.memref_slice %arg3[%add3A_153, %dma_wait3A_159] : memref<2688x120xi32, #tpu.memory_space<hbm>> -> memref<16x120xi32, #tpu.memory_space<hbm>>
      %dma_wait3A_161 = arith.constant 0 : i32
      %dma_wait3A_162 = arith.constant 0 : i32
      %dma_wait3A_163 = tpu.memref_slice %arg6[%dma_wait3A_154, %dma_wait3A_161, %dma_wait3A_162] : memref<2x32x120xi32, #tpu.memory_space<vmem>> -> memref<1x16x120xi32, #tpu.memory_space<vmem>>
      %dma_wait3A_164 = tpu.memref_squeeze %dma_wait3A_163 : memref<1x16x120xi32, #tpu.memory_space<vmem>> -> memref<16x120xi32, #tpu.memory_space<vmem>>
      %dma_wait3A_165 = arith.constant 0 : i32
      %dma_wait3A_166 = tpu.memref_slice %arg3[%add3A_153, %dma_wait3A_165] : memref<2688x120xi32, #tpu.memory_space<hbm>> -> memref<16x120xi32, #tpu.memory_space<hbm>>
      tpu.wait_dma2 semaphore(%arg16 : memref<!tpu.dma_semaphore, #tpu.memory_space<semaphore_mem>>) src(%dma_wait3A_166 : memref<16x120xi32, #tpu.memory_space<hbm>>) dst(%dma_wait3A_164 : memref<16x120xi32, #tpu.memory_space<vmem>>)
      %dma_wait3A_167 = arith.constant 1 : i32
      %dma_wait3A_168 = arith.constant 0 : i32
      %dma_wait3A_169 = arith.constant 0 : i32
      %dma_wait3A_170 = tpu.memref_slice %arg7[%dma_wait3A_167, %dma_wait3A_168, %dma_wait3A_169] : memref<2x32x120xi32, #tpu.memory_space<vmem>> -> memref<1x16x120xi32, #tpu.memory_space<vmem>>
      %dma_wait3A_171 = tpu.memref_squeeze %dma_wait3A_170 : memref<1x16x120xi32, #tpu.memory_space<vmem>> -> memref<16x120xi32, #tpu.memory_space<vmem>>
      %dma_wait3A_172 = arith.constant 0 : i32
      %dma_wait3A_173 = tpu.memref_slice %arg4[%add3A_153, %dma_wait3A_172] : memref<2688x120xi32, #tpu.memory_space<hbm>> -> memref<16x120xi32, #tpu.memory_space<hbm>>
      %dma_wait3A_174 = arith.constant 0 : i32
      %dma_wait3A_175 = arith.constant 0 : i32
      %dma_wait3A_176 = tpu.memref_slice %arg7[%dma_wait3A_167, %dma_wait3A_174, %dma_wait3A_175] : memref<2x32x120xi32, #tpu.memory_space<vmem>> -> memref<1x16x120xi32, #tpu.memory_space<vmem>>
      %dma_wait3A_177 = tpu.memref_squeeze %dma_wait3A_176 : memref<1x16x120xi32, #tpu.memory_space<vmem>> -> memref<16x120xi32, #tpu.memory_space<vmem>>
      %dma_wait3A_178 = arith.constant 0 : i32
      %dma_wait3A_179 = tpu.memref_slice %arg4[%add3A_153, %dma_wait3A_178] : memref<2688x120xi32, #tpu.memory_space<hbm>> -> memref<16x120xi32, #tpu.memory_space<hbm>>
      tpu.wait_dma2 semaphore(%arg16 : memref<!tpu.dma_semaphore, #tpu.memory_space<semaphore_mem>>) src(%dma_wait3A_179 : memref<16x120xi32, #tpu.memory_space<hbm>>) dst(%dma_wait3A_177 : memref<16x120xi32, #tpu.memory_space<vmem>>)
      %dma_start3A_180 = arith.constant 1 : i32
      %dma_start3A_181 = arith.constant 0 : i32
      %dma_start3A_182 = arith.constant 0 : i32
      %dma_start3A_183 = tpu.memref_slice %arg6[%dma_start3A_180, %dma_start3A_181, %dma_start3A_182] : memref<2x32x120xi32, #tpu.memory_space<vmem>> -> memref<1x1x120xi32, #tpu.memory_space<vmem>>
      %dma_start3A_184 = tpu.memref_squeeze %dma_start3A_183 : memref<1x1x120xi32, #tpu.memory_space<vmem>> -> memref<120xi32, #tpu.memory_space<vmem>>
      %dma_start3A_185 = arith.constant 0 : i32
      %dma_start3A_186 = arith.constant 0 : i32
      %dma_start3A_187 = tpu.memref_slice %arg2[%dma_start3A_185, %dma_start3A_186] : memref<10240x128xf32, #tpu.memory_space<hbm>> -> memref<10240x128xf32, #tpu.memory_space<hbm>>
      tpu.enqueue_indirect_dma source(%dma_start3A_187 : memref<10240x128xf32, #tpu.memory_space<hbm>>) target(%arg8 : memref<120x128xf32, #tpu.memory_space<vmem>>) offsets(%dma_start3A_184 : memref<120xi32, #tpu.memory_space<vmem>>) semaphore(%arg11 : memref<!tpu.dma_semaphore, #tpu.memory_space<semaphore_mem>>)
      %dma_start3A_188 = arith.constant 1 : i32
      %dma_start3A_189 = arith.constant 1 : i32
      %dma_start3A_190 = arith.constant 0 : i32
      %dma_start3A_191 = tpu.memref_slice %arg6[%dma_start3A_188, %dma_start3A_189, %dma_start3A_190] : memref<2x32x120xi32, #tpu.memory_space<vmem>> -> memref<1x1x120xi32, #tpu.memory_space<vmem>>
      %dma_start3A_192 = tpu.memref_squeeze %dma_start3A_191 : memref<1x1x120xi32, #tpu.memory_space<vmem>> -> memref<120xi32, #tpu.memory_space<vmem>>
      %dma_start3A_193 = arith.constant 0 : i32
      %dma_start3A_194 = arith.constant 0 : i32
      %dma_start3A_195 = tpu.memref_slice %arg2[%dma_start3A_193, %dma_start3A_194] : memref<10240x128xf32, #tpu.memory_space<hbm>> -> memref<10240x128xf32, #tpu.memory_space<hbm>>
      tpu.enqueue_indirect_dma source(%dma_start3A_195 : memref<10240x128xf32, #tpu.memory_space<hbm>>) target(%arg9 : memref<120x128xf32, #tpu.memory_space<vmem>>) offsets(%dma_start3A_192 : memref<120xi32, #tpu.memory_space<vmem>>) semaphore(%arg12 : memref<!tpu.dma_semaphore, #tpu.memory_space<semaphore_mem>>)
      %scan3A_196 = arith.constant 0 : i32
      %scan3A_197 = arith.constant 8 : i32
      %scan3A_198 = arith.addi %scan3A_196, %scan3A_197 : i32
      %scan3A_199 = arith.constant 1 : i32
      scf.for %scan3A_201 = %scan3A_196 to %scan3A_198 step %scan3A_199  : i32 {
        %mul3A_202 = arith.constant 2 : i32
        %mul3A_203 = arith.muli %mul3A_202, %scan3A_201 : i32
        %add3A_204 = arith.constant 0 : i32
        %add3A_205 = arith.addi %mul3A_203, %add3A_204 : i32
        %dma_wait3A_206 = arith.constant 1 : i32
        %dma_wait3A_207 = arith.constant 0 : i32
        %dma_wait3A_208 = tpu.memref_slice %arg6[%dma_wait3A_206, %add3A_205, %dma_wait3A_207] : memref<2x32x120xi32, #tpu.memory_space<vmem>> -> memref<1x1x120xi32, #tpu.memory_space<vmem>>
        %dma_wait3A_209 = tpu.memref_squeeze %dma_wait3A_208 : memref<1x1x120xi32, #tpu.memory_space<vmem>> -> memref<120xi32, #tpu.memory_space<vmem>>
        %dma_wait3A_210 = arith.constant 0 : i32
        %dma_wait3A_211 = arith.constant 0 : i32
        %dma_wait3A_212 = tpu.memref_slice %arg2[%dma_wait3A_210, %dma_wait3A_211] : memref<10240x128xf32, #tpu.memory_space<hbm>> -> memref<10240x128xf32, #tpu.memory_space<hbm>>
        tpu.wait_indirect_dma semaphore(%arg11 : memref<!tpu.dma_semaphore, #tpu.memory_space<semaphore_mem>>) src(%dma_wait3A_212 : memref<10240x128xf32, #tpu.memory_space<hbm>>) dst(%arg8 : memref<120x128xf32, #tpu.memory_space<vmem>>)
        %dma_start3A_213 = arith.constant 1 : i32
        %dma_start3A_214 = arith.constant 0 : i32
        %dma_start3A_215 = tpu.memref_slice %arg7[%dma_start3A_213, %add3A_205, %dma_start3A_214] : memref<2x32x120xi32, #tpu.memory_space<vmem>> -> memref<1x1x120xi32, #tpu.memory_space<vmem>>
        %dma_start3A_216 = tpu.memref_squeeze %dma_start3A_215 : memref<1x1x120xi32, #tpu.memory_space<vmem>> -> memref<120xi32, #tpu.memory_space<vmem>>
        %dma_start3A_217 = arith.constant 0 : i32
        %dma_start3A_218 = arith.constant 0 : i32
        %dma_start3A_219 = tpu.memref_slice %arg10[%dma_start3A_217, %dma_start3A_218] : memref<10240x128xf32, #tpu.memory_space<vmem_shared>> -> memref<10240x128xf32, #tpu.memory_space<vmem_shared>>
        tpu.enqueue_indirect_dma source(%arg8 : memref<120x128xf32, #tpu.memory_space<vmem>>) target(%dma_start3A_219 : memref<10240x128xf32, #tpu.memory_space<vmem_shared>>) offsets(%dma_start3A_216 : memref<120xi32, #tpu.memory_space<vmem>>) semaphore(%arg13 : memref<!tpu.dma_semaphore, #tpu.memory_space<semaphore_mem>>) {add = true}
        %dma_wait3A_220 = arith.constant 1 : i32
        %dma_wait3A_221 = arith.constant 0 : i32
        %dma_wait3A_222 = tpu.memref_slice %arg7[%dma_wait3A_220, %add3A_205, %dma_wait3A_221] : memref<2x32x120xi32, #tpu.memory_space<vmem>> -> memref<1x1x120xi32, #tpu.memory_space<vmem>>
        %dma_wait3A_223 = tpu.memref_squeeze %dma_wait3A_222 : memref<1x1x120xi32, #tpu.memory_space<vmem>> -> memref<120xi32, #tpu.memory_space<vmem>>
        %dma_wait3A_224 = arith.constant 0 : i32
        %dma_wait3A_225 = arith.constant 0 : i32
        %dma_wait3A_226 = tpu.memref_slice %arg10[%dma_wait3A_224, %dma_wait3A_225] : memref<10240x128xf32, #tpu.memory_space<vmem_shared>> -> memref<10240x128xf32, #tpu.memory_space<vmem_shared>>
        tpu.wait_indirect_dma semaphore(%arg13 : memref<!tpu.dma_semaphore, #tpu.memory_space<semaphore_mem>>) src(%arg8 : memref<120x128xf32, #tpu.memory_space<vmem>>) dst(%dma_wait3A_226 : memref<10240x128xf32, #tpu.memory_space<vmem_shared>>)
        %add3A_227 = arith.constant 2 : i32
        %add3A_228 = arith.addi %add3A_205, %add3A_227 : i32
        %lt3A = arith.constant 16 : i32
        %lt3A_229 = arith.cmpi slt, %add3A_228, %lt3A : i32
        %convert_element_type3A_230 = arith.extui %lt3A_229 : i1 to i32
        %cond3A_231 = arith.constant 0 : i32
        %cond3A_232 = arith.cmpi ne, %convert_element_type3A_230, %cond3A_231 : i32
        scf.if %cond3A_232 {
          %add3A_265 = arith.constant 2 : i32
          %add3A_266 = arith.addi %add3A_205, %add3A_265 : i32
          %dma_start3A_267 = arith.constant 1 : i32
          %dma_start3A_268 = arith.constant 0 : i32
          %dma_start3A_269 = tpu.memref_slice %arg6[%dma_start3A_267, %add3A_266, %dma_start3A_268] : memref<2x32x120xi32, #tpu.memory_space<vmem>> -> memref<1x1x120xi32, #tpu.memory_space<vmem>>
          %dma_start3A_270 = tpu.memref_squeeze %dma_start3A_269 : memref<1x1x120xi32, #tpu.memory_space<vmem>> -> memref<120xi32, #tpu.memory_space<vmem>>
          %dma_start3A_271 = arith.constant 0 : i32
          %dma_start3A_272 = arith.constant 0 : i32
          %dma_start3A_273 = tpu.memref_slice %arg2[%dma_start3A_271, %dma_start3A_272] : memref<10240x128xf32, #tpu.memory_space<hbm>> -> memref<10240x128xf32, #tpu.memory_space<hbm>>
          tpu.enqueue_indirect_dma source(%dma_start3A_273 : memref<10240x128xf32, #tpu.memory_space<hbm>>) target(%arg8 : memref<120x128xf32, #tpu.memory_space<vmem>>) offsets(%dma_start3A_270 : memref<120xi32, #tpu.memory_space<vmem>>) semaphore(%arg11 : memref<!tpu.dma_semaphore, #tpu.memory_space<semaphore_mem>>)
        } else {
        }
        %mul3A_233 = arith.constant 2 : i32
        %mul3A_234 = arith.muli %mul3A_233, %scan3A_201 : i32
        %add3A_235 = arith.constant 1 : i32
        %add3A_236 = arith.addi %mul3A_234, %add3A_235 : i32
        %dma_wait3A_237 = arith.constant 1 : i32
        %dma_wait3A_238 = arith.constant 0 : i32
        %dma_wait3A_239 = tpu.memref_slice %arg6[%dma_wait3A_237, %add3A_236, %dma_wait3A_238] : memref<2x32x120xi32, #tpu.memory_space<vmem>> -> memref<1x1x120xi32, #tpu.memory_space<vmem>>
        %dma_wait3A_240 = tpu.memref_squeeze %dma_wait3A_239 : memref<1x1x120xi32, #tpu.memory_space<vmem>> -> memref<120xi32, #tpu.memory_space<vmem>>
        %dma_wait3A_241 = arith.constant 0 : i32
        %dma_wait3A_242 = arith.constant 0 : i32
        %dma_wait3A_243 = tpu.memref_slice %arg2[%dma_wait3A_241, %dma_wait3A_242] : memref<10240x128xf32, #tpu.memory_space<hbm>> -> memref<10240x128xf32, #tpu.memory_space<hbm>>
        tpu.wait_indirect_dma semaphore(%arg12 : memref<!tpu.dma_semaphore, #tpu.memory_space<semaphore_mem>>) src(%dma_wait3A_243 : memref<10240x128xf32, #tpu.memory_space<hbm>>) dst(%arg9 : memref<120x128xf32, #tpu.memory_space<vmem>>)
        %dma_start3A_244 = arith.constant 1 : i32
        %dma_start3A_245 = arith.constant 0 : i32
        %dma_start3A_246 = tpu.memref_slice %arg7[%dma_start3A_244, %add3A_236, %dma_start3A_245] : memref<2x32x120xi32, #tpu.memory_space<vmem>> -> memref<1x1x120xi32, #tpu.memory_space<vmem>>
        %dma_start3A_247 = tpu.memref_squeeze %dma_start3A_246 : memref<1x1x120xi32, #tpu.memory_space<vmem>> -> memref<120xi32, #tpu.memory_space<vmem>>
        %dma_start3A_248 = arith.constant 0 : i32
        %dma_start3A_249 = arith.constant 0 : i32
        %dma_start3A_250 = tpu.memref_slice %arg10[%dma_start3A_248, %dma_start3A_249] : memref<10240x128xf32, #tpu.memory_space<vmem_shared>> -> memref<10240x128xf32, #tpu.memory_space<vmem_shared>>
        tpu.enqueue_indirect_dma source(%arg9 : memref<120x128xf32, #tpu.memory_space<vmem>>) target(%dma_start3A_250 : memref<10240x128xf32, #tpu.memory_space<vmem_shared>>) offsets(%dma_start3A_247 : memref<120xi32, #tpu.memory_space<vmem>>) semaphore(%arg14 : memref<!tpu.dma_semaphore, #tpu.memory_space<semaphore_mem>>) {add = true}
        %dma_wait3A_251 = arith.constant 1 : i32
        %dma_wait3A_252 = arith.constant 0 : i32
        %dma_wait3A_253 = tpu.memref_slice %arg7[%dma_wait3A_251, %add3A_236, %dma_wait3A_252] : memref<2x32x120xi32, #tpu.memory_space<vmem>> -> memref<1x1x120xi32, #tpu.memory_space<vmem>>
        %dma_wait3A_254 = tpu.memref_squeeze %dma_wait3A_253 : memref<1x1x120xi32, #tpu.memory_space<vmem>> -> memref<120xi32, #tpu.memory_space<vmem>>
        %dma_wait3A_255 = arith.constant 0 : i32
        %dma_wait3A_256 = arith.constant 0 : i32
        %dma_wait3A_257 = tpu.memref_slice %arg10[%dma_wait3A_255, %dma_wait3A_256] : memref<10240x128xf32, #tpu.memory_space<vmem_shared>> -> memref<10240x128xf32, #tpu.memory_space<vmem_shared>>
        tpu.wait_indirect_dma semaphore(%arg14 : memref<!tpu.dma_semaphore, #tpu.memory_space<semaphore_mem>>) src(%arg9 : memref<120x128xf32, #tpu.memory_space<vmem>>) dst(%dma_wait3A_257 : memref<10240x128xf32, #tpu.memory_space<vmem_shared>>)
        %add3A_258 = arith.constant 2 : i32
        %add3A_259 = arith.addi %add3A_236, %add3A_258 : i32
        %lt3A_260 = arith.constant 16 : i32
        %lt3A_261 = arith.cmpi slt, %add3A_259, %lt3A_260 : i32
        %convert_element_type3A_262 = arith.extui %lt3A_261 : i1 to i32
        %cond3A_263 = arith.constant 0 : i32
        %cond3A_264 = arith.cmpi ne, %convert_element_type3A_262, %cond3A_263 : i32
        scf.if %cond3A_264 {
          %add3A_265 = arith.constant 2 : i32
          %add3A_266 = arith.addi %add3A_236, %add3A_265 : i32
          %dma_start3A_267 = arith.constant 1 : i32
          %dma_start3A_268 = arith.constant 0 : i32
          %dma_start3A_269 = tpu.memref_slice %arg6[%dma_start3A_267, %add3A_266, %dma_start3A_268] : memref<2x32x120xi32, #tpu.memory_space<vmem>> -> memref<1x1x120xi32, #tpu.memory_space<vmem>>
          %dma_start3A_270 = tpu.memref_squeeze %dma_start3A_269 : memref<1x1x120xi32, #tpu.memory_space<vmem>> -> memref<120xi32, #tpu.memory_space<vmem>>
          %dma_start3A_271 = arith.constant 0 : i32
          %dma_start3A_272 = arith.constant 0 : i32
          %dma_start3A_273 = tpu.memref_slice %arg2[%dma_start3A_271, %dma_start3A_272] : memref<10240x128xf32, #tpu.memory_space<hbm>> -> memref<10240x128xf32, #tpu.memory_space<hbm>>
          tpu.enqueue_indirect_dma source(%dma_start3A_273 : memref<10240x128xf32, #tpu.memory_space<hbm>>) target(%arg9 : memref<120x128xf32, #tpu.memory_space<vmem>>) offsets(%dma_start3A_270 : memref<120xi32, #tpu.memory_space<vmem>>) semaphore(%arg12 : memref<!tpu.dma_semaphore, #tpu.memory_space<semaphore_mem>>)
        } else {
        }
      }
      %scan3A_200 = arith.constant 8 : i32
    } else {
    }
    %barrier3A_50 = arith.constant 0 : index
    tpu.barrier barrier_id(%barrier3A_50)
    %mul3A_51 = arith.constant 640 : i32
    %mul3A_52 = arith.muli %arg1, %mul3A_51 : i32
    %add3A_53 = arith.constant 0 : i32
    %add3A_54 = arith.addi %mul3A_52, %add3A_53 : i32
    "tpu.region"() ({
      %run_scoped3A = tpu.sem_alloc : memref<!tpu.dma_semaphore, #tpu.memory_space<semaphore_mem>>
      %dma_start3A = arith.constant 0 : i32
      %dma_start3A_75 = arith.constant 0 : i32
      %dma_start3A_76 = tpu.memref_slice %arg8[%dma_start3A, %dma_start3A_75] : memref<120x128xf32, #tpu.memory_space<vmem>> -> memref<120x128xf32, #tpu.memory_space<vmem>>
      %dma_start3A_77 = arith.constant 0 : i32
      %dma_start3A_78 = tpu.memref_slice %arg10[%add3A_54, %dma_start3A_77] : memref<10240x128xf32, #tpu.memory_space<vmem_shared>> -> memref<120x128xf32, #tpu.memory_space<vmem_shared>>
      %dma_start3A_79 = arith.constant 0 : i32
      %dma_start3A_80 = arith.constant 0 : i32
      %dma_start3A_81 = tpu.memref_slice %arg8[%dma_start3A_79, %dma_start3A_80] : memref<120x128xf32, #tpu.memory_space<vmem>> -> memref<120x128xf32, #tpu.memory_space<vmem>>
      %dma_start3A_82 = arith.constant 0 : i32
      %dma_start3A_83 = tpu.memref_slice %arg10[%add3A_54, %dma_start3A_82] : memref<10240x128xf32, #tpu.memory_space<vmem_shared>> -> memref<120x128xf32, #tpu.memory_space<vmem_shared>>
      tpu.enqueue_dma source(%dma_start3A_83 : memref<120x128xf32, #tpu.memory_space<vmem_shared>>) target(%dma_start3A_81 : memref<120x128xf32, #tpu.memory_space<vmem>>) target_semaphore(%run_scoped3A : memref<!tpu.dma_semaphore, #tpu.memory_space<semaphore_mem>>)
      %dma_wait3A = arith.constant 0 : i32
      %dma_wait3A_84 = arith.constant 0 : i32
      %dma_wait3A_85 = tpu.memref_slice %arg8[%dma_wait3A, %dma_wait3A_84] : memref<120x128xf32, #tpu.memory_space<vmem>> -> memref<120x128xf32, #tpu.memory_space<vmem>>
      %dma_wait3A_86 = arith.constant 0 : i32
      %dma_wait3A_87 = tpu.memref_slice %arg10[%add3A_54, %dma_wait3A_86] : memref<10240x128xf32, #tpu.memory_space<vmem_shared>> -> memref<120x128xf32, #tpu.memory_space<vmem_shared>>
      %dma_wait3A_88 = arith.constant 0 : i32
      %dma_wait3A_89 = arith.constant 0 : i32
      %dma_wait3A_90 = tpu.memref_slice %arg8[%dma_wait3A_88, %dma_wait3A_89] : memref<120x128xf32, #tpu.memory_space<vmem>> -> memref<120x128xf32, #tpu.memory_space<vmem>>
      %dma_wait3A_91 = arith.constant 0 : i32
      %dma_wait3A_92 = tpu.memref_slice %arg10[%add3A_54, %dma_wait3A_91] : memref<10240x128xf32, #tpu.memory_space<vmem_shared>> -> memref<120x128xf32, #tpu.memory_space<vmem_shared>>
      tpu.wait_dma2 semaphore(%run_scoped3A : memref<!tpu.dma_semaphore, #tpu.memory_space<semaphore_mem>>) src(%dma_wait3A_92 : memref<120x128xf32, #tpu.memory_space<vmem_shared>>) dst(%dma_wait3A_90 : memref<120x128xf32, #tpu.memory_space<vmem>>)
      tpu.yield
    }) : () -> ()
    "tpu.region"() ({
      %run_scoped3A = tpu.sem_alloc : memref<!tpu.dma_semaphore, #tpu.memory_space<semaphore_mem>>
      %dma_start3A = arith.constant 0 : i32
      %dma_start3A_75 = arith.constant 0 : i32
      %dma_start3A_76 = tpu.memref_slice %arg8[%dma_start3A, %dma_start3A_75] : memref<120x128xf32, #tpu.memory_space<vmem>> -> memref<120x128xf32, #tpu.memory_space<vmem>>
      %dma_start3A_77 = arith.constant 0 : i32
      %dma_start3A_78 = tpu.memref_slice %arg5[%arg0, %add3A_54, %dma_start3A_77] : memref<2x10240x128xf32, #tpu.memory_space<hbm>> -> memref<1x120x128xf32, #tpu.memory_space<hbm>>
      %dma_start3A_79 = tpu.memref_squeeze %dma_start3A_78 : memref<1x120x128xf32, #tpu.memory_space<hbm>> -> memref<120x128xf32, #tpu.memory_space<hbm>>
      %dma_start3A_80 = arith.constant 0 : i32
      %dma_start3A_81 = tpu.memref_slice %arg5[%arg0, %add3A_54, %dma_start3A_80] : memref<2x10240x128xf32, #tpu.memory_space<hbm>> -> memref<1x120x128xf32, #tpu.memory_space<hbm>>
      %dma_start3A_82 = tpu.memref_squeeze %dma_start3A_81 : memref<1x120x128xf32, #tpu.memory_space<hbm>> -> memref<120x128xf32, #tpu.memory_space<hbm>>
      %dma_start3A_83 = arith.constant 0 : i32
      %dma_start3A_84 = arith.constant 0 : i32
      %dma_start3A_85 = tpu.memref_slice %arg8[%dma_start3A_83, %dma_start3A_84] : memref<120x128xf32, #tpu.memory_space<vmem>> -> memref<120x128xf32, #tpu.memory_space<vmem>>
      tpu.enqueue_dma source(%dma_start3A_85 : memref<120x128xf32, #tpu.memory_space<vmem>>) target(%dma_start3A_82 : memref<120x128xf32, #tpu.memory_space<hbm>>) target_semaphore(%run_scoped3A : memref<!tpu.dma_semaphore, #tpu.memory_space<semaphore_mem>>)
      %dma_wait3A = arith.constant 0 : i32
      %dma_wait3A_86 = arith.constant 0 : i32
      %dma_wait3A_87 = tpu.memref_slice %arg8[%dma_wait3A, %dma_wait3A_86] : memref<120x128xf32, #tpu.memory_space<vmem>> -> memref<120x128xf32, #tpu.memory_space<vmem>>
      %dma_wait3A_88 = arith.constant 0 : i32
      %dma_wait3A_89 = tpu.memref_slice %arg5[%arg0, %add3A_54, %dma_wait3A_88] : memref<2x10240x128xf32, #tpu.memory_space<hbm>> -> memref<1x120x128xf32, #tpu.memory_space<hbm>>
      %dma_wait3A_90 = tpu.memref_squeeze %dma_wait3A_89 : memref<1x120x128xf32, #tpu.memory_space<hbm>> -> memref<120x128xf32, #tpu.memory_space<hbm>>
      %dma_wait3A_91 = arith.constant 0 : i32
      %dma_wait3A_92 = tpu.memref_slice %arg5[%arg0, %add3A_54, %dma_wait3A_91] : memref<2x10240x128xf32, #tpu.memory_space<hbm>> -> memref<1x120x128xf32, #tpu.memory_space<hbm>>
      %dma_wait3A_93 = tpu.memref_squeeze %dma_wait3A_92 : memref<1x120x128xf32, #tpu.memory_space<hbm>> -> memref<120x128xf32, #tpu.memory_space<hbm>>
      %dma_wait3A_94 = arith.constant 0 : i32
      %dma_wait3A_95 = arith.constant 0 : i32
      %dma_wait3A_96 = tpu.memref_slice %arg8[%dma_wait3A_94, %dma_wait3A_95] : memref<120x128xf32, #tpu.memory_space<vmem>> -> memref<120x128xf32, #tpu.memory_space<vmem>>
      tpu.wait_dma2 semaphore(%run_scoped3A : memref<!tpu.dma_semaphore, #tpu.memory_space<semaphore_mem>>) src(%dma_wait3A_96 : memref<120x128xf32, #tpu.memory_space<vmem>>) dst(%dma_wait3A_93 : memref<120x128xf32, #tpu.memory_space<hbm>>)
      tpu.yield
    }) : () -> ()
    %mul3A_55 = arith.constant 640 : i32
    %mul3A_56 = arith.muli %arg1, %mul3A_55 : i32
    %add3A_57 = arith.constant 120 : i32
    %add3A_58 = arith.addi %mul3A_56, %add3A_57 : i32
    "tpu.region"() ({
      %run_scoped3A = tpu.sem_alloc : memref<!tpu.dma_semaphore, #tpu.memory_space<semaphore_mem>>
      %dma_start3A = arith.constant 0 : i32
      %dma_start3A_75 = arith.constant 0 : i32
      %dma_start3A_76 = tpu.memref_slice %arg8[%dma_start3A, %dma_start3A_75] : memref<120x128xf32, #tpu.memory_space<vmem>> -> memref<120x128xf32, #tpu.memory_space<vmem>>
      %dma_start3A_77 = arith.constant 0 : i32
      %dma_start3A_78 = tpu.memref_slice %arg10[%add3A_58, %dma_start3A_77] : memref<10240x128xf32, #tpu.memory_space<vmem_shared>> -> memref<120x128xf32, #tpu.memory_space<vmem_shared>>
      %dma_start3A_79 = arith.constant 0 : i32
      %dma_start3A_80 = arith.constant 0 : i32
      %dma_start3A_81 = tpu.memref_slice %arg8[%dma_start3A_79, %dma_start3A_80] : memref<120x128xf32, #tpu.memory_space<vmem>> -> memref<120x128xf32, #tpu.memory_space<vmem>>
      %dma_start3A_82 = arith.constant 0 : i32
      %dma_start3A_83 = tpu.memref_slice %arg10[%add3A_58, %dma_start3A_82] : memref<10240x128xf32, #tpu.memory_space<vmem_shared>> -> memref<120x128xf32, #tpu.memory_space<vmem_shared>>
      tpu.enqueue_dma source(%dma_start3A_83 : memref<120x128xf32, #tpu.memory_space<vmem_shared>>) target(%dma_start3A_81 : memref<120x128xf32, #tpu.memory_space<vmem>>) target_semaphore(%run_scoped3A : memref<!tpu.dma_semaphore, #tpu.memory_space<semaphore_mem>>)
      %dma_wait3A = arith.constant 0 : i32
      %dma_wait3A_84 = arith.constant 0 : i32
      %dma_wait3A_85 = tpu.memref_slice %arg8[%dma_wait3A, %dma_wait3A_84] : memref<120x128xf32, #tpu.memory_space<vmem>> -> memref<120x128xf32, #tpu.memory_space<vmem>>
      %dma_wait3A_86 = arith.constant 0 : i32
      %dma_wait3A_87 = tpu.memref_slice %arg10[%add3A_58, %dma_wait3A_86] : memref<10240x128xf32, #tpu.memory_space<vmem_shared>> -> memref<120x128xf32, #tpu.memory_space<vmem_shared>>
      %dma_wait3A_88 = arith.constant 0 : i32
      %dma_wait3A_89 = arith.constant 0 : i32
      %dma_wait3A_90 = tpu.memref_slice %arg8[%dma_wait3A_88, %dma_wait3A_89] : memref<120x128xf32, #tpu.memory_space<vmem>> -> memref<120x128xf32, #tpu.memory_space<vmem>>
      %dma_wait3A_91 = arith.constant 0 : i32
      %dma_wait3A_92 = tpu.memref_slice %arg10[%add3A_58, %dma_wait3A_91] : memref<10240x128xf32, #tpu.memory_space<vmem_shared>> -> memref<120x128xf32, #tpu.memory_space<vmem_shared>>
      tpu.wait_dma2 semaphore(%run_scoped3A : memref<!tpu.dma_semaphore, #tpu.memory_space<semaphore_mem>>) src(%dma_wait3A_92 : memref<120x128xf32, #tpu.memory_space<vmem_shared>>) dst(%dma_wait3A_90 : memref<120x128xf32, #tpu.memory_space<vmem>>)
      tpu.yield
    }) : () -> ()
    "tpu.region"() ({
      %run_scoped3A = tpu.sem_alloc : memref<!tpu.dma_semaphore, #tpu.memory_space<semaphore_mem>>
      %dma_start3A = arith.constant 0 : i32
      %dma_start3A_75 = arith.constant 0 : i32
      %dma_start3A_76 = tpu.memref_slice %arg8[%dma_start3A, %dma_start3A_75] : memref<120x128xf32, #tpu.memory_space<vmem>> -> memref<120x128xf32, #tpu.memory_space<vmem>>
      %dma_start3A_77 = arith.constant 0 : i32
      %dma_start3A_78 = tpu.memref_slice %arg5[%arg0, %add3A_58, %dma_start3A_77] : memref<2x10240x128xf32, #tpu.memory_space<hbm>> -> memref<1x120x128xf32, #tpu.memory_space<hbm>>
      %dma_start3A_79 = tpu.memref_squeeze %dma_start3A_78 : memref<1x120x128xf32, #tpu.memory_space<hbm>> -> memref<120x128xf32, #tpu.memory_space<hbm>>
      %dma_start3A_80 = arith.constant 0 : i32
      %dma_start3A_81 = tpu.memref_slice %arg5[%arg0, %add3A_58, %dma_start3A_80] : memref<2x10240x128xf32, #tpu.memory_space<hbm>> -> memref<1x120x128xf32, #tpu.memory_space<hbm>>
      %dma_start3A_82 = tpu.memref_squeeze %dma_start3A_81 : memref<1x120x128xf32, #tpu.memory_space<hbm>> -> memref<120x128xf32, #tpu.memory_space<hbm>>
      %dma_start3A_83 = arith.constant 0 : i32
      %dma_start3A_84 = arith.constant 0 : i32
      %dma_start3A_85 = tpu.memref_slice %arg8[%dma_start3A_83, %dma_start3A_84] : memref<120x128xf32, #tpu.memory_space<vmem>> -> memref<120x128xf32, #tpu.memory_space<vmem>>
      tpu.enqueue_dma source(%dma_start3A_85 : memref<120x128xf32, #tpu.memory_space<vmem>>) target(%dma_start3A_82 : memref<120x128xf32, #tpu.memory_space<hbm>>) target_semaphore(%run_scoped3A : memref<!tpu.dma_semaphore, #tpu.memory_space<semaphore_mem>>)
      %dma_wait3A = arith.constant 0 : i32
      %dma_wait3A_86 = arith.constant 0 : i32
      %dma_wait3A_87 = tpu.memref_slice %arg8[%dma_wait3A, %dma_wait3A_86] : memref<120x128xf32, #tpu.memory_space<vmem>> -> memref<120x128xf32, #tpu.memory_space<vmem>>
      %dma_wait3A_88 = arith.constant 0 : i32
      %dma_wait3A_89 = tpu.memref_slice %arg5[%arg0, %add3A_58, %dma_wait3A_88] : memref<2x10240x128xf32, #tpu.memory_space<hbm>> -> memref<1x120x128xf32, #tpu.memory_space<hbm>>
      %dma_wait3A_90 = tpu.memref_squeeze %dma_wait3A_89 : memref<1x120x128xf32, #tpu.memory_space<hbm>> -> memref<120x128xf32, #tpu.memory_space<hbm>>
      %dma_wait3A_91 = arith.constant 0 : i32
      %dma_wait3A_92 = tpu.memref_slice %arg5[%arg0, %add3A_58, %dma_wait3A_91] : memref<2x10240x128xf32, #tpu.memory_space<hbm>> -> memref<1x120x128xf32, #tpu.memory_space<hbm>>
      %dma_wait3A_93 = tpu.memref_squeeze %dma_wait3A_92 : memref<1x120x128xf32, #tpu.memory_space<hbm>> -> memref<120x128xf32, #tpu.memory_space<hbm>>
      %dma_wait3A_94 = arith.constant 0 : i32
      %dma_wait3A_95 = arith.constant 0 : i32
      %dma_wait3A_96 = tpu.memref_slice %arg8[%dma_wait3A_94, %dma_wait3A_95] : memref<120x128xf32, #tpu.memory_space<vmem>> -> memref<120x128xf32, #tpu.memory_space<vmem>>
      tpu.wait_dma2 semaphore(%run_scoped3A : memref<!tpu.dma_semaphore, #tpu.memory_space<semaphore_mem>>) src(%dma_wait3A_96 : memref<120x128xf32, #tpu.memory_space<vmem>>) dst(%dma_wait3A_93 : memref<120x128xf32, #tpu.memory_space<hbm>>)
      tpu.yield
    }) : () -> ()
    %mul3A_59 = arith.constant 640 : i32
    %mul3A_60 = arith.muli %arg1, %mul3A_59 : i32
    %add3A_61 = arith.constant 240 : i32
    %add3A_62 = arith.addi %mul3A_60, %add3A_61 : i32
    "tpu.region"() ({
      %run_scoped3A = tpu.sem_alloc : memref<!tpu.dma_semaphore, #tpu.memory_space<semaphore_mem>>
      %dma_start3A = arith.constant 0 : i32
      %dma_start3A_75 = arith.constant 0 : i32
      %dma_start3A_76 = tpu.memref_slice %arg8[%dma_start3A, %dma_start3A_75] : memref<120x128xf32, #tpu.memory_space<vmem>> -> memref<120x128xf32, #tpu.memory_space<vmem>>
      %dma_start3A_77 = arith.constant 0 : i32
      %dma_start3A_78 = tpu.memref_slice %arg10[%add3A_62, %dma_start3A_77] : memref<10240x128xf32, #tpu.memory_space<vmem_shared>> -> memref<120x128xf32, #tpu.memory_space<vmem_shared>>
      %dma_start3A_79 = arith.constant 0 : i32
      %dma_start3A_80 = arith.constant 0 : i32
      %dma_start3A_81 = tpu.memref_slice %arg8[%dma_start3A_79, %dma_start3A_80] : memref<120x128xf32, #tpu.memory_space<vmem>> -> memref<120x128xf32, #tpu.memory_space<vmem>>
      %dma_start3A_82 = arith.constant 0 : i32
      %dma_start3A_83 = tpu.memref_slice %arg10[%add3A_62, %dma_start3A_82] : memref<10240x128xf32, #tpu.memory_space<vmem_shared>> -> memref<120x128xf32, #tpu.memory_space<vmem_shared>>
      tpu.enqueue_dma source(%dma_start3A_83 : memref<120x128xf32, #tpu.memory_space<vmem_shared>>) target(%dma_start3A_81 : memref<120x128xf32, #tpu.memory_space<vmem>>) target_semaphore(%run_scoped3A : memref<!tpu.dma_semaphore, #tpu.memory_space<semaphore_mem>>)
      %dma_wait3A = arith.constant 0 : i32
      %dma_wait3A_84 = arith.constant 0 : i32
      %dma_wait3A_85 = tpu.memref_slice %arg8[%dma_wait3A, %dma_wait3A_84] : memref<120x128xf32, #tpu.memory_space<vmem>> -> memref<120x128xf32, #tpu.memory_space<vmem>>
      %dma_wait3A_86 = arith.constant 0 : i32
      %dma_wait3A_87 = tpu.memref_slice %arg10[%add3A_62, %dma_wait3A_86] : memref<10240x128xf32, #tpu.memory_space<vmem_shared>> -> memref<120x128xf32, #tpu.memory_space<vmem_shared>>
      %dma_wait3A_88 = arith.constant 0 : i32
      %dma_wait3A_89 = arith.constant 0 : i32
      %dma_wait3A_90 = tpu.memref_slice %arg8[%dma_wait3A_88, %dma_wait3A_89] : memref<120x128xf32, #tpu.memory_space<vmem>> -> memref<120x128xf32, #tpu.memory_space<vmem>>
      %dma_wait3A_91 = arith.constant 0 : i32
      %dma_wait3A_92 = tpu.memref_slice %arg10[%add3A_62, %dma_wait3A_91] : memref<10240x128xf32, #tpu.memory_space<vmem_shared>> -> memref<120x128xf32, #tpu.memory_space<vmem_shared>>
      tpu.wait_dma2 semaphore(%run_scoped3A : memref<!tpu.dma_semaphore, #tpu.memory_space<semaphore_mem>>) src(%dma_wait3A_92 : memref<120x128xf32, #tpu.memory_space<vmem_shared>>) dst(%dma_wait3A_90 : memref<120x128xf32, #tpu.memory_space<vmem>>)
      tpu.yield
    }) : () -> ()
    "tpu.region"() ({
      %run_scoped3A = tpu.sem_alloc : memref<!tpu.dma_semaphore, #tpu.memory_space<semaphore_mem>>
      %dma_start3A = arith.constant 0 : i32
      %dma_start3A_75 = arith.constant 0 : i32
      %dma_start3A_76 = tpu.memref_slice %arg8[%dma_start3A, %dma_start3A_75] : memref<120x128xf32, #tpu.memory_space<vmem>> -> memref<120x128xf32, #tpu.memory_space<vmem>>
      %dma_start3A_77 = arith.constant 0 : i32
      %dma_start3A_78 = tpu.memref_slice %arg5[%arg0, %add3A_62, %dma_start3A_77] : memref<2x10240x128xf32, #tpu.memory_space<hbm>> -> memref<1x120x128xf32, #tpu.memory_space<hbm>>
      %dma_start3A_79 = tpu.memref_squeeze %dma_start3A_78 : memref<1x120x128xf32, #tpu.memory_space<hbm>> -> memref<120x128xf32, #tpu.memory_space<hbm>>
      %dma_start3A_80 = arith.constant 0 : i32
      %dma_start3A_81 = tpu.memref_slice %arg5[%arg0, %add3A_62, %dma_start3A_80] : memref<2x10240x128xf32, #tpu.memory_space<hbm>> -> memref<1x120x128xf32, #tpu.memory_space<hbm>>
      %dma_start3A_82 = tpu.memref_squeeze %dma_start3A_81 : memref<1x120x128xf32, #tpu.memory_space<hbm>> -> memref<120x128xf32, #tpu.memory_space<hbm>>
      %dma_start3A_83 = arith.constant 0 : i32
      %dma_start3A_84 = arith.constant 0 : i32
      %dma_start3A_85 = tpu.memref_slice %arg8[%dma_start3A_83, %dma_start3A_84] : memref<120x128xf32, #tpu.memory_space<vmem>> -> memref<120x128xf32, #tpu.memory_space<vmem>>
      tpu.enqueue_dma source(%dma_start3A_85 : memref<120x128xf32, #tpu.memory_space<vmem>>) target(%dma_start3A_82 : memref<120x128xf32, #tpu.memory_space<hbm>>) target_semaphore(%run_scoped3A : memref<!tpu.dma_semaphore, #tpu.memory_space<semaphore_mem>>)
      %dma_wait3A = arith.constant 0 : i32
      %dma_wait3A_86 = arith.constant 0 : i32
      %dma_wait3A_87 = tpu.memref_slice %arg8[%dma_wait3A, %dma_wait3A_86] : memref<120x128xf32, #tpu.memory_space<vmem>> -> memref<120x128xf32, #tpu.memory_space<vmem>>
      %dma_wait3A_88 = arith.constant 0 : i32
      %dma_wait3A_89 = tpu.memref_slice %arg5[%arg0, %add3A_62, %dma_wait3A_88] : memref<2x10240x128xf32, #tpu.memory_space<hbm>> -> memref<1x120x128xf32, #tpu.memory_space<hbm>>
      %dma_wait3A_90 = tpu.memref_squeeze %dma_wait3A_89 : memref<1x120x128xf32, #tpu.memory_space<hbm>> -> memref<120x128xf32, #tpu.memory_space<hbm>>
      %dma_wait3A_91 = arith.constant 0 : i32
      %dma_wait3A_92 = tpu.memref_slice %arg5[%arg0, %add3A_62, %dma_wait3A_91] : memref<2x10240x128xf32, #tpu.memory_space<hbm>> -> memref<1x120x128xf32, #tpu.memory_space<hbm>>
      %dma_wait3A_93 = tpu.memref_squeeze %dma_wait3A_92 : memref<1x120x128xf32, #tpu.memory_space<hbm>> -> memref<120x128xf32, #tpu.memory_space<hbm>>
      %dma_wait3A_94 = arith.constant 0 : i32
      %dma_wait3A_95 = arith.constant 0 : i32
      %dma_wait3A_96 = tpu.memref_slice %arg8[%dma_wait3A_94, %dma_wait3A_95] : memref<120x128xf32, #tpu.memory_space<vmem>> -> memref<120x128xf32, #tpu.memory_space<vmem>>
      tpu.wait_dma2 semaphore(%run_scoped3A : memref<!tpu.dma_semaphore, #tpu.memory_space<semaphore_mem>>) src(%dma_wait3A_96 : memref<120x128xf32, #tpu.memory_space<vmem>>) dst(%dma_wait3A_93 : memref<120x128xf32, #tpu.memory_space<hbm>>)
      tpu.yield
    }) : () -> ()
    %mul3A_63 = arith.constant 640 : i32
    %mul3A_64 = arith.muli %arg1, %mul3A_63 : i32
    %add3A_65 = arith.constant 360 : i32
    %add3A_66 = arith.addi %mul3A_64, %add3A_65 : i32
    "tpu.region"() ({
      %run_scoped3A = tpu.sem_alloc : memref<!tpu.dma_semaphore, #tpu.memory_space<semaphore_mem>>
      %dma_start3A = arith.constant 0 : i32
      %dma_start3A_75 = arith.constant 0 : i32
      %dma_start3A_76 = tpu.memref_slice %arg8[%dma_start3A, %dma_start3A_75] : memref<120x128xf32, #tpu.memory_space<vmem>> -> memref<120x128xf32, #tpu.memory_space<vmem>>
      %dma_start3A_77 = arith.constant 0 : i32
      %dma_start3A_78 = tpu.memref_slice %arg10[%add3A_66, %dma_start3A_77] : memref<10240x128xf32, #tpu.memory_space<vmem_shared>> -> memref<120x128xf32, #tpu.memory_space<vmem_shared>>
      %dma_start3A_79 = arith.constant 0 : i32
      %dma_start3A_80 = arith.constant 0 : i32
      %dma_start3A_81 = tpu.memref_slice %arg8[%dma_start3A_79, %dma_start3A_80] : memref<120x128xf32, #tpu.memory_space<vmem>> -> memref<120x128xf32, #tpu.memory_space<vmem>>
      %dma_start3A_82 = arith.constant 0 : i32
      %dma_start3A_83 = tpu.memref_slice %arg10[%add3A_66, %dma_start3A_82] : memref<10240x128xf32, #tpu.memory_space<vmem_shared>> -> memref<120x128xf32, #tpu.memory_space<vmem_shared>>
      tpu.enqueue_dma source(%dma_start3A_83 : memref<120x128xf32, #tpu.memory_space<vmem_shared>>) target(%dma_start3A_81 : memref<120x128xf32, #tpu.memory_space<vmem>>) target_semaphore(%run_scoped3A : memref<!tpu.dma_semaphore, #tpu.memory_space<semaphore_mem>>)
      %dma_wait3A = arith.constant 0 : i32
      %dma_wait3A_84 = arith.constant 0 : i32
      %dma_wait3A_85 = tpu.memref_slice %arg8[%dma_wait3A, %dma_wait3A_84] : memref<120x128xf32, #tpu.memory_space<vmem>> -> memref<120x128xf32, #tpu.memory_space<vmem>>
      %dma_wait3A_86 = arith.constant 0 : i32
      %dma_wait3A_87 = tpu.memref_slice %arg10[%add3A_66, %dma_wait3A_86] : memref<10240x128xf32, #tpu.memory_space<vmem_shared>> -> memref<120x128xf32, #tpu.memory_space<vmem_shared>>
      %dma_wait3A_88 = arith.constant 0 : i32
      %dma_wait3A_89 = arith.constant 0 : i32
      %dma_wait3A_90 = tpu.memref_slice %arg8[%dma_wait3A_88, %dma_wait3A_89] : memref<120x128xf32, #tpu.memory_space<vmem>> -> memref<120x128xf32, #tpu.memory_space<vmem>>
      %dma_wait3A_91 = arith.constant 0 : i32
      %dma_wait3A_92 = tpu.memref_slice %arg10[%add3A_66, %dma_wait3A_91] : memref<10240x128xf32, #tpu.memory_space<vmem_shared>> -> memref<120x128xf32, #tpu.memory_space<vmem_shared>>
      tpu.wait_dma2 semaphore(%run_scoped3A : memref<!tpu.dma_semaphore, #tpu.memory_space<semaphore_mem>>) src(%dma_wait3A_92 : memref<120x128xf32, #tpu.memory_space<vmem_shared>>) dst(%dma_wait3A_90 : memref<120x128xf32, #tpu.memory_space<vmem>>)
      tpu.yield
    }) : () -> ()
    "tpu.region"() ({
      %run_scoped3A = tpu.sem_alloc : memref<!tpu.dma_semaphore, #tpu.memory_space<semaphore_mem>>
      %dma_start3A = arith.constant 0 : i32
      %dma_start3A_75 = arith.constant 0 : i32
      %dma_start3A_76 = tpu.memref_slice %arg8[%dma_start3A, %dma_start3A_75] : memref<120x128xf32, #tpu.memory_space<vmem>> -> memref<120x128xf32, #tpu.memory_space<vmem>>
      %dma_start3A_77 = arith.constant 0 : i32
      %dma_start3A_78 = tpu.memref_slice %arg5[%arg0, %add3A_66, %dma_start3A_77] : memref<2x10240x128xf32, #tpu.memory_space<hbm>> -> memref<1x120x128xf32, #tpu.memory_space<hbm>>
      %dma_start3A_79 = tpu.memref_squeeze %dma_start3A_78 : memref<1x120x128xf32, #tpu.memory_space<hbm>> -> memref<120x128xf32, #tpu.memory_space<hbm>>
      %dma_start3A_80 = arith.constant 0 : i32
      %dma_start3A_81 = tpu.memref_slice %arg5[%arg0, %add3A_66, %dma_start3A_80] : memref<2x10240x128xf32, #tpu.memory_space<hbm>> -> memref<1x120x128xf32, #tpu.memory_space<hbm>>
      %dma_start3A_82 = tpu.memref_squeeze %dma_start3A_81 : memref<1x120x128xf32, #tpu.memory_space<hbm>> -> memref<120x128xf32, #tpu.memory_space<hbm>>
      %dma_start3A_83 = arith.constant 0 : i32
      %dma_start3A_84 = arith.constant 0 : i32
      %dma_start3A_85 = tpu.memref_slice %arg8[%dma_start3A_83, %dma_start3A_84] : memref<120x128xf32, #tpu.memory_space<vmem>> -> memref<120x128xf32, #tpu.memory_space<vmem>>
      tpu.enqueue_dma source(%dma_start3A_85 : memref<120x128xf32, #tpu.memory_space<vmem>>) target(%dma_start3A_82 : memref<120x128xf32, #tpu.memory_space<hbm>>) target_semaphore(%run_scoped3A : memref<!tpu.dma_semaphore, #tpu.memory_space<semaphore_mem>>)
      %dma_wait3A = arith.constant 0 : i32
      %dma_wait3A_86 = arith.constant 0 : i32
      %dma_wait3A_87 = tpu.memref_slice %arg8[%dma_wait3A, %dma_wait3A_86] : memref<120x128xf32, #tpu.memory_space<vmem>> -> memref<120x128xf32, #tpu.memory_space<vmem>>
      %dma_wait3A_88 = arith.constant 0 : i32
      %dma_wait3A_89 = tpu.memref_slice %arg5[%arg0, %add3A_66, %dma_wait3A_88] : memref<2x10240x128xf32, #tpu.memory_space<hbm>> -> memref<1x120x128xf32, #tpu.memory_space<hbm>>
      %dma_wait3A_90 = tpu.memref_squeeze %dma_wait3A_89 : memref<1x120x128xf32, #tpu.memory_space<hbm>> -> memref<120x128xf32, #tpu.memory_space<hbm>>
      %dma_wait3A_91 = arith.constant 0 : i32
      %dma_wait3A_92 = tpu.memref_slice %arg5[%arg0, %add3A_66, %dma_wait3A_91] : memref<2x10240x128xf32, #tpu.memory_space<hbm>> -> memref<1x120x128xf32, #tpu.memory_space<hbm>>
      %dma_wait3A_93 = tpu.memref_squeeze %dma_wait3A_92 : memref<1x120x128xf32, #tpu.memory_space<hbm>> -> memref<120x128xf32, #tpu.memory_space<hbm>>
      %dma_wait3A_94 = arith.constant 0 : i32
      %dma_wait3A_95 = arith.constant 0 : i32
      %dma_wait3A_96 = tpu.memref_slice %arg8[%dma_wait3A_94, %dma_wait3A_95] : memref<120x128xf32, #tpu.memory_space<vmem>> -> memref<120x128xf32, #tpu.memory_space<vmem>>
      tpu.wait_dma2 semaphore(%run_scoped3A : memref<!tpu.dma_semaphore, #tpu.memory_space<semaphore_mem>>) src(%dma_wait3A_96 : memref<120x128xf32, #tpu.memory_space<vmem>>) dst(%dma_wait3A_93 : memref<120x128xf32, #tpu.memory_space<hbm>>)
      tpu.yield
    }) : () -> ()
    %mul3A_67 = arith.constant 640 : i32
    %mul3A_68 = arith.muli %arg1, %mul3A_67 : i32
    %add3A_69 = arith.constant 480 : i32
    %add3A_70 = arith.addi %mul3A_68, %add3A_69 : i32
    "tpu.region"() ({
      %run_scoped3A = tpu.sem_alloc : memref<!tpu.dma_semaphore, #tpu.memory_space<semaphore_mem>>
      %dma_start3A = arith.constant 0 : i32
      %dma_start3A_75 = arith.constant 0 : i32
      %dma_start3A_76 = tpu.memref_slice %arg8[%dma_start3A, %dma_start3A_75] : memref<120x128xf32, #tpu.memory_space<vmem>> -> memref<120x128xf32, #tpu.memory_space<vmem>>
      %dma_start3A_77 = arith.constant 0 : i32
      %dma_start3A_78 = tpu.memref_slice %arg10[%add3A_70, %dma_start3A_77] : memref<10240x128xf32, #tpu.memory_space<vmem_shared>> -> memref<120x128xf32, #tpu.memory_space<vmem_shared>>
      %dma_start3A_79 = arith.constant 0 : i32
      %dma_start3A_80 = arith.constant 0 : i32
      %dma_start3A_81 = tpu.memref_slice %arg8[%dma_start3A_79, %dma_start3A_80] : memref<120x128xf32, #tpu.memory_space<vmem>> -> memref<120x128xf32, #tpu.memory_space<vmem>>
      %dma_start3A_82 = arith.constant 0 : i32
      %dma_start3A_83 = tpu.memref_slice %arg10[%add3A_70, %dma_start3A_82] : memref<10240x128xf32, #tpu.memory_space<vmem_shared>> -> memref<120x128xf32, #tpu.memory_space<vmem_shared>>
      tpu.enqueue_dma source(%dma_start3A_83 : memref<120x128xf32, #tpu.memory_space<vmem_shared>>) target(%dma_start3A_81 : memref<120x128xf32, #tpu.memory_space<vmem>>) target_semaphore(%run_scoped3A : memref<!tpu.dma_semaphore, #tpu.memory_space<semaphore_mem>>)
      %dma_wait3A = arith.constant 0 : i32
      %dma_wait3A_84 = arith.constant 0 : i32
      %dma_wait3A_85 = tpu.memref_slice %arg8[%dma_wait3A, %dma_wait3A_84] : memref<120x128xf32, #tpu.memory_space<vmem>> -> memref<120x128xf32, #tpu.memory_space<vmem>>
      %dma_wait3A_86 = arith.constant 0 : i32
      %dma_wait3A_87 = tpu.memref_slice %arg10[%add3A_70, %dma_wait3A_86] : memref<10240x128xf32, #tpu.memory_space<vmem_shared>> -> memref<120x128xf32, #tpu.memory_space<vmem_shared>>
      %dma_wait3A_88 = arith.constant 0 : i32
      %dma_wait3A_89 = arith.constant 0 : i32
      %dma_wait3A_90 = tpu.memref_slice %arg8[%dma_wait3A_88, %dma_wait3A_89] : memref<120x128xf32, #tpu.memory_space<vmem>> -> memref<120x128xf32, #tpu.memory_space<vmem>>
      %dma_wait3A_91 = arith.constant 0 : i32
      %dma_wait3A_92 = tpu.memref_slice %arg10[%add3A_70, %dma_wait3A_91] : memref<10240x128xf32, #tpu.memory_space<vmem_shared>> -> memref<120x128xf32, #tpu.memory_space<vmem_shared>>
      tpu.wait_dma2 semaphore(%run_scoped3A : memref<!tpu.dma_semaphore, #tpu.memory_space<semaphore_mem>>) src(%dma_wait3A_92 : memref<120x128xf32, #tpu.memory_space<vmem_shared>>) dst(%dma_wait3A_90 : memref<120x128xf32, #tpu.memory_space<vmem>>)
      tpu.yield
    }) : () -> ()
    "tpu.region"() ({
      %run_scoped3A = tpu.sem_alloc : memref<!tpu.dma_semaphore, #tpu.memory_space<semaphore_mem>>
      %dma_start3A = arith.constant 0 : i32
      %dma_start3A_75 = arith.constant 0 : i32
      %dma_start3A_76 = tpu.memref_slice %arg8[%dma_start3A, %dma_start3A_75] : memref<120x128xf32, #tpu.memory_space<vmem>> -> memref<120x128xf32, #tpu.memory_space<vmem>>
      %dma_start3A_77 = arith.constant 0 : i32
      %dma_start3A_78 = tpu.memref_slice %arg5[%arg0, %add3A_70, %dma_start3A_77] : memref<2x10240x128xf32, #tpu.memory_space<hbm>> -> memref<1x120x128xf32, #tpu.memory_space<hbm>>
      %dma_start3A_79 = tpu.memref_squeeze %dma_start3A_78 : memref<1x120x128xf32, #tpu.memory_space<hbm>> -> memref<120x128xf32, #tpu.memory_space<hbm>>
      %dma_start3A_80 = arith.constant 0 : i32
      %dma_start3A_81 = tpu.memref_slice %arg5[%arg0, %add3A_70, %dma_start3A_80] : memref<2x10240x128xf32, #tpu.memory_space<hbm>> -> memref<1x120x128xf32, #tpu.memory_space<hbm>>
      %dma_start3A_82 = tpu.memref_squeeze %dma_start3A_81 : memref<1x120x128xf32, #tpu.memory_space<hbm>> -> memref<120x128xf32, #tpu.memory_space<hbm>>
      %dma_start3A_83 = arith.constant 0 : i32
      %dma_start3A_84 = arith.constant 0 : i32
      %dma_start3A_85 = tpu.memref_slice %arg8[%dma_start3A_83, %dma_start3A_84] : memref<120x128xf32, #tpu.memory_space<vmem>> -> memref<120x128xf32, #tpu.memory_space<vmem>>
      tpu.enqueue_dma source(%dma_start3A_85 : memref<120x128xf32, #tpu.memory_space<vmem>>) target(%dma_start3A_82 : memref<120x128xf32, #tpu.memory_space<hbm>>) target_semaphore(%run_scoped3A : memref<!tpu.dma_semaphore, #tpu.memory_space<semaphore_mem>>)
      %dma_wait3A = arith.constant 0 : i32
      %dma_wait3A_86 = arith.constant 0 : i32
      %dma_wait3A_87 = tpu.memref_slice %arg8[%dma_wait3A, %dma_wait3A_86] : memref<120x128xf32, #tpu.memory_space<vmem>> -> memref<120x128xf32, #tpu.memory_space<vmem>>
      %dma_wait3A_88 = arith.constant 0 : i32
      %dma_wait3A_89 = tpu.memref_slice %arg5[%arg0, %add3A_70, %dma_wait3A_88] : memref<2x10240x128xf32, #tpu.memory_space<hbm>> -> memref<1x120x128xf32, #tpu.memory_space<hbm>>
      %dma_wait3A_90 = tpu.memref_squeeze %dma_wait3A_89 : memref<1x120x128xf32, #tpu.memory_space<hbm>> -> memref<120x128xf32, #tpu.memory_space<hbm>>
      %dma_wait3A_91 = arith.constant 0 : i32
      %dma_wait3A_92 = tpu.memref_slice %arg5[%arg0, %add3A_70, %dma_wait3A_91] : memref<2x10240x128xf32, #tpu.memory_space<hbm>> -> memref<1x120x128xf32, #tpu.memory_space<hbm>>
      %dma_wait3A_93 = tpu.memref_squeeze %dma_wait3A_92 : memref<1x120x128xf32, #tpu.memory_space<hbm>> -> memref<120x128xf32, #tpu.memory_space<hbm>>
      %dma_wait3A_94 = arith.constant 0 : i32
      %dma_wait3A_95 = arith.constant 0 : i32
      %dma_wait3A_96 = tpu.memref_slice %arg8[%dma_wait3A_94, %dma_wait3A_95] : memref<120x128xf32, #tpu.memory_space<vmem>> -> memref<120x128xf32, #tpu.memory_space<vmem>>
      tpu.wait_dma2 semaphore(%run_scoped3A : memref<!tpu.dma_semaphore, #tpu.memory_space<semaphore_mem>>) src(%dma_wait3A_96 : memref<120x128xf32, #tpu.memory_space<vmem>>) dst(%dma_wait3A_93 : memref<120x128xf32, #tpu.memory_space<hbm>>)
      tpu.yield
    }) : () -> ()
    %mul3A_71 = arith.constant 640 : i32
    %mul3A_72 = arith.muli %arg1, %mul3A_71 : i32
    %add3A_73 = arith.constant 600 : i32
    %add3A_74 = arith.addi %mul3A_72, %add3A_73 : i32
    "tpu.region"() ({
      %run_scoped3A = tpu.sem_alloc : memref<!tpu.dma_semaphore, #tpu.memory_space<semaphore_mem>>
      %dma_start3A = arith.constant 0 : i32
      %dma_start3A_75 = arith.constant 0 : i32
      %dma_start3A_76 = tpu.memref_slice %arg8[%dma_start3A, %dma_start3A_75] : memref<120x128xf32, #tpu.memory_space<vmem>> -> memref<40x128xf32, #tpu.memory_space<vmem>>
      %dma_start3A_77 = arith.constant 0 : i32
      %dma_start3A_78 = tpu.memref_slice %arg10[%add3A_74, %dma_start3A_77] : memref<10240x128xf32, #tpu.memory_space<vmem_shared>> -> memref<40x128xf32, #tpu.memory_space<vmem_shared>>
      %dma_start3A_79 = arith.constant 0 : i32
      %dma_start3A_80 = arith.constant 0 : i32
      %dma_start3A_81 = tpu.memref_slice %arg8[%dma_start3A_79, %dma_start3A_80] : memref<120x128xf32, #tpu.memory_space<vmem>> -> memref<40x128xf32, #tpu.memory_space<vmem>>
      %dma_start3A_82 = arith.constant 0 : i32
      %dma_start3A_83 = tpu.memref_slice %arg10[%add3A_74, %dma_start3A_82] : memref<10240x128xf32, #tpu.memory_space<vmem_shared>> -> memref<40x128xf32, #tpu.memory_space<vmem_shared>>
      tpu.enqueue_dma source(%dma_start3A_83 : memref<40x128xf32, #tpu.memory_space<vmem_shared>>) target(%dma_start3A_81 : memref<40x128xf32, #tpu.memory_space<vmem>>) target_semaphore(%run_scoped3A : memref<!tpu.dma_semaphore, #tpu.memory_space<semaphore_mem>>)
      %dma_wait3A = arith.constant 0 : i32
      %dma_wait3A_84 = arith.constant 0 : i32
      %dma_wait3A_85 = tpu.memref_slice %arg8[%dma_wait3A, %dma_wait3A_84] : memref<120x128xf32, #tpu.memory_space<vmem>> -> memref<40x128xf32, #tpu.memory_space<vmem>>
      %dma_wait3A_86 = arith.constant 0 : i32
      %dma_wait3A_87 = tpu.memref_slice %arg10[%add3A_74, %dma_wait3A_86] : memref<10240x128xf32, #tpu.memory_space<vmem_shared>> -> memref<40x128xf32, #tpu.memory_space<vmem_shared>>
      %dma_wait3A_88 = arith.constant 0 : i32
      %dma_wait3A_89 = arith.constant 0 : i32
      %dma_wait3A_90 = tpu.memref_slice %arg8[%dma_wait3A_88, %dma_wait3A_89] : memref<120x128xf32, #tpu.memory_space<vmem>> -> memref<40x128xf32, #tpu.memory_space<vmem>>
      %dma_wait3A_91 = arith.constant 0 : i32
      %dma_wait3A_92 = tpu.memref_slice %arg10[%add3A_74, %dma_wait3A_91] : memref<10240x128xf32, #tpu.memory_space<vmem_shared>> -> memref<40x128xf32, #tpu.memory_space<vmem_shared>>
      tpu.wait_dma2 semaphore(%run_scoped3A : memref<!tpu.dma_semaphore, #tpu.memory_space<semaphore_mem>>) src(%dma_wait3A_92 : memref<40x128xf32, #tpu.memory_space<vmem_shared>>) dst(%dma_wait3A_90 : memref<40x128xf32, #tpu.memory_space<vmem>>)
      tpu.yield
    }) : () -> ()
    "tpu.region"() ({
      %run_scoped3A = tpu.sem_alloc : memref<!tpu.dma_semaphore, #tpu.memory_space<semaphore_mem>>
      %dma_start3A = arith.constant 0 : i32
      %dma_start3A_75 = arith.constant 0 : i32
      %dma_start3A_76 = tpu.memref_slice %arg8[%dma_start3A, %dma_start3A_75] : memref<120x128xf32, #tpu.memory_space<vmem>> -> memref<40x128xf32, #tpu.memory_space<vmem>>
      %dma_start3A_77 = arith.constant 0 : i32
      %dma_start3A_78 = tpu.memref_slice %arg5[%arg0, %add3A_74, %dma_start3A_77] : memref<2x10240x128xf32, #tpu.memory_space<hbm>> -> memref<1x40x128xf32, #tpu.memory_space<hbm>>
      %dma_start3A_79 = tpu.memref_squeeze %dma_start3A_78 : memref<1x40x128xf32, #tpu.memory_space<hbm>> -> memref<40x128xf32, #tpu.memory_space<hbm>>
      %dma_start3A_80 = arith.constant 0 : i32
      %dma_start3A_81 = tpu.memref_slice %arg5[%arg0, %add3A_74, %dma_start3A_80] : memref<2x10240x128xf32, #tpu.memory_space<hbm>> -> memref<1x40x128xf32, #tpu.memory_space<hbm>>
      %dma_start3A_82 = tpu.memref_squeeze %dma_start3A_81 : memref<1x40x128xf32, #tpu.memory_space<hbm>> -> memref<40x128xf32, #tpu.memory_space<hbm>>
      %dma_start3A_83 = arith.constant 0 : i32
      %dma_start3A_84 = arith.constant 0 : i32
      %dma_start3A_85 = tpu.memref_slice %arg8[%dma_start3A_83, %dma_start3A_84] : memref<120x128xf32, #tpu.memory_space<vmem>> -> memref<40x128xf32, #tpu.memory_space<vmem>>
      tpu.enqueue_dma source(%dma_start3A_85 : memref<40x128xf32, #tpu.memory_space<vmem>>) target(%dma_start3A_82 : memref<40x128xf32, #tpu.memory_space<hbm>>) target_semaphore(%run_scoped3A : memref<!tpu.dma_semaphore, #tpu.memory_space<semaphore_mem>>)
      %dma_wait3A = arith.constant 0 : i32
      %dma_wait3A_86 = arith.constant 0 : i32
      %dma_wait3A_87 = tpu.memref_slice %arg8[%dma_wait3A, %dma_wait3A_86] : memref<120x128xf32, #tpu.memory_space<vmem>> -> memref<40x128xf32, #tpu.memory_space<vmem>>
      %dma_wait3A_88 = arith.constant 0 : i32
      %dma_wait3A_89 = tpu.memref_slice %arg5[%arg0, %add3A_74, %dma_wait3A_88] : memref<2x10240x128xf32, #tpu.memory_space<hbm>> -> memref<1x40x128xf32, #tpu.memory_space<hbm>>
      %dma_wait3A_90 = tpu.memref_squeeze %dma_wait3A_89 : memref<1x40x128xf32, #tpu.memory_space<hbm>> -> memref<40x128xf32, #tpu.memory_space<hbm>>
      %dma_wait3A_91 = arith.constant 0 : i32
      %dma_wait3A_92 = tpu.memref_slice %arg5[%arg0, %add3A_74, %dma_wait3A_91] : memref<2x10240x128xf32, #tpu.memory_space<hbm>> -> memref<1x40x128xf32, #tpu.memory_space<hbm>>
      %dma_wait3A_93 = tpu.memref_squeeze %dma_wait3A_92 : memref<1x40x128xf32, #tpu.memory_space<hbm>> -> memref<40x128xf32, #tpu.memory_space<hbm>>
      %dma_wait3A_94 = arith.constant 0 : i32
      %dma_wait3A_95 = arith.constant 0 : i32
      %dma_wait3A_96 = tpu.memref_slice %arg8[%dma_wait3A_94, %dma_wait3A_95] : memref<120x128xf32, #tpu.memory_space<vmem>> -> memref<40x128xf32, #tpu.memory_space<vmem>>
      tpu.wait_dma2 semaphore(%run_scoped3A : memref<!tpu.dma_semaphore, #tpu.memory_space<semaphore_mem>>) src(%dma_wait3A_96 : memref<40x128xf32, #tpu.memory_space<vmem>>) dst(%dma_wait3A_93 : memref<40x128xf32, #tpu.memory_space<hbm>>)
      tpu.yield
    }) : () -> ()
    return
  }
}

#map = affine_map<(d0, d1) -> (0, 0)>
module attributes {stable_mosaic.version = 14 : i64} {
  func.func @_deg_kernel(%arg0: i32, %arg1: i32, %arg2: memref<32x10080xi32, #tpu.memory_space<hbm>>, %arg3: memref<32x10240xf32, #tpu.memory_space<hbm>>, %arg4: memref<10080xi32, #tpu.memory_space<vmem>>, %arg5: memref<10240xf32, #tpu.memory_space<vmem>>, %arg6: memref<!tpu.dma_semaphore, #tpu.memory_space<semaphore_mem>>) attributes {dimension_semantics = [#tpu.dimension_semantics<core_parallel>, #tpu.dimension_semantics<subcore_parallel>], iteration_bounds = array<i64: 2, 16>, scalar_prefetch = 0 : i64, scratch_operands = 3 : i64, tpu.core_type = #tpu.core_type<sc_vector_subcore>, window_params = [{transform_indices = #map}, {transform_indices = #map}]} {
    %mul3A = arith.constant 2 : i32
    %mul3A_0 = arith.muli %arg1, %mul3A : i32
    %add3A = arith.addi %mul3A_0, %arg0 : i32
    %dma_start3A = arith.constant 0 : i32
    %dma_start3A_1 = tpu.memref_slice %arg2[%add3A, %dma_start3A] : memref<32x10080xi32, #tpu.memory_space<hbm>> -> memref<1x10080xi32, #tpu.memory_space<hbm>>
    %dma_start3A_2 = tpu.memref_squeeze %dma_start3A_1 : memref<1x10080xi32, #tpu.memory_space<hbm>> -> memref<10080xi32, #tpu.memory_space<hbm>>
    %dma_start3A_3 = arith.constant 0 : i32
    %dma_start3A_4 = tpu.memref_slice %arg2[%add3A, %dma_start3A_3] : memref<32x10080xi32, #tpu.memory_space<hbm>> -> memref<1x10080xi32, #tpu.memory_space<hbm>>
    %dma_start3A_5 = tpu.memref_squeeze %dma_start3A_4 : memref<1x10080xi32, #tpu.memory_space<hbm>> -> memref<10080xi32, #tpu.memory_space<hbm>>
    tpu.enqueue_dma source(%dma_start3A_5 : memref<10080xi32, #tpu.memory_space<hbm>>) target(%arg4 : memref<10080xi32, #tpu.memory_space<vmem>>) target_semaphore(%arg6 : memref<!tpu.dma_semaphore, #tpu.memory_space<semaphore_mem>>)
    %broadcast_in_dim3A = arith.constant 0.000000e+00 : f32
    %broadcast_in_dim3A_6 = vector.broadcast %broadcast_in_dim3A : f32 to vector<16xf32>
    %scan3A = arith.constant 0 : i32
    %scan3A_7 = arith.constant 640 : i32
    %scan3A_8 = arith.addi %scan3A, %scan3A_7 : i32
    %scan3A_9 = arith.constant 1 : i32
    scf.for %scan3A_23 = %scan3A to %scan3A_8 step %scan3A_9  : i32 {
      %mul3A_24 = arith.constant 16 : i32
      %mul3A_25 = arith.muli %scan3A_23, %mul3A_24 : i32
      %swap3A = arith.index_cast %mul3A_25 : i32 to index
      %swap3A_26 = tpu.vector_load %arg5[%swap3A] {strides = array<i32>} : memref<10240xf32, #tpu.memory_space<vmem>>, vector<16xf32>,
      tpu.vector_store %arg5[%swap3A], %broadcast_in_dim3A_6 {strides = array<i32>} : memref<10240xf32, #tpu.memory_space<vmem>>, vector<16xf32>,
    }
    %scan3A_10 = arith.constant 640 : i32
    %dma_wait3A = arith.constant 0 : i32
    %dma_wait3A_11 = tpu.memref_slice %arg2[%add3A, %dma_wait3A] : memref<32x10080xi32, #tpu.memory_space<hbm>> -> memref<1x10080xi32, #tpu.memory_space<hbm>>
    %dma_wait3A_12 = tpu.memref_squeeze %dma_wait3A_11 : memref<1x10080xi32, #tpu.memory_space<hbm>> -> memref<10080xi32, #tpu.memory_space<hbm>>
    %dma_wait3A_13 = arith.constant 0 : i32
    %dma_wait3A_14 = tpu.memref_slice %arg2[%add3A, %dma_wait3A_13] : memref<32x10080xi32, #tpu.memory_space<hbm>> -> memref<1x10080xi32, #tpu.memory_space<hbm>>
    %dma_wait3A_15 = tpu.memref_squeeze %dma_wait3A_14 : memref<1x10080xi32, #tpu.memory_space<hbm>> -> memref<10080xi32, #tpu.memory_space<hbm>>
    tpu.wait_dma2 semaphore(%arg6 : memref<!tpu.dma_semaphore, #tpu.memory_space<semaphore_mem>>) src(%dma_wait3A_15 : memref<10080xi32, #tpu.memory_space<hbm>>) dst(%arg4 : memref<10080xi32, #tpu.memory_space<vmem>>)
    %broadcast_in_dim3A_16 = arith.constant 1.000000e+00 : f32
    %broadcast_in_dim3A_17 = vector.broadcast %broadcast_in_dim3A_16 : f32 to vector<16xf32>
    %scan3A_18 = arith.constant 0 : i32
    %scan3A_19 = arith.constant 630 : i32
    %scan3A_20 = arith.addi %scan3A_18, %scan3A_19 : i32
    %scan3A_21 = arith.constant 1 : i32
    scf.for %scan3A_23 = %scan3A_18 to %scan3A_20 step %scan3A_21  : i32 {
      %mul3A_24 = arith.constant 16 : i32
      %mul3A_25 = arith.muli %scan3A_23, %mul3A_24 : i32
      %get3A = arith.index_cast %mul3A_25 : i32 to index
      %get3A_26 = tpu.vector_load %arg4[%get3A] {strides = array<i32>} : memref<10080xi32, #tpu.memory_space<vmem>>, vector<16xi32>,
      tpu.vector_store_idx %arg5[%get3A_26], %broadcast_in_dim3A_17 {add = true} : memref<10240xf32, #tpu.memory_space<vmem>>[vector<16xi32>], vector<16xf32>,
    }
    %scan3A_22 = arith.constant 630 : i32
    "tpu.region"() ({
      %run_scoped3A = tpu.sem_alloc : memref<!tpu.dma_semaphore, #tpu.memory_space<semaphore_mem>>
      %dma_start3A_23 = arith.constant 0 : i32
      %dma_start3A_24 = tpu.memref_slice %arg3[%add3A, %dma_start3A_23] : memref<32x10240xf32, #tpu.memory_space<hbm>> -> memref<1x10240xf32, #tpu.memory_space<hbm>>
      %dma_start3A_25 = tpu.memref_squeeze %dma_start3A_24 : memref<1x10240xf32, #tpu.memory_space<hbm>> -> memref<10240xf32, #tpu.memory_space<hbm>>
      %dma_start3A_26 = arith.constant 0 : i32
      %dma_start3A_27 = tpu.memref_slice %arg3[%add3A, %dma_start3A_26] : memref<32x10240xf32, #tpu.memory_space<hbm>> -> memref<1x10240xf32, #tpu.memory_space<hbm>>
      %dma_start3A_28 = tpu.memref_squeeze %dma_start3A_27 : memref<1x10240xf32, #tpu.memory_space<hbm>> -> memref<10240xf32, #tpu.memory_space<hbm>>
      tpu.enqueue_dma source(%arg5 : memref<10240xf32, #tpu.memory_space<vmem>>) target(%dma_start3A_28 : memref<10240xf32, #tpu.memory_space<hbm>>) target_semaphore(%run_scoped3A : memref<!tpu.dma_semaphore, #tpu.memory_space<semaphore_mem>>)
      %dma_wait3A_29 = arith.constant 0 : i32
      %dma_wait3A_30 = tpu.memref_slice %arg3[%add3A, %dma_wait3A_29] : memref<32x10240xf32, #tpu.memory_space<hbm>> -> memref<1x10240xf32, #tpu.memory_space<hbm>>
      %dma_wait3A_31 = tpu.memref_squeeze %dma_wait3A_30 : memref<1x10240xf32, #tpu.memory_space<hbm>> -> memref<10240xf32, #tpu.memory_space<hbm>>
      %dma_wait3A_32 = arith.constant 0 : i32
      %dma_wait3A_33 = tpu.memref_slice %arg3[%add3A, %dma_wait3A_32] : memref<32x10240xf32, #tpu.memory_space<hbm>> -> memref<1x10240xf32, #tpu.memory_space<hbm>>
      %dma_wait3A_34 = tpu.memref_squeeze %dma_wait3A_33 : memref<1x10240xf32, #tpu.memory_space<hbm>> -> memref<10240xf32, #tpu.memory_space<hbm>>
      tpu.wait_dma2 semaphore(%run_scoped3A : memref<!tpu.dma_semaphore, #tpu.memory_space<semaphore_mem>>) src(%arg5 : memref<10240xf32, #tpu.memory_space<vmem>>) dst(%dma_wait3A_34 : memref<10240xf32, #tpu.memory_space<hbm>>)
      tpu.yield
    }) : () -> ()
    return
  }
}

module attributes {stable_mosaic.version = 14 : i64} {
  func.func @_t1_body(%arg0: i32, %arg1: memref<1024x128xf32, #tpu.memory_space<vmem>>, %arg2: memref<128x128xf32, #tpu.memory_space<vmem>>, %arg3: memref<32x1024xf32, #tpu.memory_space<vmem>>, %arg4: memref<1024x128xf32, #tpu.memory_space<vmem>>) attributes {dimension_semantics = [#tpu.dimension_semantics<arbitrary>], iteration_bounds = array<i64: 10>, scalar_prefetch = 0 : i64, scratch_operands = 0 : i64, tpu.core_type = #tpu.core_type<tc>, window_params = [{transform_indices = @transform_0, window_bounds = array<i64: 1024, 128>}, {pipeline_mode = #tpu.pipeline_mode<synchronous>, transform_indices = @transform_1, window_bounds = array<i64: 128, 128>}, {transform_indices = @transform_2, window_bounds = array<i64: 32, 1024>}, {transform_indices = @transform_3, window_bounds = array<i64: 1024, 128>}]} {
    %get3A = arith.constant 0 : index
    %get3A_0 = arith.constant 0 : index
    %get3A_1 = vector.load %arg3[%get3A, %get3A_0] : memref<32x1024xf32, #tpu.memory_space<vmem>>, vector<32x1024xf32>
    %reduce_sum3A = arith.constant dense<0.000000e+00> : vector<1024xf32>
    %reduce_sum3A_2 = vector.multi_reduction <add>, %get3A_1, %reduce_sum3A [0] : vector<32x1024xf32> to vector<1024xf32>
    %add3A = arith.constant 1.000000e+00 : f32
    %add3A_3 = vector.broadcast %add3A : f32 to vector<1024xf32>
    %add3A_4 = arith.addf %reduce_sum3A_2, %add3A_3 : vector<1024xf32>
    %max3A = arith.constant 1.000000e+00 : f32
    %max3A_5 = vector.broadcast %max3A : f32 to vector<1024xf32>
    %max3A_6 = arith.maximumf %add3A_4, %max3A_5 : vector<1024xf32>
    %rsqrt3A = math.rsqrt %max3A_6 : vector<1024xf32>
    %get3A_7 = arith.constant 0 : index
    %get3A_8 = arith.constant 0 : index
    %get3A_9 = vector.load %arg1[%get3A_7, %get3A_8] : memref<1024x128xf32, #tpu.memory_space<vmem>>, vector<1024x128xf32>
    %get3A_10 = arith.constant 0 : index
    %get3A_11 = arith.constant 0 : index
    %get3A_12 = vector.load %arg2[%get3A_10, %get3A_11] : memref<128x128xf32, #tpu.memory_space<vmem>>, vector<128x128xf32>
    %dot_general3A = arith.constant dense<0.000000e+00> : vector<1024x128xf32>
    %dot_general3A_13 = tpu.matmul %get3A_9, %get3A_12, %dot_general3A {dimension_numbers = #tpu.dot_dimension_numbers<[1], [0], [0], [1], [0, 0, 1, 1], [], []>, transpose_lhs_hint = false} : vector<1024x128xf32>, vector<128x128xf32>, vector<1024x128xf32> -> vector<1024x128xf32>
    %broadcast_in_dim3A = vector.shape_cast %rsqrt3A : vector<1024xf32> to vector<1024x1xf32>
    %mul3A = vector.broadcast %broadcast_in_dim3A : vector<1024x1xf32> to vector<1024x128xf32>
    %mul3A_14 = arith.mulf %dot_general3A_13, %mul3A : vector<1024x128xf32>
    %swap3A = arith.constant 0 : index
    %swap3A_15 = arith.constant 0 : index
    %swap3A_16 = vector.load %arg4[%swap3A, %swap3A_15] : memref<1024x128xf32, #tpu.memory_space<vmem>>, vector<1024x128xf32>
    tpu.vector_store %arg4[%swap3A, %swap3A_15], %mul3A_14 {strides = array<i32>} : memref<1024x128xf32, #tpu.memory_space<vmem>>, vector<1024x128xf32>,
    return
  }
  func.func @transform_0(%arg0: i32) -> (i32, i32) {
    %c0_i32 = arith.constant 0 : i32
    %c0_i32_0 = arith.constant 0 : i32
    return %arg0, %c0_i32 : i32, i32
  }
  func.func @transform_1(%arg0: i32) -> (i32, i32) {
    %c0_i32 = arith.constant 0 : i32
    %c0_i32_0 = arith.constant 0 : i32
    %c0_i32_1 = arith.constant 0 : i32
    return %c0_i32, %c0_i32_0 : i32, i32
  }
  func.func @transform_2(%arg0: i32) -> (i32, i32) {
    %c0_i32 = arith.constant 0 : i32
    %c0_i32_0 = arith.constant 0 : i32
    return %c0_i32, %arg0 : i32, i32
  }
  func.func @transform_3(%arg0: i32) -> (i32, i32) {
    %c0_i32 = arith.constant 0 : i32
    %c0_i32_0 = arith.constant 0 : i32
    return %arg0, %c0_i32 : i32, i32
  }
}

module attributes {stable_mosaic.version = 14 : i64} {
  func.func @_t2_body(%arg0: i32, %arg1: memref<2x1024x128xf32, #tpu.memory_space<vmem>>, %arg2: memref<1024x128xf32, #tpu.memory_space<vmem>>, %arg3: memref<32x1024xf32, #tpu.memory_space<vmem>>, %arg4: memref<128xf32, #tpu.memory_space<vmem>>, %arg5: memref<128x16xf32, #tpu.memory_space<vmem>>, %arg6: memref<1024x16xf32, #tpu.memory_space<vmem>>) attributes {dimension_semantics = [#tpu.dimension_semantics<arbitrary>], iteration_bounds = array<i64: 10>, scalar_prefetch = 0 : i64, scratch_operands = 0 : i64, tpu.core_type = #tpu.core_type<tc>, window_params = [{transform_indices = @transform_0, window_bounds = array<i64: 2, 1024, 128>}, {transform_indices = @transform_1, window_bounds = array<i64: 1024, 128>}, {transform_indices = @transform_2, window_bounds = array<i64: 32, 1024>}, {pipeline_mode = #tpu.pipeline_mode<synchronous>, transform_indices = @transform_3, window_bounds = array<i64: 128>}, {pipeline_mode = #tpu.pipeline_mode<synchronous>, transform_indices = @transform_4, window_bounds = array<i64: 128, 16>}, {transform_indices = @transform_5, window_bounds = array<i64: 1024, 16>}]} {
    %get3A = arith.constant 0 : index
    %get3A_0 = arith.constant 0 : index
    %get3A_1 = vector.load %arg3[%get3A, %get3A_0] : memref<32x1024xf32, #tpu.memory_space<vmem>>, vector<32x1024xf32>
    %reduce_sum3A = arith.constant dense<0.000000e+00> : vector<1024xf32>
    %reduce_sum3A_2 = vector.multi_reduction <add>, %get3A_1, %reduce_sum3A [0] : vector<32x1024xf32> to vector<1024xf32>
    %add3A = arith.constant 1.000000e+00 : f32
    %add3A_3 = vector.broadcast %add3A : f32 to vector<1024xf32>
    %add3A_4 = arith.addf %reduce_sum3A_2, %add3A_3 : vector<1024xf32>
    %max3A = arith.constant 1.000000e+00 : f32
    %max3A_5 = vector.broadcast %max3A : f32 to vector<1024xf32>
    %max3A_6 = arith.maximumf %add3A_4, %max3A_5 : vector<1024xf32>
    %rsqrt3A = math.rsqrt %max3A_6 : vector<1024xf32>
    %get3A_7 = arith.constant 0 : index
    %get3A_8 = arith.constant 0 : index
    %get3A_9 = arith.constant 0 : index
    %get3A_10 = vector.load %arg1[%get3A_7, %get3A_8, %get3A_9] : memref<2x1024x128xf32, #tpu.memory_space<vmem>>, vector<1x1024x128xf32>
    %get3A_11 = vector.shape_cast %get3A_10 : vector<1x1024x128xf32> to vector<1024x128xf32>
    %get3A_12 = arith.constant 1 : index
    %get3A_13 = arith.constant 0 : index
    %get3A_14 = arith.constant 0 : index
    %get3A_15 = vector.load %arg1[%get3A_12, %get3A_13, %get3A_14] : memref<2x1024x128xf32, #tpu.memory_space<vmem>>, vector<1x1024x128xf32>
    %get3A_16 = vector.shape_cast %get3A_15 : vector<1x1024x128xf32> to vector<1024x128xf32>
    %add3A_17 = arith.addf %get3A_11, %get3A_16 : vector<1024x128xf32>
    %get3A_18 = arith.constant 0 : index
    %get3A_19 = arith.constant 0 : index
    %get3A_20 = vector.load %arg2[%get3A_18, %get3A_19] : memref<1024x128xf32, #tpu.memory_space<vmem>>, vector<1024x128xf32>
    %add3A_21 = arith.addf %add3A_17, %get3A_20 : vector<1024x128xf32>
    %broadcast_in_dim3A = vector.shape_cast %rsqrt3A : vector<1024xf32> to vector<1024x1xf32>
    %mul3A = vector.broadcast %broadcast_in_dim3A : vector<1024x1xf32> to vector<1024x128xf32>
    %mul3A_22 = arith.mulf %add3A_21, %mul3A : vector<1024x128xf32>
    %get3A_23 = arith.constant 0 : index
    %get3A_24 = vector.load %arg4[%get3A_23] : memref<128xf32, #tpu.memory_space<vmem>>, vector<128xf32>
    %broadcast_in_dim3A_25 = vector.shape_cast %get3A_24 : vector<128xf32> to vector<1x128xf32>
    %add3A_26 = vector.broadcast %broadcast_in_dim3A_25 : vector<1x128xf32> to vector<1024x128xf32>
    %add3A_27 = arith.addf %mul3A_22, %add3A_26 : vector<1024x128xf32>
    %max3A_28 = arith.constant 0.000000e+00 : f32
    %max3A_29 = vector.broadcast %max3A_28 : f32 to vector<1024x128xf32>
    %max3A_30 = arith.maximumf %add3A_27, %max3A_29 : vector<1024x128xf32>
    %get3A_31 = arith.constant 0 : index
    %get3A_32 = arith.constant 0 : index
    %get3A_33 = vector.load %arg5[%get3A_31, %get3A_32] : memref<128x16xf32, #tpu.memory_space<vmem>>, vector<128x16xf32>
    %dot_general3A = arith.constant dense<0.000000e+00> : vector<1024x16xf32>
    %dot_general3A_34 = tpu.matmul %max3A_30, %get3A_33, %dot_general3A {dimension_numbers = #tpu.dot_dimension_numbers<[1], [0], [0], [1], [0, 0, 1, 1], [], []>, transpose_lhs_hint = false} : vector<1024x128xf32>, vector<128x16xf32>, vector<1024x16xf32> -> vector<1024x16xf32>
    %broadcast_in_dim3A_35 = vector.shape_cast %rsqrt3A : vector<1024xf32> to vector<1024x1xf32>
    %mul3A_36 = vector.broadcast %broadcast_in_dim3A_35 : vector<1024x1xf32> to vector<1024x16xf32>
    %mul3A_37 = arith.mulf %dot_general3A_34, %mul3A_36 : vector<1024x16xf32>
    %swap3A = arith.constant 0 : index
    %swap3A_38 = arith.constant 0 : index
    %swap3A_39 = vector.load %arg6[%swap3A, %swap3A_38] : memref<1024x16xf32, #tpu.memory_space<vmem>>, vector<1024x16xf32>
    tpu.vector_store %arg6[%swap3A, %swap3A_38], %mul3A_37 {strides = array<i32>} : memref<1024x16xf32, #tpu.memory_space<vmem>>, vector<1024x16xf32>,
    return
  }
  func.func @transform_0(%arg0: i32) -> (i32, i32, i32) {
    %c0_i32 = arith.constant 0 : i32
    %c0_i32_0 = arith.constant 0 : i32
    %c0_i32_1 = arith.constant 0 : i32
    return %c0_i32, %arg0, %c0_i32_0 : i32, i32, i32
  }
  func.func @transform_1(%arg0: i32) -> (i32, i32) {
    %c0_i32 = arith.constant 0 : i32
    %c0_i32_0 = arith.constant 0 : i32
    return %arg0, %c0_i32 : i32, i32
  }
  func.func @transform_2(%arg0: i32) -> (i32, i32) {
    %c0_i32 = arith.constant 0 : i32
    %c0_i32_0 = arith.constant 0 : i32
    return %c0_i32, %arg0 : i32, i32
  }
  func.func @transform_3(%arg0: i32) -> i32 {
    %c0_i32 = arith.constant 0 : i32
    %c0_i32_0 = arith.constant 0 : i32
    return %c0_i32 : i32
  }
  func.func @transform_4(%arg0: i32) -> (i32, i32) {
    %c0_i32 = arith.constant 0 : i32
    %c0_i32_0 = arith.constant 0 : i32
    %c0_i32_1 = arith.constant 0 : i32
    return %c0_i32, %c0_i32_0 : i32, i32
  }
  func.func @transform_5(%arg0: i32) -> (i32, i32) {
    %c0_i32 = arith.constant 0 : i32
    %c0_i32_0 = arith.constant 0 : i32
    return %arg0, %c0_i32 : i32, i32
  }
}

module attributes {stable_mosaic.version = 14 : i64} {
  func.func @_t3_body(%arg0: i32, %arg1: memref<2x1024x16xf32, #tpu.memory_space<vmem>>, %arg2: memref<1024x16xf32, #tpu.memory_space<vmem>>, %arg3: memref<32x1024xf32, #tpu.memory_space<vmem>>, %arg4: memref<16xf32, #tpu.memory_space<vmem>>, %arg5: memref<1024x16xf32, #tpu.memory_space<vmem>>) attributes {dimension_semantics = [#tpu.dimension_semantics<arbitrary>], iteration_bounds = array<i64: 10>, scalar_prefetch = 0 : i64, scratch_operands = 0 : i64, tpu.core_type = #tpu.core_type<tc>, window_params = [{transform_indices = @transform_0, window_bounds = array<i64: 2, 1024, 16>}, {transform_indices = @transform_1, window_bounds = array<i64: 1024, 16>}, {transform_indices = @transform_2, window_bounds = array<i64: 32, 1024>}, {pipeline_mode = #tpu.pipeline_mode<synchronous>, transform_indices = @transform_3, window_bounds = array<i64: 16>}, {transform_indices = @transform_4, window_bounds = array<i64: 1024, 16>}]} {
    %get3A = arith.constant 0 : index
    %get3A_0 = arith.constant 0 : index
    %get3A_1 = vector.load %arg3[%get3A, %get3A_0] : memref<32x1024xf32, #tpu.memory_space<vmem>>, vector<32x1024xf32>
    %reduce_sum3A = arith.constant dense<0.000000e+00> : vector<1024xf32>
    %reduce_sum3A_2 = vector.multi_reduction <add>, %get3A_1, %reduce_sum3A [0] : vector<32x1024xf32> to vector<1024xf32>
    %add3A = arith.constant 1.000000e+00 : f32
    %add3A_3 = vector.broadcast %add3A : f32 to vector<1024xf32>
    %add3A_4 = arith.addf %reduce_sum3A_2, %add3A_3 : vector<1024xf32>
    %max3A = arith.constant 1.000000e+00 : f32
    %max3A_5 = vector.broadcast %max3A : f32 to vector<1024xf32>
    %max3A_6 = arith.maximumf %add3A_4, %max3A_5 : vector<1024xf32>
    %rsqrt3A = math.rsqrt %max3A_6 : vector<1024xf32>
    %get3A_7 = arith.constant 0 : index
    %get3A_8 = arith.constant 0 : index
    %get3A_9 = arith.constant 0 : index
    %get3A_10 = vector.load %arg1[%get3A_7, %get3A_8, %get3A_9] : memref<2x1024x16xf32, #tpu.memory_space<vmem>>, vector<1x1024x16xf32>
    %get3A_11 = vector.shape_cast %get3A_10 : vector<1x1024x16xf32> to vector<1024x16xf32>
    %get3A_12 = arith.constant 1 : index
    %get3A_13 = arith.constant 0 : index
    %get3A_14 = arith.constant 0 : index
    %get3A_15 = vector.load %arg1[%get3A_12, %get3A_13, %get3A_14] : memref<2x1024x16xf32, #tpu.memory_space<vmem>>, vector<1x1024x16xf32>
    %get3A_16 = vector.shape_cast %get3A_15 : vector<1x1024x16xf32> to vector<1024x16xf32>
    %add3A_17 = arith.addf %get3A_11, %get3A_16 : vector<1024x16xf32>
    %get3A_18 = arith.constant 0 : index
    %get3A_19 = arith.constant 0 : index
    %get3A_20 = vector.load %arg2[%get3A_18, %get3A_19] : memref<1024x16xf32, #tpu.memory_space<vmem>>, vector<1024x16xf32>
    %add3A_21 = arith.addf %add3A_17, %get3A_20 : vector<1024x16xf32>
    %broadcast_in_dim3A = vector.shape_cast %rsqrt3A : vector<1024xf32> to vector<1024x1xf32>
    %mul3A = vector.broadcast %broadcast_in_dim3A : vector<1024x1xf32> to vector<1024x16xf32>
    %mul3A_22 = arith.mulf %add3A_21, %mul3A : vector<1024x16xf32>
    %get3A_23 = arith.constant 0 : index
    %get3A_24 = vector.load %arg4[%get3A_23] : memref<16xf32, #tpu.memory_space<vmem>>, vector<16xf32>
    %broadcast_in_dim3A_25 = vector.shape_cast %get3A_24 : vector<16xf32> to vector<1x16xf32>
    %add3A_26 = vector.broadcast %broadcast_in_dim3A_25 : vector<1x16xf32> to vector<1024x16xf32>
    %add3A_27 = arith.addf %mul3A_22, %add3A_26 : vector<1024x16xf32>
    %reduce_max3A = arith.constant dense<0xFF800000> : vector<1024xf32>
    %reduce_max3A_28 = vector.multi_reduction <maximumf>, %add3A_27, %reduce_max3A [1] : vector<1024x16xf32> to vector<1024xf32>
    %broadcast_in_dim3A_29 = vector.shape_cast %reduce_max3A_28 : vector<1024xf32> to vector<1024x1xf32>
    %sub3A = vector.broadcast %broadcast_in_dim3A_29 : vector<1024x1xf32> to vector<1024x16xf32>
    %sub3A_30 = arith.subf %add3A_27, %sub3A : vector<1024x16xf32>
    %exp3A = math.exp %sub3A_30 : vector<1024x16xf32>
    %reduce_sum3A_31 = arith.constant dense<0.000000e+00> : vector<1024xf32>
    %reduce_sum3A_32 = vector.multi_reduction <add>, %exp3A, %reduce_sum3A_31 [1] : vector<1024x16xf32> to vector<1024xf32>
    %broadcast_in_dim3A_33 = vector.shape_cast %reduce_sum3A_32 : vector<1024xf32> to vector<1024x1xf32>
    %log3A = math.log %broadcast_in_dim3A_33 : vector<1024x1xf32>
    %add3A_34 = arith.addf %broadcast_in_dim3A_29, %log3A : vector<1024x1xf32>
    %sub3A_35 = vector.broadcast %add3A_34 : vector<1024x1xf32> to vector<1024x16xf32>
    %sub3A_36 = arith.subf %add3A_27, %sub3A_35 : vector<1024x16xf32>
    %swap3A = arith.constant 0 : index
    %swap3A_37 = arith.constant 0 : index
    %swap3A_38 = vector.load %arg5[%swap3A, %swap3A_37] : memref<1024x16xf32, #tpu.memory_space<vmem>>, vector<1024x16xf32>
    tpu.vector_store %arg5[%swap3A, %swap3A_37], %sub3A_36 {strides = array<i32>} : memref<1024x16xf32, #tpu.memory_space<vmem>>, vector<1024x16xf32>,
    return
  }
  func.func @transform_0(%arg0: i32) -> (i32, i32, i32) {
    %c0_i32 = arith.constant 0 : i32
    %c0_i32_0 = arith.constant 0 : i32
    %c0_i32_1 = arith.constant 0 : i32
    return %c0_i32, %arg0, %c0_i32_0 : i32, i32, i32
  }
  func.func @transform_1(%arg0: i32) -> (i32, i32) {
    %c0_i32 = arith.constant 0 : i32
    %c0_i32_0 = arith.constant 0 : i32
    return %arg0, %c0_i32 : i32, i32
  }
  func.func @transform_2(%arg0: i32) -> (i32, i32) {
    %c0_i32 = arith.constant 0 : i32
    %c0_i32_0 = arith.constant 0 : i32
    return %c0_i32, %arg0 : i32, i32
  }
  func.func @transform_3(%arg0: i32) -> i32 {
    %c0_i32 = arith.constant 0 : i32
    %c0_i32_0 = arith.constant 0 : i32
    return %c0_i32 : i32
  }
  func.func @transform_4(%arg0: i32) -> (i32, i32) {
    %c0_i32 = arith.constant 0 : i32
    %c0_i32_0 = arith.constant 0 : i32
    return %arg0, %c0_i32 : i32, i32
  }
}

</mosaic_0001>

<sc_bundles>
// kernel: kernel.11.cloned.1.call-start
scs
__scs_entry_jumppad:
0x0: {  	(pc) =	sbr.rel $0x88, $3  }
0x1: {  	(tag) =	ssettag $0x0;
	lr =	simm.s32 $0x1  }
0x2: {  	[smem:$0x3F9B] =	sst lr;
	_ =	strace $0xD0000000  }
0x3: {  	_ = 	snop  }
0x4: {  	_ = 	snop  }
0x5: {  	_ = 	snop  }
0x6: {  	_ = 	snop  }
0x7: {  	_ = 	snop  }
__scs_overlays_trampoline_lowered:
0x8: {  	[smem:$0x3FAA] =	sst s0  }
0x9: {  	[smem:$0x3FAB] =	sst s1  }
0xa: {  	[smem:$0x3FAC] =	sst s2  }
0xb: {  	[smem:$0x3FAD] =	sst s3  }
0xc: {  	[smem:$0x3FAE] =	sst s4  }
0xd: {  	[smem:$0x3FAF] =	sst s5  }
0xe: {  	[smem:$0x3FB0] =	sst s6  }
0xf: {  	[smem:$0x3FB1] =	sst s7  }
0x10: {  	[smem:$0x3FB2] =	sst s8  }
0x11: {  	[smem:$0x3FB3] =	sst s9;
	s0 =	simm.s32 @!p0 $0x0  }
0x12: {  	s1 =	sld [smem:$0x3F99];
	s0 =	simm.s32 @p0 $0x1  }
0x13: {  	[smem:$0x3FB4] =	sst s0;
	s0 =	simm.s32 @!p1 $0x0  }
0x14: {  	s2 =	sld [smem:$0x3F98];
	s0 =	simm.s32 @p1 $0x1  }
0x15: {  	[smem:$0x3FB5] =	sst s0;
	s0 =	simm.s32 @!p2 $0x0  }
0x16: {  	s3 =	sld [smem:$0x3FDB];
	s0 =	simm.s32 @p2 $0x1  }
0x17: {  	s4 =	simm.s32 $0x1BF5;
	[smem:$0x3FB7] =	sst s0  }
0x18: {  	s0 =	sld [smem:$0x3F9A];
	_ =	swait.ge [sflag:s4], $0x0  }
0x19: {  	s7 =	sld [smem:$0x3F9B]  }
0x1a: {  	s8 =	sadd.s32 $0xFFFFE003, lr  }
0x1b: {  	s9 =	sadd.s32 $0xFFFFFEF7, lr;
	s5 =	simm.s32 $0xFFFFFFFF;
	p2 =	slt.u32 s8, $0xFFFFF086  }
0x1c: {  	p1 =	slt.u32 s9, $0xF7A;
	s5 =	simm.s32 @!p2 $0x0  }
0x1d: {  	s5 =	simm.s32 @p1 $0x1;
	p0 =	seq.s32 s7, s2  }
0x1e: {  	s7 =	smul.u32 @!p0 $0xF7A, s2;
	p2 =	seq.s32 @!p0 s5, $0x0  }
0x1f: {  	s9 =	smul.u32 $0xF7A, s1;
	s8 =	simm.s32 @!p0 $0x1BF5;
	p2 =	por !p2, p0  }
0x20: {  	[sflag:s8] =	ssyncset.s32 @!p0 $0xFFFFF086;
	s6 =	sadd.s32 @!p0 s3, s7;
	s7 =	simm.s32 @!p0 $0x108  }
0x21: {  	s3 =	sadd.s32 s3, s9;
	s6 =	sadd.s32 @!p0 $0x88, s6;
	s7 =	simm.s32 @p2 $0x1082  }
0x22: {  	[simem:s7], [sflag:s8] =	dma.local @!p0 [hbm:s6], $0xF7A  }
0x23: {  	s9 =	sor.u32 $0xD0000000, s2;
	s6 =	simm.s32 $0x108;
	_ =	swait.ge @!p0 [sflag:s8], $0x0  }
0x24: {  	s3 =	sadd.s32 $0x88, s3;
	s6 =	simm.s32 @!p1 $0x1082;
	[sflag:s4] =	ssyncset.s32 $0xFFFFF086  }
0x25: {  	[simem:s6], [sflag:s4] =	dma.local [hbm:s3], $0xF7A  }
0x26: {  	[smem:$0x3F9B] =	sst s1;
	(tag) =	ssettag s2;
	_ =	strace s9  }
0x27: {  	s1 =	sld [smem:$0x3FAB]  }
0x28: {  	s2 =	sld [smem:$0x3FAC]  }
0x29: {  	s4 =	sld [smem:$0x3FAE]  }
0x2a: {  	p0 =	seq.s32 s5, $0x0;
	s5 =	sld [smem:$0x3FAF]  }
0x2b: {  	s6 =	sld [smem:$0x3FB0]  }
0x2c: {  	s7 =	sld [smem:$0x3FB1]  }
0x2d: {  	s3 =	simm.s32 $0x108;
	s8 =	sld [smem:$0x3FB2]  }
0x2e: {  	s3 =	simm.s32 @!p0 $0x1082;
	s9 =	sld [smem:$0x3FB3]  }
0x2f: {  	lr =	sadd.s32 s0, s3;
	s0 =	sld [smem:$0x3FAA]  }
0x30: {  	s3 =	sld [smem:$0x3FAD]  }
0x31: {  	[smem:$0x3FB6] =	sst s10  }
0x32: {  	s10 =	sld [smem:$0x3FB4];
	_ =	sdelay $0x3  }
0x33: {  	p0 =	seq.s32 s10, $0x1;
	s10 =	sld [smem:$0x3FB6];
	_ =	sdelay $0x3  }
0x34: {  	[smem:$0x3FB6] =	sst s10  }
0x35: {  	s10 =	sld [smem:$0x3FB5];
	_ =	sdelay $0x3  }
0x36: {  	p1 =	seq.s32 s10, $0x1;
	s10 =	sld [smem:$0x3FB6];
	_ =	sdelay $0x3  }
0x37: {  	[smem:$0x3FB6] =	sst s10  }
0x38: {  	s10 =	sld [smem:$0x3FB7]  }
0x39: {  	_ = 	snop;
	(pc) =	sbr.ind lr, $3  }
0x3a: {  	_ = 	snop  }
0x3b: {  	_ = 	snop  }
0x3c: {  	p2 =	seq.s32 s10, $0x1;
	s10 =	sld [smem:$0x3FB6]  }
0x3d: {  	_ =	shalt  }
0x3e: {  	_ =	shalt  }
0x3f: {  	_ =	shalt  }
0x40: {  	_ =	shalt  }
0x41: {  	_ =	shalt  }
0x42: {  	_ =	shalt  }
0x43: {  	_ =	shalt  }
0x44: {  	_ =	shalt  }
0x45: {  	_ =	shalt  }
0x46: {  	_ =	shalt  }
0x47: {  	_ =	shalt  }
0x48: {  	_ =	shalt  }
0x49: {  	_ =	shalt  }
0x4a: {  	_ =	shalt  }
0x4b: {  	_ =	shalt  }
0x4c: {  	_ =	shalt  }
0x4d: {  	_ =	shalt  }
0x4e: {  	_ =	shalt  }
0x4f: {  	_ =	shalt  }
0x50: {  	_ =	shalt  }
0x51: {  	_ =	shalt  }
0x52: {  	_ =	shalt  }
0x53: {  	_ =	shalt  }
0x54: {  	_ =	shalt  }
0x55: {  	_ =	shalt  }
0x56: {  	_ =	shalt  }
0x57: {  	_ =	shalt  }
0x58: {  	_ =	shalt  }
0x59: {  	_ =	shalt  }
0x5a: {  	_ =	shalt  }
0x5b: {  	_ =	shalt  }
0x5c: {  	_ =	shalt  }
0x5d: {  	_ =	shalt  }
0x5e: {  	_ =	shalt  }
0x5f: {  	_ =	shalt  }
0x60: {  	_ =	shalt  }
0x61: {  	_ =	shalt  }
0x62: {  	_ =	shalt  }
0x63: {  	_ =	shalt  }
0x64: {  	_ =	shalt  }
0x65: {  	_ =	shalt  }
0x66: {  	_ =	shalt  }
0x67: {  	_ =	shalt  }
0x68: {  	_ =	shalt  }
0x69: {  	_ =	shalt  }
0x6a: {  	_ =	shalt  }
0x6b: {  	_ =	shalt  }
0x6c: {  	_ =	shalt  }
0x6d: {  	_ =	shalt  }
0x6e: {  	_ =	shalt  }
0x6f: {  	_ =	shalt  }
0x70: {  	_ =	shalt  }
0x71: {  	_ =	shalt  }
0x72: {  	_ =	shalt  }
0x73: {  	_ =	shalt  }
0x74: {  	_ =	shalt  }
0x75: {  	_ =	shalt  }
0x76: {  	_ =	shalt  }
0x77: {  	_ =	shalt  }
0x78: {  	_ =	shalt  }
0x79: {  	_ =	shalt  }
0x7a: {  	_ =	shalt  }
0x7b: {  	_ =	shalt  }
0x7c: {  	_ =	shalt  }
0x7d: {  	_ =	shalt  }
0x7e: {  	_ =	shalt  }
0x7f: {  	_ =	shalt  }
0x80: {  	_ =	shalt  }
0x81: {  	_ =	shalt  }
0x82: {  	_ =	shalt  }
0x83: {  	_ =	shalt  }
0x84: {  	_ =	shalt  }
0x85: {  	_ =	shalt  }
0x86: {  	_ =	shalt  }
0x87: {  	_ =	shalt  }
.Lfunc_end0:
.L_simem_size_0:
called_computation.1_lowered:
.L_overlay_start_0:
0x88: {  	s2 =	sld [smem:$0x3FD9]  }
0x89: {  	s3 =	sld [smem:$0x3FFE];
	_ =	sdelay $0x1  }
0x8a: {  	s1 =	srdreg.scid  }
0x8b: {  	s0 =	sand.u32 $0x1, s1  }
0x8c: {  	s16 =	sshll.u32 s0, $0xA;
	s2 =	sadd.s32 s3, s2  }
0x8d: {  	s2 =	sadd.s32 s2, s16  }
0x8e: {  	[smem:$0x3FC2] =	sst s2  }
0x8f: {  	_ = 	snop  }
0x90: {  	(tm) =	ssettm $0x1  }
0x91: {  	s17 =	sld [smem:$0x3FFB];
	_ =	sdelay $0x3  }
0x92: {  	_ =	strace s17  }
0x93: {  	s2 =	sld [smem:$0x3FFC];
	_ =	sdelay $0x3  }
0x94: {  	_ =	strace s2  }
0x95: {  	s2 =	sld [smem:$0x3FFD];
	_ =	sdelay $0x3  }
0x96: {  	_ =	strace s2  }
0x97: {  	_ =	strace $0x8FFFFFFF  }
0x98: {  	s18 =	sld [smem:$0x3FDB];
	_ =	sdelay $0x1  }
0x99: {  	s19 =	simm.s32 $_scs_section_size  }
0x9a: {  	s4 =	simm.s32 $_size__tile_overlayer_lowered;
	s5 =	simm.s32 $_tile_overlayer_lowered  }
0x9b: {  	s22 =	simm.s32 $0x1BFF;
	s21 =	sshll.u32 s5, $0x1;
	s2 =	sadd.s32 s19, s18  }
0x9c: {  	s6 =	simm.s32 $0x0;
	s20 =	sshll.u32 s4, $0x1;
	s4 =	sadd.s32 s21, s2  }
0x9d: {  	[timem:s6], [sflag:s22] =	dma.local [hbm:s4], s20  }
0x9e: {  	_ =	swait.ge [sflag:s22], s20  }
0x9f: {  	s3 =	ssub.s32 $0x0, s20;
	[sflag:s22] =	ssyncset.done $0x0  }
0xa0: {  	[sflag:s22] =	ssyncadd.s32 s3;
	_ =	sdelay $0x1  }
0xa1: {  	s23 =	simm.s32 $0x1B8B  }
0xa2: {  	_ =	swait.ge [sflag:s23], $0x1  }
0xa3: {  	[sflag:s23] =	ssyncset.done $0x0  }
0xa4: {  	s25 =	simm.s32 $0x1B8E;
	s24 =	sld [smem:$0x3FFE];
	[sflag:s23] =	ssyncadd.s32 $0xFFFFFFFF  }
0xa5: {  	s26 =	simm.s32 $execute0_lowered;
	[smem:$0x3FD2] =	sst s25  }
0xa6: {  	s4 =	sshll.u32 s26, $0x1;
	_ =	strace $0x80000049;
	[dreg:$0x1] =	wrdreg $0xFFFFFFFF  }
0xa7: {  	s28 =	simm.s32 $_size_execute0_lowered;
	s2 =	sadd.s32 s2, s4;
	[dreg:$0x0] =	wrdreg $0x0  }
0xa8: {  	s4 =	sshll.u32 s28, $0x1;
	[dreg:$0x2] =	wrdreg s2  }
0xa9: {  	[dreg:$0x3] =	wrdreg s4  }
0xaa: {  	[dreg:$0x4] =	wrdreg $0xC0  }
0xab: {  	_ =	task [dreg:s6], $0x5FFFF  }
0xac: {  	[dreg:$0x1] =	wrdreg $0xFFFFFFFF  }
0xad: {  	[dreg:$0x0] =	wrdreg $0x60  }
0xae: {  	[dreg:$0x2] =	wrdreg s24  }
0xaf: {  	[dreg:$0x3] =	wrdreg $0xB8000  }
0xb0: {  	[dreg:$0x4] =	wrdreg $0x9  }
0xb1: {  	_ =	task.clear_ibuf [dreg:s6], $0x5FFFF;
	_ =	strace $0x90000049  }
0xb2: {  	s29 =	simm.s32 $0x9;
	_ =	strace $0x8000004B  }
0xb3: {  	_ =	swait.ge [sflag:s29], $0x1  }
0xb4: {  	[sflag:s29] =	ssyncadd.s32 $0xFFFFFFFF  }
0xb5: {  	_ =	strace $0x9000004B  }
0xb6: {  	_ =	sfence  }
0xb7: {  	s30 =	sld [smem:$0x0];
	_ =	sdelay $0x2  }
0xb8: {  	s31 =	sshll.u32 s1, $0xD;
	s1 =	sshrl.u32 s1, $0x2  }
0xb9: {  	s3 =	sand.u32 $0x4000, s31;
	s1 =	sadd.s32 s1, s30  }
0xba: {  	s0 =	sor.u32 s3, s0;
	s1 =	sshll.u32 s1, $0x11  }
0xbb: {  	s0 =	sor.u32 s1, s0  }
0xbc: {  	s0 =	sadd.s32 $0x8F2B, s0  }
0xbd: {  	[sflag:s0] =	ssyncadd.remote.s32 $0x1  }
0xbe: {  	_ =	sfence.sel $0xFFFF  }
0xbf: {  	[dreg:$0x0] =	wrdreg $0xFFFFFFFF;
	(pc) =	sbr.abs _section_cstart, $3  }
0xc0: {  	[dreg:$0x1] =	wrdreg $0xFFFFFFFF  }
0xc1: {  	_ =	task.clear_ibuf [dreg:s6], $0x2FFFF;
	_ =	strace $0x9FFFFFFF  }
0xc2: {  	(tm) =	ssettm $0x7FFFFFFF  }
0xc3: {  	_ =	shalt  }
tec
execute0_lowered:
.L_overlay_start_1:
0x0: {  	(tag) =	ssettag $0x1  }
0x1: {  	s0 =	rddreg [dreg:$0x0]  }
0x2: {  	s2 =	srdreg.scid;
	s1 =	simm.s32 $0x0;
	s18 =	stileid.u32  }
0x3: {  	s31 =	simm.s32 $0x4000;
	s2 =	sand.u32 $0x1, s2;
	[smem:$0x7FF] =	sst s1  }
0x4: {  	s4 =	smul.u32 $0x280, s18;
	s5 =	sadd.s32 $0x34200, s0;
	s6 =	sadd.s32 $0x1FC00, s0  }
0x5: {  	s8 =	sadd.s32 $0x66A00, s0;
	s20 =	sshll.u32 s18, $0xB;
	s10 =	smul.u32 $0x1400, s18  }
0x6: {  	s16 =	smul.u32 $0x14000, s18;
	s3 =	ssub.s32 $0x2, s2;
	s21 =	sadd.s32 s5, s20  }
0x7: {  	s22 =	sadd.s32 s6, s20;
	s23 =	sor.u32 $0x200, s20;
	s24 =	sor.u32 $0x400, s20  }
0x8: {  	p0 =	sne.s32 s2, $0x0;
	s7 =	sshrl.u32 s3, $0x1;
	[dreg:$0x5] =	wrdreg s21  }
0x9: {  	s19 =	sor.u32 $0x8000, s4;
	s4 =	sshll.u32 s4, $0x7;
	[dreg:$0x6] =	wrdreg s22  }
0xa: {  	s10 =	sshrl.u32 s10, $0x3;
	s15 =	sadd.s32 s5, s23;
	s25 =	sadd.s32 s5, s24  }
0xb: {  	s26 =	sadd.s32 s6, s24;
	s3 =	ssub.s32 s3, s7;
	[dreg:$0x9] =	wrdreg s15  }
0xc: {  	s9 =	sadd.s32 s5, s19;
	s7 =	sadd.s32 s6, s19;
	[dreg:$0xb] =	wrdreg s25  }
0xd: {  	s11 =	sadd.s32 $0x7800, s4;
	s12 =	sadd.s32 $0xB400, s4;
	[dreg:$0xc] =	wrdreg s26  }
0xe: {  	s10 =	sadd.s32 $0x8180, s10;
	s13 =	sadd.s32 $0xF000, s4;
	[dreg:$0x3] =	wrdreg s9  }
0xf: {  	s25 =	smul.u32 $0x50000, s18;
	s18 =	simm.s32 $0x7;
	[dreg:$0x4] =	wrdreg s7  }
0x10: {  	s7 =	sor.u32 $0x3C00, s4;
	s4 =	sadd.s32 $0x12C00, s4;
	s14 =	sadd.s32 s5, s10  }
0x11: {  	s10 =	sadd.s32 s6, s10;
	s9 =	sor.u32 $0x600, s20;
	[dreg:$0x7] =	wrdreg s14  }
0x12: {  	s30 =	smax.u32 s3, $0x1;
	s3 =	simm.s32 $0x0;
	[dreg:$0x8] =	wrdreg s10  }
0x13: {  	s14 =	smul.u32 $0x140000, s2;
	s10 =	sadd.s32 s6, s23;
	s5 =	sadd.s32 s5, s9  }
0x14: {  	s6 =	sadd.s32 s6, s9;
	s26 =	sshrl.u32 s25, $0x2;
	[dreg:$0xa] =	wrdreg s10  }
0x15: {  	s9 =	simm.s32 $0x4;
	s2 =	simm.s32 $0x6;
	[dreg:$0xd] =	wrdreg s5  }
0x16: {  	[dreg:$0xe] =	wrdreg s6;
	s10 =	sadd.s32 s16, s14;
	s15 =	sadd.s32 s14, s7  }
0x17: {  	s17 =	sadd.s32 s14, s11;
	s20 =	sadd.s32 s14, s12;
	s22 =	sadd.s32 s14, s13  }
0x18: {  	s24 =	sadd.s32 s14, s4;
	s5 =	sshrl.u32 s10, $0x3;
	s16 =	sshrl.u32 s15, $0x3  }
0x19: {  	s19 =	sshrl.u32 s17, $0x3;
	s21 =	sshrl.u32 s20, $0x3;
	s23 =	sshrl.u32 s22, $0x3  }
0x1a: {  	s6 =	sshrl.u32 s24, $0x3;
	s22 =	sadd.s32 $0x3EA00, s0;
	s0 =	simm.s32 $0x5  }
0x1b: {  	s10 =	simm.s32 $0x7C00;
	s5 =	sadd.s32 s8, s5;
	s17 =	sadd.s32 s8, s21  }
0x1c: {  	s20 =	sadd.s32 s8, s23;
	s21 =	sadd.s32 s8, s6;
	s6 =	simm.s32 $0x1000  }
0x1d: {  	[dreg:$0xf] =	wrdreg s5;
	s5 =	sadd.s32 s8, s16;
	s16 =	sadd.s32 s8, s19  }
.Ltmp0:
0x1e: {  	s19 =	rddreg [dreg:$0x1];
	s8 =	simm.s32 $0x78;
	(pc) =	sbr.rel .LBB2_1-.Ltmp0, $4  }
0x1f: {  	[dreg:$0x10] =	wrdreg s5;
	s23 =	sadd.s32 s26, s19;
	s24 =	sadd.s32 s7, s19  }
0x20: {  	s25 =	sadd.s32 s11, s19;
	s26 =	sadd.s32 s12, s19;
	s28 =	sadd.s32 s13, s19  }
0x21: {  	s29 =	sadd.s32 s4, s19;
	s7 =	simm.s32 $0x3000;
	s11 =	simm.s32 $0x1  }
0x22: {  	v0 =	vimm.f32 $0.0e+00;
	s12 =	simm.s32 $0x3;
	s13 =	simm.s32 $0x2;
	_ =	strace $0x8000004A  }
.LBB2_12:
0x23: {  	[tilespmem:s10], [sflag:$0x2] =	stream.indirect.gather [hbm4b:s22+s8], $0x80, s5, s8, $0xb8;
	[tilespmem:$0x1F800] =	vst v63  }
0x24: {  	s4 =	simm.s32 $0x3F80;
	s5 =	simm.s32 $0x3F00  }
.LBB2_16:
0x25: {  	_ =	swait.ge [sflag:s11], $0x3C00  }
0x26: {  	[sflag:s11] =	ssyncset.done $0x0  }
0x27: {  	[sflag:s11] =	ssyncadd.s32 $0xFFFFC400  }
0x28: {  	[spmem:s19] =	stream.indirect.scatter.add.f32 [tilespmem:s31], [sflag:$0x3], $0x80, s5, s8, $0xb8;
	[tilespmem:$0x1F800] =	vst v63  }
0x29: {  	_ =	swait.ge [sflag:s12], $0x3C00  }
0x2a: {  	[sflag:s12] =	ssyncset.done $0x0  }
0x2b: {  	[sflag:s12] =	ssyncadd.s32 $0xFFFFC400  }
0x2c: {  	_ =	swait.ge [sflag:s13], $0x3C00  }
0x2d: {  	[sflag:s13] =	ssyncset.done $0x0  }
0x2e: {  	[sflag:s13] =	ssyncadd.s32 $0xFFFFC400  }
0x2f: {  	[spmem:s19] =	stream.indirect.scatter.add.f32 [tilespmem:s10], [sflag:$0x4], $0x80, s4, s8, $0xb8;
	[tilespmem:$0x1F800] =	vst v63  }
0x30: {  	_ =	swait.ge [sflag:s9], $0x3C00  }
0x31: {  	[sflag:s9] =	ssyncset.done $0x0  }
0x32: {  	[sflag:s9] =	ssyncadd.s32 $0xFFFFC400  }
0x33: {  	[bflag:$0x0] =	sbarrier.arrive $0xFFFF  }
0x34: {  	[tilespmem:s31], [sflag:$0x7] =	stream.linear.gather [spmem:s23], $0x3C00, $0x38;
	[tilespmem:$0x1F800] =	vst v63  }
0x35: {  	_ =	swait.ge [sflag:s18], $0x3C00  }
0x36: {  	[sflag:s18] =	ssyncset.done $0x0  }
0x37: {  	s14 =	rddreg [dreg:$0xf];
	[sflag:s18] =	ssyncadd.s32 $0xFFFFC400  }
0x38: {  	[hbm4b:s14+s1] =	stream.linear.scatter [tilespmem:s31], [sflag:$0x7], $0x3C00, $0x38;
	[tilespmem:$0x1F800] =	vst v63  }
0x39: {  	_ =	swait.ge [sflag:s18], $0x3C00  }
0x3a: {  	[sflag:s18] =	ssyncset.done $0x0  }
0x3b: {  	[sflag:s18] =	ssyncadd.s32 $0xFFFFC400  }
0x3c: {  	[tilespmem:s31], [sflag:$0x7] =	stream.linear.gather [spmem:s24], $0x3C00, $0x38;
	[tilespmem:$0x1F800] =	vst v63  }
0x3d: {  	_ =	swait.ge [sflag:s18], $0x3C00  }
0x3e: {  	[sflag:s18] =	ssyncset.done $0x0  }
0x3f: {  	s15 =	rddreg [dreg:$0x10];
	[sflag:s18] =	ssyncadd.s32 $0xFFFFC400  }
0x40: {  	[hbm4b:s15+s1] =	stream.linear.scatter [tilespmem:s31], [sflag:$0x7], $0x3C00, $0x38;
	[tilespmem:$0x1F800] =	vst v63  }
0x41: {  	_ =	swait.ge [sflag:s18], $0x3C00  }
0x42: {  	[sflag:s18] =	ssyncset.done $0x0  }
0x43: {  	[sflag:s18] =	ssyncadd.s32 $0xFFFFC400  }
0x44: {  	[tilespmem:s31], [sflag:$0x7] =	stream.linear.gather [spmem:s25], $0x3C00, $0x38;
	[tilespmem:$0x1F800] =	vst v63  }
0x45: {  	_ =	swait.ge [sflag:s18], $0x3C00  }
0x46: {  	[sflag:s18] =	ssyncset.done $0x0  }
0x47: {  	[sflag:s18] =	ssyncadd.s32 $0xFFFFC400  }
0x48: {  	[hbm4b:s16+s1] =	stream.linear.scatter [tilespmem:s31], [sflag:$0x7], $0x3C00, $0x38;
	[tilespmem:$0x1F800] =	vst v63  }
0x49: {  	_ =	swait.ge [sflag:s18], $0x3C00  }
0x4a: {  	[sflag:s18] =	ssyncset.done $0x0  }
0x4b: {  	[sflag:s18] =	ssyncadd.s32 $0xFFFFC400  }
0x4c: {  	[tilespmem:s31], [sflag:$0x7] =	stream.linear.gather [spmem:s26], $0x3C00, $0x38;
	[tilespmem:$0x1F800] =	vst v63  }
0x4d: {  	_ =	swait.ge [sflag:s18], $0x3C00  }
0x4e: {  	[sflag:s18] =	ssyncset.done $0x0  }
0x4f: {  	[sflag:s18] =	ssyncadd.s32 $0xFFFFC400  }
0x50: {  	[hbm4b:s17+s1] =	stream.linear.scatter [tilespmem:s31], [sflag:$0x7], $0x3C00, $0x38;
	[tilespmem:$0x1F800] =	vst v63  }
0x51: {  	_ =	swait.ge [sflag:s18], $0x3C00  }
0x52: {  	[sflag:s18] =	ssyncset.done $0x0  }
0x53: {  	[sflag:s18] =	ssyncadd.s32 $0xFFFFC400  }
0x54: {  	[tilespmem:s31], [sflag:$0x7] =	stream.linear.gather [spmem:s28], $0x3C00, $0x38;
	[tilespmem:$0x1F800] =	vst v63  }
0x55: {  	_ =	swait.ge [sflag:s18], $0x3C00  }
0x56: {  	[sflag:s18] =	ssyncset.done $0x0  }
0x57: {  	[sflag:s18] =	ssyncadd.s32 $0xFFFFC400  }
0x58: {  	[hbm4b:s20+s1] =	stream.linear.scatter [tilespmem:s31], [sflag:$0x7], $0x3C00, $0x38;
	[tilespmem:$0x1F800] =	vst v63  }
0x59: {  	_ =	swait.ge [sflag:s18], $0x3C00  }
0x5a: {  	[sflag:s18] =	ssyncset.done $0x0  }
0x5b: {  	[sflag:s18] =	ssyncadd.s32 $0xFFFFC400  }
0x5c: {  	[tilespmem:s31], [sflag:$0x7] =	stream.linear.gather [spmem:s29], $0x1400, $0x38;
	[tilespmem:$0x1F800] =	vst v63  }
0x5d: {  	s3 =	sadd.s32 $0x1, s3;
	_ =	swait.ge [sflag:s18], $0x1400  }
0x5e: {  	p1 =	sne.s32 s3, s30;
	[sflag:s18] =	ssyncset.done $0x0  }
.Ltmp1:
0x5f: {  	[sflag:s18] =	ssyncadd.s32 $0xFFFFEC00;
	(pc) =	sbr.rel @!p1 .LBB2_17-.Ltmp1, $4  }
0x60: {  	[hbm4b:s21+s1] =	stream.linear.scatter [tilespmem:s31], [sflag:$0x7], $0x1400, $0x38;
	[tilespmem:$0x1F800] =	vst v63  }
0x61: {  	_ =	swait.ge [sflag:s18], $0x1400  }
0x62: {  	[sflag:s18] =	ssyncset.done $0x0  }
0x63: {  	[sflag:s18] =	ssyncadd.s32 $0xFFFFEC00  }
.LBB2_1:
0x64: {  	s4 =	simm.s32 @p0 $0x0;
	s5 =	rddreg [dreg:$0x3]  }
0x65: {  	[tilespmem:s4], [sflag:$0x5] =	stream.linear.gather @p0 [hbm4b:s5+s4], $0xC00, $0x38;
	[tilespmem:$0x1F800] =	vst v63  }
0x66: {  	s14 =	rddreg [dreg:$0x4];
	s5 =	simm.s32 @p0 $0x2000  }
0x67: {  	[tilespmem:s5], [sflag:$0x5] =	stream.linear.gather @p0 [hbm4b:s14+s4], $0xC00, $0x38;
	[tilespmem:$0x1F800] =	vst v63  }
0x68: {  	s4 =	simm.s32 @!p0 $0x0;
	s5 =	rddreg [dreg:$0x5]  }
0x69: {  	[tilespmem:s4], [sflag:$0x5] =	stream.linear.gather @!p0 [hbm4b:s5+s4], $0x1000, $0x38;
	[tilespmem:$0x1F800] =	vst v63  }
0x6a: {  	s14 =	rddreg [dreg:$0x6];
	s5 =	simm.s32 @!p0 $0x2000  }
0x6b: {  	[tilespmem:s5], [sflag:$0x5] =	stream.linear.gather @!p0 [hbm4b:s14+s4], $0x1000, $0x38;
	[tilespmem:$0x1F800] =	vst v63  }
0x6c: {  	s5 =	sand.u32 $0xFE00, s1  }
0x6d: {  	s14 =	sand.u32 $0x70, s1;
	s15 =	sshrl.u32 s5, $0x2  }
0x6e: {  	s4 =	simm.s32 $0x40;
	s5 =	simm.s32 $0x0;
	s14 =	sor.u32 s14, s15  }
.LBB2_2:
0x6f: {  	p1 =	sne.s32 s4, $0xEFC0  }
0x70: {  	[tilespmem:s14+$0x4000] =	vst v0;
	s5 =	sadd.s32 $0x10, s5;
	s14 =	smov.u32 s4;
	s4 =	sadd.s32 $0x40, s4  }
.Ltmp2:
0x71: {  	(pc) =	sbr.rel @p1 .LBB2_2-.Ltmp2, $4  }
0x72: {  	_ = 	snop  }
0x73: {  	s14 =	sand.u32 $0xFE00, s14  }
0x74: {  	s15 =	sand.u32 $0x70, s5;
	s14 =	sshrl.u32 s14, $0x2  }
0x75: {  	s14 =	sor.u32 s15, s14  }
0x76: {  	[tilespmem:s14+$0x4000] =	vst v0  }
0x77: {  	[spmem:s23] =	stream.linear.scatter [tilespmem:s31], [sflag:$0x7], $0x3C00, $0x38;
	[tilespmem:$0x1F800] =	vst v63  }
0x78: {  	_ =	swait.ge [sflag:s18], $0x3C00  }
0x79: {  	[sflag:s18] =	ssyncset.done $0x0  }
0x7a: {  	[sflag:s18] =	ssyncadd.s32 $0xFFFFC400  }
0x7b: {  	[spmem:s24] =	stream.linear.scatter [tilespmem:s31], [sflag:$0x7], $0x3C00, $0x38;
	[tilespmem:$0x1F800] =	vst v63  }
0x7c: {  	_ =	swait.ge [sflag:s18], $0x3C00  }
0x7d: {  	[sflag:s18] =	ssyncset.done $0x0  }
0x7e: {  	[sflag:s18] =	ssyncadd.s32 $0xFFFFC400  }
0x7f: {  	[spmem:s25] =	stream.linear.scatter [tilespmem:s31], [sflag:$0x7], $0x3C00, $0x38;
	[tilespmem:$0x1F800] =	vst v63  }
0x80: {  	_ =	swait.ge [sflag:s18], $0x3C00  }
0x81: {  	[sflag:s18] =	ssyncset.done $0x0  }
0x82: {  	[sflag:s18] =	ssyncadd.s32 $0xFFFFC400  }
0x83: {  	[spmem:s26] =	stream.linear.scatter [tilespmem:s31], [sflag:$0x7], $0x3C00, $0x38;
	[tilespmem:$0x1F800] =	vst v63  }
0x84: {  	_ =	swait.ge [sflag:s18], $0x3C00  }
0x85: {  	[sflag:s18] =	ssyncset.done $0x0  }
0x86: {  	[sflag:s18] =	ssyncadd.s32 $0xFFFFC400  }
0x87: {  	[spmem:s28] =	stream.linear.scatter [tilespmem:s31], [sflag:$0x7], $0x3C00, $0x38;
	[tilespmem:$0x1F800] =	vst v63  }
0x88: {  	_ =	swait.ge [sflag:s18], $0x3C00  }
0x89: {  	[sflag:s18] =	ssyncset.done $0x0  }
0x8a: {  	[sflag:s18] =	ssyncadd.s32 $0xFFFFC400  }
0x8b: {  	[spmem:s29] =	stream.linear.scatter [tilespmem:s31], [sflag:$0x7], $0x1400, $0x38;
	[tilespmem:$0x1F800] =	vst v63  }
.Ltmp3:
0x8c: {  	_ =	swait.ge [sflag:s18], $0x1400;
	(pc) =	sbr.rel @p0 .LBB2_13-.Ltmp3, $3  }
0x8d: {  	[sflag:s18] =	ssyncset.done $0x0  }
0x8e: {  	[sflag:s18] =	ssyncadd.s32 $0xFFFFEC00  }
0x8f: {  	[bflag:$0x0] =	sbarrier.arrive $0xFFFF;
	_ =	sdelay $0x1  }
0x90: {  	_ =	swait.ge [sflag:s0], $0x1000  }
0x91: {  	[sflag:s0] =	ssyncset.done $0x0  }
0x92: {  	[sflag:s0] =	ssyncadd.s32 $0xFFFFF000  }
0x93: {  	_ =	swait.ge [sflag:s0], $0x1000  }
0x94: {  	[sflag:s0] =	ssyncset.done $0x0  }
0x95: {  	s4 =	simm.s32 $0x0;
	s5 =	rddreg [dreg:$0x9];
	[sflag:s0] =	ssyncadd.s32 $0xFFFFF000  }
0x96: {  	[tilespmem:s6], [sflag:$0x6] =	stream.linear.gather [hbm4b:s5+s4], $0x1000, $0x38;
	[tilespmem:$0x1F800] =	vst v63  }
0x97: {  	s14 =	rddreg [dreg:$0xa]  }
0x98: {  	[tilespmem:s7], [sflag:$0x6] =	stream.linear.gather [hbm4b:s14+s4], $0x1000, $0x38;
	[tilespmem:$0x1F800] =	vst v63  }
0x99: {  	_ = 	snop  }
0x9a: {  	[tilespmem:s31], [sflag:$0x1] =	stream.indirect.gather [hbm4b:s22+s8], $0x80, s4, s8, $0xb8;
	[tilespmem:$0x1F800] =	vst v63  }
0x9b: {  	s15 =	simm.s32 $0x80  }
0x9c: {  	[tilespmem:s10], [sflag:$0x2] =	stream.indirect.gather [hbm4b:s22+s8], $0x80, s15, s8, $0xb8;
	[tilespmem:$0x1F800] =	vst v63  }
0x9d: {  	_ =	swait.ge [sflag:s11], $0x3C00  }
0x9e: {  	[sflag:s11] =	ssyncset.done $0x0  }
0x9f: {  	s5 =	simm.s32 $0x2000;
	[sflag:s11] =	ssyncadd.s32 $0xFFFFC400  }
0xa0: {  	[spmem:s19] =	stream.indirect.scatter.add.f32 [tilespmem:s31], [sflag:$0x3], $0x80, s5, s8, $0xb8;
	[tilespmem:$0x1F800] =	vst v63  }
0xa1: {  	_ =	swait.ge [sflag:s12], $0x3C00  }
0xa2: {  	[sflag:s12] =	ssyncset.done $0x0  }
0xa3: {  	s14 =	simm.s32 $0x100;
	[sflag:s12] =	ssyncadd.s32 $0xFFFFC400  }
0xa4: {  	[tilespmem:s31], [sflag:$0x1] =	stream.indirect.gather [hbm4b:s22+s8], $0x80, s14, s8, $0xb8;
	[tilespmem:$0x1F800] =	vst v63  }
0xa5: {  	_ =	swait.ge [sflag:s13], $0x3C00  }
0xa6: {  	[sflag:s13] =	ssyncset.done $0x0  }
0xa7: {  	s15 =	simm.s32 $0x2080;
	[sflag:s13] =	ssyncadd.s32 $0xFFFFC400  }
0xa8: {  	[spmem:s19] =	stream.indirect.scatter.add.f32 [tilespmem:s10], [sflag:$0x4], $0x80, s15, s8, $0xb8;
	[tilespmem:$0x1F800] =	vst v63  }
0xa9: {  	_ =	swait.ge [sflag:s9], $0x3C00  }
0xaa: {  	[sflag:s9] =	ssyncset.done $0x0  }
0xab: {  	s4 =	simm.s32 $0x400;
	s5 =	simm.s32 $0x180;
	[sflag:s9] =	ssyncadd.s32 $0xFFFFC400  }
.LBB2_5:
0xac: {  	[tilespmem:s10], [sflag:$0x2] =	stream.indirect.gather [hbm4b:s22+s8], $0x80, s5, s8, $0xb8;
	[tilespmem:$0x1F800] =	vst v63  }
0xad: {  	s5 =	smov.u32 s4  }
0xae: {  	p1 =	sne.s32 s4, $0x3800;
	s4 =	sadd.s32 $0x400, s4;
	_ =	swait.ge [sflag:s11], $0x3C00  }
0xaf: {  	s5 =	sshra.s32 s5, $0x2;
	[sflag:s11] =	ssyncset.done $0x0  }
0xb0: {  	s14 =	sadd.s32 $0x2000, s5;
	[sflag:s11] =	ssyncadd.s32 $0xFFFFC400  }
0xb1: {  	[spmem:s19] =	stream.indirect.scatter.add.f32 [tilespmem:s31], [sflag:$0x3], $0x80, s14, s8, $0xb8;
	[tilespmem:$0x1F800] =	vst v63  }
0xb2: {  	_ =	swait.ge [sflag:s12], $0x3C00  }
0xb3: {  	[sflag:s12] =	ssyncset.done $0x0  }
0xb4: {  	s14 =	sadd.s32 $0x100, s5;
	[sflag:s12] =	ssyncadd.s32 $0xFFFFC400  }
0xb5: {  	[tilespmem:s31], [sflag:$0x1] =	stream.indirect.gather [hbm4b:s22+s8], $0x80, s14, s8, $0xb8;
	[tilespmem:$0x1F800] =	vst v63  }
0xb6: {  	_ =	swait.ge [sflag:s13], $0x3C00  }
0xb7: {  	[sflag:s13] =	ssyncset.done $0x0  }
.Ltmp4:
0xb8: {  	s14 =	sadd.s32 $0x2080, s5;
	[sflag:s13] =	ssyncadd.s32 $0xFFFFC400;
	(pc) =	sbr.rel @p1 .LBB2_5-.Ltmp4, $4  }
0xb9: {  	[spmem:s19] =	stream.indirect.scatter.add.f32 [tilespmem:s10], [sflag:$0x4], $0x80, s14, s8, $0xb8;
	[tilespmem:$0x1F800] =	vst v63  }
0xba: {  	_ =	swait.ge [sflag:s9], $0x3C00  }
0xbb: {  	[sflag:s9] =	ssyncset.done $0x0  }
0xbc: {  	s5 =	sadd.s32 $0x180, s5;
	[sflag:s9] =	ssyncadd.s32 $0xFFFFC400  }
0xbd: {  	[tilespmem:s10], [sflag:$0x2] =	stream.indirect.gather [hbm4b:s22+s8], $0x80, s5, s8, $0xb8;
	[tilespmem:$0x1F800] =	vst v63  }
0xbe: {  	_ =	swait.ge [sflag:s11], $0x3C00  }
0xbf: {  	[sflag:s11] =	ssyncset.done $0x0  }
0xc0: {  	s4 =	simm.s32 $0x2F00;
	[sflag:s11] =	ssyncadd.s32 $0xFFFFC400  }
0xc1: {  	[spmem:s19] =	stream.indirect.scatter.add.f32 [tilespmem:s31], [sflag:$0x3], $0x80, s4, s8, $0xb8;
	[tilespmem:$0x1F800] =	vst v63  }
0xc2: {  	_ =	swait.ge [sflag:s12], $0x3C00  }
0xc3: {  	[sflag:s12] =	ssyncset.done $0x0  }
0xc4: {  	[sflag:s12] =	ssyncadd.s32 $0xFFFFC400  }
0xc5: {  	_ =	swait.ge [sflag:s13], $0x3C00  }
0xc6: {  	[sflag:s13] =	ssyncset.done $0x0  }
0xc7: {  	s14 =	simm.s32 $0x2F80;
	[sflag:s13] =	ssyncadd.s32 $0xFFFFC400  }
0xc8: {  	[spmem:s19] =	stream.indirect.scatter.add.f32 [tilespmem:s10], [sflag:$0x4], $0x80, s14, s8, $0xb8;
	[tilespmem:$0x1F800] =	vst v63  }
0xc9: {  	_ =	swait.ge [sflag:s9], $0x3C00  }
0xca: {  	[sflag:s9] =	ssyncset.done $0x0  }
0xcb: {  	[sflag:s9] =	ssyncadd.s32 $0xFFFFC400  }
0xcc: {  	_ =	swait.ge [sflag:s2], $0x1000  }
0xcd: {  	[sflag:s2] =	ssyncset.done $0x0  }
0xce: {  	[sflag:s2] =	ssyncadd.s32 $0xFFFFF000  }
0xcf: {  	_ =	swait.ge [sflag:s2], $0x1000  }
0xd0: {  	[sflag:s2] =	ssyncset.done $0x0  }
0xd1: {  	s15 =	rddreg [dreg:$0xb];
	[sflag:s2] =	ssyncadd.s32 $0xFFFFF000  }
0xd2: {  	[tilespmem:s1], [sflag:$0x5] =	stream.linear.gather [hbm4b:s15+s1], $0x1000, $0x38;
	[tilespmem:$0x1F800] =	vst v63  }
0xd3: {  	s14 =	simm.s32 $0x2000;
	s5 =	rddreg [dreg:$0xc]  }
0xd4: {  	[tilespmem:s14], [sflag:$0x5] =	stream.linear.gather [hbm4b:s5+s1], $0x1000, $0x38;
	[tilespmem:$0x1F800] =	vst v63  }
0xd5: {  	_ = 	snop  }
0xd6: {  	[tilespmem:s31], [sflag:$0x1] =	stream.indirect.gather [hbm4b:s22+s8], $0x80, s6, s8, $0xb8;
	[tilespmem:$0x1F800] =	vst v63  }
0xd7: {  	s15 =	simm.s32 $0x1080  }
0xd8: {  	[tilespmem:s10], [sflag:$0x2] =	stream.indirect.gather [hbm4b:s22+s8], $0x80, s15, s8, $0xb8;
	[tilespmem:$0x1F800] =	vst v63  }
0xd9: {  	_ =	swait.ge [sflag:s11], $0x3C00  }
0xda: {  	[sflag:s11] =	ssyncset.done $0x0  }
0xdb: {  	s5 =	simm.s32 $0x3000;
	[sflag:s11] =	ssyncadd.s32 $0xFFFFC400  }
0xdc: {  	[spmem:s19] =	stream.indirect.scatter.add.f32 [tilespmem:s31], [sflag:$0x3], $0x80, s5, s8, $0xb8;
	[tilespmem:$0x1F800] =	vst v63  }
0xdd: {  	_ =	swait.ge [sflag:s12], $0x3C00  }
0xde: {  	[sflag:s12] =	ssyncset.done $0x0  }
0xdf: {  	s14 =	simm.s32 $0x1100;
	[sflag:s12] =	ssyncadd.s32 $0xFFFFC400  }
0xe0: {  	[tilespmem:s31], [sflag:$0x1] =	stream.indirect.gather [hbm4b:s22+s8], $0x80, s14, s8, $0xb8;
	[tilespmem:$0x1F800] =	vst v63  }
0xe1: {  	_ =	swait.ge [sflag:s13], $0x3C00  }
0xe2: {  	[sflag:s13] =	ssyncset.done $0x0  }
0xe3: {  	s15 =	simm.s32 $0x3080;
	[sflag:s13] =	ssyncadd.s32 $0xFFFFC400  }
0xe4: {  	[spmem:s19] =	stream.indirect.scatter.add.f32 [tilespmem:s10], [sflag:$0x4], $0x80, s15, s8, $0xb8;
	[tilespmem:$0x1F800] =	vst v63  }
0xe5: {  	_ =	swait.ge [sflag:s9], $0x3C00  }
0xe6: {  	[sflag:s9] =	ssyncset.done $0x0  }
0xe7: {  	s4 =	simm.s32 $0xFFFFC800;
	s5 =	simm.s32 $0x1180;
	[sflag:s9] =	ssyncadd.s32 $0xFFFFC400  }
.LBB2_7:
0xe8: {  	[tilespmem:s10], [sflag:$0x2] =	stream.indirect.gather [hbm4b:s22+s8], $0x80, s5, s8, $0xb8;
	[tilespmem:$0x1F800] =	vst v63  }
0xe9: {  	s5 =	smov.u32 s4  }
0xea: {  	p1 =	sne.s32 s4, $0xFFFFFC00;
	s4 =	sadd.s32 $0x400, s4;
	_ =	swait.ge [sflag:s11], $0x3C00  }
0xeb: {  	s5 =	sshra.s32 s5, $0x2;
	[sflag:s11] =	ssyncset.done $0x0  }
0xec: {  	s14 =	sadd.s32 $0x3F00, s5;
	[sflag:s11] =	ssyncadd.s32 $0xFFFFC400  }
0xed: {  	[spmem:s19] =	stream.indirect.scatter.add.f32 [tilespmem:s31], [sflag:$0x3], $0x80, s14, s8, $0xb8;
	[tilespmem:$0x1F800] =	vst v63  }
0xee: {  	_ =	swait.ge [sflag:s12], $0x3C00  }
0xef: {  	[sflag:s12] =	ssyncset.done $0x0  }
0xf0: {  	s14 =	sadd.s32 $0x2000, s5;
	[sflag:s12] =	ssyncadd.s32 $0xFFFFC400  }
0xf1: {  	[tilespmem:s31], [sflag:$0x1] =	stream.indirect.gather [hbm4b:s22+s8], $0x80, s14, s8, $0xb8;
	[tilespmem:$0x1F800] =	vst v63  }
0xf2: {  	_ =	swait.ge [sflag:s13], $0x3C00  }
0xf3: {  	[sflag:s13] =	ssyncset.done $0x0  }
.Ltmp5:
0xf4: {  	s14 =	sadd.s32 $0x3F80, s5;
	[sflag:s13] =	ssyncadd.s32 $0xFFFFC400;
	(pc) =	sbr.rel @p1 .LBB2_7-.Ltmp5, $4  }
0xf5: {  	[spmem:s19] =	stream.indirect.scatter.add.f32 [tilespmem:s10], [sflag:$0x4], $0x80, s14, s8, $0xb8;
	[tilespmem:$0x1F800] =	vst v63  }
0xf6: {  	_ =	swait.ge [sflag:s9], $0x3C00  }
0xf7: {  	[sflag:s9] =	ssyncset.done $0x0  }
0xf8: {  	s5 =	sadd.s32 $0x2080, s5;
	[sflag:s9] =	ssyncadd.s32 $0xFFFFC400  }
0xf9: {  	[tilespmem:s10], [sflag:$0x2] =	stream.indirect.gather [hbm4b:s22+s8], $0x80, s5, s8, $0xb8;
	[tilespmem:$0x1F800] =	vst v63  }
0xfa: {  	_ =	swait.ge [sflag:s11], $0x3C00  }
0xfb: {  	[sflag:s11] =	ssyncset.done $0x0  }
0xfc: {  	s4 =	simm.s32 $0x3F00;
	[sflag:s11] =	ssyncadd.s32 $0xFFFFC400  }
0xfd: {  	[spmem:s19] =	stream.indirect.scatter.add.f32 [tilespmem:s31], [sflag:$0x3], $0x80, s4, s8, $0xb8;
	[tilespmem:$0x1F800] =	vst v63  }
0xfe: {  	_ =	swait.ge [sflag:s12], $0x3C00  }
0xff: {  	[sflag:s12] =	ssyncset.done $0x0  }
0x100: {  	[sflag:s12] =	ssyncadd.s32 $0xFFFFC400  }
0x101: {  	_ =	swait.ge [sflag:s13], $0x3C00  }
0x102: {  	[sflag:s13] =	ssyncset.done $0x0  }
0x103: {  	s14 =	simm.s32 $0x3F80;
	[sflag:s13] =	ssyncadd.s32 $0xFFFFC400  }
0x104: {  	[spmem:s19] =	stream.indirect.scatter.add.f32 [tilespmem:s10], [sflag:$0x4], $0x80, s14, s8, $0xb8;
	[tilespmem:$0x1F800] =	vst v63  }
0x105: {  	_ =	swait.ge [sflag:s9], $0x3C00  }
0x106: {  	[sflag:s9] =	ssyncset.done $0x0  }
0x107: {  	[sflag:s9] =	ssyncadd.s32 $0xFFFFC400  }
0x108: {  	_ =	swait.ge [sflag:s0], $0x1000  }
0x109: {  	[sflag:s0] =	ssyncset.done $0x0  }
0x10a: {  	[sflag:s0] =	ssyncadd.s32 $0xFFFFF000  }
0x10b: {  	_ =	swait.ge [sflag:s0], $0x1000  }
0x10c: {  	[sflag:s0] =	ssyncset.done $0x0  }
0x10d: {  	s4 =	simm.s32 $0x0;
	s15 =	rddreg [dreg:$0xd];
	[sflag:s0] =	ssyncadd.s32 $0xFFFFF000  }
0x10e: {  	[tilespmem:s6], [sflag:$0x6] =	stream.linear.gather [hbm4b:s15+s4], $0x1000, $0x38;
	[tilespmem:$0x1F800] =	vst v63  }
0x10f: {  	s14 =	rddreg [dreg:$0xe]  }
0x110: {  	[tilespmem:s7], [sflag:$0x6] =	stream.linear.gather [hbm4b:s14+s4], $0x1000, $0x38;
	[tilespmem:$0x1F800] =	vst v63  }
0x111: {  	_ = 	snop  }
0x112: {  	[tilespmem:s31], [sflag:$0x1] =	stream.indirect.gather [hbm4b:s22+s8], $0x80, s4, s8, $0xb8;
	[tilespmem:$0x1F800] =	vst v63  }
0x113: {  	s15 =	simm.s32 $0x80  }
0x114: {  	[tilespmem:s10], [sflag:$0x2] =	stream.indirect.gather [hbm4b:s22+s8], $0x80, s15, s8, $0xb8;
	[tilespmem:$0x1F800] =	vst v63  }
0x115: {  	_ =	swait.ge [sflag:s11], $0x3C00  }
0x116: {  	[sflag:s11] =	ssyncset.done $0x0  }
0x117: {  	s5 =	simm.s32 $0x2000;
	[sflag:s11] =	ssyncadd.s32 $0xFFFFC400  }
0x118: {  	[spmem:s19] =	stream.indirect.scatter.add.f32 [tilespmem:s31], [sflag:$0x3], $0x80, s5, s8, $0xb8;
	[tilespmem:$0x1F800] =	vst v63  }
0x119: {  	_ =	swait.ge [sflag:s12], $0x3C00  }
0x11a: {  	[sflag:s12] =	ssyncset.done $0x0  }
0x11b: {  	s14 =	simm.s32 $0x100;
	[sflag:s12] =	ssyncadd.s32 $0xFFFFC400  }
0x11c: {  	[tilespmem:s31], [sflag:$0x1] =	stream.indirect.gather [hbm4b:s22+s8], $0x80, s14, s8, $0xb8;
	[tilespmem:$0x1F800] =	vst v63  }
0x11d: {  	_ =	swait.ge [sflag:s13], $0x3C00  }
0x11e: {  	[sflag:s13] =	ssyncset.done $0x0  }
0x11f: {  	s15 =	simm.s32 $0x2080;
	[sflag:s13] =	ssyncadd.s32 $0xFFFFC400  }
0x120: {  	[spmem:s19] =	stream.indirect.scatter.add.f32 [tilespmem:s10], [sflag:$0x4], $0x80, s15, s8, $0xb8;
	[tilespmem:$0x1F800] =	vst v63  }
0x121: {  	_ =	swait.ge [sflag:s9], $0x3C00  }
0x122: {  	[sflag:s9] =	ssyncset.done $0x0  }
0x123: {  	s4 =	simm.s32 $0x400;
	s5 =	simm.s32 $0x180;
	[sflag:s9] =	ssyncadd.s32 $0xFFFFC400  }
.LBB2_9:
0x124: {  	[tilespmem:s10], [sflag:$0x2] =	stream.indirect.gather [hbm4b:s22+s8], $0x80, s5, s8, $0xb8;
	[tilespmem:$0x1F800] =	vst v63  }
0x125: {  	s5 =	smov.u32 s4  }
0x126: {  	p1 =	sne.s32 s4, $0x3800;
	s4 =	sadd.s32 $0x400, s4;
	_ =	swait.ge [sflag:s11], $0x3C00  }
0x127: {  	s5 =	sshra.s32 s5, $0x2;
	[sflag:s11] =	ssyncset.done $0x0  }
0x128: {  	s14 =	sadd.s32 $0x2000, s5;
	[sflag:s11] =	ssyncadd.s32 $0xFFFFC400  }
0x129: {  	[spmem:s19] =	stream.indirect.scatter.add.f32 [tilespmem:s31], [sflag:$0x3], $0x80, s14, s8, $0xb8;
	[tilespmem:$0x1F800] =	vst v63  }
0x12a: {  	_ =	swait.ge [sflag:s12], $0x3C00  }
0x12b: {  	[sflag:s12] =	ssyncset.done $0x0  }
0x12c: {  	s14 =	sadd.s32 $0x100, s5;
	[sflag:s12] =	ssyncadd.s32 $0xFFFFC400  }
0x12d: {  	[tilespmem:s31], [sflag:$0x1] =	stream.indirect.gather [hbm4b:s22+s8], $0x80, s14, s8, $0xb8;
	[tilespmem:$0x1F800] =	vst v63  }
0x12e: {  	_ =	swait.ge [sflag:s13], $0x3C00  }
0x12f: {  	[sflag:s13] =	ssyncset.done $0x0  }
.Ltmp6:
0x130: {  	s14 =	sadd.s32 $0x2080, s5;
	[sflag:s13] =	ssyncadd.s32 $0xFFFFC400;
	(pc) =	sbr.rel @p1 .LBB2_9-.Ltmp6, $4  }
0x131: {  	[spmem:s19] =	stream.indirect.scatter.add.f32 [tilespmem:s10], [sflag:$0x4], $0x80, s14, s8, $0xb8;
	[tilespmem:$0x1F800] =	vst v63  }
0x132: {  	_ =	swait.ge [sflag:s9], $0x3C00  }
0x133: {  	[sflag:s9] =	ssyncset.done $0x0  }
0x134: {  	s5 =	sadd.s32 $0x180, s5;
	[sflag:s9] =	ssyncadd.s32 $0xFFFFC400  }
0x135: {  	[tilespmem:s10], [sflag:$0x2] =	stream.indirect.gather [hbm4b:s22+s8], $0x80, s5, s8, $0xb8;
	[tilespmem:$0x1F800] =	vst v63  }
0x136: {  	_ =	swait.ge [sflag:s11], $0x3C00  }
0x137: {  	[sflag:s11] =	ssyncset.done $0x0  }
0x138: {  	s4 =	simm.s32 $0x2F00;
	[sflag:s11] =	ssyncadd.s32 $0xFFFFC400  }
0x139: {  	[spmem:s19] =	stream.indirect.scatter.add.f32 [tilespmem:s31], [sflag:$0x3], $0x80, s4, s8, $0xb8;
	[tilespmem:$0x1F800] =	vst v63  }
0x13a: {  	_ =	swait.ge [sflag:s12], $0x3C00  }
0x13b: {  	[sflag:s12] =	ssyncset.done $0x0  }
0x13c: {  	[sflag:s12] =	ssyncadd.s32 $0xFFFFC400  }
0x13d: {  	_ =	swait.ge [sflag:s13], $0x3C00  }
0x13e: {  	[sflag:s13] =	ssyncset.done $0x0  }
0x13f: {  	s14 =	simm.s32 $0x2F80;
	[sflag:s13] =	ssyncadd.s32 $0xFFFFC400  }
0x140: {  	[spmem:s19] =	stream.indirect.scatter.add.f32 [tilespmem:s10], [sflag:$0x4], $0x80, s14, s8, $0xb8;
	[tilespmem:$0x1F800] =	vst v63  }
0x141: {  	_ =	swait.ge [sflag:s9], $0x3C00  }
0x142: {  	[sflag:s9] =	ssyncset.done $0x0  }
0x143: {  	[sflag:s9] =	ssyncadd.s32 $0xFFFFC400  }
0x144: {  	_ =	swait.ge [sflag:s2], $0x1000  }
0x145: {  	[sflag:s2] =	ssyncset.done $0x0  }
0x146: {  	[sflag:s2] =	ssyncadd.s32 $0xFFFFF000  }
0x147: {  	_ =	swait.ge [sflag:s2], $0x1000  }
0x148: {  	[sflag:s2] =	ssyncset.done $0x0  }
0x149: {  	[sflag:s2] =	ssyncadd.s32 $0xFFFFF000  }
0x14a: {  	[tilespmem:s31], [sflag:$0x1] =	stream.indirect.gather [hbm4b:s22+s8], $0x80, s6, s8, $0xb8;
	[tilespmem:$0x1F800] =	vst v63  }
0x14b: {  	s15 =	simm.s32 $0x1080  }
0x14c: {  	[tilespmem:s10], [sflag:$0x2] =	stream.indirect.gather [hbm4b:s22+s8], $0x80, s15, s8, $0xb8;
	[tilespmem:$0x1F800] =	vst v63  }
0x14d: {  	_ =	swait.ge [sflag:s11], $0x3C00  }
0x14e: {  	[sflag:s11] =	ssyncset.done $0x0  }
0x14f: {  	s5 =	simm.s32 $0x3000;
	[sflag:s11] =	ssyncadd.s32 $0xFFFFC400  }
0x150: {  	[spmem:s19] =	stream.indirect.scatter.add.f32 [tilespmem:s31], [sflag:$0x3], $0x80, s5, s8, $0xb8;
	[tilespmem:$0x1F800] =	vst v63  }
0x151: {  	_ =	swait.ge [sflag:s12], $0x3C00  }
0x152: {  	[sflag:s12] =	ssyncset.done $0x0  }
0x153: {  	s14 =	simm.s32 $0x1100;
	[sflag:s12] =	ssyncadd.s32 $0xFFFFC400  }
0x154: {  	[tilespmem:s31], [sflag:$0x1] =	stream.indirect.gather [hbm4b:s22+s8], $0x80, s14, s8, $0xb8;
	[tilespmem:$0x1F800] =	vst v63  }
0x155: {  	_ =	swait.ge [sflag:s13], $0x3C00  }
0x156: {  	p1 =	por $0x0, $0x0;
	[sflag:s13] =	ssyncset.done $0x0  }
.Ltmp7:
0x157: {  	s15 =	simm.s32 $0x3080;
	[sflag:s13] =	ssyncadd.s32 $0xFFFFC400;
	(pc) =	sbr.rel @p1 .LBB2_12-.Ltmp7, $4  }
0x158: {  	[spmem:s19] =	stream.indirect.scatter.add.f32 [tilespmem:s10], [sflag:$0x4], $0x80, s15, s8, $0xb8;
	[tilespmem:$0x1F800] =	vst v63  }
0x159: {  	_ =	swait.ge [sflag:s9], $0x3C00  }
0x15a: {  	[sflag:s9] =	ssyncset.done $0x0  }
0x15b: {  	s4 =	simm.s32 $0xFFFFC800;
	s5 =	simm.s32 $0x1180;
	[sflag:s9] =	ssyncadd.s32 $0xFFFFC400  }
.LBB2_11:
0x15c: {  	[tilespmem:s10], [sflag:$0x2] =	stream.indirect.gather [hbm4b:s22+s8], $0x80, s5, s8, $0xb8;
	[tilespmem:$0x1F800] =	vst v63  }
0x15d: {  	s5 =	smov.u32 s4  }
0x15e: {  	p1 =	seq.s32 s4, $0xFFFFFC00;
	s4 =	sadd.s32 $0x400, s4;
	_ =	swait.ge [sflag:s11], $0x3C00  }
0x15f: {  	s5 =	sshra.s32 s5, $0x2;
	[sflag:s11] =	ssyncset.done $0x0  }
0x160: {  	s14 =	sadd.s32 $0x3F00, s5;
	[sflag:s11] =	ssyncadd.s32 $0xFFFFC400  }
0x161: {  	[spmem:s19] =	stream.indirect.scatter.add.f32 [tilespmem:s31], [sflag:$0x3], $0x80, s14, s8, $0xb8;
	[tilespmem:$0x1F800] =	vst v63  }
0x162: {  	_ =	swait.ge [sflag:s12], $0x3C00  }
0x163: {  	[sflag:s12] =	ssyncset.done $0x0  }
0x164: {  	s14 =	sadd.s32 $0x2000, s5;
	[sflag:s12] =	ssyncadd.s32 $0xFFFFC400  }
0x165: {  	[tilespmem:s31], [sflag:$0x1] =	stream.indirect.gather [hbm4b:s22+s8], $0x80, s14, s8, $0xb8;
	[tilespmem:$0x1F800] =	vst v63  }
0x166: {  	_ =	swait.ge [sflag:s13], $0x3C00  }
0x167: {  	[sflag:s13] =	ssyncset.done $0x0  }
.Ltmp8:
0x168: {  	s14 =	sadd.s32 $0x3F80, s5;
	[sflag:s13] =	ssyncadd.s32 $0xFFFFC400;
	(pc) =	sbr.rel @!p1 .LBB2_11-.Ltmp8, $4  }
0x169: {  	[spmem:s19] =	stream.indirect.scatter.add.f32 [tilespmem:s10], [sflag:$0x4], $0x80, s14, s8, $0xb8;
	[tilespmem:$0x1F800] =	vst v63  }
0x16a: {  	_ =	swait.ge [sflag:s9], $0x3C00  }
0x16b: {  	[sflag:s9] =	ssyncset.done $0x0  }
0x16c: {  	s5 =	sadd.s32 $0x2080, s5;
	[sflag:s9] =	ssyncadd.s32 $0xFFFFC400  }
.Ltmp9:
0x16d: {  	_ = 	snop;
	(pc) =	sbr.rel .LBB2_12-.Ltmp9, $1  }
0x16e: {  	_ =	sdelay $0x3  }
.LBB2_13:
0x16f: {  	_ =	swait.ge [sflag:s0], $0xC00  }
0x170: {  	[sflag:s0] =	ssyncset.done $0x0  }
0x171: {  	[sflag:s0] =	ssyncadd.s32 $0xFFFFF400  }
0x172: {  	_ =	swait.ge [sflag:s0], $0xC00  }
0x173: {  	[sflag:s0] =	ssyncset.done $0x0  }
0x174: {  	s4 =	simm.s32 $0x0;
	s5 =	rddreg [dreg:$0x7];
	[sflag:s0] =	ssyncadd.s32 $0xFFFFF400  }
0x175: {  	[tilespmem:s6], [sflag:$0x6] =	stream.linear.gather [hbm4b:s5+s4], $0x800, $0x38;
	[tilespmem:$0x1F800] =	vst v63  }
0x176: {  	s14 =	rddreg [dreg:$0x8]  }
0x177: {  	[tilespmem:s7], [sflag:$0x6] =	stream.linear.gather [hbm4b:s14+s4], $0x800, $0x38;
	[tilespmem:$0x1F800] =	vst v63  }
0x178: {  	_ = 	snop  }
0x179: {  	[tilespmem:s31], [sflag:$0x1] =	stream.indirect.gather [hbm4b:s22+s8], $0x80, s4, s8, $0xb8;
	[tilespmem:$0x1F800] =	vst v63  }
0x17a: {  	s15 =	simm.s32 $0x80  }
0x17b: {  	[tilespmem:s10], [sflag:$0x2] =	stream.indirect.gather [hbm4b:s22+s8], $0x80, s15, s8, $0xb8;
	[tilespmem:$0x1F800] =	vst v63  }
0x17c: {  	_ =	swait.ge [sflag:s11], $0x3C00  }
0x17d: {  	[sflag:s11] =	ssyncset.done $0x0  }
0x17e: {  	s5 =	simm.s32 $0x2000;
	[sflag:s11] =	ssyncadd.s32 $0xFFFFC400  }
0x17f: {  	[spmem:s19] =	stream.indirect.scatter.add.f32 [tilespmem:s31], [sflag:$0x3], $0x80, s5, s8, $0xb8;
	[tilespmem:$0x1F800] =	vst v63  }
0x180: {  	_ =	swait.ge [sflag:s12], $0x3C00  }
0x181: {  	[sflag:s12] =	ssyncset.done $0x0  }
0x182: {  	s14 =	simm.s32 $0x100;
	[sflag:s12] =	ssyncadd.s32 $0xFFFFC400  }
0x183: {  	[tilespmem:s31], [sflag:$0x1] =	stream.indirect.gather [hbm4b:s22+s8], $0x80, s14, s8, $0xb8;
	[tilespmem:$0x1F800] =	vst v63  }
0x184: {  	_ =	swait.ge [sflag:s13], $0x3C00  }
0x185: {  	[sflag:s13] =	ssyncset.done $0x0  }
0x186: {  	s15 =	simm.s32 $0x2080;
	[sflag:s13] =	ssyncadd.s32 $0xFFFFC400  }
0x187: {  	[spmem:s19] =	stream.indirect.scatter.add.f32 [tilespmem:s10], [sflag:$0x4], $0x80, s15, s8, $0xb8;
	[tilespmem:$0x1F800] =	vst v63  }
0x188: {  	_ =	swait.ge [sflag:s9], $0x3C00  }
0x189: {  	[sflag:s9] =	ssyncset.done $0x0  }
0x18a: {  	s4 =	simm.s32 $0x400;
	s5 =	simm.s32 $0x180;
	[sflag:s9] =	ssyncadd.s32 $0xFFFFC400  }
.LBB2_14:
0x18b: {  	[tilespmem:s10], [sflag:$0x2] =	stream.indirect.gather [hbm4b:s22+s8], $0x80, s5, s8, $0xb8;
	[tilespmem:$0x1F800] =	vst v63  }
0x18c: {  	s5 =	smov.u32 s4  }
0x18d: {  	p1 =	sne.s32 s4, $0x2800;
	s4 =	sadd.s32 $0x400, s4;
	_ =	swait.ge [sflag:s11], $0x3C00  }
0x18e: {  	s5 =	sshra.s32 s5, $0x2;
	[sflag:s11] =	ssyncset.done $0x0  }
0x18f: {  	s14 =	sadd.s32 $0x2000, s5;
	[sflag:s11] =	ssyncadd.s32 $0xFFFFC400  }
0x190: {  	[spmem:s19] =	stream.indirect.scatter.add.f32 [tilespmem:s31], [sflag:$0x3], $0x80, s14, s8, $0xb8;
	[tilespmem:$0x1F800] =	vst v63  }
0x191: {  	_ =	swait.ge [sflag:s12], $0x3C00  }
0x192: {  	[sflag:s12] =	ssyncset.done $0x0  }
0x193: {  	s14 =	sadd.s32 $0x100, s5;
	[sflag:s12] =	ssyncadd.s32 $0xFFFFC400  }
0x194: {  	[tilespmem:s31], [sflag:$0x1] =	stream.indirect.gather [hbm4b:s22+s8], $0x80, s14, s8, $0xb8;
	[tilespmem:$0x1F800] =	vst v63  }
0x195: {  	_ =	swait.ge [sflag:s13], $0x3C00  }
0x196: {  	[sflag:s13] =	ssyncset.done $0x0  }
.Ltmp10:
0x197: {  	s14 =	sadd.s32 $0x2080, s5;
	[sflag:s13] =	ssyncadd.s32 $0xFFFFC400;
	(pc) =	sbr.rel @p1 .LBB2_14-.Ltmp10, $4  }
0x198: {  	[spmem:s19] =	stream.indirect.scatter.add.f32 [tilespmem:s10], [sflag:$0x4], $0x80, s14, s8, $0xb8;
	[tilespmem:$0x1F800] =	vst v63  }
0x199: {  	_ =	swait.ge [sflag:s9], $0x3C00  }
0x19a: {  	[sflag:s9] =	ssyncset.done $0x0  }
0x19b: {  	s5 =	sadd.s32 $0x180, s5;
	[sflag:s9] =	ssyncadd.s32 $0xFFFFC400  }
0x19c: {  	[tilespmem:s10], [sflag:$0x2] =	stream.indirect.gather [hbm4b:s22+s8], $0x80, s5, s8, $0xb8;
	[tilespmem:$0x1F800] =	vst v63  }
0x19d: {  	_ =	swait.ge [sflag:s11], $0x3C00  }
0x19e: {  	[sflag:s11] =	ssyncset.done $0x0  }
0x19f: {  	s4 =	simm.s32 $0x2B00;
	[sflag:s11] =	ssyncadd.s32 $0xFFFFC400  }
0x1a0: {  	[spmem:s19] =	stream.indirect.scatter.add.f32 [tilespmem:s31], [sflag:$0x3], $0x80, s4, s8, $0xb8;
	[tilespmem:$0x1F800] =	vst v63  }
0x1a1: {  	_ =	swait.ge [sflag:s12], $0x3C00  }
0x1a2: {  	[sflag:s12] =	ssyncset.done $0x0  }
0x1a3: {  	[sflag:s12] =	ssyncadd.s32 $0xFFFFC400  }
0x1a4: {  	_ =	swait.ge [sflag:s13], $0x3C00  }
0x1a5: {  	[sflag:s13] =	ssyncset.done $0x0  }
0x1a6: {  	s14 =	simm.s32 $0x2B80;
	[sflag:s13] =	ssyncadd.s32 $0xFFFFC400  }
0x1a7: {  	[spmem:s19] =	stream.indirect.scatter.add.f32 [tilespmem:s10], [sflag:$0x4], $0x80, s14, s8, $0xb8;
	[tilespmem:$0x1F800] =	vst v63  }
0x1a8: {  	_ =	swait.ge [sflag:s9], $0x3C00  }
0x1a9: {  	[sflag:s9] =	ssyncset.done $0x0  }
0x1aa: {  	[sflag:s9] =	ssyncadd.s32 $0xFFFFC400  }
0x1ab: {  	_ =	swait.ge [sflag:s2], $0x800  }
0x1ac: {  	[sflag:s2] =	ssyncset.done $0x0  }
0x1ad: {  	[sflag:s2] =	ssyncadd.s32 $0xFFFFF800  }
0x1ae: {  	_ =	swait.ge [sflag:s2], $0x800  }
0x1af: {  	[sflag:s2] =	ssyncset.done $0x0  }
0x1b0: {  	[sflag:s2] =	ssyncadd.s32 $0xFFFFF800  }
0x1b1: {  	[tilespmem:s31], [sflag:$0x1] =	stream.indirect.gather [hbm4b:s22+s8], $0x80, s6, s8, $0xb8;
	[tilespmem:$0x1F800] =	vst v63  }
0x1b2: {  	s15 =	simm.s32 $0x1080  }
0x1b3: {  	[tilespmem:s10], [sflag:$0x2] =	stream.indirect.gather [hbm4b:s22+s8], $0x80, s15, s8, $0xb8;
	[tilespmem:$0x1F800] =	vst v63  }
0x1b4: {  	_ =	swait.ge [sflag:s11], $0x3C00  }
0x1b5: {  	[sflag:s11] =	ssyncset.done $0x0  }
0x1b6: {  	[sflag:s11] =	ssyncadd.s32 $0xFFFFC400  }
0x1b7: {  	[spmem:s19] =	stream.indirect.scatter.add.f32 [tilespmem:s31], [sflag:$0x3], $0x80, s7, s8, $0xb8;
	[tilespmem:$0x1F800] =	vst v63  }
0x1b8: {  	_ =	swait.ge [sflag:s12], $0x3C00  }
0x1b9: {  	[sflag:s12] =	ssyncset.done $0x0  }
0x1ba: {  	s5 =	simm.s32 $0x1100;
	[sflag:s12] =	ssyncadd.s32 $0xFFFFC400  }
0x1bb: {  	[tilespmem:s31], [sflag:$0x1] =	stream.indirect.gather [hbm4b:s22+s8], $0x80, s5, s8, $0xb8;
	[tilespmem:$0x1F800] =	vst v63  }
0x1bc: {  	_ =	swait.ge [sflag:s13], $0x3C00  }
0x1bd: {  	[sflag:s13] =	ssyncset.done $0x0  }
0x1be: {  	s14 =	simm.s32 $0x3080;
	[sflag:s13] =	ssyncadd.s32 $0xFFFFC400  }
0x1bf: {  	[spmem:s19] =	stream.indirect.scatter.add.f32 [tilespmem:s10], [sflag:$0x4], $0x80, s14, s8, $0xb8;
	[tilespmem:$0x1F800] =	vst v63  }
0x1c0: {  	_ =	swait.ge [sflag:s9], $0x3C00  }
0x1c1: {  	[sflag:s9] =	ssyncset.done $0x0  }
0x1c2: {  	s15 =	simm.s32 $0x1180;
	[sflag:s9] =	ssyncadd.s32 $0xFFFFC400  }
0x1c3: {  	[tilespmem:s10], [sflag:$0x2] =	stream.indirect.gather [hbm4b:s22+s8], $0x80, s15, s8, $0xb8;
	[tilespmem:$0x1F800] =	vst v63  }
0x1c4: {  	_ =	swait.ge [sflag:s11], $0x3C00  }
0x1c5: {  	[sflag:s11] =	ssyncset.done $0x0  }
0x1c6: {  	s5 =	simm.s32 $0x3100;
	[sflag:s11] =	ssyncadd.s32 $0xFFFFC400  }
0x1c7: {  	[spmem:s19] =	stream.indirect.scatter.add.f32 [tilespmem:s31], [sflag:$0x3], $0x80, s5, s8, $0xb8;
	[tilespmem:$0x1F800] =	vst v63  }
0x1c8: {  	_ =	swait.ge [sflag:s12], $0x3C00  }
0x1c9: {  	[sflag:s12] =	ssyncset.done $0x0  }
0x1ca: {  	s14 =	simm.s32 $0x1200;
	[sflag:s12] =	ssyncadd.s32 $0xFFFFC400  }
0x1cb: {  	[tilespmem:s31], [sflag:$0x1] =	stream.indirect.gather [hbm4b:s22+s8], $0x80, s14, s8, $0xb8;
	[tilespmem:$0x1F800] =	vst v63  }
0x1cc: {  	_ =	swait.ge [sflag:s13], $0x3C00  }
0x1cd: {  	[sflag:s13] =	ssyncset.done $0x0  }
0x1ce: {  	s15 =	simm.s32 $0x3180;
	[sflag:s13] =	ssyncadd.s32 $0xFFFFC400  }
0x1cf: {  	[spmem:s19] =	stream.indirect.scatter.add.f32 [tilespmem:s10], [sflag:$0x4], $0x80, s15, s8, $0xb8;
	[tilespmem:$0x1F800] =	vst v63  }
0x1d0: {  	_ =	swait.ge [sflag:s9], $0x3C00  }
0x1d1: {  	[sflag:s9] =	ssyncset.done $0x0  }
0x1d2: {  	s5 =	simm.s32 $0x1280;
	[sflag:s9] =	ssyncadd.s32 $0xFFFFC400  }
0x1d3: {  	[tilespmem:s10], [sflag:$0x2] =	stream.indirect.gather [hbm4b:s22+s8], $0x80, s5, s8, $0xb8;
	[tilespmem:$0x1F800] =	vst v63  }
0x1d4: {  	_ =	swait.ge [sflag:s11], $0x3C00  }
0x1d5: {  	[sflag:s11] =	ssyncset.done $0x0  }
0x1d6: {  	s14 =	simm.s32 $0x3200;
	[sflag:s11] =	ssyncadd.s32 $0xFFFFC400  }
0x1d7: {  	[spmem:s19] =	stream.indirect.scatter.add.f32 [tilespmem:s31], [sflag:$0x3], $0x80, s14, s8, $0xb8;
	[tilespmem:$0x1F800] =	vst v63  }
0x1d8: {  	_ =	swait.ge [sflag:s12], $0x3C00  }
0x1d9: {  	[sflag:s12] =	ssyncset.done $0x0  }
0x1da: {  	s15 =	simm.s32 $0x1300;
	[sflag:s12] =	ssyncadd.s32 $0xFFFFC400  }
0x1db: {  	[tilespmem:s31], [sflag:$0x1] =	stream.indirect.gather [hbm4b:s22+s8], $0x80, s15, s8, $0xb8;
	[tilespmem:$0x1F800] =	vst v63  }
0x1dc: {  	_ =	swait.ge [sflag:s13], $0x3C00  }
0x1dd: {  	[sflag:s13] =	ssyncset.done $0x0  }
0x1de: {  	s5 =	simm.s32 $0x3280;
	[sflag:s13] =	ssyncadd.s32 $0xFFFFC400  }
0x1df: {  	[spmem:s19] =	stream.indirect.scatter.add.f32 [tilespmem:s10], [sflag:$0x4], $0x80, s5, s8, $0xb8;
	[tilespmem:$0x1F800] =	vst v63  }
0x1e0: {  	_ =	swait.ge [sflag:s9], $0x3C00  }
0x1e1: {  	[sflag:s9] =	ssyncset.done $0x0  }
0x1e2: {  	s14 =	simm.s32 $0x1380;
	[sflag:s9] =	ssyncadd.s32 $0xFFFFC400  }
0x1e3: {  	[tilespmem:s10], [sflag:$0x2] =	stream.indirect.gather [hbm4b:s22+s8], $0x80, s14, s8, $0xb8;
	[tilespmem:$0x1F800] =	vst v63  }
0x1e4: {  	_ =	swait.ge [sflag:s11], $0x3C00  }
0x1e5: {  	[sflag:s11] =	ssyncset.done $0x0  }
0x1e6: {  	s15 =	simm.s32 $0x3300;
	[sflag:s11] =	ssyncadd.s32 $0xFFFFC400  }
0x1e7: {  	[spmem:s19] =	stream.indirect.scatter.add.f32 [tilespmem:s31], [sflag:$0x3], $0x80, s15, s8, $0xb8;
	[tilespmem:$0x1F800] =	vst v63  }
0x1e8: {  	_ =	swait.ge [sflag:s12], $0x3C00  }
0x1e9: {  	[sflag:s12] =	ssyncset.done $0x0  }
0x1ea: {  	s5 =	simm.s32 $0x1400;
	[sflag:s12] =	ssyncadd.s32 $0xFFFFC400  }
0x1eb: {  	[tilespmem:s31], [sflag:$0x1] =	stream.indirect.gather [hbm4b:s22+s8], $0x80, s5, s8, $0xb8;
	[tilespmem:$0x1F800] =	vst v63  }
0x1ec: {  	_ =	swait.ge [sflag:s13], $0x3C00  }
0x1ed: {  	[sflag:s13] =	ssyncset.done $0x0  }
0x1ee: {  	s14 =	simm.s32 $0x3380;
	[sflag:s13] =	ssyncadd.s32 $0xFFFFC400  }
0x1ef: {  	[spmem:s19] =	stream.indirect.scatter.add.f32 [tilespmem:s10], [sflag:$0x4], $0x80, s14, s8, $0xb8;
	[tilespmem:$0x1F800] =	vst v63  }
0x1f0: {  	_ =	swait.ge [sflag:s9], $0x3C00  }
0x1f1: {  	[sflag:s9] =	ssyncset.done $0x0  }
0x1f2: {  	s15 =	simm.s32 $0x1480;
	[sflag:s9] =	ssyncadd.s32 $0xFFFFC400  }
0x1f3: {  	[tilespmem:s10], [sflag:$0x2] =	stream.indirect.gather [hbm4b:s22+s8], $0x80, s15, s8, $0xb8;
	[tilespmem:$0x1F800] =	vst v63  }
0x1f4: {  	_ =	swait.ge [sflag:s11], $0x3C00  }
0x1f5: {  	[sflag:s11] =	ssyncset.done $0x0  }
0x1f6: {  	s5 =	simm.s32 $0x3400;
	[sflag:s11] =	ssyncadd.s32 $0xFFFFC400  }
0x1f7: {  	[spmem:s19] =	stream.indirect.scatter.add.f32 [tilespmem:s31], [sflag:$0x3], $0x80, s5, s8, $0xb8;
	[tilespmem:$0x1F800] =	vst v63  }
0x1f8: {  	_ =	swait.ge [sflag:s12], $0x3C00  }
0x1f9: {  	[sflag:s12] =	ssyncset.done $0x0  }
0x1fa: {  	s14 =	simm.s32 $0x1500;
	[sflag:s12] =	ssyncadd.s32 $0xFFFFC400  }
0x1fb: {  	[tilespmem:s31], [sflag:$0x1] =	stream.indirect.gather [hbm4b:s22+s8], $0x80, s14, s8, $0xb8;
	[tilespmem:$0x1F800] =	vst v63  }
0x1fc: {  	_ =	swait.ge [sflag:s13], $0x3C00  }
0x1fd: {  	[sflag:s13] =	ssyncset.done $0x0  }
0x1fe: {  	s15 =	simm.s32 $0x3480;
	[sflag:s13] =	ssyncadd.s32 $0xFFFFC400  }
0x1ff: {  	[spmem:s19] =	stream.indirect.scatter.add.f32 [tilespmem:s10], [sflag:$0x4], $0x80, s15, s8, $0xb8;
	[tilespmem:$0x1F800] =	vst v63  }
0x200: {  	_ =	swait.ge [sflag:s9], $0x3C00  }
0x201: {  	[sflag:s9] =	ssyncset.done $0x0  }
0x202: {  	s5 =	simm.s32 $0x1580;
	[sflag:s9] =	ssyncadd.s32 $0xFFFFC400  }
0x203: {  	[tilespmem:s10], [sflag:$0x2] =	stream.indirect.gather [hbm4b:s22+s8], $0x80, s5, s8, $0xb8;
	[tilespmem:$0x1F800] =	vst v63  }
0x204: {  	_ =	swait.ge [sflag:s11], $0x3C00  }
0x205: {  	[sflag:s11] =	ssyncset.done $0x0  }
0x206: {  	s14 =	simm.s32 $0x3500;
	[sflag:s11] =	ssyncadd.s32 $0xFFFFC400  }
0x207: {  	[spmem:s19] =	stream.indirect.scatter.add.f32 [tilespmem:s31], [sflag:$0x3], $0x80, s14, s8, $0xb8;
	[tilespmem:$0x1F800] =	vst v63  }
0x208: {  	_ =	swait.ge [sflag:s12], $0x3C00  }
0x209: {  	[sflag:s12] =	ssyncset.done $0x0  }
0x20a: {  	s15 =	simm.s32 $0x1600;
	[sflag:s12] =	ssyncadd.s32 $0xFFFFC400  }
0x20b: {  	[tilespmem:s31], [sflag:$0x1] =	stream.indirect.gather [hbm4b:s22+s8], $0x80, s15, s8, $0xb8;
	[tilespmem:$0x1F800] =	vst v63  }
0x20c: {  	_ =	swait.ge [sflag:s13], $0x3C00  }
0x20d: {  	[sflag:s13] =	ssyncset.done $0x0  }
0x20e: {  	s5 =	simm.s32 $0x3580;
	[sflag:s13] =	ssyncadd.s32 $0xFFFFC400  }
0x20f: {  	[spmem:s19] =	stream.indirect.scatter.add.f32 [tilespmem:s10], [sflag:$0x4], $0x80, s5, s8, $0xb8;
	[tilespmem:$0x1F800] =	vst v63  }
0x210: {  	_ =	swait.ge [sflag:s9], $0x3C00  }
0x211: {  	[sflag:s9] =	ssyncset.done $0x0  }
0x212: {  	s14 =	simm.s32 $0x1680;
	[sflag:s9] =	ssyncadd.s32 $0xFFFFC400  }
0x213: {  	[tilespmem:s10], [sflag:$0x2] =	stream.indirect.gather [hbm4b:s22+s8], $0x80, s14, s8, $0xb8;
	[tilespmem:$0x1F800] =	vst v63  }
0x214: {  	_ =	swait.ge [sflag:s11], $0x3C00  }
0x215: {  	[sflag:s11] =	ssyncset.done $0x0  }
0x216: {  	s15 =	simm.s32 $0x3600;
	[sflag:s11] =	ssyncadd.s32 $0xFFFFC400  }
0x217: {  	[spmem:s19] =	stream.indirect.scatter.add.f32 [tilespmem:s31], [sflag:$0x3], $0x80, s15, s8, $0xb8;
	[tilespmem:$0x1F800] =	vst v63  }
0x218: {  	_ =	swait.ge [sflag:s12], $0x3C00  }
0x219: {  	[sflag:s12] =	ssyncset.done $0x0  }
0x21a: {  	s5 =	simm.s32 $0x1700;
	[sflag:s12] =	ssyncadd.s32 $0xFFFFC400  }
0x21b: {  	[tilespmem:s31], [sflag:$0x1] =	stream.indirect.gather [hbm4b:s22+s8], $0x80, s5, s8, $0xb8;
	[tilespmem:$0x1F800] =	vst v63  }
0x21c: {  	_ =	swait.ge [sflag:s13], $0x3C00  }
0x21d: {  	[sflag:s13] =	ssyncset.done $0x0  }
0x21e: {  	s14 =	simm.s32 $0x3680;
	[sflag:s13] =	ssyncadd.s32 $0xFFFFC400  }
0x21f: {  	[spmem:s19] =	stream.indirect.scatter.add.f32 [tilespmem:s10], [sflag:$0x4], $0x80, s14, s8, $0xb8;
	[tilespmem:$0x1F800] =	vst v63  }
.Ltmp11:
0x220: {  	_ = 	snop;
	(pc) =	sbr.rel .LBB2_16-.Ltmp11, $4  }
0x221: {  	_ =	swait.ge [sflag:s9], $0x3C00  }
0x222: {  	s4 =	simm.s32 $0x3780;
	[sflag:s9] =	ssyncset.done $0x0  }
0x223: {  	s15 =	simm.s32 $0x1780;
	s5 =	simm.s32 $0x3700;
	[sflag:s9] =	ssyncadd.s32 $0xFFFFC400  }
0x224: {  	[tilespmem:s10], [sflag:$0x2] =	stream.indirect.gather [hbm4b:s22+s8], $0x80, s15, s8, $0xb8;
	[tilespmem:$0x1F800] =	vst v63  }
.LBB2_17:
0x225: {  	_ =	sfence.sel $0x180000  }
0x226: {  	[bflag:$0x0] =	sbarrier.arrive $0xFFFF  }
0x227: {  	_ =	strace $0x9000004A  }
0x228: {  	s0 =	stileid.u32;
	[bflag:$0x2] =	sbarrier.arrive $0xFFFF  }
0x229: {  	p0 =	sne.s32 s0, $0x0;
	s0 =	rddreg [dreg:$0x2]  }
0x22a: {  	s0 =	sadd.s32 @!p0 $0x100000, s0  }
0x22b: {  	[sflag:s0] =	ssyncadd.tile.s32 @!p0 $0x1;
	_ =	shalt  }
.Lfunc_end2:
_tile_overlayer_lowered:
.L_overlay_start_2:
0x22c: {  	(tag) =	ssettag $0x2  }
0x22d: {  	s0 =	rddreg [dreg:$0x0];
	s2 =	stileid.u32  }
0x22e: {  	s1 =	rddreg [dreg:$0x1];
	p0 =	sne.s32 s2, $0x0  }
0x22f: {  	s3 =	rddreg [dreg:$0x2];
	[bflag:$0x3] =	sbarrier.arrive $0xFFFF;
	s2 =	simm.s32 @!p0 $0x1C07  }
0x230: {  	[timem:s3], [sflag:s2] =	dma.local @!p0 [hbm:s0], s1  }
0x231: {  	s0 =	simm.s32 @!p0 $0x7  }
0x232: {  	_ =	swait.ge @!p0 [sflag:s0], s1  }
0x233: {  	s1 =	ssub.s32 @!p0 $0x0, s1;
	[sflag:s0] =	ssyncset.done @!p0 $0x0  }
0x234: {  	[sflag:s0] =	ssyncadd.s32 @!p0 s1  }
0x235: {  	[bflag:$0x3] =	sbarrier.arrive $0xFFFF  }
0x236: {  	_ =	shalt  }

// kernel: kernel.14.cloned.1.call-start
scs
__scs_entry_jumppad:
0x0: {  	(pc) =	sbr.rel $0x88, $3  }
0x1: {  	(tag) =	ssettag $0x0;
	lr =	simm.s32 $0x1  }
0x2: {  	[smem:$0x3F9B] =	sst lr;
	_ =	strace $0xD0000000  }
0x3: {  	_ = 	snop  }
0x4: {  	_ = 	snop  }
0x5: {  	_ = 	snop  }
0x6: {  	_ = 	snop  }
0x7: {  	_ = 	snop  }
__scs_overlays_trampoline_lowered:
0x8: {  	[smem:$0x3FAA] =	sst s0  }
0x9: {  	[smem:$0x3FAB] =	sst s1  }
0xa: {  	[smem:$0x3FAC] =	sst s2  }
0xb: {  	[smem:$0x3FAD] =	sst s3  }
0xc: {  	[smem:$0x3FAE] =	sst s4  }
0xd: {  	[smem:$0x3FAF] =	sst s5  }
0xe: {  	[smem:$0x3FB0] =	sst s6  }
0xf: {  	[smem:$0x3FB1] =	sst s7  }
0x10: {  	[smem:$0x3FB2] =	sst s8  }
0x11: {  	[smem:$0x3FB3] =	sst s9;
	s0 =	simm.s32 @!p0 $0x0  }
0x12: {  	s1 =	sld [smem:$0x3F99];
	s0 =	simm.s32 @p0 $0x1  }
0x13: {  	[smem:$0x3FB4] =	sst s0;
	s0 =	simm.s32 @!p1 $0x0  }
0x14: {  	s2 =	sld [smem:$0x3F98];
	s0 =	simm.s32 @p1 $0x1  }
0x15: {  	[smem:$0x3FB5] =	sst s0;
	s0 =	simm.s32 @!p2 $0x0  }
0x16: {  	s3 =	sld [smem:$0x3FDB];
	s0 =	simm.s32 @p2 $0x1  }
0x17: {  	s4 =	simm.s32 $0x1BF5;
	[smem:$0x3FB7] =	sst s0  }
0x18: {  	s0 =	sld [smem:$0x3F9A];
	_ =	swait.ge [sflag:s4], $0x0  }
0x19: {  	s7 =	sld [smem:$0x3F9B]  }
0x1a: {  	s8 =	sadd.s32 $0xFFFFE003, lr  }
0x1b: {  	s9 =	sadd.s32 $0xFFFFFEF7, lr;
	s5 =	simm.s32 $0xFFFFFFFF;
	p2 =	slt.u32 s8, $0xFFFFF086  }
0x1c: {  	p1 =	slt.u32 s9, $0xF7A;
	s5 =	simm.s32 @!p2 $0x0  }
0x1d: {  	s5 =	simm.s32 @p1 $0x1;
	p0 =	seq.s32 s7, s2  }
0x1e: {  	s7 =	smul.u32 @!p0 $0xF7A, s2;
	p2 =	seq.s32 @!p0 s5, $0x0  }
0x1f: {  	s9 =	smul.u32 $0xF7A, s1;
	s8 =	simm.s32 @!p0 $0x1BF5;
	p2 =	por !p2, p0  }
0x20: {  	[sflag:s8] =	ssyncset.s32 @!p0 $0xFFFFF086;
	s6 =	sadd.s32 @!p0 s3, s7;
	s7 =	simm.s32 @!p0 $0x108  }
0x21: {  	s3 =	sadd.s32 s3, s9;
	s6 =	sadd.s32 @!p0 $0x88, s6;
	s7 =	simm.s32 @p2 $0x1082  }
0x22: {  	[simem:s7], [sflag:s8] =	dma.local @!p0 [hbm:s6], $0xF7A  }
0x23: {  	s9 =	sor.u32 $0xD0000000, s2;
	s6 =	simm.s32 $0x108;
	_ =	swait.ge @!p0 [sflag:s8], $0x0  }
0x24: {  	s3 =	sadd.s32 $0x88, s3;
	s6 =	simm.s32 @!p1 $0x1082;
	[sflag:s4] =	ssyncset.s32 $0xFFFFF086  }
0x25: {  	[simem:s6], [sflag:s4] =	dma.local [hbm:s3], $0xF7A  }
0x26: {  	[smem:$0x3F9B] =	sst s1;
	(tag) =	ssettag s2;
	_ =	strace s9  }
0x27: {  	s1 =	sld [smem:$0x3FAB]  }
0x28: {  	s2 =	sld [smem:$0x3FAC]  }
0x29: {  	s4 =	sld [smem:$0x3FAE]  }
0x2a: {  	p0 =	seq.s32 s5, $0x0;
	s5 =	sld [smem:$0x3FAF]  }
0x2b: {  	s6 =	sld [smem:$0x3FB0]  }
0x2c: {  	s7 =	sld [smem:$0x3FB1]  }
0x2d: {  	s3 =	simm.s32 $0x108;
	s8 =	sld [smem:$0x3FB2]  }
0x2e: {  	s3 =	simm.s32 @!p0 $0x1082;
	s9 =	sld [smem:$0x3FB3]  }
0x2f: {  	lr =	sadd.s32 s0, s3;
	s0 =	sld [smem:$0x3FAA]  }
0x30: {  	s3 =	sld [smem:$0x3FAD]  }
0x31: {  	[smem:$0x3FB6] =	sst s10  }
0x32: {  	s10 =	sld [smem:$0x3FB4];
	_ =	sdelay $0x3  }
0x33: {  	p0 =	seq.s32 s10, $0x1;
	s10 =	sld [smem:$0x3FB6];
	_ =	sdelay $0x3  }
0x34: {  	[smem:$0x3FB6] =	sst s10  }
0x35: {  	s10 =	sld [smem:$0x3FB5];
	_ =	sdelay $0x3  }
0x36: {  	p1 =	seq.s32 s10, $0x1;
	s10 =	sld [smem:$0x3FB6];
	_ =	sdelay $0x3  }
0x37: {  	[smem:$0x3FB6] =	sst s10  }
0x38: {  	s10 =	sld [smem:$0x3FB7]  }
0x39: {  	_ = 	snop;
	(pc) =	sbr.ind lr, $3  }
0x3a: {  	_ = 	snop  }
0x3b: {  	_ = 	snop  }
0x3c: {  	p2 =	seq.s32 s10, $0x1;
	s10 =	sld [smem:$0x3FB6]  }
0x3d: {  	_ =	shalt  }
0x3e: {  	_ =	shalt  }
0x3f: {  	_ =	shalt  }
0x40: {  	_ =	shalt  }
0x41: {  	_ =	shalt  }
0x42: {  	_ =	shalt  }
0x43: {  	_ =	shalt  }
0x44: {  	_ =	shalt  }
0x45: {  	_ =	shalt  }
0x46: {  	_ =	shalt  }
0x47: {  	_ =	shalt  }
0x48: {  	_ =	shalt  }
0x49: {  	_ =	shalt  }
0x4a: {  	_ =	shalt  }
0x4b: {  	_ =	shalt  }
0x4c: {  	_ =	shalt  }
0x4d: {  	_ =	shalt  }
0x4e: {  	_ =	shalt  }
0x4f: {  	_ =	shalt  }
0x50: {  	_ =	shalt  }
0x51: {  	_ =	shalt  }
0x52: {  	_ =	shalt  }
0x53: {  	_ =	shalt  }
0x54: {  	_ =	shalt  }
0x55: {  	_ =	shalt  }
0x56: {  	_ =	shalt  }
0x57: {  	_ =	shalt  }
0x58: {  	_ =	shalt  }
0x59: {  	_ =	shalt  }
0x5a: {  	_ =	shalt  }
0x5b: {  	_ =	shalt  }
0x5c: {  	_ =	shalt  }
0x5d: {  	_ =	shalt  }
0x5e: {  	_ =	shalt  }
0x5f: {  	_ =	shalt  }
0x60: {  	_ =	shalt  }
0x61: {  	_ =	shalt  }
0x62: {  	_ =	shalt  }
0x63: {  	_ =	shalt  }
0x64: {  	_ =	shalt  }
0x65: {  	_ =	shalt  }
0x66: {  	_ =	shalt  }
0x67: {  	_ =	shalt  }
0x68: {  	_ =	shalt  }
0x69: {  	_ =	shalt  }
0x6a: {  	_ =	shalt  }
0x6b: {  	_ =	shalt  }
0x6c: {  	_ =	shalt  }
0x6d: {  	_ =	shalt  }
0x6e: {  	_ =	shalt  }
0x6f: {  	_ =	shalt  }
0x70: {  	_ =	shalt  }
0x71: {  	_ =	shalt  }
0x72: {  	_ =	shalt  }
0x73: {  	_ =	shalt  }
0x74: {  	_ =	shalt  }
0x75: {  	_ =	shalt  }
0x76: {  	_ =	shalt  }
0x77: {  	_ =	shalt  }
0x78: {  	_ =	shalt  }
0x79: {  	_ =	shalt  }
0x7a: {  	_ =	shalt  }
0x7b: {  	_ =	shalt  }
0x7c: {  	_ =	shalt  }
0x7d: {  	_ =	shalt  }
0x7e: {  	_ =	shalt  }
0x7f: {  	_ =	shalt  }
0x80: {  	_ =	shalt  }
0x81: {  	_ =	shalt  }
0x82: {  	_ =	shalt  }
0x83: {  	_ =	shalt  }
0x84: {  	_ =	shalt  }
0x85: {  	_ =	shalt  }
0x86: {  	_ =	shalt  }
0x87: {  	_ =	shalt  }
.Lfunc_end0:
.L_simem_size_0:
called_computation.2_lowered:
.L_overlay_start_0:
0x88: {  	s2 =	sld [smem:$0x3FD9]  }
0x89: {  	s3 =	sld [smem:$0x3FFE];
	_ =	sdelay $0x1  }
0x8a: {  	s1 =	srdreg.scid  }
0x8b: {  	s0 =	sand.u32 $0x1, s1  }
0x8c: {  	s16 =	sshll.u32 s0, $0xA;
	s2 =	sadd.s32 s3, s2  }
0x8d: {  	s2 =	sadd.s32 s2, s16  }
0x8e: {  	[smem:$0x3FC2] =	sst s2  }
0x8f: {  	_ = 	snop  }
0x90: {  	(tm) =	ssettm $0x1  }
0x91: {  	s17 =	sld [smem:$0x3FFB];
	_ =	sdelay $0x3  }
0x92: {  	_ =	strace s17  }
0x93: {  	s2 =	sld [smem:$0x3FFC];
	_ =	sdelay $0x3  }
0x94: {  	_ =	strace s2  }
0x95: {  	s2 =	sld [smem:$0x3FFD];
	_ =	sdelay $0x3  }
0x96: {  	_ =	strace s2  }
0x97: {  	_ =	strace $0x8FFFFFFF  }
0x98: {  	s18 =	sld [smem:$0x3FDB];
	_ =	sdelay $0x1  }
0x99: {  	s19 =	simm.s32 $_scs_section_size  }
0x9a: {  	s4 =	simm.s32 $_size__tile_overlayer_lowered;
	s5 =	simm.s32 $_tile_overlayer_lowered  }
0x9b: {  	s22 =	simm.s32 $0x1BFF;
	s21 =	sshll.u32 s5, $0x1;
	s2 =	sadd.s32 s19, s18  }
0x9c: {  	s6 =	simm.s32 $0x0;
	s20 =	sshll.u32 s4, $0x1;
	s4 =	sadd.s32 s21, s2  }
0x9d: {  	[timem:s6], [sflag:s22] =	dma.local [hbm:s4], s20  }
0x9e: {  	_ =	swait.ge [sflag:s22], s20  }
0x9f: {  	s3 =	ssub.s32 $0x0, s20;
	[sflag:s22] =	ssyncset.done $0x0  }
0xa0: {  	[sflag:s22] =	ssyncadd.s32 s3;
	_ =	sdelay $0x1  }
0xa1: {  	s23 =	simm.s32 $0x1B8B  }
0xa2: {  	_ =	swait.ge [sflag:s23], $0x1  }
0xa3: {  	[sflag:s23] =	ssyncset.done $0x0  }
0xa4: {  	s25 =	simm.s32 $0x1B8E;
	s24 =	sld [smem:$0x3FFE];
	[sflag:s23] =	ssyncadd.s32 $0xFFFFFFFF  }
0xa5: {  	s26 =	simm.s32 $execute0_lowered;
	[smem:$0x3FD2] =	sst s25  }
0xa6: {  	s4 =	sshll.u32 s26, $0x1;
	_ =	strace $0x8000004C;
	[dreg:$0x1] =	wrdreg $0xFFFFFFFF  }
0xa7: {  	s28 =	simm.s32 $_size_execute0_lowered;
	s2 =	sadd.s32 s2, s4;
	[dreg:$0x0] =	wrdreg $0x0  }
0xa8: {  	s4 =	sshll.u32 s28, $0x1;
	[dreg:$0x2] =	wrdreg s2  }
0xa9: {  	[dreg:$0x3] =	wrdreg s4  }
0xaa: {  	[dreg:$0x4] =	wrdreg $0xC0  }
0xab: {  	_ =	task [dreg:s6], $0x5FFFF  }
0xac: {  	[dreg:$0x1] =	wrdreg $0xFFFFFFFF  }
0xad: {  	[dreg:$0x0] =	wrdreg $0x60  }
0xae: {  	[dreg:$0x2] =	wrdreg s24  }
0xaf: {  	[dreg:$0x3] =	wrdreg $0x4B000  }
0xb0: {  	[dreg:$0x4] =	wrdreg $0x9  }
0xb1: {  	_ =	task.clear_ibuf [dreg:s6], $0x5FFFF;
	_ =	strace $0x9000004C  }
0xb2: {  	s29 =	simm.s32 $0x9;
	_ =	strace $0x8000004E  }
0xb3: {  	_ =	swait.ge [sflag:s29], $0x1  }
0xb4: {  	[sflag:s29] =	ssyncadd.s32 $0xFFFFFFFF  }
0xb5: {  	_ =	strace $0x9000004E  }
0xb6: {  	_ =	sfence  }
0xb7: {  	s30 =	sld [smem:$0x0];
	_ =	sdelay $0x2  }
0xb8: {  	s31 =	sshll.u32 s1, $0xD;
	s1 =	sshrl.u32 s1, $0x2  }
0xb9: {  	s3 =	sand.u32 $0x4000, s31;
	s1 =	sadd.s32 s1, s30  }
0xba: {  	s0 =	sor.u32 s3, s0;
	s1 =	sshll.u32 s1, $0x11  }
0xbb: {  	s0 =	sor.u32 s1, s0  }
0xbc: {  	s0 =	sadd.s32 $0x8F2B, s0  }
0xbd: {  	[sflag:s0] =	ssyncadd.remote.s32 $0x1  }
0xbe: {  	_ =	sfence.sel $0xFFFF  }
0xbf: {  	[dreg:$0x0] =	wrdreg $0xFFFFFFFF;
	(pc) =	sbr.abs _section_cstart, $3  }
0xc0: {  	[dreg:$0x1] =	wrdreg $0xFFFFFFFF  }
0xc1: {  	_ =	task.clear_ibuf [dreg:s6], $0x2FFFF;
	_ =	strace $0x9FFFFFFF  }
0xc2: {  	(tm) =	ssettm $0x7FFFFFFF  }
0xc3: {  	_ =	shalt  }
tec
execute0_lowered:
.L_overlay_start_1:
0x0: {  	(tag) =	ssettag $0x1  }
0x1: {  	s0 =	rddreg [dreg:$0x0];
	s13 =	stileid.u32  }
0x2: {  	s1 =	simm.s32 $0x0;
	s3 =	srdreg.scid;
	s4 =	smul.u32 $0x21C0, s13  }
0x3: {  	s31 =	simm.s32 $0x3C00;
	[smem:$0x7FF] =	sst s1;
	s8 =	smul.u32 $0x5A0, s13  }
0x4: {  	s2 =	sadd.s32 $0x2A400, s0;
	s6 =	sadd.s32 $0x2000, s0;
	s11 =	smul.u32 $0x2800, s13  }
0x5: {  	s7 =	sadd.s32 $0x10E00, s0;
	s3 =	sand.u32 $0x1, s3;
	s13 =	smul.u32 $0x2D00, s13  }
0x6: {  	s5 =	ssub.s32 $0x2, s3;
	p0 =	sne.s32 s3, $0x0;
	s4 =	sshrl.u32 s4, $0x3  }
0x7: {  	s9 =	sshrl.u32 s5, $0x1;
	s24 =	sadd.s32 s2, s8;
	s25 =	sadd.s32 s6, s8  }
0x8: {  	s8 =	sor.u32 $0x780, s11;
	s18 =	sadd.s32 $0x1680, s11;
	s16 =	sshrl.u32 s13, $0x3  }
0x9: {  	s13 =	smul.u32 $0x28000, s3;
	s10 =	sadd.s32 $0x5A00, s4;
	[dreg:$0x5] =	wrdreg s24  }
0xa: {  	s9 =	ssub.s32 s5, s9;
	[dreg:$0x6] =	wrdreg s25;
	s22 =	sadd.s32 s2, s10  }
0xb: {  	s12 =	sadd.s32 $0x5B68, s4;
	s23 =	sadd.s32 s6, s10;
	[dreg:$0x3] =	wrdreg s22  }
0xc: {  	s4 =	sadd.s32 $0x5CD0, s4;
	s26 =	sadd.s32 s2, s12;
	[dreg:$0x4] =	wrdreg s23  }
0xd: {  	s17 =	sadd.s32 $0x1E0, s16;
	s14 =	sadd.s32 s6, s12;
	[dreg:$0x7] =	wrdreg s26  }
0xe: {  	s20 =	sadd.s32 $0x3C0, s16;
	s15 =	sadd.s32 s2, s4;
	[dreg:$0x8] =	wrdreg s14  }
0xf: {  	s10 =	sadd.s32 $0xF00, s11;
	s4 =	sadd.s32 s6, s4;
	[dreg:$0x9] =	wrdreg s15  }
0x10: {  	s19 =	sadd.s32 s2, s17;
	s2 =	sadd.s32 s2, s20;
	[dreg:$0xa] =	wrdreg s4  }
0x11: {  	s21 =	sadd.s32 s6, s20;
	s5 =	sadd.s32 s13, s18;
	[dreg:$0xb] =	wrdreg s19  }
0x12: {  	s30 =	smax.u32 s9, $0x1;
	s9 =	simm.s32 $0x4380;
	[dreg:$0xd] =	wrdreg s2  }
0x13: {  	s4 =	sadd.s32 s6, s17;
	[dreg:$0xe] =	wrdreg s21;
	s22 =	sadd.s32 s11, s13  }
0x14: {  	s23 =	sadd.s32 s13, s8;
	s24 =	sadd.s32 s13, s10;
	s19 =	rddreg [dreg:$0x1]  }
0x15: {  	s6 =	sadd.s32 $0x1E00, s11;
	[dreg:$0xc] =	wrdreg s4;
	s2 =	sshrl.u32 s22, $0x3  }
0x16: {  	s25 =	sshrl.u32 s23, $0x3;
	s26 =	sshrl.u32 s24, $0x3;
	s22 =	sadd.s32 $0xBE00, s0  }
0x17: {  	s23 =	sadd.s32 s11, s19;
	s24 =	sadd.s32 s8, s19;
	s28 =	sadd.s32 s6, s19  }
0x18: {  	s0 =	simm.s32 $0x5;
	s8 =	simm.s32 $0x78;
	s14 =	sadd.s32 s7, s2  }
0x19: {  	s15 =	sadd.s32 s7, s25;
	s16 =	sadd.s32 s7, s26;
	s2 =	sshrl.u32 s5, $0x3  }
0x1a: {  	s5 =	sadd.s32 $0x2580, s11;
	s25 =	sadd.s32 s13, s6;
	_ =	strace $0x8000004D  }
0x1b: {  	s6 =	simm.s32 $0xF00;
	s11 =	simm.s32 $0x3;
	s17 =	sadd.s32 s7, s2  }
.Ltmp0:
0x1c: {  	s26 =	sadd.s32 s13, s5;
	s2 =	sshrl.u32 s25, $0x3;
	(pc) =	sbr.rel .LBB2_1-.Ltmp0, $4  }
0x1d: {  	s25 =	sadd.s32 s10, s19;
	s29 =	sadd.s32 s5, s19;
	s10 =	simm.s32 $0x1  }
0x1e: {  	s13 =	simm.s32 $0x4;
	s12 =	sshrl.u32 s26, $0x3;
	s20 =	sadd.s32 s7, s2  }
0x1f: {  	s26 =	sadd.s32 s18, s19;
	s18 =	simm.s32 $0x7;
	s2 =	simm.s32 $0x0  }
0x20: {  	v0 =	vimm.f32 $0.0e+00;
	s21 =	sadd.s32 s7, s12;
	s12 =	simm.s32 $0x2;
	s7 =	simm.s32 $0x6  }
.LBB2_10:
0x21: {  	[tilespmem:s9], [sflag:$0x2] =	stream.indirect.gather [hbm4b:s22+s8], $0x10, s4, s8, $0xb8;
	[tilespmem:$0x7300] =	vst v63  }
0x22: {  	s3 =	simm.s32 $0x2C88;
	s4 =	simm.s32 $0x2C10  }
.LBB2_18:
0x23: {  	_ =	swait.ge [sflag:s10], $0x780  }
0x24: {  	[sflag:s10] =	ssyncset.done $0x0  }
0x25: {  	[sflag:s10] =	ssyncadd.s32 $0xFFFFF880  }
0x26: {  	[spmem:s19] =	stream.indirect.scatter.add.f32 [tilespmem:s31], [sflag:$0x3], $0x10, s4, s8, $0xb8;
	[tilespmem:$0x7300] =	vst v63  }
0x27: {  	_ =	swait.ge [sflag:s11], $0x780  }
0x28: {  	[sflag:s11] =	ssyncset.done $0x0  }
0x29: {  	[sflag:s11] =	ssyncadd.s32 $0xFFFFF880  }
0x2a: {  	_ =	swait.ge [sflag:s12], $0x780  }
0x2b: {  	[sflag:s12] =	ssyncset.done $0x0  }
0x2c: {  	[sflag:s12] =	ssyncadd.s32 $0xFFFFF880  }
0x2d: {  	[spmem:s19] =	stream.indirect.scatter.add.f32 [tilespmem:s9], [sflag:$0x4], $0x10, s3, s8, $0xb8;
	[tilespmem:$0x7300] =	vst v63  }
0x2e: {  	_ =	swait.ge [sflag:s13], $0x780  }
0x2f: {  	[sflag:s13] =	ssyncset.done $0x0  }
0x30: {  	[sflag:s13] =	ssyncadd.s32 $0xFFFFF880  }
0x31: {  	[bflag:$0x0] =	sbarrier.arrive $0xFFFF  }
0x32: {  	[tilespmem:s31], [sflag:$0x7] =	stream.linear.gather [spmem:s23], $0x780, $0x38;
	[tilespmem:$0x7300] =	vst v63  }
0x33: {  	_ =	swait.ge [sflag:s18], $0x780  }
0x34: {  	[sflag:s18] =	ssyncset.done $0x0  }
0x35: {  	[sflag:s18] =	ssyncadd.s32 $0xFFFFF880  }
0x36: {  	[hbm4b:s14+s1] =	stream.linear.scatter [tilespmem:s31], [sflag:$0x7], $0x780, $0x38;
	[tilespmem:$0x7300] =	vst v63  }
0x37: {  	_ =	swait.ge [sflag:s18], $0x780  }
0x38: {  	[sflag:s18] =	ssyncset.done $0x0  }
0x39: {  	[sflag:s18] =	ssyncadd.s32 $0xFFFFF880  }
0x3a: {  	[tilespmem:s31], [sflag:$0x7] =	stream.linear.gather [spmem:s24], $0x780, $0x38;
	[tilespmem:$0x7300] =	vst v63  }
0x3b: {  	_ =	swait.ge [sflag:s18], $0x780  }
0x3c: {  	[sflag:s18] =	ssyncset.done $0x0  }
0x3d: {  	[sflag:s18] =	ssyncadd.s32 $0xFFFFF880  }
0x3e: {  	[hbm4b:s15+s1] =	stream.linear.scatter [tilespmem:s31], [sflag:$0x7], $0x780, $0x38;
	[tilespmem:$0x7300] =	vst v63  }
0x3f: {  	_ =	swait.ge [sflag:s18], $0x780  }
0x40: {  	[sflag:s18] =	ssyncset.done $0x0  }
0x41: {  	[sflag:s18] =	ssyncadd.s32 $0xFFFFF880  }
0x42: {  	[tilespmem:s31], [sflag:$0x7] =	stream.linear.gather [spmem:s25], $0x780, $0x38;
	[tilespmem:$0x7300] =	vst v63  }
0x43: {  	_ =	swait.ge [sflag:s18], $0x780  }
0x44: {  	[sflag:s18] =	ssyncset.done $0x0  }
0x45: {  	[sflag:s18] =	ssyncadd.s32 $0xFFFFF880  }
0x46: {  	[hbm4b:s16+s1] =	stream.linear.scatter [tilespmem:s31], [sflag:$0x7], $0x780, $0x38;
	[tilespmem:$0x7300] =	vst v63  }
0x47: {  	_ =	swait.ge [sflag:s18], $0x780  }
0x48: {  	[sflag:s18] =	ssyncset.done $0x0  }
0x49: {  	[sflag:s18] =	ssyncadd.s32 $0xFFFFF880  }
0x4a: {  	[tilespmem:s31], [sflag:$0x7] =	stream.linear.gather [spmem:s26], $0x780, $0x38;
	[tilespmem:$0x7300] =	vst v63  }
0x4b: {  	_ =	swait.ge [sflag:s18], $0x780  }
0x4c: {  	[sflag:s18] =	ssyncset.done $0x0  }
0x4d: {  	[sflag:s18] =	ssyncadd.s32 $0xFFFFF880  }
0x4e: {  	[hbm4b:s17+s1] =	stream.linear.scatter [tilespmem:s31], [sflag:$0x7], $0x780, $0x38;
	[tilespmem:$0x7300] =	vst v63  }
0x4f: {  	_ =	swait.ge [sflag:s18], $0x780  }
0x50: {  	[sflag:s18] =	ssyncset.done $0x0  }
0x51: {  	[sflag:s18] =	ssyncadd.s32 $0xFFFFF880  }
0x52: {  	[tilespmem:s31], [sflag:$0x7] =	stream.linear.gather [spmem:s28], $0x780, $0x38;
	[tilespmem:$0x7300] =	vst v63  }
0x53: {  	_ =	swait.ge [sflag:s18], $0x780  }
0x54: {  	[sflag:s18] =	ssyncset.done $0x0  }
0x55: {  	[sflag:s18] =	ssyncadd.s32 $0xFFFFF880  }
0x56: {  	[hbm4b:s20+s1] =	stream.linear.scatter [tilespmem:s31], [sflag:$0x7], $0x780, $0x38;
	[tilespmem:$0x7300] =	vst v63  }
0x57: {  	_ =	swait.ge [sflag:s18], $0x780  }
0x58: {  	[sflag:s18] =	ssyncset.done $0x0  }
0x59: {  	[sflag:s18] =	ssyncadd.s32 $0xFFFFF880  }
0x5a: {  	[tilespmem:s31], [sflag:$0x7] =	stream.linear.gather [spmem:s29], $0x280, $0x38;
	[tilespmem:$0x7300] =	vst v63  }
0x5b: {  	s2 =	sadd.s32 $0x1, s2;
	_ =	swait.ge [sflag:s18], $0x280  }
0x5c: {  	p1 =	sne.s32 s2, s30;
	[sflag:s18] =	ssyncset.done $0x0  }
.Ltmp1:
0x5d: {  	[sflag:s18] =	ssyncadd.s32 $0xFFFFFD80;
	(pc) =	sbr.rel @!p1 .LBB2_19-.Ltmp1, $4  }
0x5e: {  	[hbm4b:s21+s1] =	stream.linear.scatter [tilespmem:s31], [sflag:$0x7], $0x280, $0x38;
	[tilespmem:$0x7300] =	vst v63  }
0x5f: {  	_ =	swait.ge [sflag:s18], $0x280  }
0x60: {  	[sflag:s18] =	ssyncset.done $0x0  }
0x61: {  	[sflag:s18] =	ssyncadd.s32 $0xFFFFFD80  }
.LBB2_1:
0x62: {  	s3 =	simm.s32 @p0 $0x0;
	s4 =	rddreg [dreg:$0x3]  }
0x63: {  	[tilespmem:s3], [sflag:$0x5] =	stream.linear.gather @p0 [hbm4b:s4+s3], $0xB40, $0x38;
	[tilespmem:$0x7300] =	vst v63  }
0x64: {  	s5 =	rddreg [dreg:$0x4];
	s4 =	simm.s32 @p0 $0x1E00  }
0x65: {  	[tilespmem:s4], [sflag:$0x5] =	stream.linear.gather @p0 [hbm4b:s5+s3], $0xB40, $0x38;
	[tilespmem:$0x7300] =	vst v63  }
0x66: {  	s3 =	simm.s32 @!p0 $0x0;
	s4 =	rddreg [dreg:$0x5]  }
0x67: {  	[tilespmem:s3], [sflag:$0x5] =	stream.linear.gather @!p0 [hbm4b:s4+s3], $0xF00, $0x38;
	[tilespmem:$0x7300] =	vst v63  }
0x68: {  	s5 =	rddreg [dreg:$0x6];
	s4 =	simm.s32 @!p0 $0x1E00  }
0x69: {  	[tilespmem:s4], [sflag:$0x5] =	stream.linear.gather @!p0 [hbm4b:s5+s3], $0xF00, $0x38;
	[tilespmem:$0x7300] =	vst v63  }
0x6a: {  	s3 =	simm.s32 $0x40;
	s4 =	simm.s32 $0x0  }
.LBB2_2:
0x6b: {  	p1 =	sne.s32 s3, $0x1DC0;
	[tilespmem:s4+$0x3C00] =	vst v0;
	s4 =	smov.u32 s3;
	s3 =	sadd.s32 $0x40, s3  }
.Ltmp2:
0x6c: {  	(pc) =	sbr.rel @p1 .LBB2_2-.Ltmp2, $2  }
0x6d: {  	_ =	sdelay $0x2  }
0x6e: {  	s4 =	sshra.s32 s4, $0x2  }
0x6f: {  	[tilespmem:s4+$0x3C00] =	vst v0  }
0x70: {  	[spmem:s23] =	stream.linear.scatter [tilespmem:s31], [sflag:$0x7], $0x780, $0x38;
	[tilespmem:$0x7300] =	vst v63  }
0x71: {  	_ =	swait.ge [sflag:s18], $0x780  }
0x72: {  	[sflag:s18] =	ssyncset.done $0x0  }
0x73: {  	[sflag:s18] =	ssyncadd.s32 $0xFFFFF880  }
0x74: {  	[spmem:s24] =	stream.linear.scatter [tilespmem:s31], [sflag:$0x7], $0x780, $0x38;
	[tilespmem:$0x7300] =	vst v63  }
0x75: {  	_ =	swait.ge [sflag:s18], $0x780  }
0x76: {  	[sflag:s18] =	ssyncset.done $0x0  }
0x77: {  	[sflag:s18] =	ssyncadd.s32 $0xFFFFF880  }
0x78: {  	[spmem:s25] =	stream.linear.scatter [tilespmem:s31], [sflag:$0x7], $0x780, $0x38;
	[tilespmem:$0x7300] =	vst v63  }
0x79: {  	_ =	swait.ge [sflag:s18], $0x780  }
0x7a: {  	[sflag:s18] =	ssyncset.done $0x0  }
0x7b: {  	[sflag:s18] =	ssyncadd.s32 $0xFFFFF880  }
0x7c: {  	[spmem:s26] =	stream.linear.scatter [tilespmem:s31], [sflag:$0x7], $0x780, $0x38;
	[tilespmem:$0x7300] =	vst v63  }
0x7d: {  	_ =	swait.ge [sflag:s18], $0x780  }
0x7e: {  	[sflag:s18] =	ssyncset.done $0x0  }
0x7f: {  	[sflag:s18] =	ssyncadd.s32 $0xFFFFF880  }
0x80: {  	[spmem:s28] =	stream.linear.scatter [tilespmem:s31], [sflag:$0x7], $0x780, $0x38;
	[tilespmem:$0x7300] =	vst v63  }
0x81: {  	_ =	swait.ge [sflag:s18], $0x780  }
0x82: {  	[sflag:s18] =	ssyncset.done $0x0  }
0x83: {  	[sflag:s18] =	ssyncadd.s32 $0xFFFFF880  }
0x84: {  	[spmem:s29] =	stream.linear.scatter [tilespmem:s31], [sflag:$0x7], $0x280, $0x38;
	[tilespmem:$0x7300] =	vst v63  }
.Ltmp3:
0x85: {  	_ =	swait.ge [sflag:s18], $0x280;
	(pc) =	sbr.rel @p0 .LBB2_11-.Ltmp3, $3  }
0x86: {  	[sflag:s18] =	ssyncset.done $0x0  }
0x87: {  	[sflag:s18] =	ssyncadd.s32 $0xFFFFFD80  }
0x88: {  	[bflag:$0x0] =	sbarrier.arrive $0xFFFF;
	_ =	sdelay $0x1  }
0x89: {  	_ =	swait.ge [sflag:s0], $0xF00  }
0x8a: {  	[sflag:s0] =	ssyncset.done $0x0  }
0x8b: {  	[sflag:s0] =	ssyncadd.s32 $0xFFFFF100  }
0x8c: {  	_ =	swait.ge [sflag:s0], $0xF00  }
0x8d: {  	[sflag:s0] =	ssyncset.done $0x0  }
0x8e: {  	s3 =	simm.s32 $0x0;
	s4 =	rddreg [dreg:$0xb];
	[sflag:s0] =	ssyncadd.s32 $0xFFFFF100  }
0x8f: {  	[tilespmem:s6], [sflag:$0x6] =	stream.linear.gather [hbm4b:s4+s3], $0xF00, $0x38;
	[tilespmem:$0x7300] =	vst v63  }
0x90: {  	s5 =	simm.s32 $0x2D00;
	s4 =	rddreg [dreg:$0xc]  }
0x91: {  	[tilespmem:s5], [sflag:$0x6] =	stream.linear.gather [hbm4b:s4+s3], $0xF00, $0x38;
	[tilespmem:$0x7300] =	vst v63  }
0x92: {  	_ = 	snop  }
0x93: {  	[tilespmem:s31], [sflag:$0x1] =	stream.indirect.gather [hbm4b:s22+s8], $0x10, s3, s8, $0xb8;
	[tilespmem:$0x7300] =	vst v63  }
0x94: {  	_ = 	snop  }
0x95: {  	[tilespmem:s9], [sflag:$0x2] =	stream.indirect.gather [hbm4b:s22+s8], $0x10, s8, s8, $0xb8;
	[tilespmem:$0x7300] =	vst v63  }
0x96: {  	_ =	swait.ge [sflag:s10], $0x780  }
0x97: {  	[sflag:s10] =	ssyncset.done $0x0  }
0x98: {  	s5 =	simm.s32 $0x1E00;
	[sflag:s10] =	ssyncadd.s32 $0xFFFFF880  }
0x99: {  	[spmem:s19] =	stream.indirect.scatter.add.f32 [tilespmem:s31], [sflag:$0x3], $0x10, s5, s8, $0xb8;
	[tilespmem:$0x7300] =	vst v63  }
0x9a: {  	_ =	swait.ge [sflag:s11], $0x780  }
0x9b: {  	[sflag:s11] =	ssyncset.done $0x0  }
0x9c: {  	s4 =	simm.s32 $0xF0;
	[sflag:s11] =	ssyncadd.s32 $0xFFFFF880  }
0x9d: {  	[tilespmem:s31], [sflag:$0x1] =	stream.indirect.gather [hbm4b:s22+s8], $0x10, s4, s8, $0xb8;
	[tilespmem:$0x7300] =	vst v63  }
0x9e: {  	_ =	swait.ge [sflag:s12], $0x780  }
0x9f: {  	[sflag:s12] =	ssyncset.done $0x0  }
0xa0: {  	s5 =	simm.s32 $0x1E78;
	[sflag:s12] =	ssyncadd.s32 $0xFFFFF880  }
0xa1: {  	[spmem:s19] =	stream.indirect.scatter.add.f32 [tilespmem:s9], [sflag:$0x4], $0x10, s5, s8, $0xb8;
	[tilespmem:$0x7300] =	vst v63  }
0xa2: {  	_ =	swait.ge [sflag:s13], $0x780  }
0xa3: {  	[sflag:s13] =	ssyncset.done $0x0  }
0xa4: {  	s3 =	simm.s32 $0x3C0;
	s4 =	simm.s32 $0x168;
	[sflag:s13] =	ssyncadd.s32 $0xFFFFF880  }
.LBB2_5:
0xa5: {  	[tilespmem:s9], [sflag:$0x2] =	stream.indirect.gather [hbm4b:s22+s8], $0x10, s4, s8, $0xb8;
	[tilespmem:$0x7300] =	vst v63  }
0xa6: {  	s4 =	smov.u32 s3  }
0xa7: {  	p1 =	sne.s32 s3, $0x3480;
	s3 =	sadd.s32 $0x3C0, s3;
	_ =	swait.ge [sflag:s10], $0x780  }
0xa8: {  	s4 =	sshra.s32 s4, $0x2;
	[sflag:s10] =	ssyncset.done $0x0  }
0xa9: {  	s5 =	sadd.s32 $0x1E00, s4;
	[sflag:s10] =	ssyncadd.s32 $0xFFFFF880  }
0xaa: {  	[spmem:s19] =	stream.indirect.scatter.add.f32 [tilespmem:s31], [sflag:$0x3], $0x10, s5, s8, $0xb8;
	[tilespmem:$0x7300] =	vst v63  }
0xab: {  	_ =	swait.ge [sflag:s11], $0x780  }
0xac: {  	[sflag:s11] =	ssyncset.done $0x0  }
0xad: {  	s5 =	sadd.s32 $0xF0, s4;
	[sflag:s11] =	ssyncadd.s32 $0xFFFFF880  }
0xae: {  	[tilespmem:s31], [sflag:$0x1] =	stream.indirect.gather [hbm4b:s22+s8], $0x10, s5, s8, $0xb8;
	[tilespmem:$0x7300] =	vst v63  }
0xaf: {  	_ =	swait.ge [sflag:s12], $0x780  }
0xb0: {  	[sflag:s12] =	ssyncset.done $0x0  }
.Ltmp4:
0xb1: {  	s5 =	sadd.s32 $0x1E78, s4;
	[sflag:s12] =	ssyncadd.s32 $0xFFFFF880;
	(pc) =	sbr.rel @p1 .LBB2_5-.Ltmp4, $4  }
0xb2: {  	[spmem:s19] =	stream.indirect.scatter.add.f32 [tilespmem:s9], [sflag:$0x4], $0x10, s5, s8, $0xb8;
	[tilespmem:$0x7300] =	vst v63  }
0xb3: {  	_ =	swait.ge [sflag:s13], $0x780  }
0xb4: {  	[sflag:s13] =	ssyncset.done $0x0  }
0xb5: {  	s4 =	sadd.s32 $0x168, s4;
	[sflag:s13] =	ssyncadd.s32 $0xFFFFF880  }
0xb6: {  	[tilespmem:s9], [sflag:$0x2] =	stream.indirect.gather [hbm4b:s22+s8], $0x10, s4, s8, $0xb8;
	[tilespmem:$0x7300] =	vst v63  }
0xb7: {  	_ =	swait.ge [sflag:s10], $0x780  }
0xb8: {  	[sflag:s10] =	ssyncset.done $0x0  }
0xb9: {  	s3 =	simm.s32 $0x2C10;
	[sflag:s10] =	ssyncadd.s32 $0xFFFFF880  }
0xba: {  	[spmem:s19] =	stream.indirect.scatter.add.f32 [tilespmem:s31], [sflag:$0x3], $0x10, s3, s8, $0xb8;
	[tilespmem:$0x7300] =	vst v63  }
0xbb: {  	_ =	swait.ge [sflag:s11], $0x780  }
0xbc: {  	[sflag:s11] =	ssyncset.done $0x0  }
0xbd: {  	[sflag:s11] =	ssyncadd.s32 $0xFFFFF880  }
0xbe: {  	_ =	swait.ge [sflag:s12], $0x780  }
0xbf: {  	[sflag:s12] =	ssyncset.done $0x0  }
0xc0: {  	s4 =	simm.s32 $0x2C88;
	[sflag:s12] =	ssyncadd.s32 $0xFFFFF880  }
0xc1: {  	[spmem:s19] =	stream.indirect.scatter.add.f32 [tilespmem:s9], [sflag:$0x4], $0x10, s4, s8, $0xb8;
	[tilespmem:$0x7300] =	vst v63  }
0xc2: {  	_ =	swait.ge [sflag:s13], $0x780  }
0xc3: {  	[sflag:s13] =	ssyncset.done $0x0  }
0xc4: {  	[sflag:s13] =	ssyncadd.s32 $0xFFFFF880  }
0xc5: {  	_ =	swait.ge [sflag:s7], $0xF00  }
0xc6: {  	[sflag:s7] =	ssyncset.done $0x0  }
0xc7: {  	[sflag:s7] =	ssyncadd.s32 $0xFFFFF100  }
0xc8: {  	_ =	swait.ge [sflag:s7], $0xF00  }
0xc9: {  	[sflag:s7] =	ssyncset.done $0x0  }
0xca: {  	s5 =	rddreg [dreg:$0xd];
	[sflag:s7] =	ssyncadd.s32 $0xFFFFF100  }
0xcb: {  	[tilespmem:s1], [sflag:$0x5] =	stream.linear.gather [hbm4b:s5+s1], $0xF00, $0x38;
	[tilespmem:$0x7300] =	vst v63  }
0xcc: {  	s4 =	rddreg [dreg:$0xe];
	s5 =	simm.s32 $0x1E00  }
0xcd: {  	[tilespmem:s5], [sflag:$0x5] =	stream.linear.gather [hbm4b:s4+s1], $0xF00, $0x38;
	[tilespmem:$0x7300] =	vst v63  }
0xce: {  	_ = 	snop  }
0xcf: {  	[tilespmem:s31], [sflag:$0x1] =	stream.indirect.gather [hbm4b:s22+s8], $0x10, s6, s8, $0xb8;
	[tilespmem:$0x7300] =	vst v63  }
0xd0: {  	s4 =	simm.s32 $0xF78  }
0xd1: {  	[tilespmem:s9], [sflag:$0x2] =	stream.indirect.gather [hbm4b:s22+s8], $0x10, s4, s8, $0xb8;
	[tilespmem:$0x7300] =	vst v63  }
0xd2: {  	_ =	swait.ge [sflag:s10], $0x780  }
0xd3: {  	[sflag:s10] =	ssyncset.done $0x0  }
0xd4: {  	s5 =	simm.s32 $0x2D00;
	[sflag:s10] =	ssyncadd.s32 $0xFFFFF880  }
0xd5: {  	[spmem:s19] =	stream.indirect.scatter.add.f32 [tilespmem:s31], [sflag:$0x3], $0x10, s5, s8, $0xb8;
	[tilespmem:$0x7300] =	vst v63  }
0xd6: {  	_ =	swait.ge [sflag:s11], $0x780  }
0xd7: {  	[sflag:s11] =	ssyncset.done $0x0  }
0xd8: {  	s4 =	simm.s32 $0xFF0;
	[sflag:s11] =	ssyncadd.s32 $0xFFFFF880  }
0xd9: {  	[tilespmem:s31], [sflag:$0x1] =	stream.indirect.gather [hbm4b:s22+s8], $0x10, s4, s8, $0xb8;
	[tilespmem:$0x7300] =	vst v63  }
0xda: {  	_ =	swait.ge [sflag:s12], $0x780  }
0xdb: {  	[sflag:s12] =	ssyncset.done $0x0  }
0xdc: {  	s5 =	simm.s32 $0x2D78;
	[sflag:s12] =	ssyncadd.s32 $0xFFFFF880  }
0xdd: {  	[spmem:s19] =	stream.indirect.scatter.add.f32 [tilespmem:s9], [sflag:$0x4], $0x10, s5, s8, $0xb8;
	[tilespmem:$0x7300] =	vst v63  }
0xde: {  	_ =	swait.ge [sflag:s13], $0x780  }
0xdf: {  	[sflag:s13] =	ssyncset.done $0x0  }
0xe0: {  	s3 =	simm.s32 $0xFFFFCB80;
	s4 =	simm.s32 $0x1068;
	[sflag:s13] =	ssyncadd.s32 $0xFFFFF880  }
.LBB2_7:
0xe1: {  	[tilespmem:s9], [sflag:$0x2] =	stream.indirect.gather [hbm4b:s22+s8], $0x10, s4, s8, $0xb8;
	[tilespmem:$0x7300] =	vst v63  }
0xe2: {  	s4 =	smov.u32 s3  }
0xe3: {  	p1 =	sne.s32 s3, $0xFFFFFC40;
	s3 =	sadd.s32 $0x3C0, s3;
	_ =	swait.ge [sflag:s10], $0x780  }
0xe4: {  	s4 =	sshra.s32 s4, $0x2;
	[sflag:s10] =	ssyncset.done $0x0  }
0xe5: {  	s5 =	sadd.s32 $0x3B10, s4;
	[sflag:s10] =	ssyncadd.s32 $0xFFFFF880  }
0xe6: {  	[spmem:s19] =	stream.indirect.scatter.add.f32 [tilespmem:s31], [sflag:$0x3], $0x10, s5, s8, $0xb8;
	[tilespmem:$0x7300] =	vst v63  }
0xe7: {  	_ =	swait.ge [sflag:s11], $0x780  }
0xe8: {  	[sflag:s11] =	ssyncset.done $0x0  }
0xe9: {  	s5 =	sadd.s32 $0x1E00, s4;
	[sflag:s11] =	ssyncadd.s32 $0xFFFFF880  }
0xea: {  	[tilespmem:s31], [sflag:$0x1] =	stream.indirect.gather [hbm4b:s22+s8], $0x10, s5, s8, $0xb8;
	[tilespmem:$0x7300] =	vst v63  }
0xeb: {  	_ =	swait.ge [sflag:s12], $0x780  }
0xec: {  	[sflag:s12] =	ssyncset.done $0x0  }
.Ltmp5:
0xed: {  	s5 =	sadd.s32 $0x3B88, s4;
	[sflag:s12] =	ssyncadd.s32 $0xFFFFF880;
	(pc) =	sbr.rel @p1 .LBB2_7-.Ltmp5, $4  }
0xee: {  	[spmem:s19] =	stream.indirect.scatter.add.f32 [tilespmem:s9], [sflag:$0x4], $0x10, s5, s8, $0xb8;
	[tilespmem:$0x7300] =	vst v63  }
0xef: {  	_ =	swait.ge [sflag:s13], $0x780  }
0xf0: {  	[sflag:s13] =	ssyncset.done $0x0  }
0xf1: {  	s4 =	sadd.s32 $0x1E78, s4;
	[sflag:s13] =	ssyncadd.s32 $0xFFFFF880  }
0xf2: {  	[tilespmem:s9], [sflag:$0x2] =	stream.indirect.gather [hbm4b:s22+s8], $0x10, s4, s8, $0xb8;
	[tilespmem:$0x7300] =	vst v63  }
0xf3: {  	_ =	swait.ge [sflag:s10], $0x780  }
0xf4: {  	[sflag:s10] =	ssyncset.done $0x0  }
0xf5: {  	s3 =	simm.s32 $0x3B10;
	[sflag:s10] =	ssyncadd.s32 $0xFFFFF880  }
0xf6: {  	[spmem:s19] =	stream.indirect.scatter.add.f32 [tilespmem:s31], [sflag:$0x3], $0x10, s3, s8, $0xb8;
	[tilespmem:$0x7300] =	vst v63  }
0xf7: {  	_ =	swait.ge [sflag:s11], $0x780  }
0xf8: {  	[sflag:s11] =	ssyncset.done $0x0  }
0xf9: {  	[sflag:s11] =	ssyncadd.s32 $0xFFFFF880  }
0xfa: {  	_ =	swait.ge [sflag:s12], $0x780  }
0xfb: {  	[sflag:s12] =	ssyncset.done $0x0  }
0xfc: {  	s5 =	simm.s32 $0x3B88;
	[sflag:s12] =	ssyncadd.s32 $0xFFFFF880  }
0xfd: {  	[spmem:s19] =	stream.indirect.scatter.add.f32 [tilespmem:s9], [sflag:$0x4], $0x10, s5, s8, $0xb8;
	[tilespmem:$0x7300] =	vst v63  }
0xfe: {  	_ =	swait.ge [sflag:s13], $0x780  }
0xff: {  	[sflag:s13] =	ssyncset.done $0x0  }
0x100: {  	[sflag:s13] =	ssyncadd.s32 $0xFFFFF880  }
0x101: {  	_ =	swait.ge [sflag:s0], $0xF00  }
0x102: {  	[sflag:s0] =	ssyncset.done $0x0  }
0x103: {  	[sflag:s0] =	ssyncadd.s32 $0xFFFFF100  }
0x104: {  	_ =	swait.ge [sflag:s0], $0xF00  }
0x105: {  	[sflag:s0] =	ssyncset.done $0x0  }
0x106: {  	s4 =	simm.s32 $0x0;
	[sflag:s0] =	ssyncadd.s32 $0xFFFFF100  }
0x107: {  	[tilespmem:s31], [sflag:$0x1] =	stream.indirect.gather [hbm4b:s22+s8], $0x10, s4, s8, $0xb8;
	[tilespmem:$0x7300] =	vst v63  }
0x108: {  	_ = 	snop  }
0x109: {  	[tilespmem:s9], [sflag:$0x2] =	stream.indirect.gather [hbm4b:s22+s8], $0x10, s8, s8, $0xb8;
	[tilespmem:$0x7300] =	vst v63  }
0x10a: {  	_ =	swait.ge [sflag:s10], $0x780  }
0x10b: {  	[sflag:s10] =	ssyncset.done $0x0  }
0x10c: {  	s5 =	simm.s32 $0x1E00;
	[sflag:s10] =	ssyncadd.s32 $0xFFFFF880  }
0x10d: {  	[spmem:s19] =	stream.indirect.scatter.add.f32 [tilespmem:s31], [sflag:$0x3], $0x10, s5, s8, $0xb8;
	[tilespmem:$0x7300] =	vst v63  }
0x10e: {  	_ =	swait.ge [sflag:s11], $0x780  }
0x10f: {  	[sflag:s11] =	ssyncset.done $0x0  }
0x110: {  	s4 =	simm.s32 $0xF0;
	[sflag:s11] =	ssyncadd.s32 $0xFFFFF880  }
0x111: {  	[tilespmem:s31], [sflag:$0x1] =	stream.indirect.gather [hbm4b:s22+s8], $0x10, s4, s8, $0xb8;
	[tilespmem:$0x7300] =	vst v63  }
0x112: {  	_ =	swait.ge [sflag:s12], $0x780  }
0x113: {  	p1 =	por $0x0, $0x0;
	[sflag:s12] =	ssyncset.done $0x0  }
.Ltmp6:
0x114: {  	s5 =	simm.s32 $0x1E78;
	[sflag:s12] =	ssyncadd.s32 $0xFFFFF880;
	(pc) =	sbr.rel @p1 .LBB2_10-.Ltmp6, $4  }
0x115: {  	[spmem:s19] =	stream.indirect.scatter.add.f32 [tilespmem:s9], [sflag:$0x4], $0x10, s5, s8, $0xb8;
	[tilespmem:$0x7300] =	vst v63  }
0x116: {  	_ =	swait.ge [sflag:s13], $0x780  }
0x117: {  	[sflag:s13] =	ssyncset.done $0x0  }
0x118: {  	s3 =	simm.s32 $0x3C0;
	s4 =	simm.s32 $0x168;
	[sflag:s13] =	ssyncadd.s32 $0xFFFFF880  }
.LBB2_9:
0x119: {  	[tilespmem:s9], [sflag:$0x2] =	stream.indirect.gather [hbm4b:s22+s8], $0x10, s4, s8, $0xb8;
	[tilespmem:$0x7300] =	vst v63  }
0x11a: {  	s4 =	smov.u32 s3  }
0x11b: {  	p1 =	seq.s32 s3, $0x3480;
	s3 =	sadd.s32 $0x3C0, s3;
	_ =	swait.ge [sflag:s10], $0x780  }
0x11c: {  	s4 =	sshra.s32 s4, $0x2;
	[sflag:s10] =	ssyncset.done $0x0  }
0x11d: {  	s5 =	sadd.s32 $0x1E00, s4;
	[sflag:s10] =	ssyncadd.s32 $0xFFFFF880  }
0x11e: {  	[spmem:s19] =	stream.indirect.scatter.add.f32 [tilespmem:s31], [sflag:$0x3], $0x10, s5, s8, $0xb8;
	[tilespmem:$0x7300] =	vst v63  }
0x11f: {  	_ =	swait.ge [sflag:s11], $0x780  }
0x120: {  	[sflag:s11] =	ssyncset.done $0x0  }
0x121: {  	s5 =	sadd.s32 $0xF0, s4;
	[sflag:s11] =	ssyncadd.s32 $0xFFFFF880  }
0x122: {  	[tilespmem:s31], [sflag:$0x1] =	stream.indirect.gather [hbm4b:s22+s8], $0x10, s5, s8, $0xb8;
	[tilespmem:$0x7300] =	vst v63  }
0x123: {  	_ =	swait.ge [sflag:s12], $0x780  }
0x124: {  	[sflag:s12] =	ssyncset.done $0x0  }
.Ltmp7:
0x125: {  	s5 =	sadd.s32 $0x1E78, s4;
	[sflag:s12] =	ssyncadd.s32 $0xFFFFF880;
	(pc) =	sbr.rel @!p1 .LBB2_9-.Ltmp7, $4  }
0x126: {  	[spmem:s19] =	stream.indirect.scatter.add.f32 [tilespmem:s9], [sflag:$0x4], $0x10, s5, s8, $0xb8;
	[tilespmem:$0x7300] =	vst v63  }
0x127: {  	_ =	swait.ge [sflag:s13], $0x780  }
0x128: {  	[sflag:s13] =	ssyncset.done $0x0  }
0x129: {  	s4 =	sadd.s32 $0x168, s4;
	[sflag:s13] =	ssyncadd.s32 $0xFFFFF880  }
.Ltmp8:
0x12a: {  	_ = 	snop;
	(pc) =	sbr.rel .LBB2_10-.Ltmp8, $1  }
0x12b: {  	_ =	sdelay $0x3  }
.LBB2_11:
0x12c: {  	_ =	swait.ge [sflag:s0], $0xB40  }
0x12d: {  	[sflag:s0] =	ssyncset.done $0x0  }
0x12e: {  	[sflag:s0] =	ssyncadd.s32 $0xFFFFF4C0  }
0x12f: {  	_ =	swait.ge [sflag:s0], $0xB40  }
0x130: {  	[sflag:s0] =	ssyncset.done $0x0  }
0x131: {  	s3 =	simm.s32 $0x0;
	s4 =	rddreg [dreg:$0x7];
	[sflag:s0] =	ssyncadd.s32 $0xFFFFF4C0  }
0x132: {  	[tilespmem:s6], [sflag:$0x6] =	stream.linear.gather [hbm4b:s4+s3], $0xB40, $0x38;
	[tilespmem:$0x7300] =	vst v63  }
0x133: {  	s5 =	simm.s32 $0x2D00;
	s4 =	rddreg [dreg:$0x8]  }
0x134: {  	[tilespmem:s5], [sflag:$0x6] =	stream.linear.gather [hbm4b:s4+s3], $0xB40, $0x38;
	[tilespmem:$0x7300] =	vst v63  }
0x135: {  	_ = 	snop  }
0x136: {  	[tilespmem:s31], [sflag:$0x1] =	stream.indirect.gather [hbm4b:s22+s8], $0x10, s3, s8, $0xb8;
	[tilespmem:$0x7300] =	vst v63  }
0x137: {  	_ = 	snop  }
0x138: {  	[tilespmem:s9], [sflag:$0x2] =	stream.indirect.gather [hbm4b:s22+s8], $0x10, s8, s8, $0xb8;
	[tilespmem:$0x7300] =	vst v63  }
0x139: {  	_ =	swait.ge [sflag:s10], $0x780  }
0x13a: {  	[sflag:s10] =	ssyncset.done $0x0  }
0x13b: {  	s5 =	simm.s32 $0x1E00;
	[sflag:s10] =	ssyncadd.s32 $0xFFFFF880  }
0x13c: {  	[spmem:s19] =	stream.indirect.scatter.add.f32 [tilespmem:s31], [sflag:$0x3], $0x10, s5, s8, $0xb8;
	[tilespmem:$0x7300] =	vst v63  }
0x13d: {  	_ =	swait.ge [sflag:s11], $0x780  }
0x13e: {  	[sflag:s11] =	ssyncset.done $0x0  }
0x13f: {  	s4 =	simm.s32 $0xF0;
	[sflag:s11] =	ssyncadd.s32 $0xFFFFF880  }
0x140: {  	[tilespmem:s31], [sflag:$0x1] =	stream.indirect.gather [hbm4b:s22+s8], $0x10, s4, s8, $0xb8;
	[tilespmem:$0x7300] =	vst v63  }
0x141: {  	_ =	swait.ge [sflag:s12], $0x780  }
0x142: {  	[sflag:s12] =	ssyncset.done $0x0  }
0x143: {  	s5 =	simm.s32 $0x1E78;
	[sflag:s12] =	ssyncadd.s32 $0xFFFFF880  }
0x144: {  	[spmem:s19] =	stream.indirect.scatter.add.f32 [tilespmem:s9], [sflag:$0x4], $0x10, s5, s8, $0xb8;
	[tilespmem:$0x7300] =	vst v63  }
0x145: {  	_ =	swait.ge [sflag:s13], $0x780  }
0x146: {  	[sflag:s13] =	ssyncset.done $0x0  }
0x147: {  	s3 =	simm.s32 $0x3C0;
	s4 =	simm.s32 $0x168;
	[sflag:s13] =	ssyncadd.s32 $0xFFFFF880  }
.LBB2_12:
0x148: {  	[tilespmem:s9], [sflag:$0x2] =	stream.indirect.gather [hbm4b:s22+s8], $0x10, s4, s8, $0xb8;
	[tilespmem:$0x7300] =	vst v63  }
0x149: {  	s4 =	smov.u32 s3  }
0x14a: {  	p1 =	sne.s32 s3, $0x2580;
	s3 =	sadd.s32 $0x3C0, s3;
	_ =	swait.ge [sflag:s10], $0x780  }
0x14b: {  	s4 =	sshra.s32 s4, $0x2;
	[sflag:s10] =	ssyncset.done $0x0  }
0x14c: {  	s5 =	sadd.s32 $0x1E00, s4;
	[sflag:s10] =	ssyncadd.s32 $0xFFFFF880  }
0x14d: {  	[spmem:s19] =	stream.indirect.scatter.add.f32 [tilespmem:s31], [sflag:$0x3], $0x10, s5, s8, $0xb8;
	[tilespmem:$0x7300] =	vst v63  }
0x14e: {  	_ =	swait.ge [sflag:s11], $0x780  }
0x14f: {  	[sflag:s11] =	ssyncset.done $0x0  }
0x150: {  	s5 =	sadd.s32 $0xF0, s4;
	[sflag:s11] =	ssyncadd.s32 $0xFFFFF880  }
0x151: {  	[tilespmem:s31], [sflag:$0x1] =	stream.indirect.gather [hbm4b:s22+s8], $0x10, s5, s8, $0xb8;
	[tilespmem:$0x7300] =	vst v63  }
0x152: {  	_ =	swait.ge [sflag:s12], $0x780  }
0x153: {  	[sflag:s12] =	ssyncset.done $0x0  }
.Ltmp9:
0x154: {  	s5 =	sadd.s32 $0x1E78, s4;
	[sflag:s12] =	ssyncadd.s32 $0xFFFFF880;
	(pc) =	sbr.rel @p1 .LBB2_12-.Ltmp9, $4  }
0x155: {  	[spmem:s19] =	stream.indirect.scatter.add.f32 [tilespmem:s9], [sflag:$0x4], $0x10, s5, s8, $0xb8;
	[tilespmem:$0x7300] =	vst v63  }
0x156: {  	_ =	swait.ge [sflag:s13], $0x780  }
0x157: {  	[sflag:s13] =	ssyncset.done $0x0  }
0x158: {  	s4 =	sadd.s32 $0x168, s4;
	[sflag:s13] =	ssyncadd.s32 $0xFFFFF880  }
0x159: {  	[tilespmem:s9], [sflag:$0x2] =	stream.indirect.gather [hbm4b:s22+s8], $0x10, s4, s8, $0xb8;
	[tilespmem:$0x7300] =	vst v63  }
0x15a: {  	_ =	swait.ge [sflag:s10], $0x780  }
0x15b: {  	[sflag:s10] =	ssyncset.done $0x0  }
0x15c: {  	s3 =	simm.s32 $0x2850;
	[sflag:s10] =	ssyncadd.s32 $0xFFFFF880  }
0x15d: {  	[spmem:s19] =	stream.indirect.scatter.add.f32 [tilespmem:s31], [sflag:$0x3], $0x10, s3, s8, $0xb8;
	[tilespmem:$0x7300] =	vst v63  }
0x15e: {  	_ =	swait.ge [sflag:s11], $0x780  }
0x15f: {  	[sflag:s11] =	ssyncset.done $0x0  }
0x160: {  	[sflag:s11] =	ssyncadd.s32 $0xFFFFF880  }
0x161: {  	_ =	swait.ge [sflag:s12], $0x780  }
0x162: {  	[sflag:s12] =	ssyncset.done $0x0  }
0x163: {  	s4 =	simm.s32 $0x28C8;
	[sflag:s12] =	ssyncadd.s32 $0xFFFFF880  }
0x164: {  	[spmem:s19] =	stream.indirect.scatter.add.f32 [tilespmem:s9], [sflag:$0x4], $0x10, s4, s8, $0xb8;
	[tilespmem:$0x7300] =	vst v63  }
0x165: {  	_ =	swait.ge [sflag:s13], $0x780  }
0x166: {  	[sflag:s13] =	ssyncset.done $0x0  }
0x167: {  	[sflag:s13] =	ssyncadd.s32 $0xFFFFF880  }
0x168: {  	_ =	swait.ge [sflag:s7], $0xB40  }
0x169: {  	[sflag:s7] =	ssyncset.done $0x0  }
0x16a: {  	[sflag:s7] =	ssyncadd.s32 $0xFFFFF4C0  }
0x16b: {  	_ =	swait.ge [sflag:s7], $0xB40  }
0x16c: {  	[sflag:s7] =	ssyncset.done $0x0  }
0x16d: {  	s5 =	rddreg [dreg:$0x9];
	[sflag:s7] =	ssyncadd.s32 $0xFFFFF4C0  }
0x16e: {  	[tilespmem:s1], [sflag:$0x5] =	stream.linear.gather [hbm4b:s5+s1], $0xB40, $0x38;
	[tilespmem:$0x7300] =	vst v63  }
0x16f: {  	s4 =	rddreg [dreg:$0xa];
	s5 =	simm.s32 $0x1E00  }
0x170: {  	[tilespmem:s5], [sflag:$0x5] =	stream.linear.gather [hbm4b:s4+s1], $0xB40, $0x38;
	[tilespmem:$0x7300] =	vst v63  }
0x171: {  	_ = 	snop  }
0x172: {  	[tilespmem:s31], [sflag:$0x1] =	stream.indirect.gather [hbm4b:s22+s8], $0x10, s6, s8, $0xb8;
	[tilespmem:$0x7300] =	vst v63  }
0x173: {  	s4 =	simm.s32 $0xF78  }
0x174: {  	[tilespmem:s9], [sflag:$0x2] =	stream.indirect.gather [hbm4b:s22+s8], $0x10, s4, s8, $0xb8;
	[tilespmem:$0x7300] =	vst v63  }
0x175: {  	_ =	swait.ge [sflag:s10], $0x780  }
0x176: {  	[sflag:s10] =	ssyncset.done $0x0  }
0x177: {  	s5 =	simm.s32 $0x2D00;
	[sflag:s10] =	ssyncadd.s32 $0xFFFFF880  }
0x178: {  	[spmem:s19] =	stream.indirect.scatter.add.f32 [tilespmem:s31], [sflag:$0x3], $0x10, s5, s8, $0xb8;
	[tilespmem:$0x7300] =	vst v63  }
0x179: {  	_ =	swait.ge [sflag:s11], $0x780  }
0x17a: {  	[sflag:s11] =	ssyncset.done $0x0  }
0x17b: {  	s4 =	simm.s32 $0xFF0;
	[sflag:s11] =	ssyncadd.s32 $0xFFFFF880  }
0x17c: {  	[tilespmem:s31], [sflag:$0x1] =	stream.indirect.gather [hbm4b:s22+s8], $0x10, s4, s8, $0xb8;
	[tilespmem:$0x7300] =	vst v63  }
0x17d: {  	_ =	swait.ge [sflag:s12], $0x780  }
0x17e: {  	[sflag:s12] =	ssyncset.done $0x0  }
0x17f: {  	s5 =	simm.s32 $0x2D78;
	[sflag:s12] =	ssyncadd.s32 $0xFFFFF880  }
0x180: {  	[spmem:s19] =	stream.indirect.scatter.add.f32 [tilespmem:s9], [sflag:$0x4], $0x10, s5, s8, $0xb8;
	[tilespmem:$0x7300] =	vst v63  }
0x181: {  	_ =	swait.ge [sflag:s13], $0x780  }
0x182: {  	[sflag:s13] =	ssyncset.done $0x0  }
0x183: {  	s3 =	simm.s32 $0xFFFFDA80;
	s4 =	simm.s32 $0x1068;
	[sflag:s13] =	ssyncadd.s32 $0xFFFFF880  }
.LBB2_14:
0x184: {  	[tilespmem:s9], [sflag:$0x2] =	stream.indirect.gather [hbm4b:s22+s8], $0x10, s4, s8, $0xb8;
	[tilespmem:$0x7300] =	vst v63  }
0x185: {  	s4 =	smov.u32 s3  }
0x186: {  	p1 =	sne.s32 s3, $0xFFFFFC40;
	s3 =	sadd.s32 $0x3C0, s3;
	_ =	swait.ge [sflag:s10], $0x780  }
0x187: {  	s4 =	sshra.s32 s4, $0x2;
	[sflag:s10] =	ssyncset.done $0x0  }
0x188: {  	s5 =	sadd.s32 $0x3750, s4;
	[sflag:s10] =	ssyncadd.s32 $0xFFFFF880  }
0x189: {  	[spmem:s19] =	stream.indirect.scatter.add.f32 [tilespmem:s31], [sflag:$0x3], $0x10, s5, s8, $0xb8;
	[tilespmem:$0x7300] =	vst v63  }
0x18a: {  	_ =	swait.ge [sflag:s11], $0x780  }
0x18b: {  	[sflag:s11] =	ssyncset.done $0x0  }
0x18c: {  	s5 =	sadd.s32 $0x1A40, s4;
	[sflag:s11] =	ssyncadd.s32 $0xFFFFF880  }
0x18d: {  	[tilespmem:s31], [sflag:$0x1] =	stream.indirect.gather [hbm4b:s22+s8], $0x10, s5, s8, $0xb8;
	[tilespmem:$0x7300] =	vst v63  }
0x18e: {  	_ =	swait.ge [sflag:s12], $0x780  }
0x18f: {  	[sflag:s12] =	ssyncset.done $0x0  }
.Ltmp10:
0x190: {  	s5 =	sadd.s32 $0x37C8, s4;
	[sflag:s12] =	ssyncadd.s32 $0xFFFFF880;
	(pc) =	sbr.rel @p1 .LBB2_14-.Ltmp10, $4  }
0x191: {  	[spmem:s19] =	stream.indirect.scatter.add.f32 [tilespmem:s9], [sflag:$0x4], $0x10, s5, s8, $0xb8;
	[tilespmem:$0x7300] =	vst v63  }
0x192: {  	_ =	swait.ge [sflag:s13], $0x780  }
0x193: {  	[sflag:s13] =	ssyncset.done $0x0  }
0x194: {  	s4 =	sadd.s32 $0x1AB8, s4;
	[sflag:s13] =	ssyncadd.s32 $0xFFFFF880  }
0x195: {  	[tilespmem:s9], [sflag:$0x2] =	stream.indirect.gather [hbm4b:s22+s8], $0x10, s4, s8, $0xb8;
	[tilespmem:$0x7300] =	vst v63  }
0x196: {  	_ =	swait.ge [sflag:s10], $0x780  }
0x197: {  	[sflag:s10] =	ssyncset.done $0x0  }
0x198: {  	s3 =	simm.s32 $0x3750;
	[sflag:s10] =	ssyncadd.s32 $0xFFFFF880  }
0x199: {  	[spmem:s19] =	stream.indirect.scatter.add.f32 [tilespmem:s31], [sflag:$0x3], $0x10, s3, s8, $0xb8;
	[tilespmem:$0x7300] =	vst v63  }
0x19a: {  	_ =	swait.ge [sflag:s11], $0x780  }
0x19b: {  	[sflag:s11] =	ssyncset.done $0x0  }
0x19c: {  	[sflag:s11] =	ssyncadd.s32 $0xFFFFF880  }
0x19d: {  	_ =	swait.ge [sflag:s12], $0x780  }
0x19e: {  	[sflag:s12] =	ssyncset.done $0x0  }
0x19f: {  	s5 =	simm.s32 $0x37C8;
	[sflag:s12] =	ssyncadd.s32 $0xFFFFF880  }
0x1a0: {  	[spmem:s19] =	stream.indirect.scatter.add.f32 [tilespmem:s9], [sflag:$0x4], $0x10, s5, s8, $0xb8;
	[tilespmem:$0x7300] =	vst v63  }
0x1a1: {  	_ =	swait.ge [sflag:s13], $0x780  }
0x1a2: {  	[sflag:s13] =	ssyncset.done $0x0  }
0x1a3: {  	[sflag:s13] =	ssyncadd.s32 $0xFFFFF880  }
0x1a4: {  	_ =	swait.ge [sflag:s0], $0xB40  }
0x1a5: {  	[sflag:s0] =	ssyncset.done $0x0  }
0x1a6: {  	[sflag:s0] =	ssyncadd.s32 $0xFFFFF4C0  }
0x1a7: {  	_ =	swait.ge [sflag:s0], $0xB40  }
0x1a8: {  	[sflag:s0] =	ssyncset.done $0x0  }
0x1a9: {  	s4 =	simm.s32 $0x0;
	[sflag:s0] =	ssyncadd.s32 $0xFFFFF4C0  }
0x1aa: {  	[tilespmem:s31], [sflag:$0x1] =	stream.indirect.gather [hbm4b:s22+s8], $0x10, s4, s8, $0xb8;
	[tilespmem:$0x7300] =	vst v63  }
0x1ab: {  	_ = 	snop  }
0x1ac: {  	[tilespmem:s9], [sflag:$0x2] =	stream.indirect.gather [hbm4b:s22+s8], $0x10, s8, s8, $0xb8;
	[tilespmem:$0x7300] =	vst v63  }
0x1ad: {  	_ =	swait.ge [sflag:s10], $0x780  }
0x1ae: {  	[sflag:s10] =	ssyncset.done $0x0  }
0x1af: {  	s5 =	simm.s32 $0x1E00;
	[sflag:s10] =	ssyncadd.s32 $0xFFFFF880  }
0x1b0: {  	[spmem:s19] =	stream.indirect.scatter.add.f32 [tilespmem:s31], [sflag:$0x3], $0x10, s5, s8, $0xb8;
	[tilespmem:$0x7300] =	vst v63  }
0x1b1: {  	_ =	swait.ge [sflag:s11], $0x780  }
0x1b2: {  	[sflag:s11] =	ssyncset.done $0x0  }
0x1b3: {  	s4 =	simm.s32 $0xF0;
	[sflag:s11] =	ssyncadd.s32 $0xFFFFF880  }
0x1b4: {  	[tilespmem:s31], [sflag:$0x1] =	stream.indirect.gather [hbm4b:s22+s8], $0x10, s4, s8, $0xb8;
	[tilespmem:$0x7300] =	vst v63  }
0x1b5: {  	_ =	swait.ge [sflag:s12], $0x780  }
0x1b6: {  	[sflag:s12] =	ssyncset.done $0x0  }
0x1b7: {  	s5 =	simm.s32 $0x1E78;
	[sflag:s12] =	ssyncadd.s32 $0xFFFFF880  }
0x1b8: {  	[spmem:s19] =	stream.indirect.scatter.add.f32 [tilespmem:s9], [sflag:$0x4], $0x10, s5, s8, $0xb8;
	[tilespmem:$0x7300] =	vst v63  }
0x1b9: {  	_ =	swait.ge [sflag:s13], $0x780  }
0x1ba: {  	[sflag:s13] =	ssyncset.done $0x0  }
0x1bb: {  	s3 =	simm.s32 $0x3C0;
	s4 =	simm.s32 $0x168;
	[sflag:s13] =	ssyncadd.s32 $0xFFFFF880  }
.LBB2_16:
0x1bc: {  	[tilespmem:s9], [sflag:$0x2] =	stream.indirect.gather [hbm4b:s22+s8], $0x10, s4, s8, $0xb8;
	[tilespmem:$0x7300] =	vst v63  }
0x1bd: {  	s4 =	smov.u32 s3  }
0x1be: {  	p1 =	sne.s32 s3, $0x2580;
	s3 =	sadd.s32 $0x3C0, s3;
	_ =	swait.ge [sflag:s10], $0x780  }
0x1bf: {  	s4 =	sshra.s32 s4, $0x2;
	[sflag:s10] =	ssyncset.done $0x0  }
0x1c0: {  	s5 =	sadd.s32 $0x1E00, s4;
	[sflag:s10] =	ssyncadd.s32 $0xFFFFF880  }
0x1c1: {  	[spmem:s19] =	stream.indirect.scatter.add.f32 [tilespmem:s31], [sflag:$0x3], $0x10, s5, s8, $0xb8;
	[tilespmem:$0x7300] =	vst v63  }
0x1c2: {  	_ =	swait.ge [sflag:s11], $0x780  }
0x1c3: {  	[sflag:s11] =	ssyncset.done $0x0  }
0x1c4: {  	s5 =	sadd.s32 $0xF0, s4;
	[sflag:s11] =	ssyncadd.s32 $0xFFFFF880  }
0x1c5: {  	[tilespmem:s31], [sflag:$0x1] =	stream.indirect.gather [hbm4b:s22+s8], $0x10, s5, s8, $0xb8;
	[tilespmem:$0x7300] =	vst v63  }
0x1c6: {  	_ =	swait.ge [sflag:s12], $0x780  }
0x1c7: {  	[sflag:s12] =	ssyncset.done $0x0  }
.Ltmp11:
0x1c8: {  	s5 =	sadd.s32 $0x1E78, s4;
	[sflag:s12] =	ssyncadd.s32 $0xFFFFF880;
	(pc) =	sbr.rel @p1 .LBB2_16-.Ltmp11, $4  }
0x1c9: {  	[spmem:s19] =	stream.indirect.scatter.add.f32 [tilespmem:s9], [sflag:$0x4], $0x10, s5, s8, $0xb8;
	[tilespmem:$0x7300] =	vst v63  }
0x1ca: {  	_ =	swait.ge [sflag:s13], $0x780  }
0x1cb: {  	[sflag:s13] =	ssyncset.done $0x0  }
0x1cc: {  	s4 =	sadd.s32 $0x168, s4;
	[sflag:s13] =	ssyncadd.s32 $0xFFFFF880  }
.Ltmp12:
0x1cd: {  	(pc) =	sbr.rel .LBB2_18-.Ltmp12, $3  }
0x1ce: {  	_ =	sdelay $0x1  }
0x1cf: {  	[tilespmem:s9], [sflag:$0x2] =	stream.indirect.gather [hbm4b:s22+s8], $0x10, s4, s8, $0xb8;
	[tilespmem:$0x7300] =	vst v63  }
0x1d0: {  	s3 =	simm.s32 $0x28C8;
	s4 =	simm.s32 $0x2850  }
.LBB2_19:
0x1d1: {  	_ =	sfence.sel $0x180000  }
0x1d2: {  	[bflag:$0x0] =	sbarrier.arrive $0xFFFF  }
0x1d3: {  	_ =	strace $0x9000004D  }
0x1d4: {  	s0 =	stileid.u32;
	[bflag:$0x2] =	sbarrier.arrive $0xFFFF  }
0x1d5: {  	p0 =	sne.s32 s0, $0x0;
	s0 =	rddreg [dreg:$0x2]  }
0x1d6: {  	s0 =	sadd.s32 @!p0 $0x100000, s0  }
0x1d7: {  	[sflag:s0] =	ssyncadd.tile.s32 @!p0 $0x1;
	_ =	shalt  }
.Lfunc_end2:
_tile_overlayer_lowered:
.L_overlay_start_2:
0x1d8: {  	(tag) =	ssettag $0x2  }
0x1d9: {  	s0 =	rddreg [dreg:$0x0];
	s2 =	stileid.u32  }
0x1da: {  	s1 =	rddreg [dreg:$0x1];
	p0 =	sne.s32 s2, $0x0  }
0x1db: {  	s3 =	rddreg [dreg:$0x2];
	[bflag:$0x3] =	sbarrier.arrive $0xFFFF;
	s2 =	simm.s32 @!p0 $0x1C07  }
0x1dc: {  	[timem:s3], [sflag:s2] =	dma.local @!p0 [hbm:s0], s1  }
0x1dd: {  	s0 =	simm.s32 @!p0 $0x7  }
0x1de: {  	_ =	swait.ge @!p0 [sflag:s0], s1  }
0x1df: {  	s1 =	ssub.s32 @!p0 $0x0, s1;
	[sflag:s0] =	ssyncset.done @!p0 $0x0  }
0x1e0: {  	[sflag:s0] =	ssyncadd.s32 @!p0 s1  }
0x1e1: {  	[bflag:$0x3] =	sbarrier.arrive $0xFFFF  }
0x1e2: {  	_ =	shalt  }

// kernel: kernel.8.cloned.1.call-start
scs
__scs_entry_jumppad:
0x0: {  	(pc) =	sbr.rel $0x88, $3  }
0x1: {  	(tag) =	ssettag $0x0;
	lr =	simm.s32 $0x1  }
0x2: {  	[smem:$0x3F9B] =	sst lr;
	_ =	strace $0xD0000000  }
0x3: {  	_ = 	snop  }
0x4: {  	_ = 	snop  }
0x5: {  	_ = 	snop  }
0x6: {  	_ = 	snop  }
0x7: {  	_ = 	snop  }
__scs_overlays_trampoline_lowered:
0x8: {  	[smem:$0x3FAA] =	sst s0  }
0x9: {  	[smem:$0x3FAB] =	sst s1  }
0xa: {  	[smem:$0x3FAC] =	sst s2  }
0xb: {  	[smem:$0x3FAD] =	sst s3  }
0xc: {  	[smem:$0x3FAE] =	sst s4  }
0xd: {  	[smem:$0x3FAF] =	sst s5  }
0xe: {  	[smem:$0x3FB0] =	sst s6  }
0xf: {  	[smem:$0x3FB1] =	sst s7  }
0x10: {  	[smem:$0x3FB2] =	sst s8  }
0x11: {  	[smem:$0x3FB3] =	sst s9;
	s0 =	simm.s32 @!p0 $0x0  }
0x12: {  	s1 =	sld [smem:$0x3F99];
	s0 =	simm.s32 @p0 $0x1  }
0x13: {  	[smem:$0x3FB4] =	sst s0;
	s0 =	simm.s32 @!p1 $0x0  }
0x14: {  	s2 =	sld [smem:$0x3F98];
	s0 =	simm.s32 @p1 $0x1  }
0x15: {  	[smem:$0x3FB5] =	sst s0;
	s0 =	simm.s32 @!p2 $0x0  }
0x16: {  	s3 =	sld [smem:$0x3FDB];
	s0 =	simm.s32 @p2 $0x1  }
0x17: {  	s4 =	simm.s32 $0x1BF5;
	[smem:$0x3FB7] =	sst s0  }
0x18: {  	s0 =	sld [smem:$0x3F9A];
	_ =	swait.ge [sflag:s4], $0x0  }
0x19: {  	s7 =	sld [smem:$0x3F9B]  }
0x1a: {  	s8 =	sadd.s32 $0xFFFFE003, lr  }
0x1b: {  	s9 =	sadd.s32 $0xFFFFFEF7, lr;
	s5 =	simm.s32 $0xFFFFFFFF;
	p2 =	slt.u32 s8, $0xFFFFF086  }
0x1c: {  	p1 =	slt.u32 s9, $0xF7A;
	s5 =	simm.s32 @!p2 $0x0  }
0x1d: {  	s5 =	simm.s32 @p1 $0x1;
	p0 =	seq.s32 s7, s2  }
0x1e: {  	s7 =	smul.u32 @!p0 $0xF7A, s2;
	p2 =	seq.s32 @!p0 s5, $0x0  }
0x1f: {  	s9 =	smul.u32 $0xF7A, s1;
	s8 =	simm.s32 @!p0 $0x1BF5;
	p2 =	por !p2, p0  }
0x20: {  	[sflag:s8] =	ssyncset.s32 @!p0 $0xFFFFF086;
	s6 =	sadd.s32 @!p0 s3, s7;
	s7 =	simm.s32 @!p0 $0x108  }
0x21: {  	s3 =	sadd.s32 s3, s9;
	s6 =	sadd.s32 @!p0 $0x88, s6;
	s7 =	simm.s32 @p2 $0x1082  }
0x22: {  	[simem:s7], [sflag:s8] =	dma.local @!p0 [hbm:s6], $0xF7A  }
0x23: {  	s9 =	sor.u32 $0xD0000000, s2;
	s6 =	simm.s32 $0x108;
	_ =	swait.ge @!p0 [sflag:s8], $0x0  }
0x24: {  	s3 =	sadd.s32 $0x88, s3;
	s6 =	simm.s32 @!p1 $0x1082;
	[sflag:s4] =	ssyncset.s32 $0xFFFFF086  }
0x25: {  	[simem:s6], [sflag:s4] =	dma.local [hbm:s3], $0xF7A  }
0x26: {  	[smem:$0x3F9B] =	sst s1;
	(tag) =	ssettag s2;
	_ =	strace s9  }
0x27: {  	s1 =	sld [smem:$0x3FAB]  }
0x28: {  	s2 =	sld [smem:$0x3FAC]  }
0x29: {  	s4 =	sld [smem:$0x3FAE]  }
0x2a: {  	p0 =	seq.s32 s5, $0x0;
	s5 =	sld [smem:$0x3FAF]  }
0x2b: {  	s6 =	sld [smem:$0x3FB0]  }
0x2c: {  	s7 =	sld [smem:$0x3FB1]  }
0x2d: {  	s3 =	simm.s32 $0x108;
	s8 =	sld [smem:$0x3FB2]  }
0x2e: {  	s3 =	simm.s32 @!p0 $0x1082;
	s9 =	sld [smem:$0x3FB3]  }
0x2f: {  	lr =	sadd.s32 s0, s3;
	s0 =	sld [smem:$0x3FAA]  }
0x30: {  	s3 =	sld [smem:$0x3FAD]  }
0x31: {  	[smem:$0x3FB6] =	sst s10  }
0x32: {  	s10 =	sld [smem:$0x3FB4];
	_ =	sdelay $0x3  }
0x33: {  	p0 =	seq.s32 s10, $0x1;
	s10 =	sld [smem:$0x3FB6];
	_ =	sdelay $0x3  }
0x34: {  	[smem:$0x3FB6] =	sst s10  }
0x35: {  	s10 =	sld [smem:$0x3FB5];
	_ =	sdelay $0x3  }
0x36: {  	p1 =	seq.s32 s10, $0x1;
	s10 =	sld [smem:$0x3FB6];
	_ =	sdelay $0x3  }
0x37: {  	[smem:$0x3FB6] =	sst s10  }
0x38: {  	s10 =	sld [smem:$0x3FB7]  }
0x39: {  	_ = 	snop;
	(pc) =	sbr.ind lr, $3  }
0x3a: {  	_ = 	snop  }
0x3b: {  	_ = 	snop  }
0x3c: {  	p2 =	seq.s32 s10, $0x1;
	s10 =	sld [smem:$0x3FB6]  }
0x3d: {  	_ =	shalt  }
0x3e: {  	_ =	shalt  }
0x3f: {  	_ =	shalt  }
0x40: {  	_ =	shalt  }
0x41: {  	_ =	shalt  }
0x42: {  	_ =	shalt  }
0x43: {  	_ =	shalt  }
0x44: {  	_ =	shalt  }
0x45: {  	_ =	shalt  }
0x46: {  	_ =	shalt  }
0x47: {  	_ =	shalt  }
0x48: {  	_ =	shalt  }
0x49: {  	_ =	shalt  }
0x4a: {  	_ =	shalt  }
0x4b: {  	_ =	shalt  }
0x4c: {  	_ =	shalt  }
0x4d: {  	_ =	shalt  }
0x4e: {  	_ =	shalt  }
0x4f: {  	_ =	shalt  }
0x50: {  	_ =	shalt  }
0x51: {  	_ =	shalt  }
0x52: {  	_ =	shalt  }
0x53: {  	_ =	shalt  }
0x54: {  	_ =	shalt  }
0x55: {  	_ =	shalt  }
0x56: {  	_ =	shalt  }
0x57: {  	_ =	shalt  }
0x58: {  	_ =	shalt  }
0x59: {  	_ =	shalt  }
0x5a: {  	_ =	shalt  }
0x5b: {  	_ =	shalt  }
0x5c: {  	_ =	shalt  }
0x5d: {  	_ =	shalt  }
0x5e: {  	_ =	shalt  }
0x5f: {  	_ =	shalt  }
0x60: {  	_ =	shalt  }
0x61: {  	_ =	shalt  }
0x62: {  	_ =	shalt  }
0x63: {  	_ =	shalt  }
0x64: {  	_ =	shalt  }
0x65: {  	_ =	shalt  }
0x66: {  	_ =	shalt  }
0x67: {  	_ =	shalt  }
0x68: {  	_ =	shalt  }
0x69: {  	_ =	shalt  }
0x6a: {  	_ =	shalt  }
0x6b: {  	_ =	shalt  }
0x6c: {  	_ =	shalt  }
0x6d: {  	_ =	shalt  }
0x6e: {  	_ =	shalt  }
0x6f: {  	_ =	shalt  }
0x70: {  	_ =	shalt  }
0x71: {  	_ =	shalt  }
0x72: {  	_ =	shalt  }
0x73: {  	_ =	shalt  }
0x74: {  	_ =	shalt  }
0x75: {  	_ =	shalt  }
0x76: {  	_ =	shalt  }
0x77: {  	_ =	shalt  }
0x78: {  	_ =	shalt  }
0x79: {  	_ =	shalt  }
0x7a: {  	_ =	shalt  }
0x7b: {  	_ =	shalt  }
0x7c: {  	_ =	shalt  }
0x7d: {  	_ =	shalt  }
0x7e: {  	_ =	shalt  }
0x7f: {  	_ =	shalt  }
0x80: {  	_ =	shalt  }
0x81: {  	_ =	shalt  }
0x82: {  	_ =	shalt  }
0x83: {  	_ =	shalt  }
0x84: {  	_ =	shalt  }
0x85: {  	_ =	shalt  }
0x86: {  	_ =	shalt  }
0x87: {  	_ =	shalt  }
.Lfunc_end0:
.L_simem_size_0:
called_computation_lowered:
.L_overlay_start_0:
0x88: {  	s2 =	sld [smem:$0x3FD9]  }
0x89: {  	s3 =	sld [smem:$0x3FFE];
	_ =	sdelay $0x1  }
0x8a: {  	s1 =	srdreg.scid  }
0x8b: {  	s0 =	sand.u32 $0x1, s1  }
0x8c: {  	s16 =	sshll.u32 s0, $0xA;
	s2 =	sadd.s32 s3, s2  }
0x8d: {  	s2 =	sadd.s32 s2, s16  }
0x8e: {  	[smem:$0x3FC2] =	sst s2  }
0x8f: {  	_ = 	snop  }
0x90: {  	(tm) =	ssettm $0x1  }
0x91: {  	s17 =	sld [smem:$0x3FFB];
	_ =	sdelay $0x3  }
0x92: {  	_ =	strace s17  }
0x93: {  	s2 =	sld [smem:$0x3FFC];
	_ =	sdelay $0x3  }
0x94: {  	_ =	strace s2  }
0x95: {  	s2 =	sld [smem:$0x3FFD];
	_ =	sdelay $0x3  }
0x96: {  	_ =	strace s2  }
0x97: {  	_ =	strace $0x8FFFFFFF  }
0x98: {  	s18 =	sld [smem:$0x3FDB];
	_ =	sdelay $0x1  }
0x99: {  	s19 =	simm.s32 $_scs_section_size  }
0x9a: {  	s4 =	simm.s32 $_size__tile_overlayer_lowered;
	s5 =	simm.s32 $_tile_overlayer_lowered  }
0x9b: {  	s22 =	simm.s32 $0x1BFF;
	s21 =	sshll.u32 s5, $0x1;
	s2 =	sadd.s32 s19, s18  }
0x9c: {  	s6 =	simm.s32 $0x0;
	s20 =	sshll.u32 s4, $0x1;
	s4 =	sadd.s32 s21, s2  }
0x9d: {  	[timem:s6], [sflag:s22] =	dma.local [hbm:s4], s20  }
0x9e: {  	_ =	swait.ge [sflag:s22], s20  }
0x9f: {  	s3 =	ssub.s32 $0x0, s20;
	[sflag:s22] =	ssyncset.done $0x0  }
0xa0: {  	[sflag:s22] =	ssyncadd.s32 s3;
	_ =	sdelay $0x1  }
0xa1: {  	s23 =	simm.s32 $0x1B8B  }
0xa2: {  	_ =	swait.ge [sflag:s23], $0x1  }
0xa3: {  	[sflag:s23] =	ssyncset.done $0x0  }
0xa4: {  	s25 =	simm.s32 $0x1B8E;
	s24 =	sld [smem:$0x3FFE];
	[sflag:s23] =	ssyncadd.s32 $0xFFFFFFFF  }
0xa5: {  	s26 =	simm.s32 $execute0_lowered;
	[smem:$0x3FD2] =	sst s25  }
0xa6: {  	s4 =	sshll.u32 s26, $0x1;
	_ =	strace $0x80000046;
	[dreg:$0x1] =	wrdreg $0xFFFFFFFF  }
0xa7: {  	s28 =	simm.s32 $_size_execute0_lowered;
	s2 =	sadd.s32 s2, s4;
	[dreg:$0x0] =	wrdreg $0x0  }
0xa8: {  	s4 =	sshll.u32 s28, $0x1;
	[dreg:$0x2] =	wrdreg s2  }
0xa9: {  	[dreg:$0x3] =	wrdreg s4  }
0xaa: {  	[dreg:$0x4] =	wrdreg $0xC0  }
0xab: {  	_ =	task [dreg:s6], $0x5FFFF  }
0xac: {  	[dreg:$0x1] =	wrdreg $0xFFFFFFFF  }
0xad: {  	[dreg:$0x0] =	wrdreg $0x60  }
0xae: {  	[dreg:$0x2] =	wrdreg s24  }
0xaf: {  	[dreg:$0x3] =	wrdreg $0x9  }
0xb0: {  	_ =	task.clear_ibuf [dreg:s6], $0x4FFFF;
	_ =	strace $0x90000046  }
0xb1: {  	s29 =	simm.s32 $0x9;
	_ =	strace $0x80000048  }
0xb2: {  	_ =	swait.ge [sflag:s29], $0x1  }
0xb3: {  	[sflag:s29] =	ssyncadd.s32 $0xFFFFFFFF  }
0xb4: {  	_ =	strace $0x90000048  }
0xb5: {  	_ =	sfence  }
0xb6: {  	s30 =	sld [smem:$0x0];
	_ =	sdelay $0x2  }
0xb7: {  	s31 =	sshll.u32 s1, $0xD;
	s1 =	sshrl.u32 s1, $0x2  }
0xb8: {  	s3 =	sand.u32 $0x4000, s31;
	s1 =	sadd.s32 s1, s30  }
0xb9: {  	s0 =	sor.u32 s3, s0;
	s1 =	sshll.u32 s1, $0x11  }
0xba: {  	s0 =	sor.u32 s1, s0  }
0xbb: {  	s0 =	sadd.s32 $0x8F2B, s0  }
0xbc: {  	[sflag:s0] =	ssyncadd.remote.s32 $0x1  }
0xbd: {  	_ =	sfence.sel $0xFFFF  }
0xbe: {  	[dreg:$0x0] =	wrdreg $0xFFFFFFFF;
	(pc) =	sbr.abs _section_cstart, $3  }
0xbf: {  	[dreg:$0x1] =	wrdreg $0xFFFFFFFF  }
0xc0: {  	_ =	task.clear_ibuf [dreg:s6], $0x2FFFF;
	_ =	strace $0x9FFFFFFF  }
0xc1: {  	(tm) =	ssettm $0x7FFFFFFF  }
tec
execute0_lowered:
.L_overlay_start_1:
0x0: {  	(tag) =	ssettag $0x1  }
0x1: {  	s3 =	rddreg [dreg:$0x0]  }
0x2: {  	s0 =	rddreg [dreg:$0x1];
	s2 =	simm.s32 $0x0  }
0x3: {  	s1 =	stileid.u32;
	s4 =	srdreg.scid;
	s9 =	simm.s32 $0x2780  }
0x4: {  	s10 =	simm.s32 $0x2;
	[smem:$0x7FF] =	sst s2;
	s5 =	sshrl.u32 s1, $0x2  }
0x5: {  	s4 =	sand.u32 $0x1, s4;
	s6 =	sshll.u32 s1, $0x8;
	s7 =	smul.u32 $0x13C00, s5  }
0x6: {  	s8 =	sshll.u32 s4, $0x7;
	s6 =	sand.u32 $0x300, s6;
	s5 =	smul.u32 $0x14000, s5  }
0x7: {  	s11 =	simm.s32 $0x0;
	_ =	strace $0x80000047;
	s6 =	sor.u32 s8, s6  }
0x8: {  	s4 =	ssub.s32 $0x2, s4;
	s7 =	sor.u32 s7, s6;
	s5 =	sor.u32 s5, s6  }
0x9: {  	s31 =	sshrl.u32 s4, $0x1;
	s30 =	sshrl.u32 s7, $0x3;
	s5 =	sshrl.u32 s5, $0x3  }
0xa: {  	s8 =	simm.s32 $0x1;
	s6 =	sadd.s32 s30, s3;
	s5 =	sadd.s32 s5, s3  }
0xb: {  	s7 =	ssub.s32 s4, s31;
	s3 =	sadd.s32 $0xBE00, s6;
	s4 =	sadd.s32 $0x15C00, s5  }
0xc: {  	v0 =	vimm.f32 $0.0e+00;
	v1 =	vimm.f32 $1.000000000e+00;
	s5 =	smax.u32 s7, $0x1;
	s6 =	simm.s32 $0x80;
	s7 =	simm.s32 $0x400  }
.LBB2_1:
0xd: {  	[tilespmem:s2], [sflag:$0x1] =	stream.strided.gather [hbm4b:s3+s6], $0x2780, s7, s6, $0x38;
	[tilespmem:$0x4F80] =	vst v63  }
0xe: {  	s12 =	simm.s32 $0x40;
	s13 =	simm.s32 $0x0  }
.LBB2_2:
0xf: {  	p0 =	sne.s32 s12, $0x9FC0;
	[tilespmem:s13+$0x2780] =	vst v0;
	s13 =	smov.u32 s12;
	s12 =	sadd.s32 $0x40, s12  }
.Ltmp0:
0x10: {  	(pc) =	sbr.rel @p0 .LBB2_2-.Ltmp0, $2  }
0x11: {  	_ =	sdelay $0x2  }
0x12: {  	s13 =	sshra.s32 s13, $0x2  }
0x13: {  	[tilespmem:s13+$0x2780] =	vst v0  }
0x14: {  	_ =	swait.ge [sflag:s8], $0x2780  }
0x15: {  	[sflag:s8] =	ssyncset.done $0x0  }
0x16: {  	s13 =	simm.s32 $0x0;
	s12 =	simm.s32 $0x40;
	[sflag:s8] =	ssyncadd.s32 $0xFFFFD880  }
.LBB2_4:
0x17: {  	p0 =	sne.s32 s12, $0x9D40;
	v2 =	vld [tilespmem:s13+$0x0];
	_ =	sdelay $0x3  }
.Ltmp1:
0x18: {  	(pc) =	sbr.rel @p0 .LBB2_4-.Ltmp1, $2  }
0x19: {  	_ =	sdelay $0x2  }
0x1a: {  	s13 =	sshra.s32 s12, $0x2;
	s12 =	sadd.s32 $0x40, s12;
	[tilespmem:v2+s9+$0x0] =	vst.idx.add.f32.msk $0xffff, v1  }
0x1b: {  	v2 =	vld [tilespmem:s13+$0x0];
	_ =	sdelay $0x5  }
0x1c: {  	s11 =	sadd.s32 $0x1, s11  }
0x1d: {  	p0 =	sne.s32 s11, s5  }
.Ltmp2:
0x1e: {  	[tilespmem:v2+s9+$0x0] =	vst.idx.add.f32.msk $0xffff, v1;
	(pc) =	sbr.rel @p0 .LBB2_1-.Ltmp2, $4  }
0x1f: {  	[hbm4b:s4+s6] =	stream.strided.scatter [tilespmem:s9], [sflag:$0x2], $0x2800, s7, s6, $0x38;
	[tilespmem:$0x4F80] =	vst v63  }
0x20: {  	_ =	swait.ge [sflag:s10], $0x2800  }
0x21: {  	[sflag:s10] =	ssyncset.done $0x0  }
0x22: {  	[sflag:s10] =	ssyncadd.s32 $0xFFFFD800  }
0x23: {  	_ =	sfence.sel $0x180000  }
0x24: {  	[bflag:$0x0] =	sbarrier.arrive $0xFFFF  }
0x25: {  	p0 =	sne.s32 s1, $0x0;
	_ =	strace $0x90000047  }
0x26: {  	s0 =	sadd.s32 @!p0 $0x100000, s0;
	[bflag:$0x2] =	sbarrier.arrive $0xFFFF  }
0x27: {  	[sflag:s0] =	ssyncadd.tile.s32 @!p0 $0x1;
	_ =	shalt  }
.Lfunc_end2:
_tile_overlayer_lowered:
.L_overlay_start_2:
0x28: {  	(tag) =	ssettag $0x2  }
0x29: {  	s0 =	rddreg [dreg:$0x0];
	s2 =	stileid.u32  }
0x2a: {  	s1 =	rddreg [dreg:$0x1];
	p0 =	sne.s32 s2, $0x0  }
0x2b: {  	s3 =	rddreg [dreg:$0x2];
	[bflag:$0x3] =	sbarrier.arrive $0xFFFF;
	s2 =	simm.s32 @!p0 $0x1C02  }
0x2c: {  	[timem:s3], [sflag:s2] =	dma.local @!p0 [hbm:s0], s1  }
0x2d: {  	s0 =	simm.s32 @!p0 $0x2  }
0x2e: {  	_ =	swait.ge @!p0 [sflag:s0], s1  }
0x2f: {  	s1 =	ssub.s32 @!p0 $0x0, s1;
	[sflag:s0] =	ssyncset.done @!p0 $0x0  }
0x30: {  	[sflag:s0] =	ssyncadd.s32 @!p0 s1  }
0x31: {  	[bflag:$0x3] =	sbarrier.arrive $0xFFFF  }
0x32: {  	_ =	shalt  }

</sc_bundles>
